<compile_context>
chip_gen: v7x
topology: tpu7x:2x2x1
jax: 0.10.2.dev20260603
libtpu: 0.0.44.dev20260713+nightly
codegen_flags: <defaults>
</compile_context>

<pallas_src>
import functools

import jax
import jax.numpy as jnp
from jax import lax
from jax.experimental import pallas as pl
from jax.experimental.pallas import tpu as pltpu
from jax.experimental.pallas import tpu_sc as plsc

D_MODEL = 64
_SCALE = 8.0
_CHUNK = 128
_LANES = 16
_NR = 8
_NO = 4
_K = 4
_PITCH = 129


@functools.lru_cache(maxsize=None)
def _build(n_pos: int, n_blocks: int):
    info = plsc.get_sparse_core_info()
    nw = info.num_cores * info.num_subcores
    assert n_blocks == nw and n_pos % 8 == 0
    n_pb = n_pos // 8
    mesh = plsc.VectorSubcoreMesh(core_axis_name="c", subcore_axis_name="s")

    @functools.partial(
        pl.kernel,
        mesh=mesh,
        out_type=jax.ShapeDtypeStruct(
            (n_pos, D_MODEL // 8, nw, 8, _CHUNK), jnp.float32
        ),
        scratch_types=[
            pltpu.VMEM((n_pb, 8, _CHUNK), jnp.int32),
            pltpu.VMEM((_NR, _CHUNK, D_MODEL), jnp.float32),
            pltpu.VMEM((_NO, D_MODEL // 8, 8, _PITCH), jnp.float32),
        ]
        + [pltpu.SemaphoreType.DMA] * (_NR + _NO),
        compiler_params=pltpu.CompilerParams(
            use_tc_tiling_on_sc=False, needs_layout_passes=False
        ),
    )
    def emb_kernel(xv_hbm, table_hbm, out_hbm, idx_v, rows_v, tile_v, *sems):
        rsems, osems = sems[:_NR], sems[_NR:]
        wid = lax.axis_index("s") * info.num_cores + lax.axis_index("c")
        pltpu.sync_copy(xv_hbm.at[:, wid], idx_v)

        iota = lax.iota(jnp.int32, _LANES)
        fbsel = [
            lax.shift_right_logical(g * _LANES + iota, 3)
            for g in range(D_MODEL // _LANES)
        ]
        fisel = [
            lax.bitwise_and(g * _LANES + iota, 7)
            for g in range(D_MODEL // _LANES)
        ]

        def gather(pb, pi, b):
            pltpu.async_copy(
                table_hbm.at[idx_v.at[pb, pi]], rows_v.at[b], rsems[b]
            )

        def wait_rows(b):
            pltpu.make_async_copy(
                table_hbm.at[pl.ds(0, _CHUNK)], rows_v.at[b], rsems[b]
            ).wait()

        def tile_out_src(o):
            return tile_v.at[o, :, :, pl.ds(0, _CHUNK)]

        def store(c, o):
            pltpu.async_copy(tile_out_src(o), out_hbm.at[c, :, wid], osems[o])

        def wait_store(o):
            pltpu.make_async_copy(
                tile_out_src(o), out_hbm.at[0, :, wid], osems[o]
            ).wait()

        def transpose_scale(b, o):
            @plsc.parallel_loop(0, _CHUNK, unroll=8)
            def row_body(r):
                bsel = jnp.full((_LANES,), r, jnp.int32)
                for g in range(D_MODEL // _LANES):
                    vals = rows_v[b, r, pl.ds(g * _LANES, _LANES)] * _SCALE
                    plsc.store_scatter(
                        tile_v.at[o], [fbsel[g], fisel[g], bsel], vals
                    )

        for j in range(_K):
            gather(0, j, j)

        def step(s, carry):
            for j in range(8):
                c = s * 8 + j
                b = j
                o = j % _NO
                wait_rows(b)

                @pl.when(c >= _NO)
                def _():
                    wait_store(o)

                transpose_scale(b, o)
                store(c, o)

                @pl.when(c + _K < n_pos)
                def _():
                    if j < 8 - _K:
                        gather(s, j + _K, (j + _K) % _NR)
                    else:
                        gather(s + 1, j + _K - 8, (j + _K) % _NR)

            return carry

        lax.fori_loop(0, n_pb, step, 0)
        for o in range(_NO):
            wait_store(o)

    return emb_kernel


def kernel(x, table):
    s0, s1 = x.shape
    info = plsc.get_sparse_core_info()
    nw = info.num_cores * info.num_subcores
    xv = (
        x.astype(jnp.int32)
        .reshape(nw, _CHUNK, s1 // 8, 8)
        .transpose(2, 0, 3, 1)
    )
    out5 = _build(s1, nw)(xv, table)
    out = out5.transpose(2, 4, 0, 1, 3).reshape(s0, s1, D_MODEL)
    return out

# --- scband reference (transcript-rebuilt; emitter-appended) ---
"""Pipeline reference for scband-embeddings-9560597201564 (READ-ONLY COPY).

The authoritative reference and input builder live on the scoring server;
editing this copy changes nothing except your own understanding.
"""

import jax, jax.numpy as jnp
import numpy as np

VOCAB_SIZE = 1000000
D_MODEL = 64

def setup_inputs(seed: int = 0) -> dict:
    key = jax.random.key(seed)
    k1, k2 = jax.random.split(key)
    x = jax.random.randint(k1, (4096, 200), 0, VOCAB_SIZE, dtype=jnp.int64 if jax.config.jax_enable_x64 else jnp.int32)
    table = jax.random.normal(k2, (VOCAB_SIZE, D_MODEL), dtype=jnp.float32)
    return {"x": x, "table": table}

def reference(x, table):
    # Embeddings.forward: embedding lookup scaled by sqrt(d_model)
    emb = jnp.take(table, x, axis=0)
    return emb * np.sqrt(D_MODEL)

if __name__ == "__main__":
    import jax
    _d = setup_inputs()
    print(jax.jit(kernel)(*tuple(_d.values())))

</pallas_src>

<mosaic_0001>
#map = affine_map<(d0, d1) -> (0, 0, 0, 0)>
#map1 = affine_map<(d0, d1) -> (0, 0)>
#map2 = affine_map<(d0, d1) -> (0, 0, 0, 0, 0)>
module attributes {stable_mosaic.version = 14 : i64} {
  func.func @emb_kernel(%arg0: i32, %arg1: i32, %arg2: memref<25x32x8x128xi32, #tpu.memory_space<hbm>>, %arg3: memref<1000000x64xf32, #tpu.memory_space<hbm>>, %arg4: memref<200x8x32x8x128xf32, #tpu.memory_space<hbm>>, %arg5: memref<25x8x128xi32, #tpu.memory_space<vmem>>, %arg6: memref<8x128x64xf32, #tpu.memory_space<vmem>>, %arg7: memref<4x8x8x129xf32, #tpu.memory_space<vmem>>, %arg8: memref<!tpu.dma_semaphore, #tpu.memory_space<semaphore_mem>>, %arg9: memref<!tpu.dma_semaphore, #tpu.memory_space<semaphore_mem>>, %arg10: memref<!tpu.dma_semaphore, #tpu.memory_space<semaphore_mem>>, %arg11: memref<!tpu.dma_semaphore, #tpu.memory_space<semaphore_mem>>, %arg12: memref<!tpu.dma_semaphore, #tpu.memory_space<semaphore_mem>>, %arg13: memref<!tpu.dma_semaphore, #tpu.memory_space<semaphore_mem>>, %arg14: memref<!tpu.dma_semaphore, #tpu.memory_space<semaphore_mem>>, %arg15: memref<!tpu.dma_semaphore, #tpu.memory_space<semaphore_mem>>, %arg16: memref<!tpu.dma_semaphore, #tpu.memory_space<semaphore_mem>>, %arg17: memref<!tpu.dma_semaphore, #tpu.memory_space<semaphore_mem>>, %arg18: memref<!tpu.dma_semaphore, #tpu.memory_space<semaphore_mem>>, %arg19: memref<!tpu.dma_semaphore, #tpu.memory_space<semaphore_mem>>) attributes {dimension_semantics = [#tpu.dimension_semantics<core_parallel>, #tpu.dimension_semantics<subcore_parallel>], iteration_bounds = array<i64: 2, 16>, scalar_prefetch = 0 : i64, scratch_operands = 15 : i64, tpu.core_type = #tpu.core_type<sc_vector_subcore>, window_params = [{transform_indices = #map}, {transform_indices = #map1}, {transform_indices = #map2}]} {
    %mul3A = arith.constant 2 : i32
    %mul3A_0 = arith.muli %arg1, %mul3A : i32
    %add3A = arith.addi %mul3A_0, %arg0 : i32
    "tpu.region"() ({
      %run_scoped3A = tpu.sem_alloc : memref<!tpu.dma_semaphore, #tpu.memory_space<semaphore_mem>>
      %dma_start3A_190 = arith.constant 0 : i32
      %dma_start3A_191 = arith.constant 0 : i32
      %dma_start3A_192 = arith.constant 0 : i32
      %dma_start3A_193 = tpu.memref_slice %arg2[%dma_start3A_190, %add3A, %dma_start3A_191, %dma_start3A_192] : memref<25x32x8x128xi32, #tpu.memory_space<hbm>> -> memref<25x1x8x128xi32, #tpu.memory_space<hbm>>
      %dma_start3A_194 = tpu.memref_squeeze %dma_start3A_193 : memref<25x1x8x128xi32, #tpu.memory_space<hbm>> -> memref<25x8x128xi32, #tpu.memory_space<hbm>>
      %dma_start3A_195 = arith.constant 0 : i32
      %dma_start3A_196 = arith.constant 0 : i32
      %dma_start3A_197 = arith.constant 0 : i32
      %dma_start3A_198 = tpu.memref_slice %arg2[%dma_start3A_195, %add3A, %dma_start3A_196, %dma_start3A_197] : memref<25x32x8x128xi32, #tpu.memory_space<hbm>> -> memref<25x1x8x128xi32, #tpu.memory_space<hbm>>
      %dma_start3A_199 = tpu.memref_squeeze %dma_start3A_198 : memref<25x1x8x128xi32, #tpu.memory_space<hbm>> -> memref<25x8x128xi32, #tpu.memory_space<hbm>>
      tpu.enqueue_dma source(%dma_start3A_199 : memref<25x8x128xi32, #tpu.memory_space<hbm>>) target(%arg5 : memref<25x8x128xi32, #tpu.memory_space<vmem>>) target_semaphore(%run_scoped3A : memref<!tpu.dma_semaphore, #tpu.memory_space<semaphore_mem>>)
      %dma_wait3A_200 = arith.constant 0 : i32
      %dma_wait3A_201 = arith.constant 0 : i32
      %dma_wait3A_202 = arith.constant 0 : i32
      %dma_wait3A_203 = tpu.memref_slice %arg2[%dma_wait3A_200, %add3A, %dma_wait3A_201, %dma_wait3A_202] : memref<25x32x8x128xi32, #tpu.memory_space<hbm>> -> memref<25x1x8x128xi32, #tpu.memory_space<hbm>>
      %dma_wait3A_204 = tpu.memref_squeeze %dma_wait3A_203 : memref<25x1x8x128xi32, #tpu.memory_space<hbm>> -> memref<25x8x128xi32, #tpu.memory_space<hbm>>
      %dma_wait3A_205 = arith.constant 0 : i32
      %dma_wait3A_206 = arith.constant 0 : i32
      %dma_wait3A_207 = arith.constant 0 : i32
      %dma_wait3A_208 = tpu.memref_slice %arg2[%dma_wait3A_205, %add3A, %dma_wait3A_206, %dma_wait3A_207] : memref<25x32x8x128xi32, #tpu.memory_space<hbm>> -> memref<25x1x8x128xi32, #tpu.memory_space<hbm>>
      %dma_wait3A_209 = tpu.memref_squeeze %dma_wait3A_208 : memref<25x1x8x128xi32, #tpu.memory_space<hbm>> -> memref<25x8x128xi32, #tpu.memory_space<hbm>>
      tpu.wait_dma2 semaphore(%run_scoped3A : memref<!tpu.dma_semaphore, #tpu.memory_space<semaphore_mem>>) src(%dma_wait3A_209 : memref<25x8x128xi32, #tpu.memory_space<hbm>>) dst(%arg5 : memref<25x8x128xi32, #tpu.memory_space<vmem>>)
      tpu.yield
    }) : () -> ()
    %iota3A = tpu.iota {dimensions = array<i32: 0>} : vector<16xi32>
    %add3A_1 = arith.constant 0 : i32
    %add3A_2 = vector.broadcast %add3A_1 : i32 to vector<16xi32>
    %add3A_3 = arith.addi %add3A_2, %iota3A : vector<16xi32>
    %shift_right_logical3A = arith.constant 3 : i32
    %shift_right_logical3A_4 = vector.broadcast %shift_right_logical3A : i32 to vector<16xi32>
    %shift_right_logical3A_5 = arith.shrui %add3A_3, %shift_right_logical3A_4 : vector<16xi32>
    %add3A_6 = arith.constant 16 : i32
    %add3A_7 = vector.broadcast %add3A_6 : i32 to vector<16xi32>
    %add3A_8 = arith.addi %add3A_7, %iota3A : vector<16xi32>
    %shift_right_logical3A_9 = arith.constant 3 : i32
    %shift_right_logical3A_10 = vector.broadcast %shift_right_logical3A_9 : i32 to vector<16xi32>
    %shift_right_logical3A_11 = arith.shrui %add3A_8, %shift_right_logical3A_10 : vector<16xi32>
    %add3A_12 = arith.constant 32 : i32
    %add3A_13 = vector.broadcast %add3A_12 : i32 to vector<16xi32>
    %add3A_14 = arith.addi %add3A_13, %iota3A : vector<16xi32>
    %shift_right_logical3A_15 = arith.constant 3 : i32
    %shift_right_logical3A_16 = vector.broadcast %shift_right_logical3A_15 : i32 to vector<16xi32>
    %shift_right_logical3A_17 = arith.shrui %add3A_14, %shift_right_logical3A_16 : vector<16xi32>
    %add3A_18 = arith.constant 48 : i32
    %add3A_19 = vector.broadcast %add3A_18 : i32 to vector<16xi32>
    %add3A_20 = arith.addi %add3A_19, %iota3A : vector<16xi32>
    %shift_right_logical3A_21 = arith.constant 3 : i32
    %shift_right_logical3A_22 = vector.broadcast %shift_right_logical3A_21 : i32 to vector<16xi32>
    %shift_right_logical3A_23 = arith.shrui %add3A_20, %shift_right_logical3A_22 : vector<16xi32>
    %add3A_24 = arith.constant 0 : i32
    %add3A_25 = vector.broadcast %add3A_24 : i32 to vector<16xi32>
    %add3A_26 = arith.addi %add3A_25, %iota3A : vector<16xi32>
    %and3A = arith.constant 7 : i32
    %and3A_27 = vector.broadcast %and3A : i32 to vector<16xi32>
    %and3A_28 = arith.andi %add3A_26, %and3A_27 : vector<16xi32>
    %add3A_29 = arith.constant 16 : i32
    %add3A_30 = vector.broadcast %add3A_29 : i32 to vector<16xi32>
    %add3A_31 = arith.addi %add3A_30, %iota3A : vector<16xi32>
    %and3A_32 = arith.constant 7 : i32
    %and3A_33 = vector.broadcast %and3A_32 : i32 to vector<16xi32>
    %and3A_34 = arith.andi %add3A_31, %and3A_33 : vector<16xi32>
    %add3A_35 = arith.constant 32 : i32
    %add3A_36 = vector.broadcast %add3A_35 : i32 to vector<16xi32>
    %add3A_37 = arith.addi %add3A_36, %iota3A : vector<16xi32>
    %and3A_38 = arith.constant 7 : i32
    %and3A_39 = vector.broadcast %and3A_38 : i32 to vector<16xi32>
    %and3A_40 = arith.andi %add3A_37, %and3A_39 : vector<16xi32>
    %add3A_41 = arith.constant 48 : i32
    %add3A_42 = vector.broadcast %add3A_41 : i32 to vector<16xi32>
    %add3A_43 = arith.addi %add3A_42, %iota3A : vector<16xi32>
    %and3A_44 = arith.constant 7 : i32
    %and3A_45 = vector.broadcast %and3A_44 : i32 to vector<16xi32>
    %and3A_46 = arith.andi %add3A_43, %and3A_45 : vector<16xi32>
    %dma_start3A = arith.constant 0 : i32
    %dma_start3A_47 = arith.constant 0 : i32
    %dma_start3A_48 = arith.constant 0 : i32
    %dma_start3A_49 = arith.constant 0 : i32
    %dma_start3A_50 = arith.constant 0 : i32
    %dma_start3A_51 = tpu.memref_slice %arg6[%dma_start3A_48, %dma_start3A_49, %dma_start3A_50] : memref<8x128x64xf32, #tpu.memory_space<vmem>> -> memref<1x128x64xf32, #tpu.memory_space<vmem>>
    %dma_start3A_52 = tpu.memref_squeeze %dma_start3A_51 : memref<1x128x64xf32, #tpu.memory_space<vmem>> -> memref<128x64xf32, #tpu.memory_space<vmem>>
    %dma_start3A_53 = arith.constant 0 : i32
    %dma_start3A_54 = tpu.memref_slice %arg5[%dma_start3A, %dma_start3A_47, %dma_start3A_53] : memref<25x8x128xi32, #tpu.memory_space<vmem>> -> memref<1x1x128xi32, #tpu.memory_space<vmem>>
    %dma_start3A_55 = tpu.memref_squeeze %dma_start3A_54 : memref<1x1x128xi32, #tpu.memory_space<vmem>> -> memref<128xi32, #tpu.memory_space<vmem>>
    %dma_start3A_56 = arith.constant 0 : i32
    %dma_start3A_57 = arith.constant 0 : i32
    %dma_start3A_58 = tpu.memref_slice %arg3[%dma_start3A_56, %dma_start3A_57] : memref<1000000x64xf32, #tpu.memory_space<hbm>> -> memref<1000000x64xf32, #tpu.memory_space<hbm>>
    tpu.enqueue_indirect_dma source(%dma_start3A_58 : memref<1000000x64xf32, #tpu.memory_space<hbm>>) target(%dma_start3A_52 : memref<128x64xf32, #tpu.memory_space<vmem>>) offsets(%dma_start3A_55 : memref<128xi32, #tpu.memory_space<vmem>>) semaphore(%arg8 : memref<!tpu.dma_semaphore, #tpu.memory_space<semaphore_mem>>)
    %dma_start3A_59 = arith.constant 0 : i32
    %dma_start3A_60 = arith.constant 1 : i32
    %dma_start3A_61 = arith.constant 1 : i32
    %dma_start3A_62 = arith.constant 0 : i32
    %dma_start3A_63 = arith.constant 0 : i32
    %dma_start3A_64 = tpu.memref_slice %arg6[%dma_start3A_61, %dma_start3A_62, %dma_start3A_63] : memref<8x128x64xf32, #tpu.memory_space<vmem>> -> memref<1x128x64xf32, #tpu.memory_space<vmem>>
    %dma_start3A_65 = tpu.memref_squeeze %dma_start3A_64 : memref<1x128x64xf32, #tpu.memory_space<vmem>> -> memref<128x64xf32, #tpu.memory_space<vmem>>
    %dma_start3A_66 = arith.constant 0 : i32
    %dma_start3A_67 = tpu.memref_slice %arg5[%dma_start3A_59, %dma_start3A_60, %dma_start3A_66] : memref<25x8x128xi32, #tpu.memory_space<vmem>> -> memref<1x1x128xi32, #tpu.memory_space<vmem>>
    %dma_start3A_68 = tpu.memref_squeeze %dma_start3A_67 : memref<1x1x128xi32, #tpu.memory_space<vmem>> -> memref<128xi32, #tpu.memory_space<vmem>>
    %dma_start3A_69 = arith.constant 0 : i32
    %dma_start3A_70 = arith.constant 0 : i32
    %dma_start3A_71 = tpu.memref_slice %arg3[%dma_start3A_69, %dma_start3A_70] : memref<1000000x64xf32, #tpu.memory_space<hbm>> -> memref<1000000x64xf32, #tpu.memory_space<hbm>>
    tpu.enqueue_indirect_dma source(%dma_start3A_71 : memref<1000000x64xf32, #tpu.memory_space<hbm>>) target(%dma_start3A_65 : memref<128x64xf32, #tpu.memory_space<vmem>>) offsets(%dma_start3A_68 : memref<128xi32, #tpu.memory_space<vmem>>) semaphore(%arg9 : memref<!tpu.dma_semaphore, #tpu.memory_space<semaphore_mem>>)
    %dma_start3A_72 = arith.constant 0 : i32
    %dma_start3A_73 = arith.constant 2 : i32
    %dma_start3A_74 = arith.constant 2 : i32
    %dma_start3A_75 = arith.constant 0 : i32
    %dma_start3A_76 = arith.constant 0 : i32
    %dma_start3A_77 = tpu.memref_slice %arg6[%dma_start3A_74, %dma_start3A_75, %dma_start3A_76] : memref<8x128x64xf32, #tpu.memory_space<vmem>> -> memref<1x128x64xf32, #tpu.memory_space<vmem>>
    %dma_start3A_78 = tpu.memref_squeeze %dma_start3A_77 : memref<1x128x64xf32, #tpu.memory_space<vmem>> -> memref<128x64xf32, #tpu.memory_space<vmem>>
    %dma_start3A_79 = arith.constant 0 : i32
    %dma_start3A_80 = tpu.memref_slice %arg5[%dma_start3A_72, %dma_start3A_73, %dma_start3A_79] : memref<25x8x128xi32, #tpu.memory_space<vmem>> -> memref<1x1x128xi32, #tpu.memory_space<vmem>>
    %dma_start3A_81 = tpu.memref_squeeze %dma_start3A_80 : memref<1x1x128xi32, #tpu.memory_space<vmem>> -> memref<128xi32, #tpu.memory_space<vmem>>
    %dma_start3A_82 = arith.constant 0 : i32
    %dma_start3A_83 = arith.constant 0 : i32
    %dma_start3A_84 = tpu.memref_slice %arg3[%dma_start3A_82, %dma_start3A_83] : memref<1000000x64xf32, #tpu.memory_space<hbm>> -> memref<1000000x64xf32, #tpu.memory_space<hbm>>
    tpu.enqueue_indirect_dma source(%dma_start3A_84 : memref<1000000x64xf32, #tpu.memory_space<hbm>>) target(%dma_start3A_78 : memref<128x64xf32, #tpu.memory_space<vmem>>) offsets(%dma_start3A_81 : memref<128xi32, #tpu.memory_space<vmem>>) semaphore(%arg10 : memref<!tpu.dma_semaphore, #tpu.memory_space<semaphore_mem>>)
    %dma_start3A_85 = arith.constant 0 : i32
    %dma_start3A_86 = arith.constant 3 : i32
    %dma_start3A_87 = arith.constant 3 : i32
    %dma_start3A_88 = arith.constant 0 : i32
    %dma_start3A_89 = arith.constant 0 : i32
    %dma_start3A_90 = tpu.memref_slice %arg6[%dma_start3A_87, %dma_start3A_88, %dma_start3A_89] : memref<8x128x64xf32, #tpu.memory_space<vmem>> -> memref<1x128x64xf32, #tpu.memory_space<vmem>>
    %dma_start3A_91 = tpu.memref_squeeze %dma_start3A_90 : memref<1x128x64xf32, #tpu.memory_space<vmem>> -> memref<128x64xf32, #tpu.memory_space<vmem>>
    %dma_start3A_92 = arith.constant 0 : i32
    %dma_start3A_93 = tpu.memref_slice %arg5[%dma_start3A_85, %dma_start3A_86, %dma_start3A_92] : memref<25x8x128xi32, #tpu.memory_space<vmem>> -> memref<1x1x128xi32, #tpu.memory_space<vmem>>
    %dma_start3A_94 = tpu.memref_squeeze %dma_start3A_93 : memref<1x1x128xi32, #tpu.memory_space<vmem>> -> memref<128xi32, #tpu.memory_space<vmem>>
    %dma_start3A_95 = arith.constant 0 : i32
    %dma_start3A_96 = arith.constant 0 : i32
    %dma_start3A_97 = tpu.memref_slice %arg3[%dma_start3A_95, %dma_start3A_96] : memref<1000000x64xf32, #tpu.memory_space<hbm>> -> memref<1000000x64xf32, #tpu.memory_space<hbm>>
    tpu.enqueue_indirect_dma source(%dma_start3A_97 : memref<1000000x64xf32, #tpu.memory_space<hbm>>) target(%dma_start3A_91 : memref<128x64xf32, #tpu.memory_space<vmem>>) offsets(%dma_start3A_94 : memref<128xi32, #tpu.memory_space<vmem>>) semaphore(%arg11 : memref<!tpu.dma_semaphore, #tpu.memory_space<semaphore_mem>>)
    %scan3A = arith.constant 0 : i32
    %scan3A_98 = arith.constant 0 : i32
    %scan3A_99 = arith.constant 25 : i32
    %scan3A_100 = arith.addi %scan3A_98, %scan3A_99 : i32
    %scan3A_101 = arith.constant 1 : i32
    scf.for %scan3A_190 = %scan3A_98 to %scan3A_100 step %scan3A_101  : i32 {
      %mul3A_191 = arith.constant 8 : i32
      %mul3A_192 = arith.muli %scan3A_190, %mul3A_191 : i32
      %add3A_193 = arith.constant 0 : i32
      %add3A_194 = arith.addi %mul3A_192, %add3A_193 : i32
      %dma_wait3A_195 = arith.constant 0 : i32
      %dma_wait3A_196 = arith.constant 0 : i32
      %dma_wait3A_197 = arith.constant 0 : i32
      %dma_wait3A_198 = tpu.memref_slice %arg6[%dma_wait3A_195, %dma_wait3A_196, %dma_wait3A_197] : memref<8x128x64xf32, #tpu.memory_space<vmem>> -> memref<1x128x64xf32, #tpu.memory_space<vmem>>
      %dma_wait3A_199 = tpu.memref_squeeze %dma_wait3A_198 : memref<1x128x64xf32, #tpu.memory_space<vmem>> -> memref<128x64xf32, #tpu.memory_space<vmem>>
      %dma_wait3A_200 = arith.constant 0 : i32
      %dma_wait3A_201 = arith.constant 0 : i32
      %dma_wait3A_202 = tpu.memref_slice %arg3[%dma_wait3A_200, %dma_wait3A_201] : memref<1000000x64xf32, #tpu.memory_space<hbm>> -> memref<128x64xf32, #tpu.memory_space<hbm>>
      %dma_wait3A_203 = arith.constant 0 : i32
      %dma_wait3A_204 = arith.constant 0 : i32
      %dma_wait3A_205 = tpu.memref_slice %arg6[%dma_wait3A_195, %dma_wait3A_203, %dma_wait3A_204] : memref<8x128x64xf32, #tpu.memory_space<vmem>> -> memref<1x128x64xf32, #tpu.memory_space<vmem>>
      %dma_wait3A_206 = tpu.memref_squeeze %dma_wait3A_205 : memref<1x128x64xf32, #tpu.memory_space<vmem>> -> memref<128x64xf32, #tpu.memory_space<vmem>>
      %dma_wait3A_207 = arith.constant 0 : i32
      %dma_wait3A_208 = arith.constant 0 : i32
      %dma_wait3A_209 = tpu.memref_slice %arg3[%dma_wait3A_207, %dma_wait3A_208] : memref<1000000x64xf32, #tpu.memory_space<hbm>> -> memref<128x64xf32, #tpu.memory_space<hbm>>
      tpu.wait_dma2 semaphore(%arg8 : memref<!tpu.dma_semaphore, #tpu.memory_space<semaphore_mem>>) src(%dma_wait3A_209 : memref<128x64xf32, #tpu.memory_space<hbm>>) dst(%dma_wait3A_206 : memref<128x64xf32, #tpu.memory_space<vmem>>)
      %ge3A = arith.constant 4 : i32
      %ge3A_210 = arith.cmpi sge, %add3A_194, %ge3A : i32
      %convert_element_type3A = arith.extui %ge3A_210 : i1 to i32
      %cond3A = arith.constant 0 : i32
      %cond3A_211 = arith.cmpi ne, %convert_element_type3A, %cond3A : i32
      scf.if %cond3A_211 {
        %dma_wait3A_626 = arith.constant 0 : i32
        %dma_wait3A_627 = arith.constant 0 : i32
        %dma_wait3A_628 = arith.constant 0 : i32
        %dma_wait3A_629 = arith.constant 0 : i32
        %dma_wait3A_630 = arith.constant 0 : i32
        %dma_wait3A_631 = tpu.memref_slice %arg7[%dma_wait3A_626, %dma_wait3A_628, %dma_wait3A_629, %dma_wait3A_630] : memref<4x8x8x129xf32, #tpu.memory_space<vmem>> -> memref<1x8x8x128xf32, #tpu.memory_space<vmem>>
        %dma_wait3A_632 = tpu.memref_squeeze %dma_wait3A_631 : memref<1x8x8x128xf32, #tpu.memory_space<vmem>> -> memref<8x8x128xf32, #tpu.memory_space<vmem>>
        %dma_wait3A_633 = arith.constant 0 : i32
        %dma_wait3A_634 = arith.constant 0 : i32
        %dma_wait3A_635 = arith.constant 0 : i32
        %dma_wait3A_636 = tpu.memref_slice %arg4[%dma_wait3A_627, %dma_wait3A_633, %add3A, %dma_wait3A_634, %dma_wait3A_635] : memref<200x8x32x8x128xf32, #tpu.memory_space<hbm>> -> memref<1x8x1x8x128xf32, #tpu.memory_space<hbm>>
        %dma_wait3A_637 = tpu.memref_squeeze %dma_wait3A_636 : memref<1x8x1x8x128xf32, #tpu.memory_space<hbm>> -> memref<8x8x128xf32, #tpu.memory_space<hbm>>
        %dma_wait3A_638 = arith.constant 0 : i32
        %dma_wait3A_639 = arith.constant 0 : i32
        %dma_wait3A_640 = arith.constant 0 : i32
        %dma_wait3A_641 = tpu.memref_slice %arg4[%dma_wait3A_627, %dma_wait3A_638, %add3A, %dma_wait3A_639, %dma_wait3A_640] : memref<200x8x32x8x128xf32, #tpu.memory_space<hbm>> -> memref<1x8x1x8x128xf32, #tpu.memory_space<hbm>>
        %dma_wait3A_642 = tpu.memref_squeeze %dma_wait3A_641 : memref<1x8x1x8x128xf32, #tpu.memory_space<hbm>> -> memref<8x8x128xf32, #tpu.memory_space<hbm>>
        %dma_wait3A_643 = arith.constant 0 : i32
        %dma_wait3A_644 = arith.constant 0 : i32
        %dma_wait3A_645 = arith.constant 0 : i32
        %dma_wait3A_646 = tpu.memref_slice %arg7[%dma_wait3A_626, %dma_wait3A_643, %dma_wait3A_644, %dma_wait3A_645] : memref<4x8x8x129xf32, #tpu.memory_space<vmem>> -> memref<1x8x8x128xf32, #tpu.memory_space<vmem>>
        %dma_wait3A_647 = tpu.memref_squeeze %dma_wait3A_646 : memref<1x8x8x128xf32, #tpu.memory_space<vmem>> -> memref<8x8x128xf32, #tpu.memory_space<vmem>>
        tpu.wait_dma2 semaphore(%arg16 : memref<!tpu.dma_semaphore, #tpu.memory_space<semaphore_mem>>) src(%dma_wait3A_647 : memref<8x8x128xf32, #tpu.memory_space<vmem>>) dst(%dma_wait3A_642 : memref<8x8x128xf32, #tpu.memory_space<hbm>>)
      } else {
      }
      %parallel_loop3A = arith.constant 0 : i32
      %parallel_loop3A_212 = arith.constant 128 : i32
      %parallel_loop3A_213 = arith.constant 1 : i32
      scf.for %parallel_loop3A_626 = %parallel_loop3A to %parallel_loop3A_212 step %parallel_loop3A_213  : i32 {
        %parallel_loop3A_627 = vector.broadcast %parallel_loop3A_626 : i32 to vector<16xi32>
        %parallel_loop3A_628 = arith.constant 0 : i32
        %parallel_loop3A_629 = arith.index_cast %parallel_loop3A_628 : i32 to index
        %parallel_loop3A_630 = arith.index_cast %parallel_loop3A_626 : i32 to index
        %parallel_loop3A_631 = arith.constant 0 : index
        %parallel_loop3A_632 = tpu.vector_load %arg6[%parallel_loop3A_629, %parallel_loop3A_630, %parallel_loop3A_631] {strides = array<i32>} : memref<8x128x64xf32, #tpu.memory_space<vmem>>, vector<16xf32>,
        %parallel_loop3A_633 = arith.constant 8.000000e+00 : f32
        %parallel_loop3A_634 = vector.broadcast %parallel_loop3A_633 : f32 to vector<16xf32>
        %parallel_loop3A_635 = arith.mulf %parallel_loop3A_632, %parallel_loop3A_634 : vector<16xf32>
        %parallel_loop3A_636 = arith.constant 0 : i32
        %parallel_loop3A_637 = arith.constant 0 : i32
        %parallel_loop3A_638 = arith.constant 0 : i32
        %parallel_loop3A_639 = arith.constant 0 : i32
        %parallel_loop3A_640 = tpu.memref_slice %arg7[%parallel_loop3A_636, %parallel_loop3A_637, %parallel_loop3A_638, %parallel_loop3A_639] : memref<4x8x8x129xf32, #tpu.memory_space<vmem>> -> memref<1x8x8x129xf32, #tpu.memory_space<vmem>>
        %parallel_loop3A_641 = tpu.memref_squeeze %parallel_loop3A_640 : memref<1x8x8x129xf32, #tpu.memory_space<vmem>> -> memref<8x8x129xf32, #tpu.memory_space<vmem>>
        tpu.vector_store_idx %parallel_loop3A_641[%shift_right_logical3A_5, %and3A_28, %parallel_loop3A_627], %parallel_loop3A_635 : memref<8x8x129xf32, #tpu.memory_space<vmem>>[vector<16xi32>, vector<16xi32>, vector<16xi32>], vector<16xf32>,
        %parallel_loop3A_642 = arith.constant 0 : i32
        %parallel_loop3A_643 = arith.index_cast %parallel_loop3A_642 : i32 to index
        %parallel_loop3A_644 = arith.index_cast %parallel_loop3A_626 : i32 to index
        %parallel_loop3A_645 = arith.constant 16 : index
        %parallel_loop3A_646 = tpu.vector_load %arg6[%parallel_loop3A_643, %parallel_loop3A_644, %parallel_loop3A_645] {strides = array<i32>} : memref<8x128x64xf32, #tpu.memory_space<vmem>>, vector<16xf32>,
        %parallel_loop3A_647 = arith.constant 8.000000e+00 : f32
        %parallel_loop3A_648 = vector.broadcast %parallel_loop3A_647 : f32 to vector<16xf32>
        %parallel_loop3A_649 = arith.mulf %parallel_loop3A_646, %parallel_loop3A_648 : vector<16xf32>
        %parallel_loop3A_650 = arith.constant 0 : i32
        %parallel_loop3A_651 = arith.constant 0 : i32
        %parallel_loop3A_652 = arith.constant 0 : i32
        %parallel_loop3A_653 = arith.constant 0 : i32
        %parallel_loop3A_654 = tpu.memref_slice %arg7[%parallel_loop3A_650, %parallel_loop3A_651, %parallel_loop3A_652, %parallel_loop3A_653] : memref<4x8x8x129xf32, #tpu.memory_space<vmem>> -> memref<1x8x8x129xf32, #tpu.memory_space<vmem>>
        %parallel_loop3A_655 = tpu.memref_squeeze %parallel_loop3A_654 : memref<1x8x8x129xf32, #tpu.memory_space<vmem>> -> memref<8x8x129xf32, #tpu.memory_space<vmem>>
        tpu.vector_store_idx %parallel_loop3A_655[%shift_right_logical3A_11, %and3A_34, %parallel_loop3A_627], %parallel_loop3A_649 : memref<8x8x129xf32, #tpu.memory_space<vmem>>[vector<16xi32>, vector<16xi32>, vector<16xi32>], vector<16xf32>,
        %parallel_loop3A_656 = arith.constant 0 : i32
        %parallel_loop3A_657 = arith.index_cast %parallel_loop3A_656 : i32 to index
        %parallel_loop3A_658 = arith.index_cast %parallel_loop3A_626 : i32 to index
        %parallel_loop3A_659 = arith.constant 32 : index
        %parallel_loop3A_660 = tpu.vector_load %arg6[%parallel_loop3A_657, %parallel_loop3A_658, %parallel_loop3A_659] {strides = array<i32>} : memref<8x128x64xf32, #tpu.memory_space<vmem>>, vector<16xf32>,
        %parallel_loop3A_661 = arith.constant 8.000000e+00 : f32
        %parallel_loop3A_662 = vector.broadcast %parallel_loop3A_661 : f32 to vector<16xf32>
        %parallel_loop3A_663 = arith.mulf %parallel_loop3A_660, %parallel_loop3A_662 : vector<16xf32>
        %parallel_loop3A_664 = arith.constant 0 : i32
        %parallel_loop3A_665 = arith.constant 0 : i32
        %parallel_loop3A_666 = arith.constant 0 : i32
        %parallel_loop3A_667 = arith.constant 0 : i32
        %parallel_loop3A_668 = tpu.memref_slice %arg7[%parallel_loop3A_664, %parallel_loop3A_665, %parallel_loop3A_666, %parallel_loop3A_667] : memref<4x8x8x129xf32, #tpu.memory_space<vmem>> -> memref<1x8x8x129xf32, #tpu.memory_space<vmem>>
        %parallel_loop3A_669 = tpu.memref_squeeze %parallel_loop3A_668 : memref<1x8x8x129xf32, #tpu.memory_space<vmem>> -> memref<8x8x129xf32, #tpu.memory_space<vmem>>
        tpu.vector_store_idx %parallel_loop3A_669[%shift_right_logical3A_17, %and3A_40, %parallel_loop3A_627], %parallel_loop3A_663 : memref<8x8x129xf32, #tpu.memory_space<vmem>>[vector<16xi32>, vector<16xi32>, vector<16xi32>], vector<16xf32>,
        %parallel_loop3A_670 = arith.constant 0 : i32
        %parallel_loop3A_671 = arith.index_cast %parallel_loop3A_670 : i32 to index
        %parallel_loop3A_672 = arith.index_cast %parallel_loop3A_626 : i32 to index
        %parallel_loop3A_673 = arith.constant 48 : index
        %parallel_loop3A_674 = tpu.vector_load %arg6[%parallel_loop3A_671, %parallel_loop3A_672, %parallel_loop3A_673] {strides = array<i32>} : memref<8x128x64xf32, #tpu.memory_space<vmem>>, vector<16xf32>,
        %parallel_loop3A_675 = arith.constant 8.000000e+00 : f32
        %parallel_loop3A_676 = vector.broadcast %parallel_loop3A_675 : f32 to vector<16xf32>
        %parallel_loop3A_677 = arith.mulf %parallel_loop3A_674, %parallel_loop3A_676 : vector<16xf32>
        %parallel_loop3A_678 = arith.constant 0 : i32
        %parallel_loop3A_679 = arith.constant 0 : i32
        %parallel_loop3A_680 = arith.constant 0 : i32
        %parallel_loop3A_681 = arith.constant 0 : i32
        %parallel_loop3A_682 = tpu.memref_slice %arg7[%parallel_loop3A_678, %parallel_loop3A_679, %parallel_loop3A_680, %parallel_loop3A_681] : memref<4x8x8x129xf32, #tpu.memory_space<vmem>> -> memref<1x8x8x129xf32, #tpu.memory_space<vmem>>
        %parallel_loop3A_683 = tpu.memref_squeeze %parallel_loop3A_682 : memref<1x8x8x129xf32, #tpu.memory_space<vmem>> -> memref<8x8x129xf32, #tpu.memory_space<vmem>>
        tpu.vector_store_idx %parallel_loop3A_683[%shift_right_logical3A_23, %and3A_46, %parallel_loop3A_627], %parallel_loop3A_677 : memref<8x8x129xf32, #tpu.memory_space<vmem>>[vector<16xi32>, vector<16xi32>, vector<16xi32>], vector<16xf32>,
      } {sc.loop_unroll_factor = 8 : i64, sc.parallel_access}
      %dma_start3A_214 = arith.constant 0 : i32
      %dma_start3A_215 = arith.constant 0 : i32
      %dma_start3A_216 = arith.constant 0 : i32
      %dma_start3A_217 = arith.constant 0 : i32
      %dma_start3A_218 = tpu.memref_slice %arg7[%dma_start3A_214, %dma_start3A_215, %dma_start3A_216, %dma_start3A_217] : memref<4x8x8x129xf32, #tpu.memory_space<vmem>> -> memref<1x8x8x128xf32, #tpu.memory_space<vmem>>
      %dma_start3A_219 = tpu.memref_squeeze %dma_start3A_218 : memref<1x8x8x128xf32, #tpu.memory_space<vmem>> -> memref<8x8x128xf32, #tpu.memory_space<vmem>>
      %dma_start3A_220 = arith.constant 0 : i32
      %dma_start3A_221 = arith.constant 0 : i32
      %dma_start3A_222 = arith.constant 0 : i32
      %dma_start3A_223 = tpu.memref_slice %arg4[%add3A_194, %dma_start3A_220, %add3A, %dma_start3A_221, %dma_start3A_222] : memref<200x8x32x8x128xf32, #tpu.memory_space<hbm>> -> memref<1x8x1x8x128xf32, #tpu.memory_space<hbm>>
      %dma_start3A_224 = tpu.memref_squeeze %dma_start3A_223 : memref<1x8x1x8x128xf32, #tpu.memory_space<hbm>> -> memref<8x8x128xf32, #tpu.memory_space<hbm>>
      %dma_start3A_225 = arith.constant 0 : i32
      %dma_start3A_226 = arith.constant 0 : i32
      %dma_start3A_227 = arith.constant 0 : i32
      %dma_start3A_228 = tpu.memref_slice %arg4[%add3A_194, %dma_start3A_225, %add3A, %dma_start3A_226, %dma_start3A_227] : memref<200x8x32x8x128xf32, #tpu.memory_space<hbm>> -> memref<1x8x1x8x128xf32, #tpu.memory_space<hbm>>
      %dma_start3A_229 = tpu.memref_squeeze %dma_start3A_228 : memref<1x8x1x8x128xf32, #tpu.memory_space<hbm>> -> memref<8x8x128xf32, #tpu.memory_space<hbm>>
      %dma_start3A_230 = arith.constant 0 : i32
      %dma_start3A_231 = arith.constant 0 : i32
      %dma_start3A_232 = arith.constant 0 : i32
      %dma_start3A_233 = tpu.memref_slice %arg7[%dma_start3A_214, %dma_start3A_230, %dma_start3A_231, %dma_start3A_232] : memref<4x8x8x129xf32, #tpu.memory_space<vmem>> -> memref<1x8x8x128xf32, #tpu.memory_space<vmem>>
      %dma_start3A_234 = tpu.memref_squeeze %dma_start3A_233 : memref<1x8x8x128xf32, #tpu.memory_space<vmem>> -> memref<8x8x128xf32, #tpu.memory_space<vmem>>
      tpu.enqueue_dma source(%dma_start3A_234 : memref<8x8x128xf32, #tpu.memory_space<vmem>>) target(%dma_start3A_229 : memref<8x8x128xf32, #tpu.memory_space<hbm>>) target_semaphore(%arg16 : memref<!tpu.dma_semaphore, #tpu.memory_space<semaphore_mem>>)
      %add3A_235 = arith.constant 4 : i32
      %add3A_236 = arith.addi %add3A_194, %add3A_235 : i32
      %lt3A = arith.constant 200 : i32
      %lt3A_237 = arith.cmpi slt, %add3A_236, %lt3A : i32
      %convert_element_type3A_238 = arith.extui %lt3A_237 : i1 to i32
      %cond3A_239 = arith.constant 0 : i32
      %cond3A_240 = arith.cmpi ne, %convert_element_type3A_238, %cond3A_239 : i32
      scf.if %cond3A_240 {
        %dma_start3A_626 = arith.constant 4 : i32
        %dma_start3A_627 = arith.constant 4 : i32
        %dma_start3A_628 = arith.constant 0 : i32
        %dma_start3A_629 = arith.constant 0 : i32
        %dma_start3A_630 = tpu.memref_slice %arg6[%dma_start3A_627, %dma_start3A_628, %dma_start3A_629] : memref<8x128x64xf32, #tpu.memory_space<vmem>> -> memref<1x128x64xf32, #tpu.memory_space<vmem>>
        %dma_start3A_631 = tpu.memref_squeeze %dma_start3A_630 : memref<1x128x64xf32, #tpu.memory_space<vmem>> -> memref<128x64xf32, #tpu.memory_space<vmem>>
        %dma_start3A_632 = arith.constant 0 : i32
        %dma_start3A_633 = tpu.memref_slice %arg5[%scan3A_190, %dma_start3A_626, %dma_start3A_632] : memref<25x8x128xi32, #tpu.memory_space<vmem>> -> memref<1x1x128xi32, #tpu.memory_space<vmem>>
        %dma_start3A_634 = tpu.memref_squeeze %dma_start3A_633 : memref<1x1x128xi32, #tpu.memory_space<vmem>> -> memref<128xi32, #tpu.memory_space<vmem>>
        %dma_start3A_635 = arith.constant 0 : i32
        %dma_start3A_636 = arith.constant 0 : i32
        %dma_start3A_637 = tpu.memref_slice %arg3[%dma_start3A_635, %dma_start3A_636] : memref<1000000x64xf32, #tpu.memory_space<hbm>> -> memref<1000000x64xf32, #tpu.memory_space<hbm>>
        tpu.enqueue_indirect_dma source(%dma_start3A_637 : memref<1000000x64xf32, #tpu.memory_space<hbm>>) target(%dma_start3A_631 : memref<128x64xf32, #tpu.memory_space<vmem>>) offsets(%dma_start3A_634 : memref<128xi32, #tpu.memory_space<vmem>>) semaphore(%arg12 : memref<!tpu.dma_semaphore, #tpu.memory_space<semaphore_mem>>)
      } else {
      }
      %mul3A_241 = arith.constant 8 : i32
      %mul3A_242 = arith.muli %scan3A_190, %mul3A_241 : i32
      %add3A_243 = arith.constant 1 : i32
      %add3A_244 = arith.addi %mul3A_242, %add3A_243 : i32
      %dma_wait3A_245 = arith.constant 1 : i32
      %dma_wait3A_246 = arith.constant 0 : i32
      %dma_wait3A_247 = arith.constant 0 : i32
      %dma_wait3A_248 = tpu.memref_slice %arg6[%dma_wait3A_245, %dma_wait3A_246, %dma_wait3A_247] : memref<8x128x64xf32, #tpu.memory_space<vmem>> -> memref<1x128x64xf32, #tpu.memory_space<vmem>>
      %dma_wait3A_249 = tpu.memref_squeeze %dma_wait3A_248 : memref<1x128x64xf32, #tpu.memory_space<vmem>> -> memref<128x64xf32, #tpu.memory_space<vmem>>
      %dma_wait3A_250 = arith.constant 0 : i32
      %dma_wait3A_251 = arith.constant 0 : i32
      %dma_wait3A_252 = tpu.memref_slice %arg3[%dma_wait3A_250, %dma_wait3A_251] : memref<1000000x64xf32, #tpu.memory_space<hbm>> -> memref<128x64xf32, #tpu.memory_space<hbm>>
      %dma_wait3A_253 = arith.constant 0 : i32
      %dma_wait3A_254 = arith.constant 0 : i32
      %dma_wait3A_255 = tpu.memref_slice %arg6[%dma_wait3A_245, %dma_wait3A_253, %dma_wait3A_254] : memref<8x128x64xf32, #tpu.memory_space<vmem>> -> memref<1x128x64xf32, #tpu.memory_space<vmem>>
      %dma_wait3A_256 = tpu.memref_squeeze %dma_wait3A_255 : memref<1x128x64xf32, #tpu.memory_space<vmem>> -> memref<128x64xf32, #tpu.memory_space<vmem>>
      %dma_wait3A_257 = arith.constant 0 : i32
      %dma_wait3A_258 = arith.constant 0 : i32
      %dma_wait3A_259 = tpu.memref_slice %arg3[%dma_wait3A_257, %dma_wait3A_258] : memref<1000000x64xf32, #tpu.memory_space<hbm>> -> memref<128x64xf32, #tpu.memory_space<hbm>>
      tpu.wait_dma2 semaphore(%arg9 : memref<!tpu.dma_semaphore, #tpu.memory_space<semaphore_mem>>) src(%dma_wait3A_259 : memref<128x64xf32, #tpu.memory_space<hbm>>) dst(%dma_wait3A_256 : memref<128x64xf32, #tpu.memory_space<vmem>>)
      %ge3A_260 = arith.constant 4 : i32
      %ge3A_261 = arith.cmpi sge, %add3A_244, %ge3A_260 : i32
      %convert_element_type3A_262 = arith.extui %ge3A_261 : i1 to i32
      %cond3A_263 = arith.constant 0 : i32
      %cond3A_264 = arith.cmpi ne, %convert_element_type3A_262, %cond3A_263 : i32
      scf.if %cond3A_264 {
        %dma_wait3A_626 = arith.constant 1 : i32
        %dma_wait3A_627 = arith.constant 0 : i32
        %dma_wait3A_628 = arith.constant 0 : i32
        %dma_wait3A_629 = arith.constant 0 : i32
        %dma_wait3A_630 = arith.constant 0 : i32
        %dma_wait3A_631 = tpu.memref_slice %arg7[%dma_wait3A_626, %dma_wait3A_628, %dma_wait3A_629, %dma_wait3A_630] : memref<4x8x8x129xf32, #tpu.memory_space<vmem>> -> memref<1x8x8x128xf32, #tpu.memory_space<vmem>>
        %dma_wait3A_632 = tpu.memref_squeeze %dma_wait3A_631 : memref<1x8x8x128xf32, #tpu.memory_space<vmem>> -> memref<8x8x128xf32, #tpu.memory_space<vmem>>
        %dma_wait3A_633 = arith.constant 0 : i32
        %dma_wait3A_634 = arith.constant 0 : i32
        %dma_wait3A_635 = arith.constant 0 : i32
        %dma_wait3A_636 = tpu.memref_slice %arg4[%dma_wait3A_627, %dma_wait3A_633, %add3A, %dma_wait3A_634, %dma_wait3A_635] : memref<200x8x32x8x128xf32, #tpu.memory_space<hbm>> -> memref<1x8x1x8x128xf32, #tpu.memory_space<hbm>>
        %dma_wait3A_637 = tpu.memref_squeeze %dma_wait3A_636 : memref<1x8x1x8x128xf32, #tpu.memory_space<hbm>> -> memref<8x8x128xf32, #tpu.memory_space<hbm>>
        %dma_wait3A_638 = arith.constant 0 : i32
        %dma_wait3A_639 = arith.constant 0 : i32
        %dma_wait3A_640 = arith.constant 0 : i32
        %dma_wait3A_641 = tpu.memref_slice %arg4[%dma_wait3A_627, %dma_wait3A_638, %add3A, %dma_wait3A_639, %dma_wait3A_640] : memref<200x8x32x8x128xf32, #tpu.memory_space<hbm>> -> memref<1x8x1x8x128xf32, #tpu.memory_space<hbm>>
        %dma_wait3A_642 = tpu.memref_squeeze %dma_wait3A_641 : memref<1x8x1x8x128xf32, #tpu.memory_space<hbm>> -> memref<8x8x128xf32, #tpu.memory_space<hbm>>
        %dma_wait3A_643 = arith.constant 0 : i32
        %dma_wait3A_644 = arith.constant 0 : i32
        %dma_wait3A_645 = arith.constant 0 : i32
        %dma_wait3A_646 = tpu.memref_slice %arg7[%dma_wait3A_626, %dma_wait3A_643, %dma_wait3A_644, %dma_wait3A_645] : memref<4x8x8x129xf32, #tpu.memory_space<vmem>> -> memref<1x8x8x128xf32, #tpu.memory_space<vmem>>
        %dma_wait3A_647 = tpu.memref_squeeze %dma_wait3A_646 : memref<1x8x8x128xf32, #tpu.memory_space<vmem>> -> memref<8x8x128xf32, #tpu.memory_space<vmem>>
        tpu.wait_dma2 semaphore(%arg17 : memref<!tpu.dma_semaphore, #tpu.memory_space<semaphore_mem>>) src(%dma_wait3A_647 : memref<8x8x128xf32, #tpu.memory_space<vmem>>) dst(%dma_wait3A_642 : memref<8x8x128xf32, #tpu.memory_space<hbm>>)
      } else {
      }
      %parallel_loop3A_265 = arith.constant 0 : i32
      %parallel_loop3A_266 = arith.constant 128 : i32
      %parallel_loop3A_267 = arith.constant 1 : i32
      scf.for %parallel_loop3A_626 = %parallel_loop3A_265 to %parallel_loop3A_266 step %parallel_loop3A_267  : i32 {
        %parallel_loop3A_627 = vector.broadcast %parallel_loop3A_626 : i32 to vector<16xi32>
        %parallel_loop3A_628 = arith.constant 1 : i32
        %parallel_loop3A_629 = arith.index_cast %parallel_loop3A_628 : i32 to index
        %parallel_loop3A_630 = arith.index_cast %parallel_loop3A_626 : i32 to index
        %parallel_loop3A_631 = arith.constant 0 : index
        %parallel_loop3A_632 = tpu.vector_load %arg6[%parallel_loop3A_629, %parallel_loop3A_630, %parallel_loop3A_631] {strides = array<i32>} : memref<8x128x64xf32, #tpu.memory_space<vmem>>, vector<16xf32>,
        %parallel_loop3A_633 = arith.constant 8.000000e+00 : f32
        %parallel_loop3A_634 = vector.broadcast %parallel_loop3A_633 : f32 to vector<16xf32>
        %parallel_loop3A_635 = arith.mulf %parallel_loop3A_632, %parallel_loop3A_634 : vector<16xf32>
        %parallel_loop3A_636 = arith.constant 1 : i32
        %parallel_loop3A_637 = arith.constant 0 : i32
        %parallel_loop3A_638 = arith.constant 0 : i32
        %parallel_loop3A_639 = arith.constant 0 : i32
        %parallel_loop3A_640 = tpu.memref_slice %arg7[%parallel_loop3A_636, %parallel_loop3A_637, %parallel_loop3A_638, %parallel_loop3A_639] : memref<4x8x8x129xf32, #tpu.memory_space<vmem>> -> memref<1x8x8x129xf32, #tpu.memory_space<vmem>>
        %parallel_loop3A_641 = tpu.memref_squeeze %parallel_loop3A_640 : memref<1x8x8x129xf32, #tpu.memory_space<vmem>> -> memref<8x8x129xf32, #tpu.memory_space<vmem>>
        tpu.vector_store_idx %parallel_loop3A_641[%shift_right_logical3A_5, %and3A_28, %parallel_loop3A_627], %parallel_loop3A_635 : memref<8x8x129xf32, #tpu.memory_space<vmem>>[vector<16xi32>, vector<16xi32>, vector<16xi32>], vector<16xf32>,
        %parallel_loop3A_642 = arith.constant 1 : i32
        %parallel_loop3A_643 = arith.index_cast %parallel_loop3A_642 : i32 to index
        %parallel_loop3A_644 = arith.index_cast %parallel_loop3A_626 : i32 to index
        %parallel_loop3A_645 = arith.constant 16 : index
        %parallel_loop3A_646 = tpu.vector_load %arg6[%parallel_loop3A_643, %parallel_loop3A_644, %parallel_loop3A_645] {strides = array<i32>} : memref<8x128x64xf32, #tpu.memory_space<vmem>>, vector<16xf32>,
        %parallel_loop3A_647 = arith.constant 8.000000e+00 : f32
        %parallel_loop3A_648 = vector.broadcast %parallel_loop3A_647 : f32 to vector<16xf32>
        %parallel_loop3A_649 = arith.mulf %parallel_loop3A_646, %parallel_loop3A_648 : vector<16xf32>
        %parallel_loop3A_650 = arith.constant 1 : i32
        %parallel_loop3A_651 = arith.constant 0 : i32
        %parallel_loop3A_652 = arith.constant 0 : i32
        %parallel_loop3A_653 = arith.constant 0 : i32
        %parallel_loop3A_654 = tpu.memref_slice %arg7[%parallel_loop3A_650, %parallel_loop3A_651, %parallel_loop3A_652, %parallel_loop3A_653] : memref<4x8x8x129xf32, #tpu.memory_space<vmem>> -> memref<1x8x8x129xf32, #tpu.memory_space<vmem>>
        %parallel_loop3A_655 = tpu.memref_squeeze %parallel_loop3A_654 : memref<1x8x8x129xf32, #tpu.memory_space<vmem>> -> memref<8x8x129xf32, #tpu.memory_space<vmem>>
        tpu.vector_store_idx %parallel_loop3A_655[%shift_right_logical3A_11, %and3A_34, %parallel_loop3A_627], %parallel_loop3A_649 : memref<8x8x129xf32, #tpu.memory_space<vmem>>[vector<16xi32>, vector<16xi32>, vector<16xi32>], vector<16xf32>,
        %parallel_loop3A_656 = arith.constant 1 : i32
        %parallel_loop3A_657 = arith.index_cast %parallel_loop3A_656 : i32 to index
        %parallel_loop3A_658 = arith.index_cast %parallel_loop3A_626 : i32 to index
        %parallel_loop3A_659 = arith.constant 32 : index
        %parallel_loop3A_660 = tpu.vector_load %arg6[%parallel_loop3A_657, %parallel_loop3A_658, %parallel_loop3A_659] {strides = array<i32>} : memref<8x128x64xf32, #tpu.memory_space<vmem>>, vector<16xf32>,
        %parallel_loop3A_661 = arith.constant 8.000000e+00 : f32
        %parallel_loop3A_662 = vector.broadcast %parallel_loop3A_661 : f32 to vector<16xf32>
        %parallel_loop3A_663 = arith.mulf %parallel_loop3A_660, %parallel_loop3A_662 : vector<16xf32>
        %parallel_loop3A_664 = arith.constant 1 : i32
        %parallel_loop3A_665 = arith.constant 0 : i32
        %parallel_loop3A_666 = arith.constant 0 : i32
        %parallel_loop3A_667 = arith.constant 0 : i32
        %parallel_loop3A_668 = tpu.memref_slice %arg7[%parallel_loop3A_664, %parallel_loop3A_665, %parallel_loop3A_666, %parallel_loop3A_667] : memref<4x8x8x129xf32, #tpu.memory_space<vmem>> -> memref<1x8x8x129xf32, #tpu.memory_space<vmem>>
        %parallel_loop3A_669 = tpu.memref_squeeze %parallel_loop3A_668 : memref<1x8x8x129xf32, #tpu.memory_space<vmem>> -> memref<8x8x129xf32, #tpu.memory_space<vmem>>
        tpu.vector_store_idx %parallel_loop3A_669[%shift_right_logical3A_17, %and3A_40, %parallel_loop3A_627], %parallel_loop3A_663 : memref<8x8x129xf32, #tpu.memory_space<vmem>>[vector<16xi32>, vector<16xi32>, vector<16xi32>], vector<16xf32>,
        %parallel_loop3A_670 = arith.constant 1 : i32
        %parallel_loop3A_671 = arith.index_cast %parallel_loop3A_670 : i32 to index
        %parallel_loop3A_672 = arith.index_cast %parallel_loop3A_626 : i32 to index
        %parallel_loop3A_673 = arith.constant 48 : index
        %parallel_loop3A_674 = tpu.vector_load %arg6[%parallel_loop3A_671, %parallel_loop3A_672, %parallel_loop3A_673] {strides = array<i32>} : memref<8x128x64xf32, #tpu.memory_space<vmem>>, vector<16xf32>,
        %parallel_loop3A_675 = arith.constant 8.000000e+00 : f32
        %parallel_loop3A_676 = vector.broadcast %parallel_loop3A_675 : f32 to vector<16xf32>
        %parallel_loop3A_677 = arith.mulf %parallel_loop3A_674, %parallel_loop3A_676 : vector<16xf32>
        %parallel_loop3A_678 = arith.constant 1 : i32
        %parallel_loop3A_679 = arith.constant 0 : i32
        %parallel_loop3A_680 = arith.constant 0 : i32
        %parallel_loop3A_681 = arith.constant 0 : i32
        %parallel_loop3A_682 = tpu.memref_slice %arg7[%parallel_loop3A_678, %parallel_loop3A_679, %parallel_loop3A_680, %parallel_loop3A_681] : memref<4x8x8x129xf32, #tpu.memory_space<vmem>> -> memref<1x8x8x129xf32, #tpu.memory_space<vmem>>
        %parallel_loop3A_683 = tpu.memref_squeeze %parallel_loop3A_682 : memref<1x8x8x129xf32, #tpu.memory_space<vmem>> -> memref<8x8x129xf32, #tpu.memory_space<vmem>>
        tpu.vector_store_idx %parallel_loop3A_683[%shift_right_logical3A_23, %and3A_46, %parallel_loop3A_627], %parallel_loop3A_677 : memref<8x8x129xf32, #tpu.memory_space<vmem>>[vector<16xi32>, vector<16xi32>, vector<16xi32>], vector<16xf32>,
      } {sc.loop_unroll_factor = 8 : i64, sc.parallel_access}
      %dma_start3A_268 = arith.constant 1 : i32
      %dma_start3A_269 = arith.constant 0 : i32
      %dma_start3A_270 = arith.constant 0 : i32
      %dma_start3A_271 = arith.constant 0 : i32
      %dma_start3A_272 = tpu.memref_slice %arg7[%dma_start3A_268, %dma_start3A_269, %dma_start3A_270, %dma_start3A_271] : memref<4x8x8x129xf32, #tpu.memory_space<vmem>> -> memref<1x8x8x128xf32, #tpu.memory_space<vmem>>
      %dma_start3A_273 = tpu.memref_squeeze %dma_start3A_272 : memref<1x8x8x128xf32, #tpu.memory_space<vmem>> -> memref<8x8x128xf32, #tpu.memory_space<vmem>>
      %dma_start3A_274 = arith.constant 0 : i32
      %dma_start3A_275 = arith.constant 0 : i32
      %dma_start3A_276 = arith.constant 0 : i32
      %dma_start3A_277 = tpu.memref_slice %arg4[%add3A_244, %dma_start3A_274, %add3A, %dma_start3A_275, %dma_start3A_276] : memref<200x8x32x8x128xf32, #tpu.memory_space<hbm>> -> memref<1x8x1x8x128xf32, #tpu.memory_space<hbm>>
      %dma_start3A_278 = tpu.memref_squeeze %dma_start3A_277 : memref<1x8x1x8x128xf32, #tpu.memory_space<hbm>> -> memref<8x8x128xf32, #tpu.memory_space<hbm>>
      %dma_start3A_279 = arith.constant 0 : i32
      %dma_start3A_280 = arith.constant 0 : i32
      %dma_start3A_281 = arith.constant 0 : i32
      %dma_start3A_282 = tpu.memref_slice %arg4[%add3A_244, %dma_start3A_279, %add3A, %dma_start3A_280, %dma_start3A_281] : memref<200x8x32x8x128xf32, #tpu.memory_space<hbm>> -> memref<1x8x1x8x128xf32, #tpu.memory_space<hbm>>
      %dma_start3A_283 = tpu.memref_squeeze %dma_start3A_282 : memref<1x8x1x8x128xf32, #tpu.memory_space<hbm>> -> memref<8x8x128xf32, #tpu.memory_space<hbm>>
      %dma_start3A_284 = arith.constant 0 : i32
      %dma_start3A_285 = arith.constant 0 : i32
      %dma_start3A_286 = arith.constant 0 : i32
      %dma_start3A_287 = tpu.memref_slice %arg7[%dma_start3A_268, %dma_start3A_284, %dma_start3A_285, %dma_start3A_286] : memref<4x8x8x129xf32, #tpu.memory_space<vmem>> -> memref<1x8x8x128xf32, #tpu.memory_space<vmem>>
      %dma_start3A_288 = tpu.memref_squeeze %dma_start3A_287 : memref<1x8x8x128xf32, #tpu.memory_space<vmem>> -> memref<8x8x128xf32, #tpu.memory_space<vmem>>
      tpu.enqueue_dma source(%dma_start3A_288 : memref<8x8x128xf32, #tpu.memory_space<vmem>>) target(%dma_start3A_283 : memref<8x8x128xf32, #tpu.memory_space<hbm>>) target_semaphore(%arg17 : memref<!tpu.dma_semaphore, #tpu.memory_space<semaphore_mem>>)
      %add3A_289 = arith.constant 4 : i32
      %add3A_290 = arith.addi %add3A_244, %add3A_289 : i32
      %lt3A_291 = arith.constant 200 : i32
      %lt3A_292 = arith.cmpi slt, %add3A_290, %lt3A_291 : i32
      %convert_element_type3A_293 = arith.extui %lt3A_292 : i1 to i32
      %cond3A_294 = arith.constant 0 : i32
      %cond3A_295 = arith.cmpi ne, %convert_element_type3A_293, %cond3A_294 : i32
      scf.if %cond3A_295 {
        %dma_start3A_626 = arith.constant 5 : i32
        %dma_start3A_627 = arith.constant 5 : i32
        %dma_start3A_628 = arith.constant 0 : i32
        %dma_start3A_629 = arith.constant 0 : i32
        %dma_start3A_630 = tpu.memref_slice %arg6[%dma_start3A_627, %dma_start3A_628, %dma_start3A_629] : memref<8x128x64xf32, #tpu.memory_space<vmem>> -> memref<1x128x64xf32, #tpu.memory_space<vmem>>
        %dma_start3A_631 = tpu.memref_squeeze %dma_start3A_630 : memref<1x128x64xf32, #tpu.memory_space<vmem>> -> memref<128x64xf32, #tpu.memory_space<vmem>>
        %dma_start3A_632 = arith.constant 0 : i32
        %dma_start3A_633 = tpu.memref_slice %arg5[%scan3A_190, %dma_start3A_626, %dma_start3A_632] : memref<25x8x128xi32, #tpu.memory_space<vmem>> -> memref<1x1x128xi32, #tpu.memory_space<vmem>>
        %dma_start3A_634 = tpu.memref_squeeze %dma_start3A_633 : memref<1x1x128xi32, #tpu.memory_space<vmem>> -> memref<128xi32, #tpu.memory_space<vmem>>
        %dma_start3A_635 = arith.constant 0 : i32
        %dma_start3A_636 = arith.constant 0 : i32
        %dma_start3A_637 = tpu.memref_slice %arg3[%dma_start3A_635, %dma_start3A_636] : memref<1000000x64xf32, #tpu.memory_space<hbm>> -> memref<1000000x64xf32, #tpu.memory_space<hbm>>
        tpu.enqueue_indirect_dma source(%dma_start3A_637 : memref<1000000x64xf32, #tpu.memory_space<hbm>>) target(%dma_start3A_631 : memref<128x64xf32, #tpu.memory_space<vmem>>) offsets(%dma_start3A_634 : memref<128xi32, #tpu.memory_space<vmem>>) semaphore(%arg13 : memref<!tpu.dma_semaphore, #tpu.memory_space<semaphore_mem>>)
      } else {
      }
      %mul3A_296 = arith.constant 8 : i32
      %mul3A_297 = arith.muli %scan3A_190, %mul3A_296 : i32
      %add3A_298 = arith.constant 2 : i32
      %add3A_299 = arith.addi %mul3A_297, %add3A_298 : i32
      %dma_wait3A_300 = arith.constant 2 : i32
      %dma_wait3A_301 = arith.constant 0 : i32
      %dma_wait3A_302 = arith.constant 0 : i32
      %dma_wait3A_303 = tpu.memref_slice %arg6[%dma_wait3A_300, %dma_wait3A_301, %dma_wait3A_302] : memref<8x128x64xf32, #tpu.memory_space<vmem>> -> memref<1x128x64xf32, #tpu.memory_space<vmem>>
      %dma_wait3A_304 = tpu.memref_squeeze %dma_wait3A_303 : memref<1x128x64xf32, #tpu.memory_space<vmem>> -> memref<128x64xf32, #tpu.memory_space<vmem>>
      %dma_wait3A_305 = arith.constant 0 : i32
      %dma_wait3A_306 = arith.constant 0 : i32
      %dma_wait3A_307 = tpu.memref_slice %arg3[%dma_wait3A_305, %dma_wait3A_306] : memref<1000000x64xf32, #tpu.memory_space<hbm>> -> memref<128x64xf32, #tpu.memory_space<hbm>>
      %dma_wait3A_308 = arith.constant 0 : i32
      %dma_wait3A_309 = arith.constant 0 : i32
      %dma_wait3A_310 = tpu.memref_slice %arg6[%dma_wait3A_300, %dma_wait3A_308, %dma_wait3A_309] : memref<8x128x64xf32, #tpu.memory_space<vmem>> -> memref<1x128x64xf32, #tpu.memory_space<vmem>>
      %dma_wait3A_311 = tpu.memref_squeeze %dma_wait3A_310 : memref<1x128x64xf32, #tpu.memory_space<vmem>> -> memref<128x64xf32, #tpu.memory_space<vmem>>
      %dma_wait3A_312 = arith.constant 0 : i32
      %dma_wait3A_313 = arith.constant 0 : i32
      %dma_wait3A_314 = tpu.memref_slice %arg3[%dma_wait3A_312, %dma_wait3A_313] : memref<1000000x64xf32, #tpu.memory_space<hbm>> -> memref<128x64xf32, #tpu.memory_space<hbm>>
      tpu.wait_dma2 semaphore(%arg10 : memref<!tpu.dma_semaphore, #tpu.memory_space<semaphore_mem>>) src(%dma_wait3A_314 : memref<128x64xf32, #tpu.memory_space<hbm>>) dst(%dma_wait3A_311 : memref<128x64xf32, #tpu.memory_space<vmem>>)
      %ge3A_315 = arith.constant 4 : i32
      %ge3A_316 = arith.cmpi sge, %add3A_299, %ge3A_315 : i32
      %convert_element_type3A_317 = arith.extui %ge3A_316 : i1 to i32
      %cond3A_318 = arith.constant 0 : i32
      %cond3A_319 = arith.cmpi ne, %convert_element_type3A_317, %cond3A_318 : i32
      scf.if %cond3A_319 {
        %dma_wait3A_626 = arith.constant 2 : i32
        %dma_wait3A_627 = arith.constant 0 : i32
        %dma_wait3A_628 = arith.constant 0 : i32
        %dma_wait3A_629 = arith.constant 0 : i32
        %dma_wait3A_630 = arith.constant 0 : i32
        %dma_wait3A_631 = tpu.memref_slice %arg7[%dma_wait3A_626, %dma_wait3A_628, %dma_wait3A_629, %dma_wait3A_630] : memref<4x8x8x129xf32, #tpu.memory_space<vmem>> -> memref<1x8x8x128xf32, #tpu.memory_space<vmem>>
        %dma_wait3A_632 = tpu.memref_squeeze %dma_wait3A_631 : memref<1x8x8x128xf32, #tpu.memory_space<vmem>> -> memref<8x8x128xf32, #tpu.memory_space<vmem>>
        %dma_wait3A_633 = arith.constant 0 : i32
        %dma_wait3A_634 = arith.constant 0 : i32
        %dma_wait3A_635 = arith.constant 0 : i32
        %dma_wait3A_636 = tpu.memref_slice %arg4[%dma_wait3A_627, %dma_wait3A_633, %add3A, %dma_wait3A_634, %dma_wait3A_635] : memref<200x8x32x8x128xf32, #tpu.memory_space<hbm>> -> memref<1x8x1x8x128xf32, #tpu.memory_space<hbm>>
        %dma_wait3A_637 = tpu.memref_squeeze %dma_wait3A_636 : memref<1x8x1x8x128xf32, #tpu.memory_space<hbm>> -> memref<8x8x128xf32, #tpu.memory_space<hbm>>
        %dma_wait3A_638 = arith.constant 0 : i32
        %dma_wait3A_639 = arith.constant 0 : i32
        %dma_wait3A_640 = arith.constant 0 : i32
        %dma_wait3A_641 = tpu.memref_slice %arg4[%dma_wait3A_627, %dma_wait3A_638, %add3A, %dma_wait3A_639, %dma_wait3A_640] : memref<200x8x32x8x128xf32, #tpu.memory_space<hbm>> -> memref<1x8x1x8x128xf32, #tpu.memory_space<hbm>>
        %dma_wait3A_642 = tpu.memref_squeeze %dma_wait3A_641 : memref<1x8x1x8x128xf32, #tpu.memory_space<hbm>> -> memref<8x8x128xf32, #tpu.memory_space<hbm>>
        %dma_wait3A_643 = arith.constant 0 : i32
        %dma_wait3A_644 = arith.constant 0 : i32
        %dma_wait3A_645 = arith.constant 0 : i32
        %dma_wait3A_646 = tpu.memref_slice %arg7[%dma_wait3A_626, %dma_wait3A_643, %dma_wait3A_644, %dma_wait3A_645] : memref<4x8x8x129xf32, #tpu.memory_space<vmem>> -> memref<1x8x8x128xf32, #tpu.memory_space<vmem>>
        %dma_wait3A_647 = tpu.memref_squeeze %dma_wait3A_646 : memref<1x8x8x128xf32, #tpu.memory_space<vmem>> -> memref<8x8x128xf32, #tpu.memory_space<vmem>>
        tpu.wait_dma2 semaphore(%arg18 : memref<!tpu.dma_semaphore, #tpu.memory_space<semaphore_mem>>) src(%dma_wait3A_647 : memref<8x8x128xf32, #tpu.memory_space<vmem>>) dst(%dma_wait3A_642 : memref<8x8x128xf32, #tpu.memory_space<hbm>>)
      } else {
      }
      %parallel_loop3A_320 = arith.constant 0 : i32
      %parallel_loop3A_321 = arith.constant 128 : i32
      %parallel_loop3A_322 = arith.constant 1 : i32
      scf.for %parallel_loop3A_626 = %parallel_loop3A_320 to %parallel_loop3A_321 step %parallel_loop3A_322  : i32 {
        %parallel_loop3A_627 = vector.broadcast %parallel_loop3A_626 : i32 to vector<16xi32>
        %parallel_loop3A_628 = arith.constant 2 : i32
        %parallel_loop3A_629 = arith.index_cast %parallel_loop3A_628 : i32 to index
        %parallel_loop3A_630 = arith.index_cast %parallel_loop3A_626 : i32 to index
        %parallel_loop3A_631 = arith.constant 0 : index
        %parallel_loop3A_632 = tpu.vector_load %arg6[%parallel_loop3A_629, %parallel_loop3A_630, %parallel_loop3A_631] {strides = array<i32>} : memref<8x128x64xf32, #tpu.memory_space<vmem>>, vector<16xf32>,
        %parallel_loop3A_633 = arith.constant 8.000000e+00 : f32
        %parallel_loop3A_634 = vector.broadcast %parallel_loop3A_633 : f32 to vector<16xf32>
        %parallel_loop3A_635 = arith.mulf %parallel_loop3A_632, %parallel_loop3A_634 : vector<16xf32>
        %parallel_loop3A_636 = arith.constant 2 : i32
        %parallel_loop3A_637 = arith.constant 0 : i32
        %parallel_loop3A_638 = arith.constant 0 : i32
        %parallel_loop3A_639 = arith.constant 0 : i32
        %parallel_loop3A_640 = tpu.memref_slice %arg7[%parallel_loop3A_636, %parallel_loop3A_637, %parallel_loop3A_638, %parallel_loop3A_639] : memref<4x8x8x129xf32, #tpu.memory_space<vmem>> -> memref<1x8x8x129xf32, #tpu.memory_space<vmem>>
        %parallel_loop3A_641 = tpu.memref_squeeze %parallel_loop3A_640 : memref<1x8x8x129xf32, #tpu.memory_space<vmem>> -> memref<8x8x129xf32, #tpu.memory_space<vmem>>
        tpu.vector_store_idx %parallel_loop3A_641[%shift_right_logical3A_5, %and3A_28, %parallel_loop3A_627], %parallel_loop3A_635 : memref<8x8x129xf32, #tpu.memory_space<vmem>>[vector<16xi32>, vector<16xi32>, vector<16xi32>], vector<16xf32>,
        %parallel_loop3A_642 = arith.constant 2 : i32
        %parallel_loop3A_643 = arith.index_cast %parallel_loop3A_642 : i32 to index
        %parallel_loop3A_644 = arith.index_cast %parallel_loop3A_626 : i32 to index
        %parallel_loop3A_645 = arith.constant 16 : index
        %parallel_loop3A_646 = tpu.vector_load %arg6[%parallel_loop3A_643, %parallel_loop3A_644, %parallel_loop3A_645] {strides = array<i32>} : memref<8x128x64xf32, #tpu.memory_space<vmem>>, vector<16xf32>,
        %parallel_loop3A_647 = arith.constant 8.000000e+00 : f32
        %parallel_loop3A_648 = vector.broadcast %parallel_loop3A_647 : f32 to vector<16xf32>
        %parallel_loop3A_649 = arith.mulf %parallel_loop3A_646, %parallel_loop3A_648 : vector<16xf32>
        %parallel_loop3A_650 = arith.constant 2 : i32
        %parallel_loop3A_651 = arith.constant 0 : i32
        %parallel_loop3A_652 = arith.constant 0 : i32
        %parallel_loop3A_653 = arith.constant 0 : i32
        %parallel_loop3A_654 = tpu.memref_slice %arg7[%parallel_loop3A_650, %parallel_loop3A_651, %parallel_loop3A_652, %parallel_loop3A_653] : memref<4x8x8x129xf32, #tpu.memory_space<vmem>> -> memref<1x8x8x129xf32, #tpu.memory_space<vmem>>
        %parallel_loop3A_655 = tpu.memref_squeeze %parallel_loop3A_654 : memref<1x8x8x129xf32, #tpu.memory_space<vmem>> -> memref<8x8x129xf32, #tpu.memory_space<vmem>>
        tpu.vector_store_idx %parallel_loop3A_655[%shift_right_logical3A_11, %and3A_34, %parallel_loop3A_627], %parallel_loop3A_649 : memref<8x8x129xf32, #tpu.memory_space<vmem>>[vector<16xi32>, vector<16xi32>, vector<16xi32>], vector<16xf32>,
        %parallel_loop3A_656 = arith.constant 2 : i32
        %parallel_loop3A_657 = arith.index_cast %parallel_loop3A_656 : i32 to index
        %parallel_loop3A_658 = arith.index_cast %parallel_loop3A_626 : i32 to index
        %parallel_loop3A_659 = arith.constant 32 : index
        %parallel_loop3A_660 = tpu.vector_load %arg6[%parallel_loop3A_657, %parallel_loop3A_658, %parallel_loop3A_659] {strides = array<i32>} : memref<8x128x64xf32, #tpu.memory_space<vmem>>, vector<16xf32>,
        %parallel_loop3A_661 = arith.constant 8.000000e+00 : f32
        %parallel_loop3A_662 = vector.broadcast %parallel_loop3A_661 : f32 to vector<16xf32>
        %parallel_loop3A_663 = arith.mulf %parallel_loop3A_660, %parallel_loop3A_662 : vector<16xf32>
        %parallel_loop3A_664 = arith.constant 2 : i32
        %parallel_loop3A_665 = arith.constant 0 : i32
        %parallel_loop3A_666 = arith.constant 0 : i32
        %parallel_loop3A_667 = arith.constant 0 : i32
        %parallel_loop3A_668 = tpu.memref_slice %arg7[%parallel_loop3A_664, %parallel_loop3A_665, %parallel_loop3A_666, %parallel_loop3A_667] : memref<4x8x8x129xf32, #tpu.memory_space<vmem>> -> memref<1x8x8x129xf32, #tpu.memory_space<vmem>>
        %parallel_loop3A_669 = tpu.memref_squeeze %parallel_loop3A_668 : memref<1x8x8x129xf32, #tpu.memory_space<vmem>> -> memref<8x8x129xf32, #tpu.memory_space<vmem>>
        tpu.vector_store_idx %parallel_loop3A_669[%shift_right_logical3A_17, %and3A_40, %parallel_loop3A_627], %parallel_loop3A_663 : memref<8x8x129xf32, #tpu.memory_space<vmem>>[vector<16xi32>, vector<16xi32>, vector<16xi32>], vector<16xf32>,
        %parallel_loop3A_670 = arith.constant 2 : i32
        %parallel_loop3A_671 = arith.index_cast %parallel_loop3A_670 : i32 to index
        %parallel_loop3A_672 = arith.index_cast %parallel_loop3A_626 : i32 to index
        %parallel_loop3A_673 = arith.constant 48 : index
        %parallel_loop3A_674 = tpu.vector_load %arg6[%parallel_loop3A_671, %parallel_loop3A_672, %parallel_loop3A_673] {strides = array<i32>} : memref<8x128x64xf32, #tpu.memory_space<vmem>>, vector<16xf32>,
        %parallel_loop3A_675 = arith.constant 8.000000e+00 : f32
        %parallel_loop3A_676 = vector.broadcast %parallel_loop3A_675 : f32 to vector<16xf32>
        %parallel_loop3A_677 = arith.mulf %parallel_loop3A_674, %parallel_loop3A_676 : vector<16xf32>
        %parallel_loop3A_678 = arith.constant 2 : i32
        %parallel_loop3A_679 = arith.constant 0 : i32
        %parallel_loop3A_680 = arith.constant 0 : i32
        %parallel_loop3A_681 = arith.constant 0 : i32
        %parallel_loop3A_682 = tpu.memref_slice %arg7[%parallel_loop3A_678, %parallel_loop3A_679, %parallel_loop3A_680, %parallel_loop3A_681] : memref<4x8x8x129xf32, #tpu.memory_space<vmem>> -> memref<1x8x8x129xf32, #tpu.memory_space<vmem>>
        %parallel_loop3A_683 = tpu.memref_squeeze %parallel_loop3A_682 : memref<1x8x8x129xf32, #tpu.memory_space<vmem>> -> memref<8x8x129xf32, #tpu.memory_space<vmem>>
        tpu.vector_store_idx %parallel_loop3A_683[%shift_right_logical3A_23, %and3A_46, %parallel_loop3A_627], %parallel_loop3A_677 : memref<8x8x129xf32, #tpu.memory_space<vmem>>[vector<16xi32>, vector<16xi32>, vector<16xi32>], vector<16xf32>,
      } {sc.loop_unroll_factor = 8 : i64, sc.parallel_access}
      %dma_start3A_323 = arith.constant 2 : i32
      %dma_start3A_324 = arith.constant 0 : i32
      %dma_start3A_325 = arith.constant 0 : i32
      %dma_start3A_326 = arith.constant 0 : i32
      %dma_start3A_327 = tpu.memref_slice %arg7[%dma_start3A_323, %dma_start3A_324, %dma_start3A_325, %dma_start3A_326] : memref<4x8x8x129xf32, #tpu.memory_space<vmem>> -> memref<1x8x8x128xf32, #tpu.memory_space<vmem>>
      %dma_start3A_328 = tpu.memref_squeeze %dma_start3A_327 : memref<1x8x8x128xf32, #tpu.memory_space<vmem>> -> memref<8x8x128xf32, #tpu.memory_space<vmem>>
      %dma_start3A_329 = arith.constant 0 : i32
      %dma_start3A_330 = arith.constant 0 : i32
      %dma_start3A_331 = arith.constant 0 : i32
      %dma_start3A_332 = tpu.memref_slice %arg4[%add3A_299, %dma_start3A_329, %add3A, %dma_start3A_330, %dma_start3A_331] : memref<200x8x32x8x128xf32, #tpu.memory_space<hbm>> -> memref<1x8x1x8x128xf32, #tpu.memory_space<hbm>>
      %dma_start3A_333 = tpu.memref_squeeze %dma_start3A_332 : memref<1x8x1x8x128xf32, #tpu.memory_space<hbm>> -> memref<8x8x128xf32, #tpu.memory_space<hbm>>
      %dma_start3A_334 = arith.constant 0 : i32
      %dma_start3A_335 = arith.constant 0 : i32
      %dma_start3A_336 = arith.constant 0 : i32
      %dma_start3A_337 = tpu.memref_slice %arg4[%add3A_299, %dma_start3A_334, %add3A, %dma_start3A_335, %dma_start3A_336] : memref<200x8x32x8x128xf32, #tpu.memory_space<hbm>> -> memref<1x8x1x8x128xf32, #tpu.memory_space<hbm>>
      %dma_start3A_338 = tpu.memref_squeeze %dma_start3A_337 : memref<1x8x1x8x128xf32, #tpu.memory_space<hbm>> -> memref<8x8x128xf32, #tpu.memory_space<hbm>>
      %dma_start3A_339 = arith.constant 0 : i32
      %dma_start3A_340 = arith.constant 0 : i32
      %dma_start3A_341 = arith.constant 0 : i32
      %dma_start3A_342 = tpu.memref_slice %arg7[%dma_start3A_323, %dma_start3A_339, %dma_start3A_340, %dma_start3A_341] : memref<4x8x8x129xf32, #tpu.memory_space<vmem>> -> memref<1x8x8x128xf32, #tpu.memory_space<vmem>>
      %dma_start3A_343 = tpu.memref_squeeze %dma_start3A_342 : memref<1x8x8x128xf32, #tpu.memory_space<vmem>> -> memref<8x8x128xf32, #tpu.memory_space<vmem>>
      tpu.enqueue_dma source(%dma_start3A_343 : memref<8x8x128xf32, #tpu.memory_space<vmem>>) target(%dma_start3A_338 : memref<8x8x128xf32, #tpu.memory_space<hbm>>) target_semaphore(%arg18 : memref<!tpu.dma_semaphore, #tpu.memory_space<semaphore_mem>>)
      %add3A_344 = arith.constant 4 : i32
      %add3A_345 = arith.addi %add3A_299, %add3A_344 : i32
      %lt3A_346 = arith.constant 200 : i32
      %lt3A_347 = arith.cmpi slt, %add3A_345, %lt3A_346 : i32
      %convert_element_type3A_348 = arith.extui %lt3A_347 : i1 to i32
      %cond3A_349 = arith.constant 0 : i32
      %cond3A_350 = arith.cmpi ne, %convert_element_type3A_348, %cond3A_349 : i32
      scf.if %cond3A_350 {
        %dma_start3A_626 = arith.constant 6 : i32
        %dma_start3A_627 = arith.constant 6 : i32
        %dma_start3A_628 = arith.constant 0 : i32
        %dma_start3A_629 = arith.constant 0 : i32
        %dma_start3A_630 = tpu.memref_slice %arg6[%dma_start3A_627, %dma_start3A_628, %dma_start3A_629] : memref<8x128x64xf32, #tpu.memory_space<vmem>> -> memref<1x128x64xf32, #tpu.memory_space<vmem>>
        %dma_start3A_631 = tpu.memref_squeeze %dma_start3A_630 : memref<1x128x64xf32, #tpu.memory_space<vmem>> -> memref<128x64xf32, #tpu.memory_space<vmem>>
        %dma_start3A_632 = arith.constant 0 : i32
        %dma_start3A_633 = tpu.memref_slice %arg5[%scan3A_190, %dma_start3A_626, %dma_start3A_632] : memref<25x8x128xi32, #tpu.memory_space<vmem>> -> memref<1x1x128xi32, #tpu.memory_space<vmem>>
        %dma_start3A_634 = tpu.memref_squeeze %dma_start3A_633 : memref<1x1x128xi32, #tpu.memory_space<vmem>> -> memref<128xi32, #tpu.memory_space<vmem>>
        %dma_start3A_635 = arith.constant 0 : i32
        %dma_start3A_636 = arith.constant 0 : i32
        %dma_start3A_637 = tpu.memref_slice %arg3[%dma_start3A_635, %dma_start3A_636] : memref<1000000x64xf32, #tpu.memory_space<hbm>> -> memref<1000000x64xf32, #tpu.memory_space<hbm>>
        tpu.enqueue_indirect_dma source(%dma_start3A_637 : memref<1000000x64xf32, #tpu.memory_space<hbm>>) target(%dma_start3A_631 : memref<128x64xf32, #tpu.memory_space<vmem>>) offsets(%dma_start3A_634 : memref<128xi32, #tpu.memory_space<vmem>>) semaphore(%arg14 : memref<!tpu.dma_semaphore, #tpu.memory_space<semaphore_mem>>)
      } else {
      }
      %mul3A_351 = arith.constant 8 : i32
      %mul3A_352 = arith.muli %scan3A_190, %mul3A_351 : i32
      %add3A_353 = arith.constant 3 : i32
      %add3A_354 = arith.addi %mul3A_352, %add3A_353 : i32
      %dma_wait3A_355 = arith.constant 3 : i32
      %dma_wait3A_356 = arith.constant 0 : i32
      %dma_wait3A_357 = arith.constant 0 : i32
      %dma_wait3A_358 = tpu.memref_slice %arg6[%dma_wait3A_355, %dma_wait3A_356, %dma_wait3A_357] : memref<8x128x64xf32, #tpu.memory_space<vmem>> -> memref<1x128x64xf32, #tpu.memory_space<vmem>>
      %dma_wait3A_359 = tpu.memref_squeeze %dma_wait3A_358 : memref<1x128x64xf32, #tpu.memory_space<vmem>> -> memref<128x64xf32, #tpu.memory_space<vmem>>
      %dma_wait3A_360 = arith.constant 0 : i32
      %dma_wait3A_361 = arith.constant 0 : i32
      %dma_wait3A_362 = tpu.memref_slice %arg3[%dma_wait3A_360, %dma_wait3A_361] : memref<1000000x64xf32, #tpu.memory_space<hbm>> -> memref<128x64xf32, #tpu.memory_space<hbm>>
      %dma_wait3A_363 = arith.constant 0 : i32
      %dma_wait3A_364 = arith.constant 0 : i32
      %dma_wait3A_365 = tpu.memref_slice %arg6[%dma_wait3A_355, %dma_wait3A_363, %dma_wait3A_364] : memref<8x128x64xf32, #tpu.memory_space<vmem>> -> memref<1x128x64xf32, #tpu.memory_space<vmem>>
      %dma_wait3A_366 = tpu.memref_squeeze %dma_wait3A_365 : memref<1x128x64xf32, #tpu.memory_space<vmem>> -> memref<128x64xf32, #tpu.memory_space<vmem>>
      %dma_wait3A_367 = arith.constant 0 : i32
      %dma_wait3A_368 = arith.constant 0 : i32
      %dma_wait3A_369 = tpu.memref_slice %arg3[%dma_wait3A_367, %dma_wait3A_368] : memref<1000000x64xf32, #tpu.memory_space<hbm>> -> memref<128x64xf32, #tpu.memory_space<hbm>>
      tpu.wait_dma2 semaphore(%arg11 : memref<!tpu.dma_semaphore, #tpu.memory_space<semaphore_mem>>) src(%dma_wait3A_369 : memref<128x64xf32, #tpu.memory_space<hbm>>) dst(%dma_wait3A_366 : memref<128x64xf32, #tpu.memory_space<vmem>>)
      %ge3A_370 = arith.constant 4 : i32
      %ge3A_371 = arith.cmpi sge, %add3A_354, %ge3A_370 : i32
      %convert_element_type3A_372 = arith.extui %ge3A_371 : i1 to i32
      %cond3A_373 = arith.constant 0 : i32
      %cond3A_374 = arith.cmpi ne, %convert_element_type3A_372, %cond3A_373 : i32
      scf.if %cond3A_374 {
        %dma_wait3A_626 = arith.constant 3 : i32
        %dma_wait3A_627 = arith.constant 0 : i32
        %dma_wait3A_628 = arith.constant 0 : i32
        %dma_wait3A_629 = arith.constant 0 : i32
        %dma_wait3A_630 = arith.constant 0 : i32
        %dma_wait3A_631 = tpu.memref_slice %arg7[%dma_wait3A_626, %dma_wait3A_628, %dma_wait3A_629, %dma_wait3A_630] : memref<4x8x8x129xf32, #tpu.memory_space<vmem>> -> memref<1x8x8x128xf32, #tpu.memory_space<vmem>>
        %dma_wait3A_632 = tpu.memref_squeeze %dma_wait3A_631 : memref<1x8x8x128xf32, #tpu.memory_space<vmem>> -> memref<8x8x128xf32, #tpu.memory_space<vmem>>
        %dma_wait3A_633 = arith.constant 0 : i32
        %dma_wait3A_634 = arith.constant 0 : i32
        %dma_wait3A_635 = arith.constant 0 : i32
        %dma_wait3A_636 = tpu.memref_slice %arg4[%dma_wait3A_627, %dma_wait3A_633, %add3A, %dma_wait3A_634, %dma_wait3A_635] : memref<200x8x32x8x128xf32, #tpu.memory_space<hbm>> -> memref<1x8x1x8x128xf32, #tpu.memory_space<hbm>>
        %dma_wait3A_637 = tpu.memref_squeeze %dma_wait3A_636 : memref<1x8x1x8x128xf32, #tpu.memory_space<hbm>> -> memref<8x8x128xf32, #tpu.memory_space<hbm>>
        %dma_wait3A_638 = arith.constant 0 : i32
        %dma_wait3A_639 = arith.constant 0 : i32
        %dma_wait3A_640 = arith.constant 0 : i32
        %dma_wait3A_641 = tpu.memref_slice %arg4[%dma_wait3A_627, %dma_wait3A_638, %add3A, %dma_wait3A_639, %dma_wait3A_640] : memref<200x8x32x8x128xf32, #tpu.memory_space<hbm>> -> memref<1x8x1x8x128xf32, #tpu.memory_space<hbm>>
        %dma_wait3A_642 = tpu.memref_squeeze %dma_wait3A_641 : memref<1x8x1x8x128xf32, #tpu.memory_space<hbm>> -> memref<8x8x128xf32, #tpu.memory_space<hbm>>
        %dma_wait3A_643 = arith.constant 0 : i32
        %dma_wait3A_644 = arith.constant 0 : i32
        %dma_wait3A_645 = arith.constant 0 : i32
        %dma_wait3A_646 = tpu.memref_slice %arg7[%dma_wait3A_626, %dma_wait3A_643, %dma_wait3A_644, %dma_wait3A_645] : memref<4x8x8x129xf32, #tpu.memory_space<vmem>> -> memref<1x8x8x128xf32, #tpu.memory_space<vmem>>
        %dma_wait3A_647 = tpu.memref_squeeze %dma_wait3A_646 : memref<1x8x8x128xf32, #tpu.memory_space<vmem>> -> memref<8x8x128xf32, #tpu.memory_space<vmem>>
        tpu.wait_dma2 semaphore(%arg19 : memref<!tpu.dma_semaphore, #tpu.memory_space<semaphore_mem>>) src(%dma_wait3A_647 : memref<8x8x128xf32, #tpu.memory_space<vmem>>) dst(%dma_wait3A_642 : memref<8x8x128xf32, #tpu.memory_space<hbm>>)
      } else {
      }
      %parallel_loop3A_375 = arith.constant 0 : i32
      %parallel_loop3A_376 = arith.constant 128 : i32
      %parallel_loop3A_377 = arith.constant 1 : i32
      scf.for %parallel_loop3A_626 = %parallel_loop3A_375 to %parallel_loop3A_376 step %parallel_loop3A_377  : i32 {
        %parallel_loop3A_627 = vector.broadcast %parallel_loop3A_626 : i32 to vector<16xi32>
        %parallel_loop3A_628 = arith.constant 3 : i32
        %parallel_loop3A_629 = arith.index_cast %parallel_loop3A_628 : i32 to index
        %parallel_loop3A_630 = arith.index_cast %parallel_loop3A_626 : i32 to index
        %parallel_loop3A_631 = arith.constant 0 : index
        %parallel_loop3A_632 = tpu.vector_load %arg6[%parallel_loop3A_629, %parallel_loop3A_630, %parallel_loop3A_631] {strides = array<i32>} : memref<8x128x64xf32, #tpu.memory_space<vmem>>, vector<16xf32>,
        %parallel_loop3A_633 = arith.constant 8.000000e+00 : f32
        %parallel_loop3A_634 = vector.broadcast %parallel_loop3A_633 : f32 to vector<16xf32>
        %parallel_loop3A_635 = arith.mulf %parallel_loop3A_632, %parallel_loop3A_634 : vector<16xf32>
        %parallel_loop3A_636 = arith.constant 3 : i32
        %parallel_loop3A_637 = arith.constant 0 : i32
        %parallel_loop3A_638 = arith.constant 0 : i32
        %parallel_loop3A_639 = arith.constant 0 : i32
        %parallel_loop3A_640 = tpu.memref_slice %arg7[%parallel_loop3A_636, %parallel_loop3A_637, %parallel_loop3A_638, %parallel_loop3A_639] : memref<4x8x8x129xf32, #tpu.memory_space<vmem>> -> memref<1x8x8x129xf32, #tpu.memory_space<vmem>>
        %parallel_loop3A_641 = tpu.memref_squeeze %parallel_loop3A_640 : memref<1x8x8x129xf32, #tpu.memory_space<vmem>> -> memref<8x8x129xf32, #tpu.memory_space<vmem>>
        tpu.vector_store_idx %parallel_loop3A_641[%shift_right_logical3A_5, %and3A_28, %parallel_loop3A_627], %parallel_loop3A_635 : memref<8x8x129xf32, #tpu.memory_space<vmem>>[vector<16xi32>, vector<16xi32>, vector<16xi32>], vector<16xf32>,
        %parallel_loop3A_642 = arith.constant 3 : i32
        %parallel_loop3A_643 = arith.index_cast %parallel_loop3A_642 : i32 to index
        %parallel_loop3A_644 = arith.index_cast %parallel_loop3A_626 : i32 to index
        %parallel_loop3A_645 = arith.constant 16 : index
        %parallel_loop3A_646 = tpu.vector_load %arg6[%parallel_loop3A_643, %parallel_loop3A_644, %parallel_loop3A_645] {strides = array<i32>} : memref<8x128x64xf32, #tpu.memory_space<vmem>>, vector<16xf32>,
        %parallel_loop3A_647 = arith.constant 8.000000e+00 : f32
        %parallel_loop3A_648 = vector.broadcast %parallel_loop3A_647 : f32 to vector<16xf32>
        %parallel_loop3A_649 = arith.mulf %parallel_loop3A_646, %parallel_loop3A_648 : vector<16xf32>
        %parallel_loop3A_650 = arith.constant 3 : i32
        %parallel_loop3A_651 = arith.constant 0 : i32
        %parallel_loop3A_652 = arith.constant 0 : i32
        %parallel_loop3A_653 = arith.constant 0 : i32
        %parallel_loop3A_654 = tpu.memref_slice %arg7[%parallel_loop3A_650, %parallel_loop3A_651, %parallel_loop3A_652, %parallel_loop3A_653] : memref<4x8x8x129xf32, #tpu.memory_space<vmem>> -> memref<1x8x8x129xf32, #tpu.memory_space<vmem>>
        %parallel_loop3A_655 = tpu.memref_squeeze %parallel_loop3A_654 : memref<1x8x8x129xf32, #tpu.memory_space<vmem>> -> memref<8x8x129xf32, #tpu.memory_space<vmem>>
        tpu.vector_store_idx %parallel_loop3A_655[%shift_right_logical3A_11, %and3A_34, %parallel_loop3A_627], %parallel_loop3A_649 : memref<8x8x129xf32, #tpu.memory_space<vmem>>[vector<16xi32>, vector<16xi32>, vector<16xi32>], vector<16xf32>,
        %parallel_loop3A_656 = arith.constant 3 : i32
        %parallel_loop3A_657 = arith.index_cast %parallel_loop3A_656 : i32 to index
        %parallel_loop3A_658 = arith.index_cast %parallel_loop3A_626 : i32 to index
        %parallel_loop3A_659 = arith.constant 32 : index
        %parallel_loop3A_660 = tpu.vector_load %arg6[%parallel_loop3A_657, %parallel_loop3A_658, %parallel_loop3A_659] {strides = array<i32>} : memref<8x128x64xf32, #tpu.memory_space<vmem>>, vector<16xf32>,
        %parallel_loop3A_661 = arith.constant 8.000000e+00 : f32
        %parallel_loop3A_662 = vector.broadcast %parallel_loop3A_661 : f32 to vector<16xf32>
        %parallel_loop3A_663 = arith.mulf %parallel_loop3A_660, %parallel_loop3A_662 : vector<16xf32>
        %parallel_loop3A_664 = arith.constant 3 : i32
        %parallel_loop3A_665 = arith.constant 0 : i32
        %parallel_loop3A_666 = arith.constant 0 : i32
        %parallel_loop3A_667 = arith.constant 0 : i32
        %parallel_loop3A_668 = tpu.memref_slice %arg7[%parallel_loop3A_664, %parallel_loop3A_665, %parallel_loop3A_666, %parallel_loop3A_667] : memref<4x8x8x129xf32, #tpu.memory_space<vmem>> -> memref<1x8x8x129xf32, #tpu.memory_space<vmem>>
        %parallel_loop3A_669 = tpu.memref_squeeze %parallel_loop3A_668 : memref<1x8x8x129xf32, #tpu.memory_space<vmem>> -> memref<8x8x129xf32, #tpu.memory_space<vmem>>
        tpu.vector_store_idx %parallel_loop3A_669[%shift_right_logical3A_17, %and3A_40, %parallel_loop3A_627], %parallel_loop3A_663 : memref<8x8x129xf32, #tpu.memory_space<vmem>>[vector<16xi32>, vector<16xi32>, vector<16xi32>], vector<16xf32>,
        %parallel_loop3A_670 = arith.constant 3 : i32
        %parallel_loop3A_671 = arith.index_cast %parallel_loop3A_670 : i32 to index
        %parallel_loop3A_672 = arith.index_cast %parallel_loop3A_626 : i32 to index
        %parallel_loop3A_673 = arith.constant 48 : index
        %parallel_loop3A_674 = tpu.vector_load %arg6[%parallel_loop3A_671, %parallel_loop3A_672, %parallel_loop3A_673] {strides = array<i32>} : memref<8x128x64xf32, #tpu.memory_space<vmem>>, vector<16xf32>,
        %parallel_loop3A_675 = arith.constant 8.000000e+00 : f32
        %parallel_loop3A_676 = vector.broadcast %parallel_loop3A_675 : f32 to vector<16xf32>
        %parallel_loop3A_677 = arith.mulf %parallel_loop3A_674, %parallel_loop3A_676 : vector<16xf32>
        %parallel_loop3A_678 = arith.constant 3 : i32
        %parallel_loop3A_679 = arith.constant 0 : i32
        %parallel_loop3A_680 = arith.constant 0 : i32
        %parallel_loop3A_681 = arith.constant 0 : i32
        %parallel_loop3A_682 = tpu.memref_slice %arg7[%parallel_loop3A_678, %parallel_loop3A_679, %parallel_loop3A_680, %parallel_loop3A_681] : memref<4x8x8x129xf32, #tpu.memory_space<vmem>> -> memref<1x8x8x129xf32, #tpu.memory_space<vmem>>
        %parallel_loop3A_683 = tpu.memref_squeeze %parallel_loop3A_682 : memref<1x8x8x129xf32, #tpu.memory_space<vmem>> -> memref<8x8x129xf32, #tpu.memory_space<vmem>>
        tpu.vector_store_idx %parallel_loop3A_683[%shift_right_logical3A_23, %and3A_46, %parallel_loop3A_627], %parallel_loop3A_677 : memref<8x8x129xf32, #tpu.memory_space<vmem>>[vector<16xi32>, vector<16xi32>, vector<16xi32>], vector<16xf32>,
      } {sc.loop_unroll_factor = 8 : i64, sc.parallel_access}
      %dma_start3A_378 = arith.constant 3 : i32
      %dma_start3A_379 = arith.constant 0 : i32
      %dma_start3A_380 = arith.constant 0 : i32
      %dma_start3A_381 = arith.constant 0 : i32
      %dma_start3A_382 = tpu.memref_slice %arg7[%dma_start3A_378, %dma_start3A_379, %dma_start3A_380, %dma_start3A_381] : memref<4x8x8x129xf32, #tpu.memory_space<vmem>> -> memref<1x8x8x128xf32, #tpu.memory_space<vmem>>
      %dma_start3A_383 = tpu.memref_squeeze %dma_start3A_382 : memref<1x8x8x128xf32, #tpu.memory_space<vmem>> -> memref<8x8x128xf32, #tpu.memory_space<vmem>>
      %dma_start3A_384 = arith.constant 0 : i32
      %dma_start3A_385 = arith.constant 0 : i32
      %dma_start3A_386 = arith.constant 0 : i32
      %dma_start3A_387 = tpu.memref_slice %arg4[%add3A_354, %dma_start3A_384, %add3A, %dma_start3A_385, %dma_start3A_386] : memref<200x8x32x8x128xf32, #tpu.memory_space<hbm>> -> memref<1x8x1x8x128xf32, #tpu.memory_space<hbm>>
      %dma_start3A_388 = tpu.memref_squeeze %dma_start3A_387 : memref<1x8x1x8x128xf32, #tpu.memory_space<hbm>> -> memref<8x8x128xf32, #tpu.memory_space<hbm>>
      %dma_start3A_389 = arith.constant 0 : i32
      %dma_start3A_390 = arith.constant 0 : i32
      %dma_start3A_391 = arith.constant 0 : i32
      %dma_start3A_392 = tpu.memref_slice %arg4[%add3A_354, %dma_start3A_389, %add3A, %dma_start3A_390, %dma_start3A_391] : memref<200x8x32x8x128xf32, #tpu.memory_space<hbm>> -> memref<1x8x1x8x128xf32, #tpu.memory_space<hbm>>
      %dma_start3A_393 = tpu.memref_squeeze %dma_start3A_392 : memref<1x8x1x8x128xf32, #tpu.memory_space<hbm>> -> memref<8x8x128xf32, #tpu.memory_space<hbm>>
      %dma_start3A_394 = arith.constant 0 : i32
      %dma_start3A_395 = arith.constant 0 : i32
      %dma_start3A_396 = arith.constant 0 : i32
      %dma_start3A_397 = tpu.memref_slice %arg7[%dma_start3A_378, %dma_start3A_394, %dma_start3A_395, %dma_start3A_396] : memref<4x8x8x129xf32, #tpu.memory_space<vmem>> -> memref<1x8x8x128xf32, #tpu.memory_space<vmem>>
      %dma_start3A_398 = tpu.memref_squeeze %dma_start3A_397 : memref<1x8x8x128xf32, #tpu.memory_space<vmem>> -> memref<8x8x128xf32, #tpu.memory_space<vmem>>
      tpu.enqueue_dma source(%dma_start3A_398 : memref<8x8x128xf32, #tpu.memory_space<vmem>>) target(%dma_start3A_393 : memref<8x8x128xf32, #tpu.memory_space<hbm>>) target_semaphore(%arg19 : memref<!tpu.dma_semaphore, #tpu.memory_space<semaphore_mem>>)
      %add3A_399 = arith.constant 4 : i32
      %add3A_400 = arith.addi %add3A_354, %add3A_399 : i32
      %lt3A_401 = arith.constant 200 : i32
      %lt3A_402 = arith.cmpi slt, %add3A_400, %lt3A_401 : i32
      %convert_element_type3A_403 = arith.extui %lt3A_402 : i1 to i32
      %cond3A_404 = arith.constant 0 : i32
      %cond3A_405 = arith.cmpi ne, %convert_element_type3A_403, %cond3A_404 : i32
      scf.if %cond3A_405 {
        %dma_start3A_626 = arith.constant 7 : i32
        %dma_start3A_627 = arith.constant 7 : i32
        %dma_start3A_628 = arith.constant 0 : i32
        %dma_start3A_629 = arith.constant 0 : i32
        %dma_start3A_630 = tpu.memref_slice %arg6[%dma_start3A_627, %dma_start3A_628, %dma_start3A_629] : memref<8x128x64xf32, #tpu.memory_space<vmem>> -> memref<1x128x64xf32, #tpu.memory_space<vmem>>
        %dma_start3A_631 = tpu.memref_squeeze %dma_start3A_630 : memref<1x128x64xf32, #tpu.memory_space<vmem>> -> memref<128x64xf32, #tpu.memory_space<vmem>>
        %dma_start3A_632 = arith.constant 0 : i32
        %dma_start3A_633 = tpu.memref_slice %arg5[%scan3A_190, %dma_start3A_626, %dma_start3A_632] : memref<25x8x128xi32, #tpu.memory_space<vmem>> -> memref<1x1x128xi32, #tpu.memory_space<vmem>>
        %dma_start3A_634 = tpu.memref_squeeze %dma_start3A_633 : memref<1x1x128xi32, #tpu.memory_space<vmem>> -> memref<128xi32, #tpu.memory_space<vmem>>
        %dma_start3A_635 = arith.constant 0 : i32
        %dma_start3A_636 = arith.constant 0 : i32
        %dma_start3A_637 = tpu.memref_slice %arg3[%dma_start3A_635, %dma_start3A_636] : memref<1000000x64xf32, #tpu.memory_space<hbm>> -> memref<1000000x64xf32, #tpu.memory_space<hbm>>
        tpu.enqueue_indirect_dma source(%dma_start3A_637 : memref<1000000x64xf32, #tpu.memory_space<hbm>>) target(%dma_start3A_631 : memref<128x64xf32, #tpu.memory_space<vmem>>) offsets(%dma_start3A_634 : memref<128xi32, #tpu.memory_space<vmem>>) semaphore(%arg15 : memref<!tpu.dma_semaphore, #tpu.memory_space<semaphore_mem>>)
      } else {
      }
      %mul3A_406 = arith.constant 8 : i32
      %mul3A_407 = arith.muli %scan3A_190, %mul3A_406 : i32
      %add3A_408 = arith.constant 4 : i32
      %add3A_409 = arith.addi %mul3A_407, %add3A_408 : i32
      %dma_wait3A_410 = arith.constant 4 : i32
      %dma_wait3A_411 = arith.constant 0 : i32
      %dma_wait3A_412 = arith.constant 0 : i32
      %dma_wait3A_413 = tpu.memref_slice %arg6[%dma_wait3A_410, %dma_wait3A_411, %dma_wait3A_412] : memref<8x128x64xf32, #tpu.memory_space<vmem>> -> memref<1x128x64xf32, #tpu.memory_space<vmem>>
      %dma_wait3A_414 = tpu.memref_squeeze %dma_wait3A_413 : memref<1x128x64xf32, #tpu.memory_space<vmem>> -> memref<128x64xf32, #tpu.memory_space<vmem>>
      %dma_wait3A_415 = arith.constant 0 : i32
      %dma_wait3A_416 = arith.constant 0 : i32
      %dma_wait3A_417 = tpu.memref_slice %arg3[%dma_wait3A_415, %dma_wait3A_416] : memref<1000000x64xf32, #tpu.memory_space<hbm>> -> memref<128x64xf32, #tpu.memory_space<hbm>>
      %dma_wait3A_418 = arith.constant 0 : i32
      %dma_wait3A_419 = arith.constant 0 : i32
      %dma_wait3A_420 = tpu.memref_slice %arg6[%dma_wait3A_410, %dma_wait3A_418, %dma_wait3A_419] : memref<8x128x64xf32, #tpu.memory_space<vmem>> -> memref<1x128x64xf32, #tpu.memory_space<vmem>>
      %dma_wait3A_421 = tpu.memref_squeeze %dma_wait3A_420 : memref<1x128x64xf32, #tpu.memory_space<vmem>> -> memref<128x64xf32, #tpu.memory_space<vmem>>
      %dma_wait3A_422 = arith.constant 0 : i32
      %dma_wait3A_423 = arith.constant 0 : i32
      %dma_wait3A_424 = tpu.memref_slice %arg3[%dma_wait3A_422, %dma_wait3A_423] : memref<1000000x64xf32, #tpu.memory_space<hbm>> -> memref<128x64xf32, #tpu.memory_space<hbm>>
      tpu.wait_dma2 semaphore(%arg12 : memref<!tpu.dma_semaphore, #tpu.memory_space<semaphore_mem>>) src(%dma_wait3A_424 : memref<128x64xf32, #tpu.memory_space<hbm>>) dst(%dma_wait3A_421 : memref<128x64xf32, #tpu.memory_space<vmem>>)
      %ge3A_425 = arith.constant 4 : i32
      %ge3A_426 = arith.cmpi sge, %add3A_409, %ge3A_425 : i32
      %convert_element_type3A_427 = arith.extui %ge3A_426 : i1 to i32
      %cond3A_428 = arith.constant 0 : i32
      %cond3A_429 = arith.cmpi ne, %convert_element_type3A_427, %cond3A_428 : i32
      scf.if %cond3A_429 {
        %dma_wait3A_626 = arith.constant 0 : i32
        %dma_wait3A_627 = arith.constant 0 : i32
        %dma_wait3A_628 = arith.constant 0 : i32
        %dma_wait3A_629 = arith.constant 0 : i32
        %dma_wait3A_630 = arith.constant 0 : i32
        %dma_wait3A_631 = tpu.memref_slice %arg7[%dma_wait3A_626, %dma_wait3A_628, %dma_wait3A_629, %dma_wait3A_630] : memref<4x8x8x129xf32, #tpu.memory_space<vmem>> -> memref<1x8x8x128xf32, #tpu.memory_space<vmem>>
        %dma_wait3A_632 = tpu.memref_squeeze %dma_wait3A_631 : memref<1x8x8x128xf32, #tpu.memory_space<vmem>> -> memref<8x8x128xf32, #tpu.memory_space<vmem>>
        %dma_wait3A_633 = arith.constant 0 : i32
        %dma_wait3A_634 = arith.constant 0 : i32
        %dma_wait3A_635 = arith.constant 0 : i32
        %dma_wait3A_636 = tpu.memref_slice %arg4[%dma_wait3A_627, %dma_wait3A_633, %add3A, %dma_wait3A_634, %dma_wait3A_635] : memref<200x8x32x8x128xf32, #tpu.memory_space<hbm>> -> memref<1x8x1x8x128xf32, #tpu.memory_space<hbm>>
        %dma_wait3A_637 = tpu.memref_squeeze %dma_wait3A_636 : memref<1x8x1x8x128xf32, #tpu.memory_space<hbm>> -> memref<8x8x128xf32, #tpu.memory_space<hbm>>
        %dma_wait3A_638 = arith.constant 0 : i32
        %dma_wait3A_639 = arith.constant 0 : i32
        %dma_wait3A_640 = arith.constant 0 : i32
        %dma_wait3A_641 = tpu.memref_slice %arg4[%dma_wait3A_627, %dma_wait3A_638, %add3A, %dma_wait3A_639, %dma_wait3A_640] : memref<200x8x32x8x128xf32, #tpu.memory_space<hbm>> -> memref<1x8x1x8x128xf32, #tpu.memory_space<hbm>>
        %dma_wait3A_642 = tpu.memref_squeeze %dma_wait3A_641 : memref<1x8x1x8x128xf32, #tpu.memory_space<hbm>> -> memref<8x8x128xf32, #tpu.memory_space<hbm>>
        %dma_wait3A_643 = arith.constant 0 : i32
        %dma_wait3A_644 = arith.constant 0 : i32
        %dma_wait3A_645 = arith.constant 0 : i32
        %dma_wait3A_646 = tpu.memref_slice %arg7[%dma_wait3A_626, %dma_wait3A_643, %dma_wait3A_644, %dma_wait3A_645] : memref<4x8x8x129xf32, #tpu.memory_space<vmem>> -> memref<1x8x8x128xf32, #tpu.memory_space<vmem>>
        %dma_wait3A_647 = tpu.memref_squeeze %dma_wait3A_646 : memref<1x8x8x128xf32, #tpu.memory_space<vmem>> -> memref<8x8x128xf32, #tpu.memory_space<vmem>>
        tpu.wait_dma2 semaphore(%arg16 : memref<!tpu.dma_semaphore, #tpu.memory_space<semaphore_mem>>) src(%dma_wait3A_647 : memref<8x8x128xf32, #tpu.memory_space<vmem>>) dst(%dma_wait3A_642 : memref<8x8x128xf32, #tpu.memory_space<hbm>>)
      } else {
      }
      %parallel_loop3A_430 = arith.constant 0 : i32
      %parallel_loop3A_431 = arith.constant 128 : i32
      %parallel_loop3A_432 = arith.constant 1 : i32
      scf.for %parallel_loop3A_626 = %parallel_loop3A_430 to %parallel_loop3A_431 step %parallel_loop3A_432  : i32 {
        %parallel_loop3A_627 = vector.broadcast %parallel_loop3A_626 : i32 to vector<16xi32>
        %parallel_loop3A_628 = arith.constant 4 : i32
        %parallel_loop3A_629 = arith.index_cast %parallel_loop3A_628 : i32 to index
        %parallel_loop3A_630 = arith.index_cast %parallel_loop3A_626 : i32 to index
        %parallel_loop3A_631 = arith.constant 0 : index
        %parallel_loop3A_632 = tpu.vector_load %arg6[%parallel_loop3A_629, %parallel_loop3A_630, %parallel_loop3A_631] {strides = array<i32>} : memref<8x128x64xf32, #tpu.memory_space<vmem>>, vector<16xf32>,
        %parallel_loop3A_633 = arith.constant 8.000000e+00 : f32
        %parallel_loop3A_634 = vector.broadcast %parallel_loop3A_633 : f32 to vector<16xf32>
        %parallel_loop3A_635 = arith.mulf %parallel_loop3A_632, %parallel_loop3A_634 : vector<16xf32>
        %parallel_loop3A_636 = arith.constant 0 : i32
        %parallel_loop3A_637 = arith.constant 0 : i32
        %parallel_loop3A_638 = arith.constant 0 : i32
        %parallel_loop3A_639 = arith.constant 0 : i32
        %parallel_loop3A_640 = tpu.memref_slice %arg7[%parallel_loop3A_636, %parallel_loop3A_637, %parallel_loop3A_638, %parallel_loop3A_639] : memref<4x8x8x129xf32, #tpu.memory_space<vmem>> -> memref<1x8x8x129xf32, #tpu.memory_space<vmem>>
        %parallel_loop3A_641 = tpu.memref_squeeze %parallel_loop3A_640 : memref<1x8x8x129xf32, #tpu.memory_space<vmem>> -> memref<8x8x129xf32, #tpu.memory_space<vmem>>
        tpu.vector_store_idx %parallel_loop3A_641[%shift_right_logical3A_5, %and3A_28, %parallel_loop3A_627], %parallel_loop3A_635 : memref<8x8x129xf32, #tpu.memory_space<vmem>>[vector<16xi32>, vector<16xi32>, vector<16xi32>], vector<16xf32>,
        %parallel_loop3A_642 = arith.constant 4 : i32
        %parallel_loop3A_643 = arith.index_cast %parallel_loop3A_642 : i32 to index
        %parallel_loop3A_644 = arith.index_cast %parallel_loop3A_626 : i32 to index
        %parallel_loop3A_645 = arith.constant 16 : index
        %parallel_loop3A_646 = tpu.vector_load %arg6[%parallel_loop3A_643, %parallel_loop3A_644, %parallel_loop3A_645] {strides = array<i32>} : memref<8x128x64xf32, #tpu.memory_space<vmem>>, vector<16xf32>,
        %parallel_loop3A_647 = arith.constant 8.000000e+00 : f32
        %parallel_loop3A_648 = vector.broadcast %parallel_loop3A_647 : f32 to vector<16xf32>
        %parallel_loop3A_649 = arith.mulf %parallel_loop3A_646, %parallel_loop3A_648 : vector<16xf32>
        %parallel_loop3A_650 = arith.constant 0 : i32
        %parallel_loop3A_651 = arith.constant 0 : i32
        %parallel_loop3A_652 = arith.constant 0 : i32
        %parallel_loop3A_653 = arith.constant 0 : i32
        %parallel_loop3A_654 = tpu.memref_slice %arg7[%parallel_loop3A_650, %parallel_loop3A_651, %parallel_loop3A_652, %parallel_loop3A_653] : memref<4x8x8x129xf32, #tpu.memory_space<vmem>> -> memref<1x8x8x129xf32, #tpu.memory_space<vmem>>
        %parallel_loop3A_655 = tpu.memref_squeeze %parallel_loop3A_654 : memref<1x8x8x129xf32, #tpu.memory_space<vmem>> -> memref<8x8x129xf32, #tpu.memory_space<vmem>>
        tpu.vector_store_idx %parallel_loop3A_655[%shift_right_logical3A_11, %and3A_34, %parallel_loop3A_627], %parallel_loop3A_649 : memref<8x8x129xf32, #tpu.memory_space<vmem>>[vector<16xi32>, vector<16xi32>, vector<16xi32>], vector<16xf32>,
        %parallel_loop3A_656 = arith.constant 4 : i32
        %parallel_loop3A_657 = arith.index_cast %parallel_loop3A_656 : i32 to index
        %parallel_loop3A_658 = arith.index_cast %parallel_loop3A_626 : i32 to index
        %parallel_loop3A_659 = arith.constant 32 : index
        %parallel_loop3A_660 = tpu.vector_load %arg6[%parallel_loop3A_657, %parallel_loop3A_658, %parallel_loop3A_659] {strides = array<i32>} : memref<8x128x64xf32, #tpu.memory_space<vmem>>, vector<16xf32>,
        %parallel_loop3A_661 = arith.constant 8.000000e+00 : f32
        %parallel_loop3A_662 = vector.broadcast %parallel_loop3A_661 : f32 to vector<16xf32>
        %parallel_loop3A_663 = arith.mulf %parallel_loop3A_660, %parallel_loop3A_662 : vector<16xf32>
        %parallel_loop3A_664 = arith.constant 0 : i32
        %parallel_loop3A_665 = arith.constant 0 : i32
        %parallel_loop3A_666 = arith.constant 0 : i32
        %parallel_loop3A_667 = arith.constant 0 : i32
        %parallel_loop3A_668 = tpu.memref_slice %arg7[%parallel_loop3A_664, %parallel_loop3A_665, %parallel_loop3A_666, %parallel_loop3A_667] : memref<4x8x8x129xf32, #tpu.memory_space<vmem>> -> memref<1x8x8x129xf32, #tpu.memory_space<vmem>>
        %parallel_loop3A_669 = tpu.memref_squeeze %parallel_loop3A_668 : memref<1x8x8x129xf32, #tpu.memory_space<vmem>> -> memref<8x8x129xf32, #tpu.memory_space<vmem>>
        tpu.vector_store_idx %parallel_loop3A_669[%shift_right_logical3A_17, %and3A_40, %parallel_loop3A_627], %parallel_loop3A_663 : memref<8x8x129xf32, #tpu.memory_space<vmem>>[vector<16xi32>, vector<16xi32>, vector<16xi32>], vector<16xf32>,
        %parallel_loop3A_670 = arith.constant 4 : i32
        %parallel_loop3A_671 = arith.index_cast %parallel_loop3A_670 : i32 to index
        %parallel_loop3A_672 = arith.index_cast %parallel_loop3A_626 : i32 to index
        %parallel_loop3A_673 = arith.constant 48 : index
        %parallel_loop3A_674 = tpu.vector_load %arg6[%parallel_loop3A_671, %parallel_loop3A_672, %parallel_loop3A_673] {strides = array<i32>} : memref<8x128x64xf32, #tpu.memory_space<vmem>>, vector<16xf32>,
        %parallel_loop3A_675 = arith.constant 8.000000e+00 : f32
        %parallel_loop3A_676 = vector.broadcast %parallel_loop3A_675 : f32 to vector<16xf32>
        %parallel_loop3A_677 = arith.mulf %parallel_loop3A_674, %parallel_loop3A_676 : vector<16xf32>
        %parallel_loop3A_678 = arith.constant 0 : i32
        %parallel_loop3A_679 = arith.constant 0 : i32
        %parallel_loop3A_680 = arith.constant 0 : i32
        %parallel_loop3A_681 = arith.constant 0 : i32
        %parallel_loop3A_682 = tpu.memref_slice %arg7[%parallel_loop3A_678, %parallel_loop3A_679, %parallel_loop3A_680, %parallel_loop3A_681] : memref<4x8x8x129xf32, #tpu.memory_space<vmem>> -> memref<1x8x8x129xf32, #tpu.memory_space<vmem>>
        %parallel_loop3A_683 = tpu.memref_squeeze %parallel_loop3A_682 : memref<1x8x8x129xf32, #tpu.memory_space<vmem>> -> memref<8x8x129xf32, #tpu.memory_space<vmem>>
        tpu.vector_store_idx %parallel_loop3A_683[%shift_right_logical3A_23, %and3A_46, %parallel_loop3A_627], %parallel_loop3A_677 : memref<8x8x129xf32, #tpu.memory_space<vmem>>[vector<16xi32>, vector<16xi32>, vector<16xi32>], vector<16xf32>,
      } {sc.loop_unroll_factor = 8 : i64, sc.parallel_access}
      %dma_start3A_433 = arith.constant 0 : i32
      %dma_start3A_434 = arith.constant 0 : i32
      %dma_start3A_435 = arith.constant 0 : i32
      %dma_start3A_436 = arith.constant 0 : i32
      %dma_start3A_437 = tpu.memref_slice %arg7[%dma_start3A_433, %dma_start3A_434, %dma_start3A_435, %dma_start3A_436] : memref<4x8x8x129xf32, #tpu.memory_space<vmem>> -> memref<1x8x8x128xf32, #tpu.memory_space<vmem>>
      %dma_start3A_438 = tpu.memref_squeeze %dma_start3A_437 : memref<1x8x8x128xf32, #tpu.memory_space<vmem>> -> memref<8x8x128xf32, #tpu.memory_space<vmem>>
      %dma_start3A_439 = arith.constant 0 : i32
      %dma_start3A_440 = arith.constant 0 : i32
      %dma_start3A_441 = arith.constant 0 : i32
      %dma_start3A_442 = tpu.memref_slice %arg4[%add3A_409, %dma_start3A_439, %add3A, %dma_start3A_440, %dma_start3A_441] : memref<200x8x32x8x128xf32, #tpu.memory_space<hbm>> -> memref<1x8x1x8x128xf32, #tpu.memory_space<hbm>>
      %dma_start3A_443 = tpu.memref_squeeze %dma_start3A_442 : memref<1x8x1x8x128xf32, #tpu.memory_space<hbm>> -> memref<8x8x128xf32, #tpu.memory_space<hbm>>
      %dma_start3A_444 = arith.constant 0 : i32
      %dma_start3A_445 = arith.constant 0 : i32
      %dma_start3A_446 = arith.constant 0 : i32
      %dma_start3A_447 = tpu.memref_slice %arg4[%add3A_409, %dma_start3A_444, %add3A, %dma_start3A_445, %dma_start3A_446] : memref<200x8x32x8x128xf32, #tpu.memory_space<hbm>> -> memref<1x8x1x8x128xf32, #tpu.memory_space<hbm>>
      %dma_start3A_448 = tpu.memref_squeeze %dma_start3A_447 : memref<1x8x1x8x128xf32, #tpu.memory_space<hbm>> -> memref<8x8x128xf32, #tpu.memory_space<hbm>>
      %dma_start3A_449 = arith.constant 0 : i32
      %dma_start3A_450 = arith.constant 0 : i32
      %dma_start3A_451 = arith.constant 0 : i32
      %dma_start3A_452 = tpu.memref_slice %arg7[%dma_start3A_433, %dma_start3A_449, %dma_start3A_450, %dma_start3A_451] : memref<4x8x8x129xf32, #tpu.memory_space<vmem>> -> memref<1x8x8x128xf32, #tpu.memory_space<vmem>>
      %dma_start3A_453 = tpu.memref_squeeze %dma_start3A_452 : memref<1x8x8x128xf32, #tpu.memory_space<vmem>> -> memref<8x8x128xf32, #tpu.memory_space<vmem>>
      tpu.enqueue_dma source(%dma_start3A_453 : memref<8x8x128xf32, #tpu.memory_space<vmem>>) target(%dma_start3A_448 : memref<8x8x128xf32, #tpu.memory_space<hbm>>) target_semaphore(%arg16 : memref<!tpu.dma_semaphore, #tpu.memory_space<semaphore_mem>>)
      %add3A_454 = arith.constant 4 : i32
      %add3A_455 = arith.addi %add3A_409, %add3A_454 : i32
      %lt3A_456 = arith.constant 200 : i32
      %lt3A_457 = arith.cmpi slt, %add3A_455, %lt3A_456 : i32
      %convert_element_type3A_458 = arith.extui %lt3A_457 : i1 to i32
      %cond3A_459 = arith.constant 0 : i32
      %cond3A_460 = arith.cmpi ne, %convert_element_type3A_458, %cond3A_459 : i32
      scf.if %cond3A_460 {
        %add3A_626 = arith.constant 1 : i32
        %add3A_627 = arith.addi %scan3A_190, %add3A_626 : i32
        %dma_start3A_628 = arith.constant 0 : i32
        %dma_start3A_629 = arith.constant 0 : i32
        %dma_start3A_630 = arith.constant 0 : i32
        %dma_start3A_631 = arith.constant 0 : i32
        %dma_start3A_632 = tpu.memref_slice %arg6[%dma_start3A_629, %dma_start3A_630, %dma_start3A_631] : memref<8x128x64xf32, #tpu.memory_space<vmem>> -> memref<1x128x64xf32, #tpu.memory_space<vmem>>
        %dma_start3A_633 = tpu.memref_squeeze %dma_start3A_632 : memref<1x128x64xf32, #tpu.memory_space<vmem>> -> memref<128x64xf32, #tpu.memory_space<vmem>>
        %dma_start3A_634 = arith.constant 0 : i32
        %dma_start3A_635 = tpu.memref_slice %arg5[%add3A_627, %dma_start3A_628, %dma_start3A_634] : memref<25x8x128xi32, #tpu.memory_space<vmem>> -> memref<1x1x128xi32, #tpu.memory_space<vmem>>
        %dma_start3A_636 = tpu.memref_squeeze %dma_start3A_635 : memref<1x1x128xi32, #tpu.memory_space<vmem>> -> memref<128xi32, #tpu.memory_space<vmem>>
        %dma_start3A_637 = arith.constant 0 : i32
        %dma_start3A_638 = arith.constant 0 : i32
        %dma_start3A_639 = tpu.memref_slice %arg3[%dma_start3A_637, %dma_start3A_638] : memref<1000000x64xf32, #tpu.memory_space<hbm>> -> memref<1000000x64xf32, #tpu.memory_space<hbm>>
        tpu.enqueue_indirect_dma source(%dma_start3A_639 : memref<1000000x64xf32, #tpu.memory_space<hbm>>) target(%dma_start3A_633 : memref<128x64xf32, #tpu.memory_space<vmem>>) offsets(%dma_start3A_636 : memref<128xi32, #tpu.memory_space<vmem>>) semaphore(%arg8 : memref<!tpu.dma_semaphore, #tpu.memory_space<semaphore_mem>>)
      } else {
      }
      %mul3A_461 = arith.constant 8 : i32
      %mul3A_462 = arith.muli %scan3A_190, %mul3A_461 : i32
      %add3A_463 = arith.constant 5 : i32
      %add3A_464 = arith.addi %mul3A_462, %add3A_463 : i32
      %dma_wait3A_465 = arith.constant 5 : i32
      %dma_wait3A_466 = arith.constant 0 : i32
      %dma_wait3A_467 = arith.constant 0 : i32
      %dma_wait3A_468 = tpu.memref_slice %arg6[%dma_wait3A_465, %dma_wait3A_466, %dma_wait3A_467] : memref<8x128x64xf32, #tpu.memory_space<vmem>> -> memref<1x128x64xf32, #tpu.memory_space<vmem>>
      %dma_wait3A_469 = tpu.memref_squeeze %dma_wait3A_468 : memref<1x128x64xf32, #tpu.memory_space<vmem>> -> memref<128x64xf32, #tpu.memory_space<vmem>>
      %dma_wait3A_470 = arith.constant 0 : i32
      %dma_wait3A_471 = arith.constant 0 : i32
      %dma_wait3A_472 = tpu.memref_slice %arg3[%dma_wait3A_470, %dma_wait3A_471] : memref<1000000x64xf32, #tpu.memory_space<hbm>> -> memref<128x64xf32, #tpu.memory_space<hbm>>
      %dma_wait3A_473 = arith.constant 0 : i32
      %dma_wait3A_474 = arith.constant 0 : i32
      %dma_wait3A_475 = tpu.memref_slice %arg6[%dma_wait3A_465, %dma_wait3A_473, %dma_wait3A_474] : memref<8x128x64xf32, #tpu.memory_space<vmem>> -> memref<1x128x64xf32, #tpu.memory_space<vmem>>
      %dma_wait3A_476 = tpu.memref_squeeze %dma_wait3A_475 : memref<1x128x64xf32, #tpu.memory_space<vmem>> -> memref<128x64xf32, #tpu.memory_space<vmem>>
      %dma_wait3A_477 = arith.constant 0 : i32
      %dma_wait3A_478 = arith.constant 0 : i32
      %dma_wait3A_479 = tpu.memref_slice %arg3[%dma_wait3A_477, %dma_wait3A_478] : memref<1000000x64xf32, #tpu.memory_space<hbm>> -> memref<128x64xf32, #tpu.memory_space<hbm>>
      tpu.wait_dma2 semaphore(%arg13 : memref<!tpu.dma_semaphore, #tpu.memory_space<semaphore_mem>>) src(%dma_wait3A_479 : memref<128x64xf32, #tpu.memory_space<hbm>>) dst(%dma_wait3A_476 : memref<128x64xf32, #tpu.memory_space<vmem>>)
      %ge3A_480 = arith.constant 4 : i32
      %ge3A_481 = arith.cmpi sge, %add3A_464, %ge3A_480 : i32
      %convert_element_type3A_482 = arith.extui %ge3A_481 : i1 to i32
      %cond3A_483 = arith.constant 0 : i32
      %cond3A_484 = arith.cmpi ne, %convert_element_type3A_482, %cond3A_483 : i32
      scf.if %cond3A_484 {
        %dma_wait3A_626 = arith.constant 1 : i32
        %dma_wait3A_627 = arith.constant 0 : i32
        %dma_wait3A_628 = arith.constant 0 : i32
        %dma_wait3A_629 = arith.constant 0 : i32
        %dma_wait3A_630 = arith.constant 0 : i32
        %dma_wait3A_631 = tpu.memref_slice %arg7[%dma_wait3A_626, %dma_wait3A_628, %dma_wait3A_629, %dma_wait3A_630] : memref<4x8x8x129xf32, #tpu.memory_space<vmem>> -> memref<1x8x8x128xf32, #tpu.memory_space<vmem>>
        %dma_wait3A_632 = tpu.memref_squeeze %dma_wait3A_631 : memref<1x8x8x128xf32, #tpu.memory_space<vmem>> -> memref<8x8x128xf32, #tpu.memory_space<vmem>>
        %dma_wait3A_633 = arith.constant 0 : i32
        %dma_wait3A_634 = arith.constant 0 : i32
        %dma_wait3A_635 = arith.constant 0 : i32
        %dma_wait3A_636 = tpu.memref_slice %arg4[%dma_wait3A_627, %dma_wait3A_633, %add3A, %dma_wait3A_634, %dma_wait3A_635] : memref<200x8x32x8x128xf32, #tpu.memory_space<hbm>> -> memref<1x8x1x8x128xf32, #tpu.memory_space<hbm>>
        %dma_wait3A_637 = tpu.memref_squeeze %dma_wait3A_636 : memref<1x8x1x8x128xf32, #tpu.memory_space<hbm>> -> memref<8x8x128xf32, #tpu.memory_space<hbm>>
        %dma_wait3A_638 = arith.constant 0 : i32
        %dma_wait3A_639 = arith.constant 0 : i32
        %dma_wait3A_640 = arith.constant 0 : i32
        %dma_wait3A_641 = tpu.memref_slice %arg4[%dma_wait3A_627, %dma_wait3A_638, %add3A, %dma_wait3A_639, %dma_wait3A_640] : memref<200x8x32x8x128xf32, #tpu.memory_space<hbm>> -> memref<1x8x1x8x128xf32, #tpu.memory_space<hbm>>
        %dma_wait3A_642 = tpu.memref_squeeze %dma_wait3A_641 : memref<1x8x1x8x128xf32, #tpu.memory_space<hbm>> -> memref<8x8x128xf32, #tpu.memory_space<hbm>>
        %dma_wait3A_643 = arith.constant 0 : i32
        %dma_wait3A_644 = arith.constant 0 : i32
        %dma_wait3A_645 = arith.constant 0 : i32
        %dma_wait3A_646 = tpu.memref_slice %arg7[%dma_wait3A_626, %dma_wait3A_643, %dma_wait3A_644, %dma_wait3A_645] : memref<4x8x8x129xf32, #tpu.memory_space<vmem>> -> memref<1x8x8x128xf32, #tpu.memory_space<vmem>>
        %dma_wait3A_647 = tpu.memref_squeeze %dma_wait3A_646 : memref<1x8x8x128xf32, #tpu.memory_space<vmem>> -> memref<8x8x128xf32, #tpu.memory_space<vmem>>
        tpu.wait_dma2 semaphore(%arg17 : memref<!tpu.dma_semaphore, #tpu.memory_space<semaphore_mem>>) src(%dma_wait3A_647 : memref<8x8x128xf32, #tpu.memory_space<vmem>>) dst(%dma_wait3A_642 : memref<8x8x128xf32, #tpu.memory_space<hbm>>)
      } else {
      }
      %parallel_loop3A_485 = arith.constant 0 : i32
      %parallel_loop3A_486 = arith.constant 128 : i32
      %parallel_loop3A_487 = arith.constant 1 : i32
      scf.for %parallel_loop3A_626 = %parallel_loop3A_485 to %parallel_loop3A_486 step %parallel_loop3A_487  : i32 {
        %parallel_loop3A_627 = vector.broadcast %parallel_loop3A_626 : i32 to vector<16xi32>
        %parallel_loop3A_628 = arith.constant 5 : i32
        %parallel_loop3A_629 = arith.index_cast %parallel_loop3A_628 : i32 to index
        %parallel_loop3A_630 = arith.index_cast %parallel_loop3A_626 : i32 to index
        %parallel_loop3A_631 = arith.constant 0 : index
        %parallel_loop3A_632 = tpu.vector_load %arg6[%parallel_loop3A_629, %parallel_loop3A_630, %parallel_loop3A_631] {strides = array<i32>} : memref<8x128x64xf32, #tpu.memory_space<vmem>>, vector<16xf32>,
        %parallel_loop3A_633 = arith.constant 8.000000e+00 : f32
        %parallel_loop3A_634 = vector.broadcast %parallel_loop3A_633 : f32 to vector<16xf32>
        %parallel_loop3A_635 = arith.mulf %parallel_loop3A_632, %parallel_loop3A_634 : vector<16xf32>
        %parallel_loop3A_636 = arith.constant 1 : i32
        %parallel_loop3A_637 = arith.constant 0 : i32
        %parallel_loop3A_638 = arith.constant 0 : i32
        %parallel_loop3A_639 = arith.constant 0 : i32
        %parallel_loop3A_640 = tpu.memref_slice %arg7[%parallel_loop3A_636, %parallel_loop3A_637, %parallel_loop3A_638, %parallel_loop3A_639] : memref<4x8x8x129xf32, #tpu.memory_space<vmem>> -> memref<1x8x8x129xf32, #tpu.memory_space<vmem>>
        %parallel_loop3A_641 = tpu.memref_squeeze %parallel_loop3A_640 : memref<1x8x8x129xf32, #tpu.memory_space<vmem>> -> memref<8x8x129xf32, #tpu.memory_space<vmem>>
        tpu.vector_store_idx %parallel_loop3A_641[%shift_right_logical3A_5, %and3A_28, %parallel_loop3A_627], %parallel_loop3A_635 : memref<8x8x129xf32, #tpu.memory_space<vmem>>[vector<16xi32>, vector<16xi32>, vector<16xi32>], vector<16xf32>,
        %parallel_loop3A_642 = arith.constant 5 : i32
        %parallel_loop3A_643 = arith.index_cast %parallel_loop3A_642 : i32 to index
        %parallel_loop3A_644 = arith.index_cast %parallel_loop3A_626 : i32 to index
        %parallel_loop3A_645 = arith.constant 16 : index
        %parallel_loop3A_646 = tpu.vector_load %arg6[%parallel_loop3A_643, %parallel_loop3A_644, %parallel_loop3A_645] {strides = array<i32>} : memref<8x128x64xf32, #tpu.memory_space<vmem>>, vector<16xf32>,
        %parallel_loop3A_647 = arith.constant 8.000000e+00 : f32
        %parallel_loop3A_648 = vector.broadcast %parallel_loop3A_647 : f32 to vector<16xf32>
        %parallel_loop3A_649 = arith.mulf %parallel_loop3A_646, %parallel_loop3A_648 : vector<16xf32>
        %parallel_loop3A_650 = arith.constant 1 : i32
        %parallel_loop3A_651 = arith.constant 0 : i32
        %parallel_loop3A_652 = arith.constant 0 : i32
        %parallel_loop3A_653 = arith.constant 0 : i32
        %parallel_loop3A_654 = tpu.memref_slice %arg7[%parallel_loop3A_650, %parallel_loop3A_651, %parallel_loop3A_652, %parallel_loop3A_653] : memref<4x8x8x129xf32, #tpu.memory_space<vmem>> -> memref<1x8x8x129xf32, #tpu.memory_space<vmem>>
        %parallel_loop3A_655 = tpu.memref_squeeze %parallel_loop3A_654 : memref<1x8x8x129xf32, #tpu.memory_space<vmem>> -> memref<8x8x129xf32, #tpu.memory_space<vmem>>
        tpu.vector_store_idx %parallel_loop3A_655[%shift_right_logical3A_11, %and3A_34, %parallel_loop3A_627], %parallel_loop3A_649 : memref<8x8x129xf32, #tpu.memory_space<vmem>>[vector<16xi32>, vector<16xi32>, vector<16xi32>], vector<16xf32>,
        %parallel_loop3A_656 = arith.constant 5 : i32
        %parallel_loop3A_657 = arith.index_cast %parallel_loop3A_656 : i32 to index
        %parallel_loop3A_658 = arith.index_cast %parallel_loop3A_626 : i32 to index
        %parallel_loop3A_659 = arith.constant 32 : index
        %parallel_loop3A_660 = tpu.vector_load %arg6[%parallel_loop3A_657, %parallel_loop3A_658, %parallel_loop3A_659] {strides = array<i32>} : memref<8x128x64xf32, #tpu.memory_space<vmem>>, vector<16xf32>,
        %parallel_loop3A_661 = arith.constant 8.000000e+00 : f32
        %parallel_loop3A_662 = vector.broadcast %parallel_loop3A_661 : f32 to vector<16xf32>
        %parallel_loop3A_663 = arith.mulf %parallel_loop3A_660, %parallel_loop3A_662 : vector<16xf32>
        %parallel_loop3A_664 = arith.constant 1 : i32
        %parallel_loop3A_665 = arith.constant 0 : i32
        %parallel_loop3A_666 = arith.constant 0 : i32
        %parallel_loop3A_667 = arith.constant 0 : i32
        %parallel_loop3A_668 = tpu.memref_slice %arg7[%parallel_loop3A_664, %parallel_loop3A_665, %parallel_loop3A_666, %parallel_loop3A_667] : memref<4x8x8x129xf32, #tpu.memory_space<vmem>> -> memref<1x8x8x129xf32, #tpu.memory_space<vmem>>
        %parallel_loop3A_669 = tpu.memref_squeeze %parallel_loop3A_668 : memref<1x8x8x129xf32, #tpu.memory_space<vmem>> -> memref<8x8x129xf32, #tpu.memory_space<vmem>>
        tpu.vector_store_idx %parallel_loop3A_669[%shift_right_logical3A_17, %and3A_40, %parallel_loop3A_627], %parallel_loop3A_663 : memref<8x8x129xf32, #tpu.memory_space<vmem>>[vector<16xi32>, vector<16xi32>, vector<16xi32>], vector<16xf32>,
        %parallel_loop3A_670 = arith.constant 5 : i32
        %parallel_loop3A_671 = arith.index_cast %parallel_loop3A_670 : i32 to index
        %parallel_loop3A_672 = arith.index_cast %parallel_loop3A_626 : i32 to index
        %parallel_loop3A_673 = arith.constant 48 : index
        %parallel_loop3A_674 = tpu.vector_load %arg6[%parallel_loop3A_671, %parallel_loop3A_672, %parallel_loop3A_673] {strides = array<i32>} : memref<8x128x64xf32, #tpu.memory_space<vmem>>, vector<16xf32>,
        %parallel_loop3A_675 = arith.constant 8.000000e+00 : f32
        %parallel_loop3A_676 = vector.broadcast %parallel_loop3A_675 : f32 to vector<16xf32>
        %parallel_loop3A_677 = arith.mulf %parallel_loop3A_674, %parallel_loop3A_676 : vector<16xf32>
        %parallel_loop3A_678 = arith.constant 1 : i32
        %parallel_loop3A_679 = arith.constant 0 : i32
        %parallel_loop3A_680 = arith.constant 0 : i32
        %parallel_loop3A_681 = arith.constant 0 : i32
        %parallel_loop3A_682 = tpu.memref_slice %arg7[%parallel_loop3A_678, %parallel_loop3A_679, %parallel_loop3A_680, %parallel_loop3A_681] : memref<4x8x8x129xf32, #tpu.memory_space<vmem>> -> memref<1x8x8x129xf32, #tpu.memory_space<vmem>>
        %parallel_loop3A_683 = tpu.memref_squeeze %parallel_loop3A_682 : memref<1x8x8x129xf32, #tpu.memory_space<vmem>> -> memref<8x8x129xf32, #tpu.memory_space<vmem>>
        tpu.vector_store_idx %parallel_loop3A_683[%shift_right_logical3A_23, %and3A_46, %parallel_loop3A_627], %parallel_loop3A_677 : memref<8x8x129xf32, #tpu.memory_space<vmem>>[vector<16xi32>, vector<16xi32>, vector<16xi32>], vector<16xf32>,
      } {sc.loop_unroll_factor = 8 : i64, sc.parallel_access}
      %dma_start3A_488 = arith.constant 1 : i32
      %dma_start3A_489 = arith.constant 0 : i32
      %dma_start3A_490 = arith.constant 0 : i32
      %dma_start3A_491 = arith.constant 0 : i32
      %dma_start3A_492 = tpu.memref_slice %arg7[%dma_start3A_488, %dma_start3A_489, %dma_start3A_490, %dma_start3A_491] : memref<4x8x8x129xf32, #tpu.memory_space<vmem>> -> memref<1x8x8x128xf32, #tpu.memory_space<vmem>>
      %dma_start3A_493 = tpu.memref_squeeze %dma_start3A_492 : memref<1x8x8x128xf32, #tpu.memory_space<vmem>> -> memref<8x8x128xf32, #tpu.memory_space<vmem>>
      %dma_start3A_494 = arith.constant 0 : i32
      %dma_start3A_495 = arith.constant 0 : i32
      %dma_start3A_496 = arith.constant 0 : i32
      %dma_start3A_497 = tpu.memref_slice %arg4[%add3A_464, %dma_start3A_494, %add3A, %dma_start3A_495, %dma_start3A_496] : memref<200x8x32x8x128xf32, #tpu.memory_space<hbm>> -> memref<1x8x1x8x128xf32, #tpu.memory_space<hbm>>
      %dma_start3A_498 = tpu.memref_squeeze %dma_start3A_497 : memref<1x8x1x8x128xf32, #tpu.memory_space<hbm>> -> memref<8x8x128xf32, #tpu.memory_space<hbm>>
      %dma_start3A_499 = arith.constant 0 : i32
      %dma_start3A_500 = arith.constant 0 : i32
      %dma_start3A_501 = arith.constant 0 : i32
      %dma_start3A_502 = tpu.memref_slice %arg4[%add3A_464, %dma_start3A_499, %add3A, %dma_start3A_500, %dma_start3A_501] : memref<200x8x32x8x128xf32, #tpu.memory_space<hbm>> -> memref<1x8x1x8x128xf32, #tpu.memory_space<hbm>>
      %dma_start3A_503 = tpu.memref_squeeze %dma_start3A_502 : memref<1x8x1x8x128xf32, #tpu.memory_space<hbm>> -> memref<8x8x128xf32, #tpu.memory_space<hbm>>
      %dma_start3A_504 = arith.constant 0 : i32
      %dma_start3A_505 = arith.constant 0 : i32
      %dma_start3A_506 = arith.constant 0 : i32
      %dma_start3A_507 = tpu.memref_slice %arg7[%dma_start3A_488, %dma_start3A_504, %dma_start3A_505, %dma_start3A_506] : memref<4x8x8x129xf32, #tpu.memory_space<vmem>> -> memref<1x8x8x128xf32, #tpu.memory_space<vmem>>
      %dma_start3A_508 = tpu.memref_squeeze %dma_start3A_507 : memref<1x8x8x128xf32, #tpu.memory_space<vmem>> -> memref<8x8x128xf32, #tpu.memory_space<vmem>>
      tpu.enqueue_dma source(%dma_start3A_508 : memref<8x8x128xf32, #tpu.memory_space<vmem>>) target(%dma_start3A_503 : memref<8x8x128xf32, #tpu.memory_space<hbm>>) target_semaphore(%arg17 : memref<!tpu.dma_semaphore, #tpu.memory_space<semaphore_mem>>)
      %add3A_509 = arith.constant 4 : i32
      %add3A_510 = arith.addi %add3A_464, %add3A_509 : i32
      %lt3A_511 = arith.constant 200 : i32
      %lt3A_512 = arith.cmpi slt, %add3A_510, %lt3A_511 : i32
      %convert_element_type3A_513 = arith.extui %lt3A_512 : i1 to i32
      %cond3A_514 = arith.constant 0 : i32
      %cond3A_515 = arith.cmpi ne, %convert_element_type3A_513, %cond3A_514 : i32
      scf.if %cond3A_515 {
        %add3A_626 = arith.constant 1 : i32
        %add3A_627 = arith.addi %scan3A_190, %add3A_626 : i32
        %dma_start3A_628 = arith.constant 1 : i32
        %dma_start3A_629 = arith.constant 1 : i32
        %dma_start3A_630 = arith.constant 0 : i32
        %dma_start3A_631 = arith.constant 0 : i32
        %dma_start3A_632 = tpu.memref_slice %arg6[%dma_start3A_629, %dma_start3A_630, %dma_start3A_631] : memref<8x128x64xf32, #tpu.memory_space<vmem>> -> memref<1x128x64xf32, #tpu.memory_space<vmem>>
        %dma_start3A_633 = tpu.memref_squeeze %dma_start3A_632 : memref<1x128x64xf32, #tpu.memory_space<vmem>> -> memref<128x64xf32, #tpu.memory_space<vmem>>
        %dma_start3A_634 = arith.constant 0 : i32
        %dma_start3A_635 = tpu.memref_slice %arg5[%add3A_627, %dma_start3A_628, %dma_start3A_634] : memref<25x8x128xi32, #tpu.memory_space<vmem>> -> memref<1x1x128xi32, #tpu.memory_space<vmem>>
        %dma_start3A_636 = tpu.memref_squeeze %dma_start3A_635 : memref<1x1x128xi32, #tpu.memory_space<vmem>> -> memref<128xi32, #tpu.memory_space<vmem>>
        %dma_start3A_637 = arith.constant 0 : i32
        %dma_start3A_638 = arith.constant 0 : i32
        %dma_start3A_639 = tpu.memref_slice %arg3[%dma_start3A_637, %dma_start3A_638] : memref<1000000x64xf32, #tpu.memory_space<hbm>> -> memref<1000000x64xf32, #tpu.memory_space<hbm>>
        tpu.enqueue_indirect_dma source(%dma_start3A_639 : memref<1000000x64xf32, #tpu.memory_space<hbm>>) target(%dma_start3A_633 : memref<128x64xf32, #tpu.memory_space<vmem>>) offsets(%dma_start3A_636 : memref<128xi32, #tpu.memory_space<vmem>>) semaphore(%arg9 : memref<!tpu.dma_semaphore, #tpu.memory_space<semaphore_mem>>)
      } else {
      }
      %mul3A_516 = arith.constant 8 : i32
      %mul3A_517 = arith.muli %scan3A_190, %mul3A_516 : i32
      %add3A_518 = arith.constant 6 : i32
      %add3A_519 = arith.addi %mul3A_517, %add3A_518 : i32
      %dma_wait3A_520 = arith.constant 6 : i32
      %dma_wait3A_521 = arith.constant 0 : i32
      %dma_wait3A_522 = arith.constant 0 : i32
      %dma_wait3A_523 = tpu.memref_slice %arg6[%dma_wait3A_520, %dma_wait3A_521, %dma_wait3A_522] : memref<8x128x64xf32, #tpu.memory_space<vmem>> -> memref<1x128x64xf32, #tpu.memory_space<vmem>>
      %dma_wait3A_524 = tpu.memref_squeeze %dma_wait3A_523 : memref<1x128x64xf32, #tpu.memory_space<vmem>> -> memref<128x64xf32, #tpu.memory_space<vmem>>
      %dma_wait3A_525 = arith.constant 0 : i32
      %dma_wait3A_526 = arith.constant 0 : i32
      %dma_wait3A_527 = tpu.memref_slice %arg3[%dma_wait3A_525, %dma_wait3A_526] : memref<1000000x64xf32, #tpu.memory_space<hbm>> -> memref<128x64xf32, #tpu.memory_space<hbm>>
      %dma_wait3A_528 = arith.constant 0 : i32
      %dma_wait3A_529 = arith.constant 0 : i32
      %dma_wait3A_530 = tpu.memref_slice %arg6[%dma_wait3A_520, %dma_wait3A_528, %dma_wait3A_529] : memref<8x128x64xf32, #tpu.memory_space<vmem>> -> memref<1x128x64xf32, #tpu.memory_space<vmem>>
      %dma_wait3A_531 = tpu.memref_squeeze %dma_wait3A_530 : memref<1x128x64xf32, #tpu.memory_space<vmem>> -> memref<128x64xf32, #tpu.memory_space<vmem>>
      %dma_wait3A_532 = arith.constant 0 : i32
      %dma_wait3A_533 = arith.constant 0 : i32
      %dma_wait3A_534 = tpu.memref_slice %arg3[%dma_wait3A_532, %dma_wait3A_533] : memref<1000000x64xf32, #tpu.memory_space<hbm>> -> memref<128x64xf32, #tpu.memory_space<hbm>>
      tpu.wait_dma2 semaphore(%arg14 : memref<!tpu.dma_semaphore, #tpu.memory_space<semaphore_mem>>) src(%dma_wait3A_534 : memref<128x64xf32, #tpu.memory_space<hbm>>) dst(%dma_wait3A_531 : memref<128x64xf32, #tpu.memory_space<vmem>>)
      %ge3A_535 = arith.constant 4 : i32
      %ge3A_536 = arith.cmpi sge, %add3A_519, %ge3A_535 : i32
      %convert_element_type3A_537 = arith.extui %ge3A_536 : i1 to i32
      %cond3A_538 = arith.constant 0 : i32
      %cond3A_539 = arith.cmpi ne, %convert_element_type3A_537, %cond3A_538 : i32
      scf.if %cond3A_539 {
        %dma_wait3A_626 = arith.constant 2 : i32
        %dma_wait3A_627 = arith.constant 0 : i32
        %dma_wait3A_628 = arith.constant 0 : i32
        %dma_wait3A_629 = arith.constant 0 : i32
        %dma_wait3A_630 = arith.constant 0 : i32
        %dma_wait3A_631 = tpu.memref_slice %arg7[%dma_wait3A_626, %dma_wait3A_628, %dma_wait3A_629, %dma_wait3A_630] : memref<4x8x8x129xf32, #tpu.memory_space<vmem>> -> memref<1x8x8x128xf32, #tpu.memory_space<vmem>>
        %dma_wait3A_632 = tpu.memref_squeeze %dma_wait3A_631 : memref<1x8x8x128xf32, #tpu.memory_space<vmem>> -> memref<8x8x128xf32, #tpu.memory_space<vmem>>
        %dma_wait3A_633 = arith.constant 0 : i32
        %dma_wait3A_634 = arith.constant 0 : i32
        %dma_wait3A_635 = arith.constant 0 : i32
        %dma_wait3A_636 = tpu.memref_slice %arg4[%dma_wait3A_627, %dma_wait3A_633, %add3A, %dma_wait3A_634, %dma_wait3A_635] : memref<200x8x32x8x128xf32, #tpu.memory_space<hbm>> -> memref<1x8x1x8x128xf32, #tpu.memory_space<hbm>>
        %dma_wait3A_637 = tpu.memref_squeeze %dma_wait3A_636 : memref<1x8x1x8x128xf32, #tpu.memory_space<hbm>> -> memref<8x8x128xf32, #tpu.memory_space<hbm>>
        %dma_wait3A_638 = arith.constant 0 : i32
        %dma_wait3A_639 = arith.constant 0 : i32
        %dma_wait3A_640 = arith.constant 0 : i32
        %dma_wait3A_641 = tpu.memref_slice %arg4[%dma_wait3A_627, %dma_wait3A_638, %add3A, %dma_wait3A_639, %dma_wait3A_640] : memref<200x8x32x8x128xf32, #tpu.memory_space<hbm>> -> memref<1x8x1x8x128xf32, #tpu.memory_space<hbm>>
        %dma_wait3A_642 = tpu.memref_squeeze %dma_wait3A_641 : memref<1x8x1x8x128xf32, #tpu.memory_space<hbm>> -> memref<8x8x128xf32, #tpu.memory_space<hbm>>
        %dma_wait3A_643 = arith.constant 0 : i32
        %dma_wait3A_644 = arith.constant 0 : i32
        %dma_wait3A_645 = arith.constant 0 : i32
        %dma_wait3A_646 = tpu.memref_slice %arg7[%dma_wait3A_626, %dma_wait3A_643, %dma_wait3A_644, %dma_wait3A_645] : memref<4x8x8x129xf32, #tpu.memory_space<vmem>> -> memref<1x8x8x128xf32, #tpu.memory_space<vmem>>
        %dma_wait3A_647 = tpu.memref_squeeze %dma_wait3A_646 : memref<1x8x8x128xf32, #tpu.memory_space<vmem>> -> memref<8x8x128xf32, #tpu.memory_space<vmem>>
        tpu.wait_dma2 semaphore(%arg18 : memref<!tpu.dma_semaphore, #tpu.memory_space<semaphore_mem>>) src(%dma_wait3A_647 : memref<8x8x128xf32, #tpu.memory_space<vmem>>) dst(%dma_wait3A_642 : memref<8x8x128xf32, #tpu.memory_space<hbm>>)
      } else {
      }
      %parallel_loop3A_540 = arith.constant 0 : i32
      %parallel_loop3A_541 = arith.constant 128 : i32
      %parallel_loop3A_542 = arith.constant 1 : i32
      scf.for %parallel_loop3A_626 = %parallel_loop3A_540 to %parallel_loop3A_541 step %parallel_loop3A_542  : i32 {
        %parallel_loop3A_627 = vector.broadcast %parallel_loop3A_626 : i32 to vector<16xi32>
        %parallel_loop3A_628 = arith.constant 6 : i32
        %parallel_loop3A_629 = arith.index_cast %parallel_loop3A_628 : i32 to index
        %parallel_loop3A_630 = arith.index_cast %parallel_loop3A_626 : i32 to index
        %parallel_loop3A_631 = arith.constant 0 : index
        %parallel_loop3A_632 = tpu.vector_load %arg6[%parallel_loop3A_629, %parallel_loop3A_630, %parallel_loop3A_631] {strides = array<i32>} : memref<8x128x64xf32, #tpu.memory_space<vmem>>, vector<16xf32>,
        %parallel_loop3A_633 = arith.constant 8.000000e+00 : f32
        %parallel_loop3A_634 = vector.broadcast %parallel_loop3A_633 : f32 to vector<16xf32>
        %parallel_loop3A_635 = arith.mulf %parallel_loop3A_632, %parallel_loop3A_634 : vector<16xf32>
        %parallel_loop3A_636 = arith.constant 2 : i32
        %parallel_loop3A_637 = arith.constant 0 : i32
        %parallel_loop3A_638 = arith.constant 0 : i32
        %parallel_loop3A_639 = arith.constant 0 : i32
        %parallel_loop3A_640 = tpu.memref_slice %arg7[%parallel_loop3A_636, %parallel_loop3A_637, %parallel_loop3A_638, %parallel_loop3A_639] : memref<4x8x8x129xf32, #tpu.memory_space<vmem>> -> memref<1x8x8x129xf32, #tpu.memory_space<vmem>>
        %parallel_loop3A_641 = tpu.memref_squeeze %parallel_loop3A_640 : memref<1x8x8x129xf32, #tpu.memory_space<vmem>> -> memref<8x8x129xf32, #tpu.memory_space<vmem>>
        tpu.vector_store_idx %parallel_loop3A_641[%shift_right_logical3A_5, %and3A_28, %parallel_loop3A_627], %parallel_loop3A_635 : memref<8x8x129xf32, #tpu.memory_space<vmem>>[vector<16xi32>, vector<16xi32>, vector<16xi32>], vector<16xf32>,
        %parallel_loop3A_642 = arith.constant 6 : i32
        %parallel_loop3A_643 = arith.index_cast %parallel_loop3A_642 : i32 to index
        %parallel_loop3A_644 = arith.index_cast %parallel_loop3A_626 : i32 to index
        %parallel_loop3A_645 = arith.constant 16 : index
        %parallel_loop3A_646 = tpu.vector_load %arg6[%parallel_loop3A_643, %parallel_loop3A_644, %parallel_loop3A_645] {strides = array<i32>} : memref<8x128x64xf32, #tpu.memory_space<vmem>>, vector<16xf32>,
        %parallel_loop3A_647 = arith.constant 8.000000e+00 : f32
        %parallel_loop3A_648 = vector.broadcast %parallel_loop3A_647 : f32 to vector<16xf32>
        %parallel_loop3A_649 = arith.mulf %parallel_loop3A_646, %parallel_loop3A_648 : vector<16xf32>
        %parallel_loop3A_650 = arith.constant 2 : i32
        %parallel_loop3A_651 = arith.constant 0 : i32
        %parallel_loop3A_652 = arith.constant 0 : i32
        %parallel_loop3A_653 = arith.constant 0 : i32
        %parallel_loop3A_654 = tpu.memref_slice %arg7[%parallel_loop3A_650, %parallel_loop3A_651, %parallel_loop3A_652, %parallel_loop3A_653] : memref<4x8x8x129xf32, #tpu.memory_space<vmem>> -> memref<1x8x8x129xf32, #tpu.memory_space<vmem>>
        %parallel_loop3A_655 = tpu.memref_squeeze %parallel_loop3A_654 : memref<1x8x8x129xf32, #tpu.memory_space<vmem>> -> memref<8x8x129xf32, #tpu.memory_space<vmem>>
        tpu.vector_store_idx %parallel_loop3A_655[%shift_right_logical3A_11, %and3A_34, %parallel_loop3A_627], %parallel_loop3A_649 : memref<8x8x129xf32, #tpu.memory_space<vmem>>[vector<16xi32>, vector<16xi32>, vector<16xi32>], vector<16xf32>,
        %parallel_loop3A_656 = arith.constant 6 : i32
        %parallel_loop3A_657 = arith.index_cast %parallel_loop3A_656 : i32 to index
        %parallel_loop3A_658 = arith.index_cast %parallel_loop3A_626 : i32 to index
        %parallel_loop3A_659 = arith.constant 32 : index
        %parallel_loop3A_660 = tpu.vector_load %arg6[%parallel_loop3A_657, %parallel_loop3A_658, %parallel_loop3A_659] {strides = array<i32>} : memref<8x128x64xf32, #tpu.memory_space<vmem>>, vector<16xf32>,
        %parallel_loop3A_661 = arith.constant 8.000000e+00 : f32
        %parallel_loop3A_662 = vector.broadcast %parallel_loop3A_661 : f32 to vector<16xf32>
        %parallel_loop3A_663 = arith.mulf %parallel_loop3A_660, %parallel_loop3A_662 : vector<16xf32>
        %parallel_loop3A_664 = arith.constant 2 : i32
        %parallel_loop3A_665 = arith.constant 0 : i32
        %parallel_loop3A_666 = arith.constant 0 : i32
        %parallel_loop3A_667 = arith.constant 0 : i32
        %parallel_loop3A_668 = tpu.memref_slice %arg7[%parallel_loop3A_664, %parallel_loop3A_665, %parallel_loop3A_666, %parallel_loop3A_667] : memref<4x8x8x129xf32, #tpu.memory_space<vmem>> -> memref<1x8x8x129xf32, #tpu.memory_space<vmem>>
        %parallel_loop3A_669 = tpu.memref_squeeze %parallel_loop3A_668 : memref<1x8x8x129xf32, #tpu.memory_space<vmem>> -> memref<8x8x129xf32, #tpu.memory_space<vmem>>
        tpu.vector_store_idx %parallel_loop3A_669[%shift_right_logical3A_17, %and3A_40, %parallel_loop3A_627], %parallel_loop3A_663 : memref<8x8x129xf32, #tpu.memory_space<vmem>>[vector<16xi32>, vector<16xi32>, vector<16xi32>], vector<16xf32>,
        %parallel_loop3A_670 = arith.constant 6 : i32
        %parallel_loop3A_671 = arith.index_cast %parallel_loop3A_670 : i32 to index
        %parallel_loop3A_672 = arith.index_cast %parallel_loop3A_626 : i32 to index
        %parallel_loop3A_673 = arith.constant 48 : index
        %parallel_loop3A_674 = tpu.vector_load %arg6[%parallel_loop3A_671, %parallel_loop3A_672, %parallel_loop3A_673] {strides = array<i32>} : memref<8x128x64xf32, #tpu.memory_space<vmem>>, vector<16xf32>,
        %parallel_loop3A_675 = arith.constant 8.000000e+00 : f32
        %parallel_loop3A_676 = vector.broadcast %parallel_loop3A_675 : f32 to vector<16xf32>
        %parallel_loop3A_677 = arith.mulf %parallel_loop3A_674, %parallel_loop3A_676 : vector<16xf32>
        %parallel_loop3A_678 = arith.constant 2 : i32
        %parallel_loop3A_679 = arith.constant 0 : i32
        %parallel_loop3A_680 = arith.constant 0 : i32
        %parallel_loop3A_681 = arith.constant 0 : i32
        %parallel_loop3A_682 = tpu.memref_slice %arg7[%parallel_loop3A_678, %parallel_loop3A_679, %parallel_loop3A_680, %parallel_loop3A_681] : memref<4x8x8x129xf32, #tpu.memory_space<vmem>> -> memref<1x8x8x129xf32, #tpu.memory_space<vmem>>
        %parallel_loop3A_683 = tpu.memref_squeeze %parallel_loop3A_682 : memref<1x8x8x129xf32, #tpu.memory_space<vmem>> -> memref<8x8x129xf32, #tpu.memory_space<vmem>>
        tpu.vector_store_idx %parallel_loop3A_683[%shift_right_logical3A_23, %and3A_46, %parallel_loop3A_627], %parallel_loop3A_677 : memref<8x8x129xf32, #tpu.memory_space<vmem>>[vector<16xi32>, vector<16xi32>, vector<16xi32>], vector<16xf32>,
      } {sc.loop_unroll_factor = 8 : i64, sc.parallel_access}
      %dma_start3A_543 = arith.constant 2 : i32
      %dma_start3A_544 = arith.constant 0 : i32
      %dma_start3A_545 = arith.constant 0 : i32
      %dma_start3A_546 = arith.constant 0 : i32
      %dma_start3A_547 = tpu.memref_slice %arg7[%dma_start3A_543, %dma_start3A_544, %dma_start3A_545, %dma_start3A_546] : memref<4x8x8x129xf32, #tpu.memory_space<vmem>> -> memref<1x8x8x128xf32, #tpu.memory_space<vmem>>
      %dma_start3A_548 = tpu.memref_squeeze %dma_start3A_547 : memref<1x8x8x128xf32, #tpu.memory_space<vmem>> -> memref<8x8x128xf32, #tpu.memory_space<vmem>>
      %dma_start3A_549 = arith.constant 0 : i32
      %dma_start3A_550 = arith.constant 0 : i32
      %dma_start3A_551 = arith.constant 0 : i32
      %dma_start3A_552 = tpu.memref_slice %arg4[%add3A_519, %dma_start3A_549, %add3A, %dma_start3A_550, %dma_start3A_551] : memref<200x8x32x8x128xf32, #tpu.memory_space<hbm>> -> memref<1x8x1x8x128xf32, #tpu.memory_space<hbm>>
      %dma_start3A_553 = tpu.memref_squeeze %dma_start3A_552 : memref<1x8x1x8x128xf32, #tpu.memory_space<hbm>> -> memref<8x8x128xf32, #tpu.memory_space<hbm>>
      %dma_start3A_554 = arith.constant 0 : i32
      %dma_start3A_555 = arith.constant 0 : i32
      %dma_start3A_556 = arith.constant 0 : i32
      %dma_start3A_557 = tpu.memref_slice %arg4[%add3A_519, %dma_start3A_554, %add3A, %dma_start3A_555, %dma_start3A_556] : memref<200x8x32x8x128xf32, #tpu.memory_space<hbm>> -> memref<1x8x1x8x128xf32, #tpu.memory_space<hbm>>
      %dma_start3A_558 = tpu.memref_squeeze %dma_start3A_557 : memref<1x8x1x8x128xf32, #tpu.memory_space<hbm>> -> memref<8x8x128xf32, #tpu.memory_space<hbm>>
      %dma_start3A_559 = arith.constant 0 : i32
      %dma_start3A_560 = arith.constant 0 : i32
      %dma_start3A_561 = arith.constant 0 : i32
      %dma_start3A_562 = tpu.memref_slice %arg7[%dma_start3A_543, %dma_start3A_559, %dma_start3A_560, %dma_start3A_561] : memref<4x8x8x129xf32, #tpu.memory_space<vmem>> -> memref<1x8x8x128xf32, #tpu.memory_space<vmem>>
      %dma_start3A_563 = tpu.memref_squeeze %dma_start3A_562 : memref<1x8x8x128xf32, #tpu.memory_space<vmem>> -> memref<8x8x128xf32, #tpu.memory_space<vmem>>
      tpu.enqueue_dma source(%dma_start3A_563 : memref<8x8x128xf32, #tpu.memory_space<vmem>>) target(%dma_start3A_558 : memref<8x8x128xf32, #tpu.memory_space<hbm>>) target_semaphore(%arg18 : memref<!tpu.dma_semaphore, #tpu.memory_space<semaphore_mem>>)
      %add3A_564 = arith.constant 4 : i32
      %add3A_565 = arith.addi %add3A_519, %add3A_564 : i32
      %lt3A_566 = arith.constant 200 : i32
      %lt3A_567 = arith.cmpi slt, %add3A_565, %lt3A_566 : i32
      %convert_element_type3A_568 = arith.extui %lt3A_567 : i1 to i32
      %cond3A_569 = arith.constant 0 : i32
      %cond3A_570 = arith.cmpi ne, %convert_element_type3A_568, %cond3A_569 : i32
      scf.if %cond3A_570 {
        %add3A_626 = arith.constant 1 : i32
        %add3A_627 = arith.addi %scan3A_190, %add3A_626 : i32
        %dma_start3A_628 = arith.constant 2 : i32
        %dma_start3A_629 = arith.constant 2 : i32
        %dma_start3A_630 = arith.constant 0 : i32
        %dma_start3A_631 = arith.constant 0 : i32
        %dma_start3A_632 = tpu.memref_slice %arg6[%dma_start3A_629, %dma_start3A_630, %dma_start3A_631] : memref<8x128x64xf32, #tpu.memory_space<vmem>> -> memref<1x128x64xf32, #tpu.memory_space<vmem>>
        %dma_start3A_633 = tpu.memref_squeeze %dma_start3A_632 : memref<1x128x64xf32, #tpu.memory_space<vmem>> -> memref<128x64xf32, #tpu.memory_space<vmem>>
        %dma_start3A_634 = arith.constant 0 : i32
        %dma_start3A_635 = tpu.memref_slice %arg5[%add3A_627, %dma_start3A_628, %dma_start3A_634] : memref<25x8x128xi32, #tpu.memory_space<vmem>> -> memref<1x1x128xi32, #tpu.memory_space<vmem>>
        %dma_start3A_636 = tpu.memref_squeeze %dma_start3A_635 : memref<1x1x128xi32, #tpu.memory_space<vmem>> -> memref<128xi32, #tpu.memory_space<vmem>>
        %dma_start3A_637 = arith.constant 0 : i32
        %dma_start3A_638 = arith.constant 0 : i32
        %dma_start3A_639 = tpu.memref_slice %arg3[%dma_start3A_637, %dma_start3A_638] : memref<1000000x64xf32, #tpu.memory_space<hbm>> -> memref<1000000x64xf32, #tpu.memory_space<hbm>>
        tpu.enqueue_indirect_dma source(%dma_start3A_639 : memref<1000000x64xf32, #tpu.memory_space<hbm>>) target(%dma_start3A_633 : memref<128x64xf32, #tpu.memory_space<vmem>>) offsets(%dma_start3A_636 : memref<128xi32, #tpu.memory_space<vmem>>) semaphore(%arg10 : memref<!tpu.dma_semaphore, #tpu.memory_space<semaphore_mem>>)
      } else {
      }
      %mul3A_571 = arith.constant 8 : i32
      %mul3A_572 = arith.muli %scan3A_190, %mul3A_571 : i32
      %add3A_573 = arith.constant 7 : i32
      %add3A_574 = arith.addi %mul3A_572, %add3A_573 : i32
      %dma_wait3A_575 = arith.constant 7 : i32
      %dma_wait3A_576 = arith.constant 0 : i32
      %dma_wait3A_577 = arith.constant 0 : i32
      %dma_wait3A_578 = tpu.memref_slice %arg6[%dma_wait3A_575, %dma_wait3A_576, %dma_wait3A_577] : memref<8x128x64xf32, #tpu.memory_space<vmem>> -> memref<1x128x64xf32, #tpu.memory_space<vmem>>
      %dma_wait3A_579 = tpu.memref_squeeze %dma_wait3A_578 : memref<1x128x64xf32, #tpu.memory_space<vmem>> -> memref<128x64xf32, #tpu.memory_space<vmem>>
      %dma_wait3A_580 = arith.constant 0 : i32
      %dma_wait3A_581 = arith.constant 0 : i32
      %dma_wait3A_582 = tpu.memref_slice %arg3[%dma_wait3A_580, %dma_wait3A_581] : memref<1000000x64xf32, #tpu.memory_space<hbm>> -> memref<128x64xf32, #tpu.memory_space<hbm>>
      %dma_wait3A_583 = arith.constant 0 : i32
      %dma_wait3A_584 = arith.constant 0 : i32
      %dma_wait3A_585 = tpu.memref_slice %arg6[%dma_wait3A_575, %dma_wait3A_583, %dma_wait3A_584] : memref<8x128x64xf32, #tpu.memory_space<vmem>> -> memref<1x128x64xf32, #tpu.memory_space<vmem>>
      %dma_wait3A_586 = tpu.memref_squeeze %dma_wait3A_585 : memref<1x128x64xf32, #tpu.memory_space<vmem>> -> memref<128x64xf32, #tpu.memory_space<vmem>>
      %dma_wait3A_587 = arith.constant 0 : i32
      %dma_wait3A_588 = arith.constant 0 : i32
      %dma_wait3A_589 = tpu.memref_slice %arg3[%dma_wait3A_587, %dma_wait3A_588] : memref<1000000x64xf32, #tpu.memory_space<hbm>> -> memref<128x64xf32, #tpu.memory_space<hbm>>
      tpu.wait_dma2 semaphore(%arg15 : memref<!tpu.dma_semaphore, #tpu.memory_space<semaphore_mem>>) src(%dma_wait3A_589 : memref<128x64xf32, #tpu.memory_space<hbm>>) dst(%dma_wait3A_586 : memref<128x64xf32, #tpu.memory_space<vmem>>)
      %ge3A_590 = arith.constant 4 : i32
      %ge3A_591 = arith.cmpi sge, %add3A_574, %ge3A_590 : i32
      %convert_element_type3A_592 = arith.extui %ge3A_591 : i1 to i32
      %cond3A_593 = arith.constant 0 : i32
      %cond3A_594 = arith.cmpi ne, %convert_element_type3A_592, %cond3A_593 : i32
      scf.if %cond3A_594 {
        %dma_wait3A_626 = arith.constant 3 : i32
        %dma_wait3A_627 = arith.constant 0 : i32
        %dma_wait3A_628 = arith.constant 0 : i32
        %dma_wait3A_629 = arith.constant 0 : i32
        %dma_wait3A_630 = arith.constant 0 : i32
        %dma_wait3A_631 = tpu.memref_slice %arg7[%dma_wait3A_626, %dma_wait3A_628, %dma_wait3A_629, %dma_wait3A_630] : memref<4x8x8x129xf32, #tpu.memory_space<vmem>> -> memref<1x8x8x128xf32, #tpu.memory_space<vmem>>
        %dma_wait3A_632 = tpu.memref_squeeze %dma_wait3A_631 : memref<1x8x8x128xf32, #tpu.memory_space<vmem>> -> memref<8x8x128xf32, #tpu.memory_space<vmem>>
        %dma_wait3A_633 = arith.constant 0 : i32
        %dma_wait3A_634 = arith.constant 0 : i32
        %dma_wait3A_635 = arith.constant 0 : i32
        %dma_wait3A_636 = tpu.memref_slice %arg4[%dma_wait3A_627, %dma_wait3A_633, %add3A, %dma_wait3A_634, %dma_wait3A_635] : memref<200x8x32x8x128xf32, #tpu.memory_space<hbm>> -> memref<1x8x1x8x128xf32, #tpu.memory_space<hbm>>
        %dma_wait3A_637 = tpu.memref_squeeze %dma_wait3A_636 : memref<1x8x1x8x128xf32, #tpu.memory_space<hbm>> -> memref<8x8x128xf32, #tpu.memory_space<hbm>>
        %dma_wait3A_638 = arith.constant 0 : i32
        %dma_wait3A_639 = arith.constant 0 : i32
        %dma_wait3A_640 = arith.constant 0 : i32
        %dma_wait3A_641 = tpu.memref_slice %arg4[%dma_wait3A_627, %dma_wait3A_638, %add3A, %dma_wait3A_639, %dma_wait3A_640] : memref<200x8x32x8x128xf32, #tpu.memory_space<hbm>> -> memref<1x8x1x8x128xf32, #tpu.memory_space<hbm>>
        %dma_wait3A_642 = tpu.memref_squeeze %dma_wait3A_641 : memref<1x8x1x8x128xf32, #tpu.memory_space<hbm>> -> memref<8x8x128xf32, #tpu.memory_space<hbm>>
        %dma_wait3A_643 = arith.constant 0 : i32
        %dma_wait3A_644 = arith.constant 0 : i32
        %dma_wait3A_645 = arith.constant 0 : i32
        %dma_wait3A_646 = tpu.memref_slice %arg7[%dma_wait3A_626, %dma_wait3A_643, %dma_wait3A_644, %dma_wait3A_645] : memref<4x8x8x129xf32, #tpu.memory_space<vmem>> -> memref<1x8x8x128xf32, #tpu.memory_space<vmem>>
        %dma_wait3A_647 = tpu.memref_squeeze %dma_wait3A_646 : memref<1x8x8x128xf32, #tpu.memory_space<vmem>> -> memref<8x8x128xf32, #tpu.memory_space<vmem>>
        tpu.wait_dma2 semaphore(%arg19 : memref<!tpu.dma_semaphore, #tpu.memory_space<semaphore_mem>>) src(%dma_wait3A_647 : memref<8x8x128xf32, #tpu.memory_space<vmem>>) dst(%dma_wait3A_642 : memref<8x8x128xf32, #tpu.memory_space<hbm>>)
      } else {
      }
      %parallel_loop3A_595 = arith.constant 0 : i32
      %parallel_loop3A_596 = arith.constant 128 : i32
      %parallel_loop3A_597 = arith.constant 1 : i32
      scf.for %parallel_loop3A_626 = %parallel_loop3A_595 to %parallel_loop3A_596 step %parallel_loop3A_597  : i32 {
        %parallel_loop3A_627 = vector.broadcast %parallel_loop3A_626 : i32 to vector<16xi32>
        %parallel_loop3A_628 = arith.constant 7 : i32
        %parallel_loop3A_629 = arith.index_cast %parallel_loop3A_628 : i32 to index
        %parallel_loop3A_630 = arith.index_cast %parallel_loop3A_626 : i32 to index
        %parallel_loop3A_631 = arith.constant 0 : index
        %parallel_loop3A_632 = tpu.vector_load %arg6[%parallel_loop3A_629, %parallel_loop3A_630, %parallel_loop3A_631] {strides = array<i32>} : memref<8x128x64xf32, #tpu.memory_space<vmem>>, vector<16xf32>,
        %parallel_loop3A_633 = arith.constant 8.000000e+00 : f32
        %parallel_loop3A_634 = vector.broadcast %parallel_loop3A_633 : f32 to vector<16xf32>
        %parallel_loop3A_635 = arith.mulf %parallel_loop3A_632, %parallel_loop3A_634 : vector<16xf32>
        %parallel_loop3A_636 = arith.constant 3 : i32
        %parallel_loop3A_637 = arith.constant 0 : i32
        %parallel_loop3A_638 = arith.constant 0 : i32
        %parallel_loop3A_639 = arith.constant 0 : i32
        %parallel_loop3A_640 = tpu.memref_slice %arg7[%parallel_loop3A_636, %parallel_loop3A_637, %parallel_loop3A_638, %parallel_loop3A_639] : memref<4x8x8x129xf32, #tpu.memory_space<vmem>> -> memref<1x8x8x129xf32, #tpu.memory_space<vmem>>
        %parallel_loop3A_641 = tpu.memref_squeeze %parallel_loop3A_640 : memref<1x8x8x129xf32, #tpu.memory_space<vmem>> -> memref<8x8x129xf32, #tpu.memory_space<vmem>>
        tpu.vector_store_idx %parallel_loop3A_641[%shift_right_logical3A_5, %and3A_28, %parallel_loop3A_627], %parallel_loop3A_635 : memref<8x8x129xf32, #tpu.memory_space<vmem>>[vector<16xi32>, vector<16xi32>, vector<16xi32>], vector<16xf32>,
        %parallel_loop3A_642 = arith.constant 7 : i32
        %parallel_loop3A_643 = arith.index_cast %parallel_loop3A_642 : i32 to index
        %parallel_loop3A_644 = arith.index_cast %parallel_loop3A_626 : i32 to index
        %parallel_loop3A_645 = arith.constant 16 : index
        %parallel_loop3A_646 = tpu.vector_load %arg6[%parallel_loop3A_643, %parallel_loop3A_644, %parallel_loop3A_645] {strides = array<i32>} : memref<8x128x64xf32, #tpu.memory_space<vmem>>, vector<16xf32>,
        %parallel_loop3A_647 = arith.constant 8.000000e+00 : f32
        %parallel_loop3A_648 = vector.broadcast %parallel_loop3A_647 : f32 to vector<16xf32>
        %parallel_loop3A_649 = arith.mulf %parallel_loop3A_646, %parallel_loop3A_648 : vector<16xf32>
        %parallel_loop3A_650 = arith.constant 3 : i32
        %parallel_loop3A_651 = arith.constant 0 : i32
        %parallel_loop3A_652 = arith.constant 0 : i32
        %parallel_loop3A_653 = arith.constant 0 : i32
        %parallel_loop3A_654 = tpu.memref_slice %arg7[%parallel_loop3A_650, %parallel_loop3A_651, %parallel_loop3A_652, %parallel_loop3A_653] : memref<4x8x8x129xf32, #tpu.memory_space<vmem>> -> memref<1x8x8x129xf32, #tpu.memory_space<vmem>>
        %parallel_loop3A_655 = tpu.memref_squeeze %parallel_loop3A_654 : memref<1x8x8x129xf32, #tpu.memory_space<vmem>> -> memref<8x8x129xf32, #tpu.memory_space<vmem>>
        tpu.vector_store_idx %parallel_loop3A_655[%shift_right_logical3A_11, %and3A_34, %parallel_loop3A_627], %parallel_loop3A_649 : memref<8x8x129xf32, #tpu.memory_space<vmem>>[vector<16xi32>, vector<16xi32>, vector<16xi32>], vector<16xf32>,
        %parallel_loop3A_656 = arith.constant 7 : i32
        %parallel_loop3A_657 = arith.index_cast %parallel_loop3A_656 : i32 to index
        %parallel_loop3A_658 = arith.index_cast %parallel_loop3A_626 : i32 to index
        %parallel_loop3A_659 = arith.constant 32 : index
        %parallel_loop3A_660 = tpu.vector_load %arg6[%parallel_loop3A_657, %parallel_loop3A_658, %parallel_loop3A_659] {strides = array<i32>} : memref<8x128x64xf32, #tpu.memory_space<vmem>>, vector<16xf32>,
        %parallel_loop3A_661 = arith.constant 8.000000e+00 : f32
        %parallel_loop3A_662 = vector.broadcast %parallel_loop3A_661 : f32 to vector<16xf32>
        %parallel_loop3A_663 = arith.mulf %parallel_loop3A_660, %parallel_loop3A_662 : vector<16xf32>
        %parallel_loop3A_664 = arith.constant 3 : i32
        %parallel_loop3A_665 = arith.constant 0 : i32
        %parallel_loop3A_666 = arith.constant 0 : i32
        %parallel_loop3A_667 = arith.constant 0 : i32
        %parallel_loop3A_668 = tpu.memref_slice %arg7[%parallel_loop3A_664, %parallel_loop3A_665, %parallel_loop3A_666, %parallel_loop3A_667] : memref<4x8x8x129xf32, #tpu.memory_space<vmem>> -> memref<1x8x8x129xf32, #tpu.memory_space<vmem>>
        %parallel_loop3A_669 = tpu.memref_squeeze %parallel_loop3A_668 : memref<1x8x8x129xf32, #tpu.memory_space<vmem>> -> memref<8x8x129xf32, #tpu.memory_space<vmem>>
        tpu.vector_store_idx %parallel_loop3A_669[%shift_right_logical3A_17, %and3A_40, %parallel_loop3A_627], %parallel_loop3A_663 : memref<8x8x129xf32, #tpu.memory_space<vmem>>[vector<16xi32>, vector<16xi32>, vector<16xi32>], vector<16xf32>,
        %parallel_loop3A_670 = arith.constant 7 : i32
        %parallel_loop3A_671 = arith.index_cast %parallel_loop3A_670 : i32 to index
        %parallel_loop3A_672 = arith.index_cast %parallel_loop3A_626 : i32 to index
        %parallel_loop3A_673 = arith.constant 48 : index
        %parallel_loop3A_674 = tpu.vector_load %arg6[%parallel_loop3A_671, %parallel_loop3A_672, %parallel_loop3A_673] {strides = array<i32>} : memref<8x128x64xf32, #tpu.memory_space<vmem>>, vector<16xf32>,
        %parallel_loop3A_675 = arith.constant 8.000000e+00 : f32
        %parallel_loop3A_676 = vector.broadcast %parallel_loop3A_675 : f32 to vector<16xf32>
        %parallel_loop3A_677 = arith.mulf %parallel_loop3A_674, %parallel_loop3A_676 : vector<16xf32>
        %parallel_loop3A_678 = arith.constant 3 : i32
        %parallel_loop3A_679 = arith.constant 0 : i32
        %parallel_loop3A_680 = arith.constant 0 : i32
        %parallel_loop3A_681 = arith.constant 0 : i32
        %parallel_loop3A_682 = tpu.memref_slice %arg7[%parallel_loop3A_678, %parallel_loop3A_679, %parallel_loop3A_680, %parallel_loop3A_681] : memref<4x8x8x129xf32, #tpu.memory_space<vmem>> -> memref<1x8x8x129xf32, #tpu.memory_space<vmem>>
        %parallel_loop3A_683 = tpu.memref_squeeze %parallel_loop3A_682 : memref<1x8x8x129xf32, #tpu.memory_space<vmem>> -> memref<8x8x129xf32, #tpu.memory_space<vmem>>
        tpu.vector_store_idx %parallel_loop3A_683[%shift_right_logical3A_23, %and3A_46, %parallel_loop3A_627], %parallel_loop3A_677 : memref<8x8x129xf32, #tpu.memory_space<vmem>>[vector<16xi32>, vector<16xi32>, vector<16xi32>], vector<16xf32>,
      } {sc.loop_unroll_factor = 8 : i64, sc.parallel_access}
      %dma_start3A_598 = arith.constant 3 : i32
      %dma_start3A_599 = arith.constant 0 : i32
      %dma_start3A_600 = arith.constant 0 : i32
      %dma_start3A_601 = arith.constant 0 : i32
      %dma_start3A_602 = tpu.memref_slice %arg7[%dma_start3A_598, %dma_start3A_599, %dma_start3A_600, %dma_start3A_601] : memref<4x8x8x129xf32, #tpu.memory_space<vmem>> -> memref<1x8x8x128xf32, #tpu.memory_space<vmem>>
      %dma_start3A_603 = tpu.memref_squeeze %dma_start3A_602 : memref<1x8x8x128xf32, #tpu.memory_space<vmem>> -> memref<8x8x128xf32, #tpu.memory_space<vmem>>
      %dma_start3A_604 = arith.constant 0 : i32
      %dma_start3A_605 = arith.constant 0 : i32
      %dma_start3A_606 = arith.constant 0 : i32
      %dma_start3A_607 = tpu.memref_slice %arg4[%add3A_574, %dma_start3A_604, %add3A, %dma_start3A_605, %dma_start3A_606] : memref<200x8x32x8x128xf32, #tpu.memory_space<hbm>> -> memref<1x8x1x8x128xf32, #tpu.memory_space<hbm>>
      %dma_start3A_608 = tpu.memref_squeeze %dma_start3A_607 : memref<1x8x1x8x128xf32, #tpu.memory_space<hbm>> -> memref<8x8x128xf32, #tpu.memory_space<hbm>>
      %dma_start3A_609 = arith.constant 0 : i32
      %dma_start3A_610 = arith.constant 0 : i32
      %dma_start3A_611 = arith.constant 0 : i32
      %dma_start3A_612 = tpu.memref_slice %arg4[%add3A_574, %dma_start3A_609, %add3A, %dma_start3A_610, %dma_start3A_611] : memref<200x8x32x8x128xf32, #tpu.memory_space<hbm>> -> memref<1x8x1x8x128xf32, #tpu.memory_space<hbm>>
      %dma_start3A_613 = tpu.memref_squeeze %dma_start3A_612 : memref<1x8x1x8x128xf32, #tpu.memory_space<hbm>> -> memref<8x8x128xf32, #tpu.memory_space<hbm>>
      %dma_start3A_614 = arith.constant 0 : i32
      %dma_start3A_615 = arith.constant 0 : i32
      %dma_start3A_616 = arith.constant 0 : i32
      %dma_start3A_617 = tpu.memref_slice %arg7[%dma_start3A_598, %dma_start3A_614, %dma_start3A_615, %dma_start3A_616] : memref<4x8x8x129xf32, #tpu.memory_space<vmem>> -> memref<1x8x8x128xf32, #tpu.memory_space<vmem>>
      %dma_start3A_618 = tpu.memref_squeeze %dma_start3A_617 : memref<1x8x8x128xf32, #tpu.memory_space<vmem>> -> memref<8x8x128xf32, #tpu.memory_space<vmem>>
      tpu.enqueue_dma source(%dma_start3A_618 : memref<8x8x128xf32, #tpu.memory_space<vmem>>) target(%dma_start3A_613 : memref<8x8x128xf32, #tpu.memory_space<hbm>>) target_semaphore(%arg19 : memref<!tpu.dma_semaphore, #tpu.memory_space<semaphore_mem>>)
      %add3A_619 = arith.constant 4 : i32
      %add3A_620 = arith.addi %add3A_574, %add3A_619 : i32
      %lt3A_621 = arith.constant 200 : i32
      %lt3A_622 = arith.cmpi slt, %add3A_620, %lt3A_621 : i32
      %convert_element_type3A_623 = arith.extui %lt3A_622 : i1 to i32
      %cond3A_624 = arith.constant 0 : i32
      %cond3A_625 = arith.cmpi ne, %convert_element_type3A_623, %cond3A_624 : i32
      scf.if %cond3A_625 {
        %add3A_626 = arith.constant 1 : i32
        %add3A_627 = arith.addi %scan3A_190, %add3A_626 : i32
        %dma_start3A_628 = arith.constant 3 : i32
        %dma_start3A_629 = arith.constant 3 : i32
        %dma_start3A_630 = arith.constant 0 : i32
        %dma_start3A_631 = arith.constant 0 : i32
        %dma_start3A_632 = tpu.memref_slice %arg6[%dma_start3A_629, %dma_start3A_630, %dma_start3A_631] : memref<8x128x64xf32, #tpu.memory_space<vmem>> -> memref<1x128x64xf32, #tpu.memory_space<vmem>>
        %dma_start3A_633 = tpu.memref_squeeze %dma_start3A_632 : memref<1x128x64xf32, #tpu.memory_space<vmem>> -> memref<128x64xf32, #tpu.memory_space<vmem>>
        %dma_start3A_634 = arith.constant 0 : i32
        %dma_start3A_635 = tpu.memref_slice %arg5[%add3A_627, %dma_start3A_628, %dma_start3A_634] : memref<25x8x128xi32, #tpu.memory_space<vmem>> -> memref<1x1x128xi32, #tpu.memory_space<vmem>>
        %dma_start3A_636 = tpu.memref_squeeze %dma_start3A_635 : memref<1x1x128xi32, #tpu.memory_space<vmem>> -> memref<128xi32, #tpu.memory_space<vmem>>
        %dma_start3A_637 = arith.constant 0 : i32
        %dma_start3A_638 = arith.constant 0 : i32
        %dma_start3A_639 = tpu.memref_slice %arg3[%dma_start3A_637, %dma_start3A_638] : memref<1000000x64xf32, #tpu.memory_space<hbm>> -> memref<1000000x64xf32, #tpu.memory_space<hbm>>
        tpu.enqueue_indirect_dma source(%dma_start3A_639 : memref<1000000x64xf32, #tpu.memory_space<hbm>>) target(%dma_start3A_633 : memref<128x64xf32, #tpu.memory_space<vmem>>) offsets(%dma_start3A_636 : memref<128xi32, #tpu.memory_space<vmem>>) semaphore(%arg11 : memref<!tpu.dma_semaphore, #tpu.memory_space<semaphore_mem>>)
      } else {
      }
    }
    %scan3A_102 = arith.constant 25 : i32
    %dma_wait3A = arith.constant 0 : i32
    %dma_wait3A_103 = arith.constant 0 : i32
    %dma_wait3A_104 = arith.constant 0 : i32
    %dma_wait3A_105 = arith.constant 0 : i32
    %dma_wait3A_106 = arith.constant 0 : i32
    %dma_wait3A_107 = tpu.memref_slice %arg7[%dma_wait3A, %dma_wait3A_104, %dma_wait3A_105, %dma_wait3A_106] : memref<4x8x8x129xf32, #tpu.memory_space<vmem>> -> memref<1x8x8x128xf32, #tpu.memory_space<vmem>>
    %dma_wait3A_108 = tpu.memref_squeeze %dma_wait3A_107 : memref<1x8x8x128xf32, #tpu.memory_space<vmem>> -> memref<8x8x128xf32, #tpu.memory_space<vmem>>
    %dma_wait3A_109 = arith.constant 0 : i32
    %dma_wait3A_110 = arith.constant 0 : i32
    %dma_wait3A_111 = arith.constant 0 : i32
    %dma_wait3A_112 = tpu.memref_slice %arg4[%dma_wait3A_103, %dma_wait3A_109, %add3A, %dma_wait3A_110, %dma_wait3A_111] : memref<200x8x32x8x128xf32, #tpu.memory_space<hbm>> -> memref<1x8x1x8x128xf32, #tpu.memory_space<hbm>>
    %dma_wait3A_113 = tpu.memref_squeeze %dma_wait3A_112 : memref<1x8x1x8x128xf32, #tpu.memory_space<hbm>> -> memref<8x8x128xf32, #tpu.memory_space<hbm>>
    %dma_wait3A_114 = arith.constant 0 : i32
    %dma_wait3A_115 = arith.constant 0 : i32
    %dma_wait3A_116 = arith.constant 0 : i32
    %dma_wait3A_117 = tpu.memref_slice %arg4[%dma_wait3A_103, %dma_wait3A_114, %add3A, %dma_wait3A_115, %dma_wait3A_116] : memref<200x8x32x8x128xf32, #tpu.memory_space<hbm>> -> memref<1x8x1x8x128xf32, #tpu.memory_space<hbm>>
    %dma_wait3A_118 = tpu.memref_squeeze %dma_wait3A_117 : memref<1x8x1x8x128xf32, #tpu.memory_space<hbm>> -> memref<8x8x128xf32, #tpu.memory_space<hbm>>
    %dma_wait3A_119 = arith.constant 0 : i32
    %dma_wait3A_120 = arith.constant 0 : i32
    %dma_wait3A_121 = arith.constant 0 : i32
    %dma_wait3A_122 = tpu.memref_slice %arg7[%dma_wait3A, %dma_wait3A_119, %dma_wait3A_120, %dma_wait3A_121] : memref<4x8x8x129xf32, #tpu.memory_space<vmem>> -> memref<1x8x8x128xf32, #tpu.memory_space<vmem>>
    %dma_wait3A_123 = tpu.memref_squeeze %dma_wait3A_122 : memref<1x8x8x128xf32, #tpu.memory_space<vmem>> -> memref<8x8x128xf32, #tpu.memory_space<vmem>>
    tpu.wait_dma2 semaphore(%arg16 : memref<!tpu.dma_semaphore, #tpu.memory_space<semaphore_mem>>) src(%dma_wait3A_123 : memref<8x8x128xf32, #tpu.memory_space<vmem>>) dst(%dma_wait3A_118 : memref<8x8x128xf32, #tpu.memory_space<hbm>>)
    %dma_wait3A_124 = arith.constant 1 : i32
    %dma_wait3A_125 = arith.constant 0 : i32
    %dma_wait3A_126 = arith.constant 0 : i32
    %dma_wait3A_127 = arith.constant 0 : i32
    %dma_wait3A_128 = arith.constant 0 : i32
    %dma_wait3A_129 = tpu.memref_slice %arg7[%dma_wait3A_124, %dma_wait3A_126, %dma_wait3A_127, %dma_wait3A_128] : memref<4x8x8x129xf32, #tpu.memory_space<vmem>> -> memref<1x8x8x128xf32, #tpu.memory_space<vmem>>
    %dma_wait3A_130 = tpu.memref_squeeze %dma_wait3A_129 : memref<1x8x8x128xf32, #tpu.memory_space<vmem>> -> memref<8x8x128xf32, #tpu.memory_space<vmem>>
    %dma_wait3A_131 = arith.constant 0 : i32
    %dma_wait3A_132 = arith.constant 0 : i32
    %dma_wait3A_133 = arith.constant 0 : i32
    %dma_wait3A_134 = tpu.memref_slice %arg4[%dma_wait3A_125, %dma_wait3A_131, %add3A, %dma_wait3A_132, %dma_wait3A_133] : memref<200x8x32x8x128xf32, #tpu.memory_space<hbm>> -> memref<1x8x1x8x128xf32, #tpu.memory_space<hbm>>
    %dma_wait3A_135 = tpu.memref_squeeze %dma_wait3A_134 : memref<1x8x1x8x128xf32, #tpu.memory_space<hbm>> -> memref<8x8x128xf32, #tpu.memory_space<hbm>>
    %dma_wait3A_136 = arith.constant 0 : i32
    %dma_wait3A_137 = arith.constant 0 : i32
    %dma_wait3A_138 = arith.constant 0 : i32
    %dma_wait3A_139 = tpu.memref_slice %arg4[%dma_wait3A_125, %dma_wait3A_136, %add3A, %dma_wait3A_137, %dma_wait3A_138] : memref<200x8x32x8x128xf32, #tpu.memory_space<hbm>> -> memref<1x8x1x8x128xf32, #tpu.memory_space<hbm>>
    %dma_wait3A_140 = tpu.memref_squeeze %dma_wait3A_139 : memref<1x8x1x8x128xf32, #tpu.memory_space<hbm>> -> memref<8x8x128xf32, #tpu.memory_space<hbm>>
    %dma_wait3A_141 = arith.constant 0 : i32
    %dma_wait3A_142 = arith.constant 0 : i32
    %dma_wait3A_143 = arith.constant 0 : i32
    %dma_wait3A_144 = tpu.memref_slice %arg7[%dma_wait3A_124, %dma_wait3A_141, %dma_wait3A_142, %dma_wait3A_143] : memref<4x8x8x129xf32, #tpu.memory_space<vmem>> -> memref<1x8x8x128xf32, #tpu.memory_space<vmem>>
    %dma_wait3A_145 = tpu.memref_squeeze %dma_wait3A_144 : memref<1x8x8x128xf32, #tpu.memory_space<vmem>> -> memref<8x8x128xf32, #tpu.memory_space<vmem>>
    tpu.wait_dma2 semaphore(%arg17 : memref<!tpu.dma_semaphore, #tpu.memory_space<semaphore_mem>>) src(%dma_wait3A_145 : memref<8x8x128xf32, #tpu.memory_space<vmem>>) dst(%dma_wait3A_140 : memref<8x8x128xf32, #tpu.memory_space<hbm>>)
    %dma_wait3A_146 = arith.constant 2 : i32
    %dma_wait3A_147 = arith.constant 0 : i32
    %dma_wait3A_148 = arith.constant 0 : i32
    %dma_wait3A_149 = arith.constant 0 : i32
    %dma_wait3A_150 = arith.constant 0 : i32
    %dma_wait3A_151 = tpu.memref_slice %arg7[%dma_wait3A_146, %dma_wait3A_148, %dma_wait3A_149, %dma_wait3A_150] : memref<4x8x8x129xf32, #tpu.memory_space<vmem>> -> memref<1x8x8x128xf32, #tpu.memory_space<vmem>>
    %dma_wait3A_152 = tpu.memref_squeeze %dma_wait3A_151 : memref<1x8x8x128xf32, #tpu.memory_space<vmem>> -> memref<8x8x128xf32, #tpu.memory_space<vmem>>
    %dma_wait3A_153 = arith.constant 0 : i32
    %dma_wait3A_154 = arith.constant 0 : i32
    %dma_wait3A_155 = arith.constant 0 : i32
    %dma_wait3A_156 = tpu.memref_slice %arg4[%dma_wait3A_147, %dma_wait3A_153, %add3A, %dma_wait3A_154, %dma_wait3A_155] : memref<200x8x32x8x128xf32, #tpu.memory_space<hbm>> -> memref<1x8x1x8x128xf32, #tpu.memory_space<hbm>>
    %dma_wait3A_157 = tpu.memref_squeeze %dma_wait3A_156 : memref<1x8x1x8x128xf32, #tpu.memory_space<hbm>> -> memref<8x8x128xf32, #tpu.memory_space<hbm>>
    %dma_wait3A_158 = arith.constant 0 : i32
    %dma_wait3A_159 = arith.constant 0 : i32
    %dma_wait3A_160 = arith.constant 0 : i32
    %dma_wait3A_161 = tpu.memref_slice %arg4[%dma_wait3A_147, %dma_wait3A_158, %add3A, %dma_wait3A_159, %dma_wait3A_160] : memref<200x8x32x8x128xf32, #tpu.memory_space<hbm>> -> memref<1x8x1x8x128xf32, #tpu.memory_space<hbm>>
    %dma_wait3A_162 = tpu.memref_squeeze %dma_wait3A_161 : memref<1x8x1x8x128xf32, #tpu.memory_space<hbm>> -> memref<8x8x128xf32, #tpu.memory_space<hbm>>
    %dma_wait3A_163 = arith.constant 0 : i32
    %dma_wait3A_164 = arith.constant 0 : i32
    %dma_wait3A_165 = arith.constant 0 : i32
    %dma_wait3A_166 = tpu.memref_slice %arg7[%dma_wait3A_146, %dma_wait3A_163, %dma_wait3A_164, %dma_wait3A_165] : memref<4x8x8x129xf32, #tpu.memory_space<vmem>> -> memref<1x8x8x128xf32, #tpu.memory_space<vmem>>
    %dma_wait3A_167 = tpu.memref_squeeze %dma_wait3A_166 : memref<1x8x8x128xf32, #tpu.memory_space<vmem>> -> memref<8x8x128xf32, #tpu.memory_space<vmem>>
    tpu.wait_dma2 semaphore(%arg18 : memref<!tpu.dma_semaphore, #tpu.memory_space<semaphore_mem>>) src(%dma_wait3A_167 : memref<8x8x128xf32, #tpu.memory_space<vmem>>) dst(%dma_wait3A_162 : memref<8x8x128xf32, #tpu.memory_space<hbm>>)
    %dma_wait3A_168 = arith.constant 3 : i32
    %dma_wait3A_169 = arith.constant 0 : i32
    %dma_wait3A_170 = arith.constant 0 : i32
    %dma_wait3A_171 = arith.constant 0 : i32
    %dma_wait3A_172 = arith.constant 0 : i32
    %dma_wait3A_173 = tpu.memref_slice %arg7[%dma_wait3A_168, %dma_wait3A_170, %dma_wait3A_171, %dma_wait3A_172] : memref<4x8x8x129xf32, #tpu.memory_space<vmem>> -> memref<1x8x8x128xf32, #tpu.memory_space<vmem>>
    %dma_wait3A_174 = tpu.memref_squeeze %dma_wait3A_173 : memref<1x8x8x128xf32, #tpu.memory_space<vmem>> -> memref<8x8x128xf32, #tpu.memory_space<vmem>>
    %dma_wait3A_175 = arith.constant 0 : i32
    %dma_wait3A_176 = arith.constant 0 : i32
    %dma_wait3A_177 = arith.constant 0 : i32
    %dma_wait3A_178 = tpu.memref_slice %arg4[%dma_wait3A_169, %dma_wait3A_175, %add3A, %dma_wait3A_176, %dma_wait3A_177] : memref<200x8x32x8x128xf32, #tpu.memory_space<hbm>> -> memref<1x8x1x8x128xf32, #tpu.memory_space<hbm>>
    %dma_wait3A_179 = tpu.memref_squeeze %dma_wait3A_178 : memref<1x8x1x8x128xf32, #tpu.memory_space<hbm>> -> memref<8x8x128xf32, #tpu.memory_space<hbm>>
    %dma_wait3A_180 = arith.constant 0 : i32
    %dma_wait3A_181 = arith.constant 0 : i32
    %dma_wait3A_182 = arith.constant 0 : i32
    %dma_wait3A_183 = tpu.memref_slice %arg4[%dma_wait3A_169, %dma_wait3A_180, %add3A, %dma_wait3A_181, %dma_wait3A_182] : memref<200x8x32x8x128xf32, #tpu.memory_space<hbm>> -> memref<1x8x1x8x128xf32, #tpu.memory_space<hbm>>
    %dma_wait3A_184 = tpu.memref_squeeze %dma_wait3A_183 : memref<1x8x1x8x128xf32, #tpu.memory_space<hbm>> -> memref<8x8x128xf32, #tpu.memory_space<hbm>>
    %dma_wait3A_185 = arith.constant 0 : i32
    %dma_wait3A_186 = arith.constant 0 : i32
    %dma_wait3A_187 = arith.constant 0 : i32
    %dma_wait3A_188 = tpu.memref_slice %arg7[%dma_wait3A_168, %dma_wait3A_185, %dma_wait3A_186, %dma_wait3A_187] : memref<4x8x8x129xf32, #tpu.memory_space<vmem>> -> memref<1x8x8x128xf32, #tpu.memory_space<vmem>>
    %dma_wait3A_189 = tpu.memref_squeeze %dma_wait3A_188 : memref<1x8x8x128xf32, #tpu.memory_space<vmem>> -> memref<8x8x128xf32, #tpu.memory_space<vmem>>
    tpu.wait_dma2 semaphore(%arg19 : memref<!tpu.dma_semaphore, #tpu.memory_space<semaphore_mem>>) src(%dma_wait3A_189 : memref<8x8x128xf32, #tpu.memory_space<vmem>>) dst(%dma_wait3A_184 : memref<8x8x128xf32, #tpu.memory_space<hbm>>)
    return
  }
}

</mosaic_0001>

<sc_bundles>
// kernel: kernel.3.cloned.1.call-start
scs
__scs_entry_jumppad:
0x0: {  	(pc) =	sbr.rel $0x88, $3  }
0x1: {  	(tag) =	ssettag $0x0;
	lr =	simm.s32 $0x1  }
0x2: {  	[smem:$0x3F9F] =	sst lr;
	_ =	strace $0xD0000000  }
0x3: {  	_ = 	snop  }
0x4: {  	_ = 	snop  }
0x5: {  	_ = 	snop  }
0x6: {  	_ = 	snop  }
0x7: {  	_ = 	snop  }
__scs_overlays_trampoline_lowered:
0x8: {  	[smem:$0x3FAE] =	sst s0  }
0x9: {  	[smem:$0x3FAF] =	sst s1  }
0xa: {  	[smem:$0x3FB0] =	sst s2  }
0xb: {  	[smem:$0x3FB1] =	sst s3  }
0xc: {  	[smem:$0x3FB2] =	sst s4  }
0xd: {  	[smem:$0x3FB3] =	sst s5  }
0xe: {  	[smem:$0x3FB4] =	sst s6  }
0xf: {  	[smem:$0x3FB5] =	sst s7  }
0x10: {  	[smem:$0x3FB6] =	sst s8  }
0x11: {  	[smem:$0x3FB7] =	sst s9;
	s0 =	simm.s32 @!p0 $0x0  }
0x12: {  	s1 =	sld [smem:$0x3F9D];
	s0 =	simm.s32 @p0 $0x1  }
0x13: {  	[smem:$0x3FB8] =	sst s0;
	s0 =	simm.s32 @!p1 $0x0  }
0x14: {  	s2 =	sld [smem:$0x3F9C];
	s0 =	simm.s32 @p1 $0x1  }
0x15: {  	[smem:$0x3FB9] =	sst s0;
	s0 =	simm.s32 @!p2 $0x0  }
0x16: {  	s3 =	sld [smem:$0x3FDB];
	s0 =	simm.s32 @p2 $0x1  }
0x17: {  	s4 =	simm.s32 $0x1BF5;
	[smem:$0x3FBB] =	sst s0  }
0x18: {  	s0 =	sld [smem:$0x3F9E];
	_ =	swait.ge [sflag:s4], $0x0  }
0x19: {  	s7 =	sld [smem:$0x3F9F]  }
0x1a: {  	s8 =	sadd.s32 $0xFFFFE003, lr  }
0x1b: {  	s9 =	sadd.s32 $0xFFFFFEF7, lr;
	s5 =	simm.s32 $0xFFFFFFFF;
	p2 =	slt.u32 s8, $0xFFFFF086  }
0x1c: {  	p1 =	slt.u32 s9, $0xF7A;
	s5 =	simm.s32 @!p2 $0x0  }
0x1d: {  	s5 =	simm.s32 @p1 $0x1;
	p0 =	seq.s32 s7, s2  }
0x1e: {  	s7 =	smul.u32 @!p0 $0xF7A, s2;
	p2 =	seq.s32 @!p0 s5, $0x0  }
0x1f: {  	s9 =	smul.u32 $0xF7A, s1;
	s8 =	simm.s32 @!p0 $0x1BF5;
	p2 =	por !p2, p0  }
0x20: {  	[sflag:s8] =	ssyncset.s32 @!p0 $0xFFFFF086;
	s6 =	sadd.s32 @!p0 s3, s7;
	s7 =	simm.s32 @!p0 $0x108  }
0x21: {  	s3 =	sadd.s32 s3, s9;
	s6 =	sadd.s32 @!p0 $0x88, s6;
	s7 =	simm.s32 @p2 $0x1082  }
0x22: {  	[simem:s7], [sflag:s8] =	dma.local @!p0 [hbm:s6], $0xF7A  }
0x23: {  	s9 =	sor.u32 $0xD0000000, s2;
	s6 =	simm.s32 $0x108;
	_ =	swait.ge @!p0 [sflag:s8], $0x0  }
0x24: {  	s3 =	sadd.s32 $0x88, s3;
	s6 =	simm.s32 @!p1 $0x1082;
	[sflag:s4] =	ssyncset.s32 $0xFFFFF086  }
0x25: {  	[simem:s6], [sflag:s4] =	dma.local [hbm:s3], $0xF7A  }
0x26: {  	[smem:$0x3F9F] =	sst s1;
	(tag) =	ssettag s2;
	_ =	strace s9  }
0x27: {  	s1 =	sld [smem:$0x3FAF]  }
0x28: {  	s2 =	sld [smem:$0x3FB0]  }
0x29: {  	s4 =	sld [smem:$0x3FB2]  }
0x2a: {  	p0 =	seq.s32 s5, $0x0;
	s5 =	sld [smem:$0x3FB3]  }
0x2b: {  	s6 =	sld [smem:$0x3FB4]  }
0x2c: {  	s7 =	sld [smem:$0x3FB5]  }
0x2d: {  	s3 =	simm.s32 $0x108;
	s8 =	sld [smem:$0x3FB6]  }
0x2e: {  	s3 =	simm.s32 @!p0 $0x1082;
	s9 =	sld [smem:$0x3FB7]  }
0x2f: {  	lr =	sadd.s32 s0, s3;
	s0 =	sld [smem:$0x3FAE]  }
0x30: {  	s3 =	sld [smem:$0x3FB1]  }
0x31: {  	[smem:$0x3FBA] =	sst s10  }
0x32: {  	s10 =	sld [smem:$0x3FB8];
	_ =	sdelay $0x3  }
0x33: {  	p0 =	seq.s32 s10, $0x1;
	s10 =	sld [smem:$0x3FBA];
	_ =	sdelay $0x3  }
0x34: {  	[smem:$0x3FBA] =	sst s10  }
0x35: {  	s10 =	sld [smem:$0x3FB9];
	_ =	sdelay $0x3  }
0x36: {  	p1 =	seq.s32 s10, $0x1;
	s10 =	sld [smem:$0x3FBA];
	_ =	sdelay $0x3  }
0x37: {  	[smem:$0x3FBA] =	sst s10  }
0x38: {  	s10 =	sld [smem:$0x3FBB]  }
0x39: {  	_ = 	snop;
	(pc) =	sbr.ind lr, $3  }
0x3a: {  	_ = 	snop  }
0x3b: {  	_ = 	snop  }
0x3c: {  	p2 =	seq.s32 s10, $0x1;
	s10 =	sld [smem:$0x3FBA]  }
0x3d: {  	_ =	shalt  }
0x3e: {  	_ =	shalt  }
0x3f: {  	_ =	shalt  }
0x40: {  	_ =	shalt  }
0x41: {  	_ =	shalt  }
0x42: {  	_ =	shalt  }
0x43: {  	_ =	shalt  }
0x44: {  	_ =	shalt  }
0x45: {  	_ =	shalt  }
0x46: {  	_ =	shalt  }
0x47: {  	_ =	shalt  }
0x48: {  	_ =	shalt  }
0x49: {  	_ =	shalt  }
0x4a: {  	_ =	shalt  }
0x4b: {  	_ =	shalt  }
0x4c: {  	_ =	shalt  }
0x4d: {  	_ =	shalt  }
0x4e: {  	_ =	shalt  }
0x4f: {  	_ =	shalt  }
0x50: {  	_ =	shalt  }
0x51: {  	_ =	shalt  }
0x52: {  	_ =	shalt  }
0x53: {  	_ =	shalt  }
0x54: {  	_ =	shalt  }
0x55: {  	_ =	shalt  }
0x56: {  	_ =	shalt  }
0x57: {  	_ =	shalt  }
0x58: {  	_ =	shalt  }
0x59: {  	_ =	shalt  }
0x5a: {  	_ =	shalt  }
0x5b: {  	_ =	shalt  }
0x5c: {  	_ =	shalt  }
0x5d: {  	_ =	shalt  }
0x5e: {  	_ =	shalt  }
0x5f: {  	_ =	shalt  }
0x60: {  	_ =	shalt  }
0x61: {  	_ =	shalt  }
0x62: {  	_ =	shalt  }
0x63: {  	_ =	shalt  }
0x64: {  	_ =	shalt  }
0x65: {  	_ =	shalt  }
0x66: {  	_ =	shalt  }
0x67: {  	_ =	shalt  }
0x68: {  	_ =	shalt  }
0x69: {  	_ =	shalt  }
0x6a: {  	_ =	shalt  }
0x6b: {  	_ =	shalt  }
0x6c: {  	_ =	shalt  }
0x6d: {  	_ =	shalt  }
0x6e: {  	_ =	shalt  }
0x6f: {  	_ =	shalt  }
0x70: {  	_ =	shalt  }
0x71: {  	_ =	shalt  }
0x72: {  	_ =	shalt  }
0x73: {  	_ =	shalt  }
0x74: {  	_ =	shalt  }
0x75: {  	_ =	shalt  }
0x76: {  	_ =	shalt  }
0x77: {  	_ =	shalt  }
0x78: {  	_ =	shalt  }
0x79: {  	_ =	shalt  }
0x7a: {  	_ =	shalt  }
0x7b: {  	_ =	shalt  }
0x7c: {  	_ =	shalt  }
0x7d: {  	_ =	shalt  }
0x7e: {  	_ =	shalt  }
0x7f: {  	_ =	shalt  }
0x80: {  	_ =	shalt  }
0x81: {  	_ =	shalt  }
0x82: {  	_ =	shalt  }
0x83: {  	_ =	shalt  }
0x84: {  	_ =	shalt  }
0x85: {  	_ =	shalt  }
0x86: {  	_ =	shalt  }
0x87: {  	_ =	shalt  }
.Lfunc_end0:
.L_simem_size_0:
called_computation_lowered:
.L_overlay_start_0:
0x88: {  	s2 =	sld [smem:$0x3FD9]  }
0x89: {  	s3 =	sld [smem:$0x3FFE];
	_ =	sdelay $0x1  }
0x8a: {  	s1 =	srdreg.scid  }
0x8b: {  	s0 =	sand.u32 $0x1, s1  }
0x8c: {  	s17 =	sshll.u32 s0, $0xA;
	s2 =	sadd.s32 s3, s2  }
0x8d: {  	s2 =	sadd.s32 s2, s17  }
0x8e: {  	[smem:$0x3FC6] =	sst s2  }
0x8f: {  	_ = 	snop  }
0x90: {  	s2 =	sld [smem:$0x3FC9]  }
0x91: {  	s18 =	sld [smem:$0x3FD0];
	(tm) =	ssettm $0x1  }
0x92: {  	s4 =	sld [smem:$0x3FFB];
	_ =	sdelay $0x3  }
0x93: {  	_ =	strace s4  }
0x94: {  	s4 =	sld [smem:$0x3FFC];
	_ =	sdelay $0x3  }
0x95: {  	_ =	strace s4  }
0x96: {  	s4 =	sld [smem:$0x3FFD];
	_ =	sdelay $0x3  }
0x97: {  	_ =	strace s4  }
0x98: {  	_ =	strace $0x8FFFFFFF  }
0x99: {  	s19 =	sld [smem:$0x3FDB];
	_ =	sdelay $0x1  }
0x9a: {  	s5 =	simm.s32 $_scs_section_size  }
0x9b: {  	s6 =	simm.s32 $_size__tile_overlayer_lowered;
	s7 =	simm.s32 $_tile_overlayer_lowered  }
0x9c: {  	s22 =	simm.s32 $0x1BFF;
	s21 =	sshll.u32 s7, $0x1;
	s4 =	sadd.s32 s5, s19  }
0x9d: {  	s8 =	simm.s32 $0x0;
	s20 =	sshll.u32 s6, $0x1;
	s6 =	sadd.s32 s21, s4  }
0x9e: {  	[timem:s8], [sflag:s22] =	dma.local [hbm:s6], s20  }
0x9f: {  	_ =	swait.ge [sflag:s22], s20  }
0xa0: {  	s5 =	ssub.s32 $0x0, s20;
	[sflag:s22] =	ssyncset.done $0x0  }
0xa1: {  	[sflag:s22] =	ssyncadd.s32 s5;
	_ =	sdelay $0x1  }
0xa2: {  	s23 =	simm.s32 $0x1B8B  }
0xa3: {  	_ =	swait.ge [sflag:s23], $0x1  }
0xa4: {  	[sflag:s23] =	ssyncset.done $0x0  }
0xa5: {  	s25 =	simm.s32 $0x1B8E;
	s24 =	sld [smem:$0x3FFE];
	[sflag:s23] =	ssyncadd.s32 $0xFFFFFFFF  }
0xa6: {  	s26 =	simm.s32 $execute0_lowered;
	[smem:$0x3FD2] =	sst s25  }
0xa7: {  	s6 =	sshll.u32 s26, $0x1;
	_ =	strace $0x80000046;
	[dreg:$0x1] =	wrdreg $0xFFFFFFFF  }
0xa8: {  	s28 =	simm.s32 $_size_execute0_lowered;
	s4 =	sadd.s32 s4, s6;
	[dreg:$0x0] =	wrdreg $0x0  }
0xa9: {  	s6 =	sshll.u32 s28, $0x1;
	[dreg:$0x2] =	wrdreg s4  }
0xaa: {  	[dreg:$0x3] =	wrdreg s6  }
0xab: {  	[dreg:$0x4] =	wrdreg $0xC0  }
0xac: {  	_ =	task [dreg:s8], $0x5FFFF  }
0xad: {  	[dreg:$0x1] =	wrdreg $0xFFFFFFFF  }
0xae: {  	[dreg:$0x0] =	wrdreg $0x60  }
0xaf: {  	[dreg:$0x2] =	wrdreg s2  }
0xb0: {  	[dreg:$0x3] =	wrdreg s24  }
0xb1: {  	[dreg:$0x4] =	wrdreg s18  }
0xb2: {  	[dreg:$0x5] =	wrdreg $0x9  }
0xb3: {  	_ =	task.clear_ibuf [dreg:s8], $0x6FFFF;
	_ =	strace $0x90000046  }
0xb4: {  	s29 =	simm.s32 $0x9;
	_ =	strace $0x80000048  }
0xb5: {  	_ =	swait.ge [sflag:s29], $0x1  }
0xb6: {  	[sflag:s29] =	ssyncadd.s32 $0xFFFFFFFF  }
0xb7: {  	_ =	strace $0x90000048  }
0xb8: {  	_ =	sfence  }
0xb9: {  	s30 =	sld [smem:$0x0];
	_ =	sdelay $0x2  }
0xba: {  	s31 =	sshll.u32 s1, $0xD;
	s1 =	sshrl.u32 s1, $0x2  }
0xbb: {  	s3 =	sand.u32 $0x4000, s31;
	s1 =	sadd.s32 s1, s30  }
0xbc: {  	s0 =	sor.u32 s3, s0;
	s1 =	sshll.u32 s1, $0x11  }
0xbd: {  	s0 =	sor.u32 s1, s0  }
0xbe: {  	s0 =	sadd.s32 $0x8F2B, s0  }
0xbf: {  	[sflag:s0] =	ssyncadd.remote.s32 $0x1  }
0xc0: {  	_ =	sfence.sel $0xFFFF  }
0xc1: {  	[dreg:$0x0] =	wrdreg $0xFFFFFFFF;
	(pc) =	sbr.abs _section_cstart, $3  }
0xc2: {  	[dreg:$0x1] =	wrdreg $0xFFFFFFFF  }
0xc3: {  	_ =	task.clear_ibuf [dreg:s8], $0x2FFFF;
	_ =	strace $0x9FFFFFFF  }
0xc4: {  	(tm) =	ssettm $0x7FFFFFFF  }
0xc5: {  	_ =	shalt  }
tec
execute0_lowered:
.L_overlay_start_1:
0x0: {  	(tag) =	ssettag $0x1  }
0x1: {  	s0 =	rddreg [dreg:$0x0];
	v0 =	vlaneseq.u32  }
0x2: {  	s1 =	rddreg [dreg:$0x1];
	s3 =	simm.s32 $0x0;
	v20 =	vmul.u32 $0x88, v0  }
0x3: {  	[smem:$0x7FF] =	sst s3  }
0x4: {  	s7 =	rddreg [dreg:$0x2];
	_ =	strace $0x80000047;
	v7 =	vadd.s32 $0x880, v20;
	[tilespmem:$0x1FE10] =	vst v20  }
0x5: {  	v2 =	vadd.s32 $0x1100, v20;
	[tilespmem:$0x1FE20] =	vst v7  }
0x6: {  	v12 =	vadd.s32 $0x1980, v20;
	[tilespmem:$0x1FE30] =	vst v2  }
0x7: {  	v28 =	vor.u32 $0x1, v20;
	[tilespmem:$0x1FE40] =	vst v12  }
0x8: {  	v25 =	vadd.s32 $0x881, v20;
	[tilespmem:$0x1FE50] =	vst v28  }
0x9: {  	v16 =	vadd.s32 $0x1101, v20;
	[tilespmem:$0x1FE60] =	vst v25  }
0xa: {  	v8 =	vadd.s32 $0x1981, v20;
	[tilespmem:$0x1FE70] =	vst v16  }
0xb: {  	v6 =	vor.u32 $0x2, v20;
	[tilespmem:$0x1FE80] =	vst v8  }
0xc: {  	v29 =	vadd.s32 $0x882, v20;
	[tilespmem:$0x1FE90] =	vst v6  }
0xd: {  	v24 =	vadd.s32 $0x1102, v20;
	[tilespmem:$0x1FEA0] =	vst v29  }
0xe: {  	v15 =	vadd.s32 $0x1982, v20;
	[tilespmem:$0x1FEB0] =	vst v24  }
0xf: {  	v52 =	vor.u32 $0x3, v20;
	[tilespmem:$0x1FEC0] =	vst v15  }
0x10: {  	v60 =	vadd.s32 $0x883, v20;
	[tilespmem:$0x1FED0] =	vst v52  }
0x11: {  	v18 =	vadd.s32 $0x1103, v20;
	[tilespmem:$0x1FEE0] =	vst v60  }
0x12: {  	v31 =	vadd.s32 $0x1983, v20;
	[tilespmem:$0x1FEF0] =	vst v18  }
0x13: {  	s2 =	srdreg.scid;
	s4 =	stileid.u32;
	v4 =	vor.u32 $0x4, v20;
	[tilespmem:$0x1FF00] =	vst v31  }
0x14: {  	s18 =	simm.s32 $0x80;
	s29 =	simm.s32 $0x2;
	s30 =	simm.s32 $0x18600;
	v17 =	vadd.s32 $0x884, v20;
	[tilespmem:$0x1FF10] =	vst v4  }
0x15: {  	s16 =	simm.s32 $0x4;
	s19 =	simm.s32 $0x1CA00;
	s14 =	simm.s32 $0x7;
	v22 =	vadd.s32 $0x1104, v20;
	[tilespmem:$0x1FF20] =	vst v17  }
0x16: {  	s17 =	simm.s32 $0xB;
	s2 =	sand.u32 $0x1, s2;
	s23 =	sadd.s32 $0x8000, s7;
	v11 =	vadd.s32 $0x1984, v20;
	[tilespmem:$0x1FF30] =	vst v22  }
0x17: {  	s4 =	sshll.u32 s4, $0xB;
	s24 =	sadd.s32 $0x10000, s7;
	[dreg:$0x5] =	wrdreg s23;
	v57 =	vor.u32 $0x5, v20;
	[tilespmem:$0x1FF40] =	vst v11  }
0x18: {  	s25 =	sadd.s32 $0x18000, s7;
	s26 =	sadd.s32 $0x20000, s7;
	[dreg:$0x6] =	wrdreg s24;
	v5 =	vadd.s32 $0x885, v20;
	[tilespmem:$0x1FF50] =	vst v57  }
0x19: {  	s28 =	sadd.s32 $0x28000, s7;
	s12 =	sadd.s32 $0x30000, s7;
	[dreg:$0x7] =	wrdreg s25;
	v27 =	vadd.s32 $0x1105, v20;
	[tilespmem:$0x1FF60] =	vst v5  }
0x1a: {  	s13 =	sadd.s32 $0x38000, s7;
	s7 =	simm.s32 $0x0;
	[dreg:$0x8] =	wrdreg s26;
	v0 =	vadd.s32 $0x1985, v20;
	[tilespmem:$0x1FF70] =	vst v27  }
0x1b: {  	s5 =	sshll.u32 s2, $0xA;
	s2 =	ssub.s32 $0x2, s2;
	[dreg:$0x9] =	wrdreg s28;
	v56 =	vor.u32 $0x6, v20;
	[tilespmem:$0x1FF80] =	vst v0  }
0x1c: {  	s25 =	simm.s32 $0x1;
	s26 =	simm.s32 $0x16400;
	s23 =	simm.s32 $0x6;
	v14 =	vadd.s32 $0x886, v20;
	[tilespmem:$0x1FF90] =	vst v56  }
0x1d: {  	s24 =	simm.s32 $0xC;
	s5 =	sor.u32 s5, s4;
	s21 =	sshrl.u32 s2, $0x1;
	v30 =	vadd.s32 $0x1106, v20;
	[tilespmem:$0x1FFA0] =	vst v14  }
.Ltmp0:
0x1e: {  	v3 =	vadd.s32 $0x1986, v20;
	s11 =	smov.u32 s5;
	s6 =	sshrl.u32 s5, $0x3;
	[tilespmem:$0x1FFB0] =	vst v30;
	(pc) =	sbr.rel .LBB2_1-.Ltmp0, $4  }
0x1f: {  	v23 =	vor.u32 $0x7, v20;
	s5 =	sadd.s32 $0xF42800, s1;
	s22 =	ssub.s32 s2, s21;
	s1 =	simm.s32 $0x1A800;
	[tilespmem:$0x1FFC0] =	vst v3  }
0x20: {  	v19 =	vadd.s32 $0x1987, v20;
	s21 =	simm.s32 $0x5;
	s2 =	simm.s32 $0x8;
	[tilespmem:$0x1FFD0] =	vst v23;
	s0 =	sadd.s32 s0, s6  }
0x21: {  	v1 =	vimm.s32 $0x0;
	vm0 =	vcmask $0x300;
	v62 =	vadd.s32 $0x1107, v20;
	[tilespmem:$0x1FFE0] =	vst v19;
	s31 =	smax.u32 s22, $0x1;
	s22 =	simm.s32 $0x9;
	[dreg:$0x4] =	wrdreg s0  }
0x22: {  	v1 =	vsel vm0, $0x3, v1;
	v63 =	vadd.s32 $0x887, v20;
	[tilespmem:$0x1FFF0] =	vst v62;
	s6 =	simm.s32 $0xA;
	[dreg:$0xa] =	wrdreg s31;
	s0 =	simm.s32 $0x3  }
.LBB2_36:
0x23: {  	_ =	swait.ge [sflag:s22], $0x2000  }
0x24: {  	[sflag:s22] =	ssyncset.done $0x0  }
0x25: {  	[sflag:s22] =	ssyncadd.s32 $0xFFFFE000  }
0x26: {  	_ =	swait.ge [sflag:s6], $0x2000  }
0x27: {  	[sflag:s6] =	ssyncset.done $0x0  }
0x28: {  	[sflag:s6] =	ssyncadd.s32 $0xFFFFE000  }
0x29: {  	_ =	swait.ge [sflag:s17], $0x2000  }
0x2a: {  	[sflag:s17] =	ssyncset.done $0x0  }
0x2b: {  	[sflag:s17] =	ssyncadd.s32 $0xFFFFE000  }
0x2c: {  	_ =	swait.ge [sflag:s24], $0x2000  }
0x2d: {  	v20 =	vld [tilespmem:$0x1FE10]  }
0x2e: {  	v12 =	vld [tilespmem:$0x1FE40]  }
0x2f: {  	v28 =	vld [tilespmem:$0x1FE50]  }
0x30: {  	v16 =	vld [tilespmem:$0x1FE70]  }
0x31: {  	v6 =	vld [tilespmem:$0x1FE90]  }
0x32: {  	v24 =	vld [tilespmem:$0x1FEB0]  }
0x33: {  	s7 =	rddreg [dreg:$0xb];
	v52 =	vld [tilespmem:$0x1FED0]  }
0x34: {  	s4 =	rddreg [dreg:$0xa];
	v31 =	vld [tilespmem:$0x1FF00];
	s7 =	sadd.s32 $0x1, s7  }
0x35: {  	v4 =	vld [tilespmem:$0x1FF10];
	p0 =	sne.s32 s7, s4  }
.Ltmp1:
0x36: {  	v11 =	vld [tilespmem:$0x1FF40];
	(pc) =	sbr.rel @!p0 .LBB2_37-.Ltmp1, $4  }
0x37: {  	v57 =	vld [tilespmem:$0x1FF50]  }
0x38: {  	v56 =	vld [tilespmem:$0x1FF90]  }
0x39: {  	[sflag:s24] =	ssyncset.done $0x0;
	v23 =	vld [tilespmem:$0x1FFD0]  }
0x3a: {  	v19 =	vld [tilespmem:$0x1FFE0];
	[sflag:s24] =	ssyncadd.s32 $0xFFFFE000  }
.LBB2_1:
0x3b: {  	[dreg:$0xb] =	wrdreg s7  }
0x3c: {  	s4 =	rddreg [dreg:$0x4]  }
0x3d: {  	s31 =	simm.s32 $0x400;
	s8 =	simm.s32 $0x8000;
	s7 =	simm.s32 $0xD  }
0x3e: {  	[tilespmem:s3], [sflag:$0xD] =	stream.strided.gather [hbm4b:s4+s31], $0x6400, s8, s31, $0x38;
	[tilespmem:$0x1EC00] =	vst v63  }
0x3f: {  	_ =	swait.ge [sflag:s7], $0x6400  }
0x40: {  	[sflag:s7] =	ssyncset.done $0x0  }
0x41: {  	s8 =	simm.s32 $0x6400;
	[sflag:s7] =	ssyncadd.s32 $0xFFFF9C00  }
0x42: {  	[tilespmem:s8], [sflag:$0x1] =	stream.indirect.gather [hbm4b:s5+s18], $0x40, s3, s18, $0xb8;
	[tilespmem:$0x1EC00] =	vst v63  }
0x43: {  	s9 =	simm.s32 $0x8400  }
0x44: {  	[tilespmem:s9], [sflag:$0x2] =	stream.indirect.gather [hbm4b:s5+s18], $0x40, s18, s18, $0xb8;
	[tilespmem:$0x1EC00] =	vst v63  }
0x45: {  	s10 =	simm.s32 $0x100;
	s15 =	simm.s32 $0xA400  }
0x46: {  	[tilespmem:s15], [sflag:$0x3] =	stream.indirect.gather [hbm4b:s5+s18], $0x40, s10, s18, $0xb8;
	[tilespmem:$0x1EC00] =	vst v63  }
0x47: {  	s20 =	simm.s32 $0x180;
	s28 =	simm.s32 $0x0;
	s31 =	simm.s32 $0xC400  }
0x48: {  	v0 =	vmov v8;
	[tilespmem:s31], [sflag:$0x4] =	stream.indirect.gather [hbm4b:s5+s18], $0x40, s20, s18, $0xb8;
	[tilespmem:$0x1EC00] =	vst v63  }
.LBB2_2:
0x49: {  	_ =	swait.ge [sflag:s25], $0x2000;
	s4 =	simm.s32 $0x0  }
0x4a: {  	s7 =	simm.s32 $0x1;
	s9 =	simm.s32 $0x3;
	s8 =	simm.s32 $0x4  }
0x4b: {  	p0 =	seq.s32 s28, $0x0;
	s10 =	simm.s32 $0x5;
	s15 =	simm.s32 $0x6;
	v33 =	vmov s4;
	v34 =	vmov s7  }
0x4c: {  	s20 =	simm.s32 $0x7;
	[sflag:s25] =	ssyncset.done $0x0;
	s7 =	simm.s32 $0x2;
	v36 =	vmov s9;
	v37 =	vmov s8;
	v38 =	vmov s10  }
0x4d: {  	s8 =	simm.s32 @!p0 $0x9;
	v39 =	vmov s15;
	v40 =	vmov s20;
	v35 =	vmov s7;
	[sflag:s25] =	ssyncadd.s32 $0xFFFFE000  }
0x4e: {  	v33 =	vshrl.u32 v33, $0x3;
	v34 =	vshrl.u32 v34, $0x3;
	v36 =	vshrl.u32 v36, $0x3;
	_ =	swait.ge @!p0 [sflag:s8], $0x2000  }
0x4f: {  	v40 =	vshrl.u32 v40, $0x3;
	v37 =	vshrl.u32 v37, $0x3;
	v38 =	vshrl.u32 v38, $0x3;
	[sflag:s8] =	ssyncset.done @!p0 $0x0  }
0x50: {  	s15 =	simm.s32 $0x6500;
	v42 =	vshrl.u32 v39, $0x3;
	v33 =	vshll.u32 v33, v1;
	v40 =	vshll.u32 v40, v1;
	[sflag:s8] =	ssyncadd.s32 @!p0 $0xFFFFE000  }
0x51: {  	v35 =	vshrl.u32 v35, $0x3;
	v34 =	vshll.u32 v34, v1;
	v3 =	vbroadcast v40, $0x0;
	v59 =	vld [tilespmem:s15+$0xC0]  }
0x52: {  	v36 =	vshll.u32 v36, v1;
	v44 =	vshll.u32 v37, v1;
	v8 =	vbroadcast v33, $0x0;
	v43 =	vld [tilespmem:s15+$0xFFFFFF00]  }
0x53: {  	v35 =	vshll.u32 v35, v1;
	v26 =	vbroadcast v34, $0x0;
	v45 =	vld [tilespmem:s15+$0xFFFFFF40];
	v46 =	vadd.s32 v23, v3  }
0x54: {  	v61 =	vshll.u32 v38, v1;
	v37 =	vbroadcast v35, $0x0;
	v58 =	vadd.s32 v20, v8;
	v47 =	vld [tilespmem:s15+$0xFFFFFF80]  }
0x55: {  	v42 =	vshll.u32 v42, v1;
	v36 =	vbroadcast v36, $0x0;
	v48 =	vadd.s32 v28, v26;
	v49 =	vld [tilespmem:s15+$0xFFFFFFC0]  }
0x56: {  	v35 =	vbroadcast v44, $0x0;
	v51 =	vld [tilespmem:s15+$0x0];
	v50 =	vadd.s32 v6, v37;
	v59 =	vmul.f32 $8.000000000e+00, v59  }
0x57: {  	v33 =	vbroadcast v61, $0x0;
	v52 =	vadd.s32 v52, v36;
	v53 =	vld [tilespmem:s15+$0x40];
	v43 =	vmul.f32 $8.000000000e+00, v43  }
0x58: {  	v34 =	vbroadcast v42, $0x0;
	v55 =	vld [tilespmem:s15+$0x80];
	v54 =	vadd.s32 v4, v35;
	v45 =	vmul.f32 $8.000000000e+00, v45;
	[tilespmem:v46+s26+$0x0] =	vst.idx.msk $0xffff, v59  }
0x59: {  	v32 =	vmul.f32 $8.000000000e+00, v47;
	[tilespmem:v58+s26+$0x0] =	vst.idx.msk $0xffff, v43;
	v43 =	vadd.s32 v57, v33;
	v44 =	vld [tilespmem:s15+$0xD0]  }
0x5a: {  	s31 =	simm.s32 $0x8;
	v40 =	vmul.f32 $8.000000000e+00, v49;
	v47 =	vadd.s32 v56, v34;
	[tilespmem:v48+s26+$0x0] =	vst.idx.msk $0xffff, v45;
	v46 =	vld [tilespmem:s15+$0xFFFFFF10]  }
0x5b: {  	v9 =	vmovc v7;
	v7 =	vmovc v57;
	v61 =	vmov s31;
	v41 =	vmul.f32 $8.000000000e+00, v51;
	[tilespmem:v50+s26+$0x0] =	vst.idx.msk $0xffff, v32;
	v50 =	vadd.s32 v63, v3;
	v49 =	vld [tilespmem:s15+$0xFFFFFF50]  }
0x5c: {  	v10 =	vmovc v56;
	v42 =	vshrl.u32 v61, $0x3;
	v56 =	vadd.s32 v9, v8;
	v61 =	vmul.f32 $8.000000000e+00, v53;
	[tilespmem:v52+s26+$0x0] =	vst.idx.msk $0xffff, v40;
	v57 =	vld [tilespmem:s15+$0xFFFFFF90]  }
0x5d: {  	v53 =	vadd.s32 v25, v26;
	v38 =	vmul.f32 $8.000000000e+00, v55;
	[tilespmem:v54+s26+$0x0] =	vst.idx.msk $0xffff, v41;
	v58 =	vld [tilespmem:s15+$0xFFFFFFD0]  }
0x5e: {  	v55 =	vadd.s32 v29, v37;
	v59 =	vld [tilespmem:s15+$0x10];
	[tilespmem:v43+s26+$0x0] =	vst.idx.msk $0xffff, v61;
	v43 =	vmul.f32 $8.000000000e+00, v44  }
0x5f: {  	v15 =	vmov v60;
	[tilespmem:v47+s26+$0x0] =	vst.idx.msk $0xffff, v38;
	v45 =	vmul.f32 $8.000000000e+00, v46;
	v46 =	vadd.s32 v60, v36;
	v60 =	vld [tilespmem:s15+$0x50]  }
0x60: {  	v61 =	vld [tilespmem:s15+$0x90];
	v47 =	vmul.f32 $8.000000000e+00, v49;
	v49 =	vadd.s32 v17, v35;
	[tilespmem:v50+s26+$0x0] =	vst.idx.msk $0xffff, v43  }
0x61: {  	v39 =	vmul.f32 $8.000000000e+00, v57;
	[tilespmem:v56+s26+$0x0] =	vst.idx.msk $0xffff, v45;
	v45 =	vadd.s32 v5, v33;
	v50 =	vld [tilespmem:s15+$0xE0]  }
0x62: {  	s31 =	simm.s32 $0xE;
	[tilespmem:v53+s26+$0x0] =	vst.idx.msk $0xffff, v47;
	v47 =	vmul.f32 $8.000000000e+00, v58;
	v53 =	vadd.s32 v14, v34;
	v56 =	vld [tilespmem:s15+$0xFFFFFF20]  }
0x63: {  	s20 =	simm.s32 $0xD;
	v38 =	vmov s31;
	[tilespmem:v55+s26+$0x0] =	vst.idx.msk $0xffff, v39;
	v39 =	vmul.f32 $8.000000000e+00, v59;
	v55 =	vadd.s32 v62, v3;
	v57 =	vld [tilespmem:s15+$0xFFFFFF60]  }
0x64: {  	v21 =	vmovc v63;
	v44 =	vmov s20;
	v58 =	vadd.s32 v2, v8;
	v59 =	vld [tilespmem:s15+$0xFFFFFFA0];
	[tilespmem:v46+s26+$0x0] =	vst.idx.msk $0xffff, v47;
	v46 =	vmul.f32 $8.000000000e+00, v60  }
0x65: {  	v4 =	vmovc v62;
	v41 =	vshrl.u32 v44, $0x3;
	v60 =	vadd.s32 v16, v26;
	[tilespmem:v49+s26+$0x0] =	vst.idx.msk $0xffff, v39;
	v47 =	vmul.f32 $8.000000000e+00, v61;
	v62 =	vld [tilespmem:s15+$0xFFFFFFE0]  }
0x66: {  	v43 =	vshll.u32 v42, v1;
	v49 =	vadd.s32 v24, v37;
	v63 =	vld [tilespmem:s15+$0x20];
	[tilespmem:v45+s26+$0x0] =	vst.idx.msk $0xffff, v46;
	v44 =	vmul.f32 $8.000000000e+00, v50  }
0x67: {  	v42 =	vshrl.u32 v38, $0x3;
	v39 =	vadd.s32 v18, v36;
	[tilespmem:v53+s26+$0x0] =	vst.idx.msk $0xffff, v47;
	v50 =	vmul.f32 $8.000000000e+00, v56  }
0x68: {  	v38 =	vbroadcast v43, $0x0;
	v40 =	vld [tilespmem:s15+$0x60];
	v43 =	vmul.f32 $8.000000000e+00, v57;
	v57 =	vadd.s32 v22, v35;
	[tilespmem:v55+s26+$0x0] =	vst.idx.msk $0xffff, v44  }
0x69: {  	s9 =	simm.s32 $0xB;
	v61 =	vld [tilespmem:s15+$0xA0];
	v46 =	vmul.f32 $8.000000000e+00, v59;
	[tilespmem:v58+s26+$0x0] =	vst.idx.msk $0xffff, v50  }
0x6a: {  	v52 =	vmov s9;
	[tilespmem:v60+s26+$0x0] =	vst.idx.msk $0xffff, v43;
	v56 =	vld [tilespmem:s15+$0xF0];
	v62 =	vmul.f32 $8.000000000e+00, v62  }
0x6b: {  	s10 =	simm.s32 $0xC;
	s7 =	simm.s32 $0x9;
	v52 =	vshrl.u32 v52, $0x3;
	[tilespmem:v49+s26+$0x0] =	vst.idx.msk $0xffff, v46;
	v50 =	vld [tilespmem:s15+$0xFFFFFF30];
	v63 =	vmul.f32 $8.000000000e+00, v63  }
0x6c: {  	s8 =	simm.s32 $0xA;
	v48 =	vmov s7;
	v54 =	vmov s10;
	v45 =	vshll.u32 v52, v1;
	v52 =	vld [tilespmem:s15+$0xFFFFFF70];
	[tilespmem:v39+s26+$0x0] =	vst.idx.msk $0xffff, v62  }
0x6d: {  	v51 =	vmov s8;
	v48 =	vshrl.u32 v48, $0x3;
	v54 =	vshrl.u32 v54, $0x3;
	v49 =	vld [tilespmem:s15+$0xFFFFFFB0];
	[tilespmem:v57+s26+$0x0] =	vst.idx.msk $0xffff, v63  }
0x6e: {  	v55 =	vadd.s32 v27, v33;
	v43 =	vshll.u32 v41, v1;
	v41 =	vadd.s32 v0, v26;
	v26 =	vmovc v27;
	v27 =	vld [tilespmem:$0x1FEC0]  }
0x6f: {  	v6 =	vmovc v17;
	v51 =	vshrl.u32 v51, $0x3;
	v47 =	vshll.u32 v48, v1;
	v46 =	vshll.u32 v54, v1;
	v54 =	vld [tilespmem:s15+$0xFFFFFFF0]  }
0x70: {  	v32 =	vmovc v9;
	v53 =	vadd.s32 v19, v3;
	v44 =	vshll.u32 v51, v1;
	v51 =	vadd.s32 v30, v34;
	v13 =	vld [tilespmem:$0x1FF80]  }
0x71: {  	s4 =	simm.s32 $0xF;
	v17 =	vmovc v2;
	s20 =	simm.s32 $0x10;
	v48 =	vadd.s32 v12, v8;
	v8 =	vmovc v0;
	v39 =	vmul.f32 $8.000000000e+00, v40;
	v40 =	vmul.f32 $8.000000000e+00, v61;
	v9 =	vld [tilespmem:$0x1FFC0]  }
.LBB2_3:
0x72: {  	_ = 	snop  }
0x73: {  	v37 =	vadd.s32 v27, v37  }
0x74: {  	v58 =	vld [tilespmem:s15+$0x30];
	[tilespmem:v55+s26+$0x0] =	vst.idx.msk $0xffff, v39;
	v60 =	vmul.f32 $8.000000000e+00, v56  }
0x75: {  	v36 =	vadd.s32 v31, v36;
	v0 =	vld [tilespmem:$0x1FE90];
	[tilespmem:v51+s26+$0x0] =	vst.idx.msk $0xffff, v40;
	v50 =	vmul.f32 $8.000000000e+00, v50  }
0x76: {  	v62 =	vld [tilespmem:s15+$0x70];
	v55 =	vmul.f32 $8.000000000e+00, v49;
	[tilespmem:v53+s26+$0x0] =	vst.idx.msk $0xffff, v60  }
0x77: {  	v57 =	vmov s4;
	v63 =	vmul.f32 $8.000000000e+00, v52;
	v52 =	vld [tilespmem:s15+$0xB0];
	s15 =	sadd.s32 $0x200, s15;
	[tilespmem:v48+s26+$0x0] =	vst.idx.msk $0xffff, v50  }
0x78: {  	v61 =	vshrl.u32 v57, $0x3;
	v57 =	vmul.f32 $8.000000000e+00, v54;
	[tilespmem:v37+s26+$0x0] =	vst.idx.msk $0xffff, v55;
	v37 =	vbroadcast v44, $0x0;
	v53 =	vld [tilespmem:s15+$0xC0]  }
0x79: {  	v35 =	vadd.s32 v11, v35;
	v39 =	vmov v38;
	v38 =	vshll.u32 v61, v1;
	v48 =	vld [tilespmem:s15+$0xFFFFFF00]  }
0x7a: {  	v40 =	vbroadcast v38, $0x0;
	[tilespmem:v36+s26+$0x0] =	vst.idx.msk $0xffff, v57;
	v36 =	vbroadcast v45, $0x0;
	v45 =	vadd.s32 v0, v37;
	v0 =	vld [tilespmem:$0x1FED0]  }
0x7b: {  	v33 =	vadd.s32 v13, v33;
	[tilespmem:v41+s26+$0x0] =	vst.idx.msk $0xffff, v63  }
0x7c: {  	v41 =	vbroadcast v47, $0x0;
	v47 =	vadd.s32 v23, v40;
	v59 =	vld [tilespmem:s15+$0xFFFFFF40]  }
0x7d: {  	v51 =	vadd.s32 v20, v39;
	v60 =	vmul.f32 $8.000000000e+00, v58;
	v61 =	vld [tilespmem:s15+$0xFFFFFF80]  }
0x7e: {  	v34 =	vadd.s32 v9, v34;
	v62 =	vmul.f32 $8.000000000e+00, v62;
	v63 =	vld [tilespmem:s15+$0xFFFFFFC0]  }
0x7f: {  	[tilespmem:v35+s26+$0x0] =	vst.idx.msk $0xffff, v60;
	v57 =	vmul.f32 $8.000000000e+00, v53;
	v58 =	vmul.f32 $8.000000000e+00, v48;
	v48 =	vadd.s32 v0, v36;
	v0 =	vld [tilespmem:$0x1FF10]  }
0x80: {  	v56 =	vmul.f32 $8.000000000e+00, v52;
	v52 =	vld [tilespmem:s15+$0x0];
	[tilespmem:v33+s26+$0x0] =	vst.idx.msk $0xffff, v62  }
0x81: {  	v49 =	vadd.s32 v28, v41;
	v33 =	vbroadcast v43, $0x0;
	v53 =	vld [tilespmem:s15+$0x40];
	[tilespmem:v47+s26+$0x0] =	vst.idx.msk $0xffff, v57  }
0x82: {  	v35 =	vbroadcast v46, $0x0;
	v61 =	vmul.f32 $8.000000000e+00, v61;
	[tilespmem:v51+s26+$0x0] =	vst.idx.msk $0xffff, v58;
	v47 =	vld [tilespmem:s15+$0xD0]  }
0x83: {  	v42 =	vshll.u32 v42, v1;
	[tilespmem:v34+s26+$0x0] =	vst.idx.msk $0xffff, v56;
	v62 =	vadd.s32 v7, v33;
	v63 =	vmul.f32 $8.000000000e+00, v63;
	v51 =	vld [tilespmem:s15+$0xFFFFFF10]  }
0x84: {  	v34 =	vbroadcast v42, $0x0;
	v59 =	vmul.f32 $8.000000000e+00, v59;
	v50 =	vld [tilespmem:s15+$0x80];
	[tilespmem:v45+s26+$0x0] =	vst.idx.msk $0xffff, v61;
	v43 =	vadd.s32 v0, v35  }
0x85: {  	v45 =	vadd.s32 v21, v40;
	[tilespmem:v48+s26+$0x0] =	vst.idx.msk $0xffff, v63  }
0x86: {  	v60 =	vmov s20;
	[tilespmem:v49+s26+$0x0] =	vst.idx.msk $0xffff, v59;
	v49 =	vadd.s32 v10, v34;
	v61 =	vmul.f32 $8.000000000e+00, v53;
	v58 =	vld [tilespmem:s15+$0xFFFFFFD0]  }
0x87: {  	v42 =	vshrl.u32 v60, $0x3;
	v56 =	vadd.s32 v32, v39;
	v60 =	vmul.f32 $8.000000000e+00, v52;
	v55 =	vld [tilespmem:s15+$0xFFFFFF50]  }
0x88: {  	s31 =	sadd.s32 $0x1, s20;
	v57 =	vld [tilespmem:s15+$0xFFFFFF90];
	[tilespmem:v62+s26+$0x0] =	vst.idx.msk $0xffff, v61;
	v38 =	vmul.f32 $8.000000000e+00, v47;
	v47 =	vmul.f32 $8.000000000e+00, v51;
	v51 =	vadd.s32 v15, v36  }
0x89: {  	v54 =	vmov s31;
	v53 =	vadd.s32 v25, v41;
	[tilespmem:v43+s26+$0x0] =	vst.idx.msk $0xffff, v60;
	v43 =	vmul.f32 $8.000000000e+00, v50  }
0x8a: {  	s9 =	sadd.s32 $0x4, s20;
	s10 =	sadd.s32 $0x5, s20;
	v54 =	vshrl.u32 v54, $0x3;
	[tilespmem:v45+s26+$0x0] =	vst.idx.msk $0xffff, v38;
	v50 =	vadd.s32 v29, v37;
	v59 =	vld [tilespmem:s15+$0x10]  }
0x8b: {  	s7 =	sadd.s32 $0x2, s20;
	v44 =	vmov s9;
	v46 =	vmov s10;
	v60 =	vld [tilespmem:s15+$0x50];
	v63 =	vmul.f32 $8.000000000e+00, v58;
	[tilespmem:v49+s26+$0x0] =	vst.idx.msk $0xffff, v43  }
0x8c: {  	v52 =	vmov s7;
	[tilespmem:v56+s26+$0x0] =	vst.idx.msk $0xffff, v47;
	v49 =	vmul.f32 $8.000000000e+00, v55;
	v55 =	vadd.s32 v6, v35;
	v61 =	vld [tilespmem:s15+$0x90]  }
0x8d: {  	s8 =	sadd.s32 $0x3, s20;
	v52 =	vshrl.u32 v52, $0x3;
	v62 =	vmul.f32 $8.000000000e+00, v57;
	v45 =	vadd.s32 v5, v33;
	v47 =	vld [tilespmem:s15+$0xE0];
	[tilespmem:v51+s26+$0x0] =	vst.idx.msk $0xffff, v63  }
0x8e: {  	v48 =	vmov s8;
	v0 =	vadd.s32 v18, v36;
	v56 =	vld [tilespmem:s15+$0xFFFFFF20];
	[tilespmem:v53+s26+$0x0] =	vst.idx.msk $0xffff, v49;
	v53 =	vadd.s32 v14, v34  }
0x8f: {  	v38 =	vshll.u32 v42, v1;
	v57 =	vld [tilespmem:s15+$0xFFFFFF60];
	[tilespmem:v50+s26+$0x0] =	vst.idx.msk $0xffff, v62;
	v50 =	vadd.s32 v4, v40;
	v42 =	vmul.f32 $8.000000000e+00, v59  }
0x90: {  	v48 =	vshrl.u32 v48, $0x3;
	v58 =	vadd.s32 v17, v39;
	v49 =	vmul.f32 $8.000000000e+00, v60;
	v62 =	vld [tilespmem:s15+$0xFFFFFFE0]  }
0x91: {  	s31 =	sadd.s32 $0x6, s20;
	v51 =	vadd.s32 v16, v41;
	v60 =	vshrl.u32 v44, $0x3;
	v59 =	vld [tilespmem:s15+$0xFFFFFFA0];
	[tilespmem:v55+s26+$0x0] =	vst.idx.msk $0xffff, v42;
	v44 =	vmul.f32 $8.000000000e+00, v61  }
0x92: {  	v43 =	vmov s31;
	v41 =	vadd.s32 v8, v41;
	[tilespmem:v45+s26+$0x0] =	vst.idx.msk $0xffff, v49;
	v45 =	vmul.f32 $8.000000000e+00, v47;
	v63 =	vld [tilespmem:s15+$0x20]  }
0x93: {  	v61 =	vshrl.u32 v46, $0x3;
	v46 =	vadd.s32 v24, v37;
	v55 =	vmul.f32 $8.000000000e+00, v56;
	v2 =	vld [tilespmem:s15+$0x60];
	[tilespmem:v53+s26+$0x0] =	vst.idx.msk $0xffff, v44  }
0x94: {  	p1 =	slt.u32 s20, $0x78;
	v47 =	vshll.u32 v54, v1;
	v49 =	vmul.f32 $8.000000000e+00, v57;
	v57 =	vadd.s32 v22, v35;
	[tilespmem:v50+s26+$0x0] =	vst.idx.msk $0xffff, v45;
	v3 =	vld [tilespmem:s15+$0xA0]  }
.Ltmp2:
0x95: {  	v42 =	vshrl.u32 v43, $0x3;
	[tilespmem:v58+s26+$0x0] =	vst.idx.msk $0xffff, v55;
	v55 =	vadd.s32 v26, v33;
	v62 =	vmul.f32 $8.000000000e+00, v62;
	v56 =	vld [tilespmem:s15+$0xF0];
	(pc) =	sbr.rel @p1 .LBB2_3-.Ltmp2, $4  }
0x96: {  	v44 =	vshll.u32 v52, v1;
	v45 =	vshll.u32 v48, v1;
	v43 =	vmul.f32 $8.000000000e+00, v59;
	v50 =	vld [tilespmem:s15+$0xFFFFFF30];
	[tilespmem:v51+s26+$0x0] =	vst.idx.msk $0xffff, v49  }
0x97: {  	v53 =	vadd.s32 v19, v40;
	v48 =	vadd.s32 v12, v39;
	[tilespmem:v0+s26+$0x0] =	vst.idx.msk $0xffff, v62;
	v52 =	vld [tilespmem:s15+$0xFFFFFF70];
	v63 =	vmul.f32 $8.000000000e+00, v63  }
0x98: {  	v38 =	vbroadcast v38, $0x0;
	v51 =	vadd.s32 v30, v34;
	[tilespmem:v46+s26+$0x0] =	vst.idx.msk $0xffff, v43;
	v46 =	vshll.u32 v60, v1;
	v54 =	vld [tilespmem:s15+$0xFFFFFFF0]  }
0x99: {  	s4 =	sadd.s32 $0x7, s20;
	s20 =	sadd.s32 $0x8, s20;
	v39 =	vmul.f32 $8.000000000e+00, v2;
	v43 =	vshll.u32 v61, v1;
	v49 =	vld [tilespmem:s15+$0xFFFFFFB0];
	[tilespmem:v57+s26+$0x0] =	vst.idx.msk $0xffff, v63;
	v40 =	vmul.f32 $8.000000000e+00, v3  }
0x9a: {  	_ =	sdelay $0x3  }
0x9b: {  	v2 =	vadd.s32 v27, v37;
	v3 =	vld [tilespmem:s15+$0x30];
	v63 =	vmul.f32 $8.000000000e+00, v56;
	[tilespmem:v55+s26+$0x0] =	vst.idx.msk $0xffff, v39  }
0x9c: {  	v36 =	vadd.s32 v31, v36;
	v55 =	vmul.f32 $8.000000000e+00, v50;
	[tilespmem:v51+s26+$0x0] =	vst.idx.msk $0xffff, v40;
	v56 =	vld [tilespmem:s15+$0x70]  }
0x9d: {  	v35 =	vadd.s32 v11, v35;
	v59 =	vmul.f32 $8.000000000e+00, v52;
	v51 =	vld [tilespmem:s15+$0xB0];
	[tilespmem:v53+s26+$0x0] =	vst.idx.msk $0xffff, v63  }
0x9e: {  	v33 =	vadd.s32 v13, v33;
	[tilespmem:v48+s26+$0x0] =	vst.idx.msk $0xffff, v55;
	v60 =	vmul.f32 $8.000000000e+00, v49  }
0x9f: {  	v34 =	vadd.s32 v9, v34;
	s15 =	sadd.s32 $0x200, s15;
	v62 =	vmul.f32 $8.000000000e+00, v54;
	[tilespmem:v41+s26+$0x0] =	vst.idx.msk $0xffff, v59  }
0xa0: {  	v0 =	vmov s4;
	v37 =	vld [tilespmem:s15+$0xC0];
	[tilespmem:v2+s26+$0x0] =	vst.idx.msk $0xffff, v60;
	v2 =	vmul.f32 $8.000000000e+00, v3  }
0xa1: {  	v0 =	vshrl.u32 v0, $0x3;
	v61 =	vld [tilespmem:s15+$0xFFFFFF00];
	[tilespmem:v36+s26+$0x0] =	vst.idx.msk $0xffff, v62;
	v59 =	vmul.f32 $8.000000000e+00, v56  }
0xa2: {  	v0 =	vshll.u32 v0, v1;
	v63 =	vld [tilespmem:s15+$0xFFFFFF40];
	[tilespmem:v35+s26+$0x0] =	vst.idx.msk $0xffff, v2;
	v2 =	vmul.f32 $8.000000000e+00, v51  }
0xa3: {  	v0 =	vbroadcast v0, $0x0;
	v55 =	vld [tilespmem:$0x1FE90];
	[tilespmem:v33+s26+$0x0] =	vst.idx.msk $0xffff, v59  }
0xa4: {  	v52 =	vld [tilespmem:$0x1FED0];
	[tilespmem:v34+s26+$0x0] =	vst.idx.msk $0xffff, v2  }
0xa5: {  	v47 =	vbroadcast v47, $0x0;
	v57 =	vadd.s32 v23, v0;
	v54 =	vld [tilespmem:$0x1FF10]  }
0xa6: {  	v44 =	vbroadcast v44, $0x0;
	v58 =	vld [tilespmem:s15+$0xFFFFFF80];
	v3 =	vadd.s32 v20, v38  }
0xa7: {  	v42 =	vshll.u32 v42, v1;
	v45 =	vbroadcast v45, $0x0;
	v40 =	vadd.s32 v28, v47;
	v50 =	vld [tilespmem:s15+$0xFFFFFFC0]  }
0xa8: {  	v46 =	vbroadcast v46, $0x0;
	v51 =	vld [tilespmem:s15+$0x0];
	v37 =	vmul.f32 $8.000000000e+00, v37;
	v35 =	vadd.s32 v55, v44  }
0xa9: {  	v43 =	vbroadcast v43, $0x0;
	v62 =	vld [tilespmem:s15+$0x40];
	v60 =	vmul.f32 $8.000000000e+00, v61;
	v61 =	vadd.s32 v52, v45  }
0xaa: {  	v42 =	vbroadcast v42, $0x0;
	v41 =	vld [tilespmem:s15+$0x80];
	v2 =	vmul.f32 $8.000000000e+00, v63;
	[tilespmem:v57+s26+$0x0] =	vst.idx.msk $0xffff, v37;
	v34 =	vadd.s32 v54, v46  }
0xab: {  	v33 =	vadd.s32 v7, v43;
	[tilespmem:v3+s26+$0x0] =	vst.idx.msk $0xffff, v60;
	v3 =	vmul.f32 $8.000000000e+00, v58;
	v37 =	vld [tilespmem:s15+$0xD0]  }
0xac: {  	v63 =	vld [tilespmem:s15+$0xFFFFFF10];
	[tilespmem:v40+s26+$0x0] =	vst.idx.msk $0xffff, v2;
	v2 =	vmul.f32 $8.000000000e+00, v50;
	v40 =	vadd.s32 v10, v42  }
0xad: {  	v58 =	vadd.s32 v21, v0;
	v49 =	vld [tilespmem:s15+$0xFFFFFF50];
	[tilespmem:v35+s26+$0x0] =	vst.idx.msk $0xffff, v3;
	v3 =	vmul.f32 $8.000000000e+00, v51  }
0xae: {  	v59 =	vadd.s32 v32, v38;
	v60 =	vld [tilespmem:s15+$0xFFFFFF90];
	[tilespmem:v61+s26+$0x0] =	vst.idx.msk $0xffff, v2;
	v2 =	vmul.f32 $8.000000000e+00, v62  }
0xaf: {  	v61 =	vadd.s32 v25, v47;
	v62 =	vld [tilespmem:s15+$0xFFFFFFD0];
	[tilespmem:v34+s26+$0x0] =	vst.idx.msk $0xffff, v3;
	v3 =	vmul.f32 $8.000000000e+00, v41  }
0xb0: {  	v34 =	vadd.s32 v29, v44;
	v41 =	vld [tilespmem:s15+$0x10];
	[tilespmem:v33+s26+$0x0] =	vst.idx.msk $0xffff, v2;
	v2 =	vmul.f32 $8.000000000e+00, v37  }
0xb1: {  	v63 =	vmul.f32 $8.000000000e+00, v63;
	v37 =	vadd.s32 v15, v45;
	v39 =	vld [tilespmem:s15+$0x50];
	[tilespmem:v40+s26+$0x0] =	vst.idx.msk $0xffff, v3  }
0xb2: {  	v3 =	vmul.f32 $8.000000000e+00, v49;
	v40 =	vadd.s32 v6, v46;
	v49 =	vld [tilespmem:s15+$0x90];
	[tilespmem:v58+s26+$0x0] =	vst.idx.msk $0xffff, v2  }
0xb3: {  	[tilespmem:v59+s26+$0x0] =	vst.idx.msk $0xffff, v63;
	v58 =	vadd.s32 v5, v43;
	v2 =	vmul.f32 $8.000000000e+00, v60;
	v35 =	vld [tilespmem:s15+$0xE0]  }
0xb4: {  	v36 =	vadd.s32 v14, v42;
	v50 =	vld [tilespmem:s15+$0xFFFFFF20];
	[tilespmem:v61+s26+$0x0] =	vst.idx.msk $0xffff, v3;
	v3 =	vmul.f32 $8.000000000e+00, v62  }
0xb5: {  	v48 =	vld [tilespmem:s15+$0xFFFFFF60];
	[tilespmem:v34+s26+$0x0] =	vst.idx.msk $0xffff, v2;
	v2 =	vmul.f32 $8.000000000e+00, v41;
	v34 =	vadd.s32 v4, v0  }
0xb6: {  	v41 =	vadd.s32 v17, v38;
	v51 =	vld [tilespmem:s15+$0xFFFFFFA0];
	[tilespmem:v37+s26+$0x0] =	vst.idx.msk $0xffff, v3;
	v3 =	vmul.f32 $8.000000000e+00, v39  }
0xb7: {  	v37 =	vadd.s32 v16, v47;
	v39 =	vld [tilespmem:s15+$0xFFFFFFE0];
	[tilespmem:v40+s26+$0x0] =	vst.idx.msk $0xffff, v2;
	v2 =	vmul.f32 $8.000000000e+00, v49  }
0xb8: {  	v40 =	vadd.s32 v24, v44;
	v49 =	vld [tilespmem:s15+$0x20];
	[tilespmem:v58+s26+$0x0] =	vst.idx.msk $0xffff, v3;
	v3 =	vmul.f32 $8.000000000e+00, v35  }
0xb9: {  	v58 =	vmul.f32 $8.000000000e+00, v50;
	v35 =	vadd.s32 v18, v45;
	v63 =	vld [tilespmem:s15+$0x60];
	[tilespmem:v36+s26+$0x0] =	vst.idx.msk $0xffff, v2  }
0xba: {  	v2 =	vmul.f32 $8.000000000e+00, v48;
	v36 =	vadd.s32 v22, v46;
	v48 =	vld [tilespmem:s15+$0xA0];
	[tilespmem:v34+s26+$0x0] =	vst.idx.msk $0xffff, v3  }
0xbb: {  	v33 =	vadd.s32 v26, v43;
	[tilespmem:v41+s26+$0x0] =	vst.idx.msk $0xffff, v58;
	v3 =	vmul.f32 $8.000000000e+00, v51;
	v34 =	vld [tilespmem:s15+$0xF0]  }
0xbc: {  	v41 =	vld [tilespmem:s15+$0xFFFFFF30];
	[tilespmem:v37+s26+$0x0] =	vst.idx.msk $0xffff, v2;
	v51 =	vadd.s32 v30, v42;
	v2 =	vmul.f32 $8.000000000e+00, v39  }
0xbd: {  	v0 =	vadd.s32 v19, v0;
	v58 =	vld [tilespmem:s15+$0xFFFFFF70];
	[tilespmem:v40+s26+$0x0] =	vst.idx.msk $0xffff, v3;
	v3 =	vmul.f32 $8.000000000e+00, v49  }
0xbe: {  	v38 =	vadd.s32 v12, v38;
	v40 =	vld [tilespmem:s15+$0xFFFFFFB0];
	[tilespmem:v35+s26+$0x0] =	vst.idx.msk $0xffff, v2;
	v2 =	vmul.f32 $8.000000000e+00, v63  }
0xbf: {  	v35 =	vadd.s32 v8, v47;
	v63 =	vld [tilespmem:s15+$0xFFFFFFF0];
	[tilespmem:v36+s26+$0x0] =	vst.idx.msk $0xffff, v3;
	v3 =	vmul.f32 $8.000000000e+00, v48  }
0xc0: {  	v36 =	vadd.s32 v27, v44;
	v44 =	vld [tilespmem:s15+$0x30];
	[tilespmem:v33+s26+$0x0] =	vst.idx.msk $0xffff, v2;
	v2 =	vmul.f32 $8.000000000e+00, v34  }
0xc1: {  	v49 =	vadd.s32 v31, v45;
	v48 =	vmul.f32 $8.000000000e+00, v41;
	v50 =	vld [tilespmem:s15+$0x70];
	[tilespmem:v51+s26+$0x0] =	vst.idx.msk $0xffff, v3  }
0xc2: {  	v3 =	vmul.f32 $8.000000000e+00, v58;
	v51 =	vadd.s32 v11, v46;
	v58 =	vld [tilespmem:s15+$0xB0];
	[tilespmem:v0+s26+$0x0] =	vst.idx.msk $0xffff, v2  }
0xc3: {  	[tilespmem:v38+s26+$0x0] =	vst.idx.msk $0xffff, v48;
	v2 =	vadd.s32 v13, v43;
	v0 =	vmul.f32 $8.000000000e+00, v40  }
0xc4: {  	[tilespmem:v35+s26+$0x0] =	vst.idx.msk $0xffff, v3;
	v3 =	vmul.f32 $8.000000000e+00, v63;
	v63 =	vadd.s32 v9, v42  }
0xc5: {  	[tilespmem:v36+s26+$0x0] =	vst.idx.msk $0xffff, v0;
	v0 =	vmul.f32 $8.000000000e+00, v44  }
0xc6: {  	s20 =	sshll.u32 s28, $0x15;
	[tilespmem:v49+s26+$0x0] =	vst.idx.msk $0xffff, v3;
	v3 =	vmul.f32 $8.000000000e+00, v50  }
0xc7: {  	s4 =	sor.u32 s11, s20;
	[tilespmem:v51+s26+$0x0] =	vst.idx.msk $0xffff, v0;
	v0 =	vmul.f32 $8.000000000e+00, v58  }
0xc8: {  	s7 =	rddreg [dreg:$0x2];
	s31 =	sshrl.u32 s4, $0x3;
	[tilespmem:v2+s26+$0x0] =	vst.idx.msk $0xffff, v3  }
0xc9: {  	s8 =	simm.s32 $0x16400;
	s9 =	sadd.s32 s7, s31;
	[tilespmem:v63+s26+$0x0] =	vst.idx.msk $0xffff, v0  }
0xca: {  	[hbm4b:s9+s3] =	stream.linear.scatter [tilespmem:s8], [sflag:$0x9], $0x80, $0x38;
	[tilespmem:$0x1EC00] =	vst v63  }
0xcb: {  	s10 =	simm.s32 $0x16488;
	s7 =	sadd.s32 $0x10, s9  }
0xcc: {  	[hbm4b:s7+s3] =	stream.linear.scatter [tilespmem:s10], [sflag:$0x9], $0x80, $0x38;
	[tilespmem:$0x1EC00] =	vst v63  }
0xcd: {  	s20 =	sadd.s32 $0x20, s9;
	s15 =	simm.s32 $0x16510  }
0xce: {  	[hbm4b:s20+s3] =	stream.linear.scatter [tilespmem:s15], [sflag:$0x9], $0x80, $0x38;
	[tilespmem:$0x1EC00] =	vst v63  }
0xcf: {  	s8 =	simm.s32 $0x16598;
	s10 =	sadd.s32 $0x30, s9  }
0xd0: {  	[hbm4b:s10+s3] =	stream.linear.scatter [tilespmem:s8], [sflag:$0x9], $0x80, $0x38;
	[tilespmem:$0x1EC00] =	vst v63  }
0xd1: {  	s15 =	simm.s32 $0x16620;
	s20 =	sadd.s32 $0x40, s9  }
0xd2: {  	v57 =	vmov v21;
	v21 =	vmov v29;
	v29 =	vmov v15;
	[hbm4b:s20+s3] =	stream.linear.scatter [tilespmem:s15], [sflag:$0x9], $0x80, $0x38;
	[tilespmem:$0x1EC00] =	vst v63  }
0xd3: {  	v53 =	vmovc v6;
	s4 =	simm.s32 $0x440;
	v56 =	vmovc v7;
	v7 =	vmov v10;
	v10 =	vmov v25;
	v59 =	vmov v5;
	s8 =	simm.s32 $0x166A8;
	s10 =	sadd.s32 $0x50, s9  }
0xd4: {  	v26 =	vmovc v30;
	v15 =	vmovc v57;
	v25 =	vmov v29;
	v6 =	vmov v4;
	v5 =	vmov v32;
	[hbm4b:s10+s3] =	stream.linear.scatter [tilespmem:s8], [sflag:$0x9], $0x80, $0x38;
	[tilespmem:$0x1EC00] =	vst v63  }
0xd5: {  	v29 =	vmovc v52;
	v60 =	vmovc v14;
	v61 =	vmov v16;
	v14 =	vmov v17;
	v62 =	vmov v18;
	s7 =	simm.s32 $0x167B8;
	s15 =	simm.s32 $0x16730;
	s20 =	sadd.s32 $0x60, s9  }
0xd6: {  	v17 =	vmovc v54;
	v16 =	vmovc v24;
	v24 =	vmov v7;
	v18 =	vmov v22;
	v22 =	vmov v56;
	[hbm4b:s20+s3] =	stream.linear.scatter [tilespmem:s15], [sflag:$0x9], $0x80, $0x38;
	[tilespmem:$0x1EC00] =	vst v63  }
0xd7: {  	v30 =	vmovc v19;
	v13 =	vmovc v28;
	v40 =	vmov v53;
	v9 =	vmov v20;
	v20 =	vmov v55;
	s8 =	sadd.s32 $0x70, s9;
	s20 =	simm.s32 $0x2200;
	s15 =	sadd.s32 $0x1000, s9  }
.LBB2_5:
0xd8: {  	[hbm4b:s8+s3] =	stream.linear.scatter [tilespmem:s7], [sflag:$0x9], $0x80, $0x38;
	[tilespmem:$0x1EC00] =	vst v63  }
0xd9: {  	s7 =	smov.u32 s4;
	s4 =	smov.u32 s20  }
0xda: {  	s9 =	sadd.s32 $0x1100, s20;
	s4 =	sshra.s32 s4, $0x2;
	s8 =	sadd.s32 $0x16400, s7  }
0xdb: {  	[hbm4b:s15+s3] =	stream.linear.scatter [tilespmem:s8], [sflag:$0x9], $0x80, $0x38;
	[tilespmem:$0x1EC00] =	vst v63  }
0xdc: {  	p1 =	sne.s32 s20, $0x7700;
	s20 =	sadd.s32 $0x10, s15;
	s8 =	sadd.s32 $0x16488, s7  }
0xdd: {  	[hbm4b:s20+s3] =	stream.linear.scatter [tilespmem:s8], [sflag:$0x9], $0x80, $0x38;
	[tilespmem:$0x1EC00] =	vst v63  }
0xde: {  	s8 =	sadd.s32 $0x16510, s7;
	s20 =	sadd.s32 $0x20, s15  }
0xdf: {  	[hbm4b:s20+s3] =	stream.linear.scatter [tilespmem:s8], [sflag:$0x9], $0x80, $0x38;
	[tilespmem:$0x1EC00] =	vst v63  }
0xe0: {  	s8 =	sadd.s32 $0x16598, s7;
	s20 =	sadd.s32 $0x30, s15  }
0xe1: {  	[hbm4b:s20+s3] =	stream.linear.scatter [tilespmem:s8], [sflag:$0x9], $0x80, $0x38;
	[tilespmem:$0x1EC00] =	vst v63  }
0xe2: {  	s8 =	sadd.s32 $0x16620, s7;
	s20 =	sadd.s32 $0x40, s15  }
0xe3: {  	[hbm4b:s20+s3] =	stream.linear.scatter [tilespmem:s8], [sflag:$0x9], $0x80, $0x38;
	[tilespmem:$0x1EC00] =	vst v63  }
.Ltmp3:
0xe4: {  	s8 =	sadd.s32 $0x166A8, s7;
	s20 =	sadd.s32 $0x50, s15;
	(pc) =	sbr.rel @p1 .LBB2_5-.Ltmp3, $4  }
0xe5: {  	[hbm4b:s20+s3] =	stream.linear.scatter [tilespmem:s8], [sflag:$0x9], $0x80, $0x38;
	[tilespmem:$0x1EC00] =	vst v63  }
0xe6: {  	s8 =	sadd.s32 $0x16730, s7;
	s20 =	sadd.s32 $0x60, s15;
	s7 =	sadd.s32 $0x167B8, s7  }
0xe7: {  	[hbm4b:s20+s3] =	stream.linear.scatter [tilespmem:s8], [sflag:$0x9], $0x80, $0x38;
	[tilespmem:$0x1EC00] =	vst v63  }
0xe8: {  	s8 =	sadd.s32 $0x70, s15;
	s15 =	sadd.s32 $0x1000, s15;
	s20 =	smov.u32 s9  }
0xe9: {  	[hbm4b:s8+s3] =	stream.linear.scatter [tilespmem:s7], [sflag:$0x9], $0x80, $0x38;
	[tilespmem:$0x1EC00] =	vst v63  }
0xea: {  	s9 =	sadd.s32 $0x16400, s4  }
0xeb: {  	[hbm4b:s15+s3] =	stream.linear.scatter [tilespmem:s9], [sflag:$0x9], $0x80, $0x38;
	[tilespmem:$0x1EC00] =	vst v63  }
0xec: {  	s10 =	sadd.s32 $0x16488, s4;
	s20 =	sadd.s32 $0x10, s15  }
0xed: {  	[hbm4b:s20+s3] =	stream.linear.scatter [tilespmem:s10], [sflag:$0x9], $0x80, $0x38;
	[tilespmem:$0x1EC00] =	vst v63  }
0xee: {  	s8 =	sadd.s32 $0x16510, s4;
	s9 =	sadd.s32 $0x20, s15  }
0xef: {  	[hbm4b:s9+s3] =	stream.linear.scatter [tilespmem:s8], [sflag:$0x9], $0x80, $0x38;
	[tilespmem:$0x1EC00] =	vst v63  }
0xf0: {  	s10 =	sadd.s32 $0x16598, s4;
	s20 =	sadd.s32 $0x30, s15  }
0xf1: {  	[hbm4b:s20+s3] =	stream.linear.scatter [tilespmem:s10], [sflag:$0x9], $0x80, $0x38;
	[tilespmem:$0x1EC00] =	vst v63  }
0xf2: {  	s8 =	sadd.s32 $0x16620, s4;
	s9 =	sadd.s32 $0x40, s15  }
0xf3: {  	[hbm4b:s9+s3] =	stream.linear.scatter [tilespmem:s8], [sflag:$0x9], $0x80, $0x38;
	[tilespmem:$0x1EC00] =	vst v63  }
0xf4: {  	s10 =	sadd.s32 $0x166A8, s4;
	s20 =	sadd.s32 $0x50, s15  }
0xf5: {  	[hbm4b:s20+s3] =	stream.linear.scatter [tilespmem:s10], [sflag:$0x9], $0x80, $0x38;
	[tilespmem:$0x1EC00] =	vst v63  }
0xf6: {  	s8 =	sadd.s32 $0x16730, s4;
	s9 =	sadd.s32 $0x60, s15  }
0xf7: {  	[hbm4b:s9+s3] =	stream.linear.scatter [tilespmem:s8], [sflag:$0x9], $0x80, $0x38;
	[tilespmem:$0x1EC00] =	vst v63  }
0xf8: {  	s7 =	simm.s32 $0x2;
	s8 =	sshll.u32 s28, $0xA  }
0xf9: {  	s10 =	sadd.s32 $0x167B8, s4;
	s20 =	sadd.s32 $0x70, s15;
	s15 =	sand.u32 $0x3FFFFC00, s8  }
0xfa: {  	[hbm4b:s20+s3] =	stream.linear.scatter [tilespmem:s10], [sflag:$0x9], $0x80, $0x38;
	[tilespmem:$0x1EC00] =	vst v63  }
0xfb: {  	v3 =	vmov s7;
	s7 =	simm.s32 $0x7;
	s9 =	simm.s32 $0xE400;
	s4 =	sor.u32 $0x200, s15  }
0xfc: {  	[tilespmem:s9], [sflag:$0x5] =	stream.indirect.gather [hbm4b:s5+s18], $0x40, s4, s18, $0xb8;
	[tilespmem:$0x1EC00] =	vst v63  }
0xfd: {  	v37 =	vmov s7;
	_ =	swait.ge [sflag:s29], $0x2000  }
0xfe: {  	v37 =	vshrl.u32 v37, $0x3;
	s8 =	simm.s32 $0x3;
	[sflag:s29] =	ssyncset.done $0x0  }
0xff: {  	v3 =	vshrl.u32 v3, $0x3;
	v37 =	vshll.u32 v37, v1;
	s10 =	simm.s32 $0x0;
	v33 =	vmov s8;
	s8 =	simm.s32 @!p0 $0xA;
	[sflag:s29] =	ssyncadd.s32 $0xFFFFE000  }
0x100: {  	v3 =	vshll.u32 v3, v1;
	v41 =	vbroadcast v37, $0x0;
	s20 =	simm.s32 $0x1;
	v0 =	vmov s10;
	_ =	swait.ge @!p0 [sflag:s8], $0x2000  }
0x101: {  	v37 =	vbroadcast v3, $0x0;
	v2 =	vmov s20;
	s20 =	simm.s32 $0x6;
	v0 =	vshrl.u32 v0, $0x3;
	[sflag:s8] =	ssyncset.done @!p0 $0x0  }
0x102: {  	s10 =	simm.s32 $0x5;
	v33 =	vshrl.u32 v33, $0x3;
	v36 =	vmov s20;
	s20 =	simm.s32 $0x85F0;
	v0 =	vshll.u32 v0, v1;
	[sflag:s8] =	ssyncadd.s32 @!p0 $0xFFFFE000  }
0x103: {  	s9 =	simm.s32 $0x4;
	v35 =	vmov s10;
	v2 =	vshrl.u32 v2, $0x3;
	v39 =	vbroadcast v0, $0x0;
	v0 =	vld [tilespmem:s20+$0xFFFFFFD0]  }
0x104: {  	v33 =	vshll.u32 v33, v1;
	v34 =	vmov s9;
	v35 =	vshrl.u32 v35, $0x3;
	v38 =	vld [tilespmem:s20+$0xFFFFFE10]  }
0x105: {  	v36 =	vshrl.u32 v36, $0x3;
	v2 =	vshll.u32 v2, v1;
	v34 =	vshrl.u32 v34, $0x3;
	v42 =	vld [tilespmem:s20+$0xFFFFFE50]  }
0x106: {  	v4 =	vbroadcast v2, $0x0;
	v2 =	vadd.s32 v23, v41;
	v43 =	vshll.u32 v35, v1;
	v45 =	vld [tilespmem:s20+$0xFFFFFE90]  }
0x107: {  	v3 =	vshll.u32 v36, v1;
	v36 =	vbroadcast v33, $0x0;
	v44 =	vadd.s32 v9, v39;
	v47 =	vld [tilespmem:s20+$0xFFFFFED0]  }
0x108: {  	v34 =	vshll.u32 v34, v1;
	v33 =	vbroadcast v43, $0x0;
	v46 =	vadd.s32 v13, v4;
	v51 =	vld [tilespmem:s20+$0xFFFFFF50]  }
0x109: {  	v48 =	vadd.s32 v20, v37;
	v35 =	vbroadcast v34, $0x0;
	v49 =	vld [tilespmem:s20+$0xFFFFFF10];
	v0 =	vmul.f32 $8.000000000e+00, v0  }
0x10a: {  	v34 =	vbroadcast v3, $0x0;
	v3 =	vadd.s32 v22, v33;
	v38 =	vmul.f32 $8.000000000e+00, v38  }
0x10b: {  	v58 =	vadd.s32 v17, v35;
	v52 =	vld [tilespmem:s20+$0xFFFFFF90];
	v42 =	vmul.f32 $8.000000000e+00, v42;
	[tilespmem:v2+s30+$0x0] =	vst.idx.msk $0xffff, v0  }
0x10c: {  	v50 =	vadd.s32 v29, v36;
	[tilespmem:v44+s30+$0x0] =	vst.idx.msk $0xffff, v38;
	v2 =	vmul.f32 $8.000000000e+00, v45;
	v38 =	vld [tilespmem:s20+$0xFFFFFFE0]  }
0x10d: {  	v32 =	vmul.f32 $8.000000000e+00, v51;
	[tilespmem:v46+s30+$0x0] =	vst.idx.msk $0xffff, v42;
	v45 =	vadd.s32 v24, v34;
	v44 =	vld [tilespmem:s20+$0xFFFFFE20]  }
0x10e: {  	v63 =	vmul.f32 $8.000000000e+00, v47;
	v47 =	vld [tilespmem:s20+$0xFFFFFE60];
	[tilespmem:v48+s30+$0x0] =	vst.idx.msk $0xffff, v2;
	v2 =	vmul.f32 $8.000000000e+00, v49;
	v48 =	vadd.s32 v15, v41  }
0x10f: {  	v53 =	vadd.s32 v5, v39;
	[tilespmem:v3+s30+$0x0] =	vst.idx.msk $0xffff, v32;
	v54 =	vld [tilespmem:s20+$0xFFFFFEA0]  }
0x110: {  	v51 =	vadd.s32 v10, v4;
	v57 =	vld [tilespmem:s20+$0xFFFFFF60];
	[tilespmem:v58+s30+$0x0] =	vst.idx.msk $0xffff, v2;
	v2 =	vmul.f32 $8.000000000e+00, v52  }
0x111: {  	[tilespmem:v50+s30+$0x0] =	vst.idx.msk $0xffff, v63;
	v52 =	vadd.s32 v21, v37;
	v56 =	vld [tilespmem:s20+$0xFFFFFF20];
	v3 =	vmul.f32 $8.000000000e+00, v38  }
0x112: {  	v42 =	vadd.s32 v59, v33;
	v55 =	vld [tilespmem:s20+$0xFFFFFEE0];
	v63 =	vmul.f32 $8.000000000e+00, v44;
	[tilespmem:v45+s30+$0x0] =	vst.idx.msk $0xffff, v2  }
0x113: {  	v32 =	vmul.f32 $8.000000000e+00, v47;
	v47 =	vadd.s32 v40, v35;
	v58 =	vld [tilespmem:s20+$0xFFFFFFA0];
	[tilespmem:v48+s30+$0x0] =	vst.idx.msk $0xffff, v3  }
0x114: {  	v44 =	vadd.s32 v25, v36;
	[tilespmem:v53+s30+$0x0] =	vst.idx.msk $0xffff, v63;
	v3 =	vmul.f32 $8.000000000e+00, v54;
	v48 =	vld [tilespmem:s20+$0xFFFFFFF0]  }
0x115: {  	s7 =	simm.s32 $0xB;
	[tilespmem:v51+s30+$0x0] =	vst.idx.msk $0xffff, v32;
	v51 =	vadd.s32 v60, v34;
	v32 =	vmul.f32 $8.000000000e+00, v57;
	v53 =	vld [tilespmem:s20+$0xFFFFFE30]  }
0x116: {  	v50 =	vmov s7;
	[tilespmem:v52+s30+$0x0] =	vst.idx.msk $0xffff, v3;
	v3 =	vmul.f32 $8.000000000e+00, v56;
	v52 =	vadd.s32 v6, v41  }
0x117: {  	v27 =	vmovc v59;
	s10 =	simm.s32 $0xA;
	s8 =	simm.s32 $0x8;
	v59 =	vshrl.u32 v50, $0x3;
	v50 =	vadd.s32 v14, v39;
	v63 =	vmul.f32 $8.000000000e+00, v55;
	v54 =	vld [tilespmem:s20+$0xFFFFFE70];
	[tilespmem:v42+s30+$0x0] =	vst.idx.msk $0xffff, v32  }
0x118: {  	v0 =	vmov s8;
	v49 =	vmov s10;
	s10 =	simm.s32 $0xE;
	v55 =	vld [tilespmem:s20+$0xFFFFFEB0];
	[tilespmem:v47+s30+$0x0] =	vst.idx.msk $0xffff, v3;
	v3 =	vmul.f32 $8.000000000e+00, v58  }
0x119: {  	v0 =	vshrl.u32 v0, $0x3;
	v2 =	vmov s10;
	[tilespmem:v44+s30+$0x0] =	vst.idx.msk $0xffff, v63;
	v63 =	vld [tilespmem:s20+$0xFFFFFF70];
	v56 =	vmul.f32 $8.000000000e+00, v48  }
0x11a: {  	v31 =	vmovc v60;
	s9 =	simm.s32 $0x9;
	v45 =	vadd.s32 v61, v4;
	v42 =	vshrl.u32 v2, $0x3;
	v57 =	vld [tilespmem:s20+$0xFFFFFEF0];
	v2 =	vmul.f32 $8.000000000e+00, v53;
	[tilespmem:v51+s30+$0x0] =	vst.idx.msk $0xffff, v3  }
0x11b: {  	v12 =	vmovc v61;
	v46 =	vmov s9;
	s9 =	simm.s32 $0xD;
	v0 =	vshll.u32 v0, v1;
	v60 =	vadd.s32 v16, v37;
	v61 =	vld [tilespmem:s20+$0xFFFFFF30];
	[tilespmem:v52+s30+$0x0] =	vst.idx.msk $0xffff, v56  }
0x11c: {  	v38 =	vmov s9;
	v6 =	vmovc v14;
	v14 =	vmov v62;
	v62 =	vadd.s32 v62, v36;
	v32 =	vld [tilespmem:s20+$0xFFFFFFB0];
	[tilespmem:v50+s30+$0x0] =	vst.idx.msk $0xffff, v2  }
0x11d: {  	v7 =	vmovc v20;
	v20 =	vmovc v17;
	v58 =	vshrl.u32 v38, $0x3;
	v38 =	vbroadcast v0, $0x0;
	v0 =	vmul.f32 $8.000000000e+00, v54;
	v17 =	vld [tilespmem:$0x1FF70]  }
0x11e: {  	v2 =	vmul.f32 $8.000000000e+00, v55;
	v56 =	vld [tilespmem:s20+$0x0]  }
0x11f: {  	v3 =	vadd.s32 v18, v35;
	v50 =	vld [tilespmem:s20+$0xFFFFFE40];
	[tilespmem:v45+s30+$0x0] =	vst.idx.msk $0xffff, v0  }
0x120: {  	v0 =	vmul.f32 $8.000000000e+00, v57;
	v52 =	vld [tilespmem:s20+$0xFFFFFE80];
	[tilespmem:v60+s30+$0x0] =	vst.idx.msk $0xffff, v2  }
0x121: {  	v49 =	vshrl.u32 v49, $0x3;
	v9 =	vld [tilespmem:$0x1FE40]  }
0x122: {  	v8 =	vmov v13;
	v44 =	vshll.u32 v49, v1;
	v2 =	vmul.f32 $8.000000000e+00, v61;
	v49 =	vld [tilespmem:s20+$0xFFFFFEC0];
	[tilespmem:v62+s30+$0x0] =	vst.idx.msk $0xffff, v0  }
0x123: {  	v0 =	vld [tilespmem:$0x1FE80]  }
0x124: {  	v28 =	vmov v23;
	v11 =	vmov v10;
	s8 =	simm.s32 $0xC;
	v54 =	vld [tilespmem:s20+$0xFFFFFF00];
	[tilespmem:v3+s30+$0x0] =	vst.idx.msk $0xffff, v2  }
0x125: {  	v19 =	vmovc v25;
	v23 =	vmovc v40;
	v10 =	vmov v8;
	v43 =	vmov s8;
	v8 =	vmov v6;
	v6 =	vld [tilespmem:$0x1FE10]  }
0x126: {  	v13 =	vmovc v15;
	v46 =	vshrl.u32 v46, $0x3;
	v43 =	vshrl.u32 v43, $0x3;
	v40 =	vmul.f32 $8.000000000e+00, v32;
	v32 =	vmovc v28;
	v28 =	vld [tilespmem:$0x1FEC0]  }
0x127: {  	v47 =	vshll.u32 v46, v1;
	v53 =	vadd.s32 v30, v41;
	v30 =	vmovc v24;
	v24 =	vmovc v18;
	v18 =	vmov v29;
	v29 =	vld [tilespmem:$0x1FF00]  }
0x128: {  	v15 =	vmovc v21;
	v46 =	vshll.u32 v43, v1;
	v43 =	vshll.u32 v58, v1;
	v21 =	vld [tilespmem:$0x1FF80];
	v55 =	vadd.s32 v17, v33  }
0x129: {  	v51 =	vadd.s32 v26, v34;
	v26 =	vmovc v22;
	v22 =	vmovc v20;
	v20 =	vmov v14;
	v48 =	vadd.s32 v9, v39;
	v9 =	vld [tilespmem:$0x1FF40]  }
0x12a: {  	s4 =	simm.s32 $0x10;
	s7 =	simm.s32 $0xF;
	v14 =	vmovc v7;
	v7 =	vmovc v5;
	v45 =	vshll.u32 v59, v1;
	v25 =	vld [tilespmem:$0x1FFC0];
	v39 =	vmul.f32 $8.000000000e+00, v63;
	v41 =	vadd.s32 v0, v4  }
.LBB2_7:
0x12b: {  	_ = 	snop  }
0x12c: {  	v0 =	vmov s7  }
0x12d: {  	v2 =	vadd.s32 v28, v37;
	v3 =	vld [tilespmem:s20+$0xFFFFFF40];
	v36 =	vadd.s32 v29, v36;
	[tilespmem:v55+s30+$0x0] =	vst.idx.msk $0xffff, v39;
	v63 =	vmul.f32 $8.000000000e+00, v56  }
0x12e: {  	v35 =	vadd.s32 v9, v35;
	v0 =	vshrl.u32 v0, $0x3;
	[tilespmem:v51+s30+$0x0] =	vst.idx.msk $0xffff, v40;
	v57 =	vld [tilespmem:s20+$0xFFFFFF80];
	v56 =	vmul.f32 $8.000000000e+00, v50  }
0x12f: {  	v33 =	vadd.s32 v21, v33;
	v0 =	vshll.u32 v0, v1;
	v59 =	vld [tilespmem:s20+$0xFFFFFFC0];
	s20 =	sadd.s32 $0x200, s20;
	v58 =	vmul.f32 $8.000000000e+00, v52;
	[tilespmem:v53+s30+$0x0] =	vst.idx.msk $0xffff, v63  }
0x130: {  	v42 =	vshll.u32 v42, v1;
	v40 =	vbroadcast v0, $0x0;
	v0 =	vmul.f32 $8.000000000e+00, v49;
	[tilespmem:v48+s30+$0x0] =	vst.idx.msk $0xffff, v56;
	v53 =	vld [tilespmem:s20+$0xFFFFFFD0]  }
0x131: {  	v34 =	vadd.s32 v25, v34;
	v39 =	vmov v38;
	v61 =	vmul.f32 $8.000000000e+00, v54;
	[tilespmem:v41+s30+$0x0] =	vst.idx.msk $0xffff, v58;
	v38 =	vld [tilespmem:s20+$0xFFFFFE10]  }
0x132: {  	v41 =	vbroadcast v47, $0x0;
	v63 =	vadd.s32 v32, v40;
	[tilespmem:v2+s30+$0x0] =	vst.idx.msk $0xffff, v0;
	v0 =	vmul.f32 $8.000000000e+00, v3;
	v62 =	vld [tilespmem:s20+$0xFFFFFE50]  }
0x133: {  	v37 =	vbroadcast v44, $0x0;
	v2 =	vadd.s32 v6, v39;
	[tilespmem:v36+s30+$0x0] =	vst.idx.msk $0xffff, v61;
	v3 =	vld [tilespmem:s20+$0xFFFFFE90];
	v60 =	vmul.f32 $8.000000000e+00, v57  }
0x134: {  	v36 =	vbroadcast v45, $0x0;
	v61 =	vld [tilespmem:s20+$0xFFFFFED0];
	v48 =	vadd.s32 v10, v41;
	[tilespmem:v35+s30+$0x0] =	vst.idx.msk $0xffff, v0;
	v0 =	vmul.f32 $8.000000000e+00, v59  }
0x135: {  	v45 =	vadd.s32 v14, v37;
	v35 =	vbroadcast v46, $0x0;
	v51 =	vld [tilespmem:s20+$0xFFFFFF10];
	[tilespmem:v33+s30+$0x0] =	vst.idx.msk $0xffff, v60;
	v56 =	vmul.f32 $8.000000000e+00, v53  }
0x136: {  	v44 =	vadd.s32 v18, v36;
	v33 =	vbroadcast v43, $0x0;
	v57 =	vld [tilespmem:s20+$0xFFFFFF50];
	[tilespmem:v34+s30+$0x0] =	vst.idx.msk $0xffff, v0;
	v38 =	vmul.f32 $8.000000000e+00, v38  }
0x137: {  	v58 =	vadd.s32 v22, v35;
	v34 =	vbroadcast v42, $0x0;
	v59 =	vld [tilespmem:s20+$0xFFFFFF90];
	v0 =	vmul.f32 $8.000000000e+00, v62;
	[tilespmem:v63+s30+$0x0] =	vst.idx.msk $0xffff, v56  }
0x138: {  	[tilespmem:v2+s30+$0x0] =	vst.idx.msk $0xffff, v38;
	v2 =	vmul.f32 $8.000000000e+00, v3;
	v3 =	vadd.s32 v26, v33;
	v63 =	vld [tilespmem:s20+$0xFFFFFFE0]  }
0x139: {  	v47 =	vadd.s32 v30, v34;
	[tilespmem:v48+s30+$0x0] =	vst.idx.msk $0xffff, v0;
	v0 =	vmul.f32 $8.000000000e+00, v61;
	v60 =	vld [tilespmem:s20+$0xFFFFFE20]  }
0x13a: {  	v61 =	vld [tilespmem:s20+$0xFFFFFE60];
	[tilespmem:v45+s30+$0x0] =	vst.idx.msk $0xffff, v2;
	v2 =	vmul.f32 $8.000000000e+00, v51;
	v45 =	vadd.s32 v13, v40  }
0x13b: {  	v4 =	vld [tilespmem:$0x1FFF0];
	v62 =	vmov s4;
	v53 =	vadd.s32 v7, v39;
	[tilespmem:v44+s30+$0x0] =	vst.idx.msk $0xffff, v0;
	v0 =	vmul.f32 $8.000000000e+00, v57  }
0x13c: {  	v52 =	vadd.s32 v11, v41;
	v42 =	vshrl.u32 v62, $0x3;
	v62 =	vld [tilespmem:s20+$0xFFFFFEA0];
	[tilespmem:v58+s30+$0x0] =	vst.idx.msk $0xffff, v2;
	v2 =	vmul.f32 $8.000000000e+00, v59  }
0x13d: {  	v55 =	vld [tilespmem:s20+$0xFFFFFEE0];
	[tilespmem:v3+s30+$0x0] =	vst.idx.msk $0xffff, v0;
	v0 =	vmul.f32 $8.000000000e+00, v63  }
0x13e: {  	v49 =	vadd.s32 v15, v37;
	v56 =	vld [tilespmem:s20+$0xFFFFFF20];
	v63 =	vmul.f32 $8.000000000e+00, v60;
	[tilespmem:v47+s30+$0x0] =	vst.idx.msk $0xffff, v2  }
0x13f: {  	v60 =	vadd.s32 v19, v36;
	v57 =	vld [tilespmem:s20+$0xFFFFFF60];
	v61 =	vmul.f32 $8.000000000e+00, v61;
	[tilespmem:v45+s30+$0x0] =	vst.idx.msk $0xffff, v0  }
0x140: {  	v50 =	vadd.s32 v23, v35;
	v58 =	vld [tilespmem:s20+$0xFFFFFFA0];
	[tilespmem:v53+s30+$0x0] =	vst.idx.msk $0xffff, v63  }
0x141: {  	s10 =	sadd.s32 $0x3, s4;
	v0 =	vshll.u32 v42, v1;
	v62 =	vmul.f32 $8.000000000e+00, v62;
	v42 =	vadd.s32 v27, v33;
	[tilespmem:v52+s30+$0x0] =	vst.idx.msk $0xffff, v61;
	v53 =	vld [tilespmem:s20+$0xFFFFFE30]  }
0x142: {  	v44 =	vmov s10;
	v63 =	vmul.f32 $8.000000000e+00, v55;
	v52 =	vadd.s32 v31, v34;
	v54 =	vld [tilespmem:s20+$0xFFFFFE70]  }
0x143: {  	v59 =	vshrl.u32 v44, $0x3;
	v44 =	vadd.s32 v8, v39;
	v45 =	vld [tilespmem:s20+$0xFFFFFFF0];
	[tilespmem:v49+s30+$0x0] =	vst.idx.msk $0xffff, v62;
	v38 =	vmul.f32 $8.000000000e+00, v56  }
0x144: {  	s10 =	sadd.s32 $0x6, s4;
	v55 =	vld [tilespmem:s20+$0xFFFFFEB0];
	[tilespmem:v60+s30+$0x0] =	vst.idx.msk $0xffff, v63;
	v46 =	vmul.f32 $8.000000000e+00, v57;
	v57 =	vadd.s32 v12, v41  }
0x145: {  	v2 =	vmov s10;
	v49 =	vadd.s32 v4, v40;
	v60 =	vld [tilespmem:s20+$0xFFFFFEF0];
	[tilespmem:v50+s30+$0x0] =	vst.idx.msk $0xffff, v38;
	v50 =	vmul.f32 $8.000000000e+00, v58  }
0x146: {  	v58 =	vadd.s32 v16, v37;
	v61 =	vld [tilespmem:s20+$0xFFFFFF30];
	[tilespmem:v42+s30+$0x0] =	vst.idx.msk $0xffff, v46;
	v42 =	vshrl.u32 v2, $0x3;
	v2 =	vmul.f32 $8.000000000e+00, v53  }
0x147: {  	v62 =	vadd.s32 v20, v36;
	v38 =	vbroadcast v0, $0x0;
	v63 =	vld [tilespmem:s20+$0xFFFFFF70];
	[tilespmem:v52+s30+$0x0] =	vst.idx.msk $0xffff, v50;
	v0 =	vmul.f32 $8.000000000e+00, v54  }
0x148: {  	v45 =	vmul.f32 $8.000000000e+00, v45;
	v5 =	vld [tilespmem:s20+$0xFFFFFFB0];
	[tilespmem:v44+s30+$0x0] =	vst.idx.msk $0xffff, v2  }
0x149: {  	s8 =	sadd.s32 $0x1, s4;
	v2 =	vmul.f32 $8.000000000e+00, v55;
	[tilespmem:v57+s30+$0x0] =	vst.idx.msk $0xffff, v0;
	v57 =	vld [tilespmem:$0x1FFB0]  }
0x14a: {  	s9 =	sadd.s32 $0x2, s4;
	v48 =	vmov s8;
	s8 =	sadd.s32 $0x4, s4;
	[tilespmem:v49+s30+$0x0] =	vst.idx.msk $0xffff, v45;
	v0 =	vmul.f32 $8.000000000e+00, v60;
	v60 =	vld [tilespmem:$0x1FFE0]  }
0x14b: {  	v43 =	vmov s8;
	v51 =	vmov s9;
	s9 =	sadd.s32 $0x5, s4;
	[tilespmem:v58+s30+$0x0] =	vst.idx.msk $0xffff, v2;
	v2 =	vmul.f32 $8.000000000e+00, v61;
	v61 =	vld [tilespmem:$0x1FE40]  }
0x14c: {  	p1 =	slt.u32 s4, $0x78;
	v48 =	vshrl.u32 v48, $0x3;
	v3 =	vmov s9;
	v4 =	vadd.s32 v24, v35;
	[tilespmem:v62+s30+$0x0] =	vst.idx.msk $0xffff, v0;
	v0 =	vld [tilespmem:$0x1FE80]  }
.Ltmp4:
0x14d: {  	v43 =	vshrl.u32 v43, $0x3;
	v51 =	vshrl.u32 v51, $0x3;
	v3 =	vshrl.u32 v3, $0x3;
	v56 =	vld [tilespmem:s20+$0x0];
	(pc) =	sbr.rel @p1 .LBB2_7-.Ltmp4, $4  }
0x14e: {  	v47 =	vshll.u32 v48, v1;
	v46 =	vshll.u32 v43, v1;
	v43 =	vshll.u32 v3, v1;
	v50 =	vld [tilespmem:s20+$0xFFFFFE40]  }
0x14f: {  	v55 =	vadd.s32 v17, v33;
	v44 =	vshll.u32 v51, v1;
	v45 =	vshll.u32 v59, v1;
	v52 =	vld [tilespmem:s20+$0xFFFFFE80]  }
0x150: {  	v49 =	vld [tilespmem:s20+$0xFFFFFEC0];
	v51 =	vadd.s32 v57, v34;
	v53 =	vadd.s32 v60, v40;
	v40 =	vmul.f32 $8.000000000e+00, v5  }
0x151: {  	s7 =	sadd.s32 $0x7, s4;
	s4 =	sadd.s32 $0x8, s4;
	v54 =	vld [tilespmem:s20+$0xFFFFFF00];
	[tilespmem:v4+s30+$0x0] =	vst.idx.msk $0xffff, v2;
	v48 =	vadd.s32 v61, v39;
	v39 =	vmul.f32 $8.000000000e+00, v63;
	v41 =	vadd.s32 v0, v41  }
0x152: {  	_ =	sdelay $0x3  }
0x153: {  	v0 =	vmov s7;
	v2 =	vadd.s32 v28, v37;
	v3 =	vld [tilespmem:s20+$0xFFFFFF40];
	v4 =	vmul.f32 $8.000000000e+00, v56;
	[tilespmem:v55+s30+$0x0] =	vst.idx.msk $0xffff, v39  }
0x154: {  	v36 =	vadd.s32 v29, v36;
	[tilespmem:v51+s30+$0x0] =	vst.idx.msk $0xffff, v40;
	v0 =	vshrl.u32 v0, $0x3;
	v5 =	vmul.f32 $8.000000000e+00, v50;
	v63 =	vld [tilespmem:s20+$0xFFFFFF80]  }
0x155: {  	v35 =	vadd.s32 v9, v35;
	s4 =	sadd.s32 $0x200, s20;
	v40 =	vld [tilespmem:s20+$0xFFFFFFC0];
	v0 =	vshll.u32 v0, v1;
	v55 =	vmul.f32 $8.000000000e+00, v52;
	[tilespmem:v53+s30+$0x0] =	vst.idx.msk $0xffff, v4  }
0x156: {  	v33 =	vadd.s32 v21, v33;
	v56 =	vld [tilespmem:s4+$0xFFFFFFD0];
	v0 =	vbroadcast v0, $0x0;
	[tilespmem:v48+s30+$0x0] =	vst.idx.msk $0xffff, v5;
	v57 =	vmul.f32 $8.000000000e+00, v49  }
0x157: {  	v42 =	vshll.u32 v42, v1;
	v34 =	vadd.s32 v25, v34;
	v58 =	vld [tilespmem:s4+$0xFFFFFE10];
	[tilespmem:v41+s30+$0x0] =	vst.idx.msk $0xffff, v55;
	v59 =	vmul.f32 $8.000000000e+00, v54  }
0x158: {  	v47 =	vbroadcast v47, $0x0;
	v60 =	vld [tilespmem:s4+$0xFFFFFE50];
	v61 =	vadd.s32 v32, v0;
	[tilespmem:v2+s30+$0x0] =	vst.idx.msk $0xffff, v57;
	v2 =	vmul.f32 $8.000000000e+00, v3  }
0x159: {  	v44 =	vbroadcast v44, $0x0;
	v62 =	vld [tilespmem:s4+$0xFFFFFE90];
	v3 =	vadd.s32 v6, v38;
	[tilespmem:v36+s30+$0x0] =	vst.idx.msk $0xffff, v59;
	v63 =	vmul.f32 $8.000000000e+00, v63  }
0x15a: {  	v45 =	vbroadcast v45, $0x0;
	v50 =	vmovc v21;
	v21 =	vadd.s32 v10, v47;
	v52 =	vld [tilespmem:s4+$0xFFFFFED0];
	[tilespmem:v35+s30+$0x0] =	vst.idx.msk $0xffff, v2;
	v2 =	vmul.f32 $8.000000000e+00, v40  }
0x15b: {  	v46 =	vbroadcast v46, $0x0;
	v53 =	vadd.s32 v14, v44;
	v54 =	vld [tilespmem:s4+$0xFFFFFF10];
	v4 =	vmul.f32 $8.000000000e+00, v56;
	[tilespmem:v33+s30+$0x0] =	vst.idx.msk $0xffff, v63  }
0x15c: {  	v43 =	vbroadcast v43, $0x0;
	v57 =	vld [tilespmem:s4+$0xFFFFFF50];
	v55 =	vmul.f32 $8.000000000e+00, v58;
	v56 =	vadd.s32 v18, v45;
	[tilespmem:v34+s30+$0x0] =	vst.idx.msk $0xffff, v2  }
0x15d: {  	v42 =	vbroadcast v42, $0x0;
	v58 =	vadd.s32 v22, v46;
	v59 =	vld [tilespmem:s4+$0xFFFFFF90];
	v2 =	vmul.f32 $8.000000000e+00, v60;
	[tilespmem:v61+s30+$0x0] =	vst.idx.msk $0xffff, v4  }
0x15e: {  	v60 =	vadd.s32 v26, v43;
	[tilespmem:v3+s30+$0x0] =	vst.idx.msk $0xffff, v55;
	v3 =	vmul.f32 $8.000000000e+00, v62;
	v61 =	vld [tilespmem:s4+$0xFFFFFFE0]  }
0x15f: {  	v62 =	vadd.s32 v30, v42;
	v33 =	vld [tilespmem:s4+$0xFFFFFE20];
	[tilespmem:v21+s30+$0x0] =	vst.idx.msk $0xffff, v2;
	v2 =	vmul.f32 $8.000000000e+00, v52  }
0x160: {  	v14 =	vadd.s32 v13, v0;
	v63 =	vld [tilespmem:s4+$0xFFFFFE60];
	[tilespmem:v53+s30+$0x0] =	vst.idx.msk $0xffff, v3;
	v3 =	vmul.f32 $8.000000000e+00, v54  }
0x161: {  	v18 =	vadd.s32 v7, v38;
	v21 =	vld [tilespmem:s4+$0xFFFFFEA0];
	[tilespmem:v56+s30+$0x0] =	vst.idx.msk $0xffff, v2;
	v2 =	vmul.f32 $8.000000000e+00, v57  }
0x162: {  	v22 =	vadd.s32 v11, v47;
	[tilespmem:v58+s30+$0x0] =	vst.idx.msk $0xffff, v3;
	v3 =	vmul.f32 $8.000000000e+00, v59  }
0x163: {  	v30 =	vadd.s32 v15, v44;
	[tilespmem:v60+s30+$0x0] =	vst.idx.msk $0xffff, v2;
	v2 =	vmul.f32 $8.000000000e+00, v61  }
0x164: {  	v53 =	vmul.f32 $8.000000000e+00, v33;
	[tilespmem:v62+s30+$0x0] =	vst.idx.msk $0xffff, v3  }
0x165: {  	v3 =	vmul.f32 $8.000000000e+00, v63;
	[tilespmem:v14+s30+$0x0] =	vst.idx.msk $0xffff, v2  }
0x166: {  	v26 =	vld [tilespmem:s4+$0xFFFFFEE0];
	[tilespmem:v18+s30+$0x0] =	vst.idx.msk $0xffff, v53;
	v2 =	vmul.f32 $8.000000000e+00, v21  }
0x167: {  	v52 =	vld [tilespmem:s4+$0xFFFFFF20];
	[tilespmem:v22+s30+$0x0] =	vst.idx.msk $0xffff, v3  }
0x168: {  	v55 =	vld [tilespmem:s4+$0xFFFFFF60];
	[tilespmem:v30+s30+$0x0] =	vst.idx.msk $0xffff, v2  }
0x169: {  	v54 =	vadd.s32 v19, v45;
	v21 =	vld [tilespmem:$0x1FFF0]  }
0x16a: {  	v56 =	vadd.s32 v23, v46;
	v57 =	vld [tilespmem:s4+$0xFFFFFFA0]  }
0x16b: {  	v58 =	vadd.s32 v27, v43;
	v40 =	vld [tilespmem:s4+$0xFFFFFE30]  }
0x16c: {  	v59 =	vadd.s32 v31, v42;
	v35 =	vld [tilespmem:s4+$0xFFFFFFF0];
	v3 =	vmul.f32 $8.000000000e+00, v26  }
0x16d: {  	v62 =	vadd.s32 v8, v38;
	v60 =	vld [tilespmem:s4+$0xFFFFFE70];
	v2 =	vmul.f32 $8.000000000e+00, v52  }
0x16e: {  	v63 =	vld [tilespmem:s4+$0xFFFFFEB0];
	[tilespmem:v54+s30+$0x0] =	vst.idx.msk $0xffff, v3;
	v3 =	vmul.f32 $8.000000000e+00, v55;
	v61 =	vadd.s32 v21, v0  }
0x16f: {  	v14 =	vadd.s32 v12, v47;
	[tilespmem:v56+s30+$0x0] =	vst.idx.msk $0xffff, v2;
	v2 =	vmul.f32 $8.000000000e+00, v57  }
0x170: {  	v16 =	vadd.s32 v16, v44;
	v15 =	vld [tilespmem:s4+$0xFFFFFEF0];
	[tilespmem:v58+s30+$0x0] =	vst.idx.msk $0xffff, v3;
	v19 =	vmul.f32 $8.000000000e+00, v40  }
0x171: {  	v3 =	vmul.f32 $8.000000000e+00, v35;
	[tilespmem:v59+s30+$0x0] =	vst.idx.msk $0xffff, v2  }
0x172: {  	v22 =	vadd.s32 v20, v45;
	v18 =	vld [tilespmem:s4+$0xFFFFFF30];
	v2 =	vmul.f32 $8.000000000e+00, v60;
	[tilespmem:v62+s30+$0x0] =	vst.idx.msk $0xffff, v19  }
0x173: {  	v23 =	vld [tilespmem:s4+$0xFFFFFF70];
	[tilespmem:v61+s30+$0x0] =	vst.idx.msk $0xffff, v3;
	v3 =	vmul.f32 $8.000000000e+00, v63  }
0x174: {  	v27 =	vld [tilespmem:s4+$0xFFFFFFB0];
	[tilespmem:v14+s30+$0x0] =	vst.idx.msk $0xffff, v2  }
0x175: {  	v2 =	vmul.f32 $8.000000000e+00, v15;
	v5 =	vld [tilespmem:$0x1FFB0];
	[tilespmem:v16+s30+$0x0] =	vst.idx.msk $0xffff, v3  }
0x176: {  	v39 =	vld [tilespmem:$0x1FFE0]  }
0x177: {  	v49 =	vld [tilespmem:$0x1FE40];
	[tilespmem:v22+s30+$0x0] =	vst.idx.msk $0xffff, v2  }
0x178: {  	v26 =	vadd.s32 v24, v46;
	v53 =	vld [tilespmem:$0x1FE80]  }
0x179: {  	v30 =	vadd.s32 v17, v43;
	v34 =	vld [tilespmem:s4+$0x0]  }
0x17a: {  	v41 =	vld [tilespmem:s4+$0xFFFFFE40];
	v5 =	vadd.s32 v5, v42  }
0x17b: {  	v31 =	vld [tilespmem:s4+$0xFFFFFE80];
	v3 =	vmul.f32 $8.000000000e+00, v18;
	v0 =	vadd.s32 v39, v0  }
0x17c: {  	v52 =	vld [tilespmem:s4+$0xFFFFFEC0];
	v2 =	vmul.f32 $8.000000000e+00, v23;
	v51 =	vadd.s32 v49, v38  }
0x17d: {  	v55 =	vld [tilespmem:s4+$0xFFFFFF00];
	[tilespmem:v26+s30+$0x0] =	vst.idx.msk $0xffff, v3;
	v3 =	vmul.f32 $8.000000000e+00, v27;
	v54 =	vadd.s32 v53, v47  }
0x17e: {  	v56 =	vadd.s32 v28, v44;
	v57 =	vld [tilespmem:s4+$0xFFFFFF40];
	[tilespmem:v30+s30+$0x0] =	vst.idx.msk $0xffff, v2;
	v2 =	vmul.f32 $8.000000000e+00, v34  }
0x17f: {  	v59 =	vadd.s32 v29, v45;
	v58 =	vmul.f32 $8.000000000e+00, v41;
	v60 =	vld [tilespmem:s4+$0xFFFFFF80];
	[tilespmem:v5+s30+$0x0] =	vst.idx.msk $0xffff, v3  }
0x180: {  	v61 =	vadd.s32 v9, v46;
	v3 =	vmul.f32 $8.000000000e+00, v31;
	v62 =	vld [tilespmem:s4+$0xFFFFFFC0];
	[tilespmem:v0+s30+$0x0] =	vst.idx.msk $0xffff, v2  }
0x181: {  	[tilespmem:v51+s30+$0x0] =	vst.idx.msk $0xffff, v58;
	v0 =	vmul.f32 $8.000000000e+00, v52;
	v2 =	vadd.s32 v50, v43  }
0x182: {  	v63 =	vadd.s32 v25, v42;
	[tilespmem:v54+s30+$0x0] =	vst.idx.msk $0xffff, v3;
	v3 =	vmul.f32 $8.000000000e+00, v55  }
0x183: {  	[tilespmem:v56+s30+$0x0] =	vst.idx.msk $0xffff, v0;
	v0 =	vmul.f32 $8.000000000e+00, v57  }
0x184: {  	[tilespmem:v59+s30+$0x0] =	vst.idx.msk $0xffff, v3;
	v3 =	vmul.f32 $8.000000000e+00, v60  }
0x185: {  	[tilespmem:v61+s30+$0x0] =	vst.idx.msk $0xffff, v0;
	v0 =	vmul.f32 $8.000000000e+00, v62  }
0x186: {  	[tilespmem:v2+s30+$0x0] =	vst.idx.msk $0xffff, v3  }
0x187: {  	[tilespmem:v63+s30+$0x0] =	vst.idx.msk $0xffff, v0  }
0x188: {  	s9 =	rddreg [dreg:$0x5]  }
0x189: {  	s10 =	simm.s32 $0x18600;
	s20 =	sadd.s32 s31, s9  }
0x18a: {  	[hbm4b:s20+s3] =	stream.linear.scatter [tilespmem:s10], [sflag:$0xA], $0x80, $0x38;
	[tilespmem:$0x1EC00] =	vst v63  }
0x18b: {  	s7 =	simm.s32 $0x18688;
	s8 =	sadd.s32 $0x10, s20  }
0x18c: {  	[hbm4b:s8+s3] =	stream.linear.scatter [tilespmem:s7], [sflag:$0xA], $0x80, $0x38;
	[tilespmem:$0x1EC00] =	vst v63  }
0x18d: {  	s9 =	simm.s32 $0x18710;
	s10 =	sadd.s32 $0x20, s20  }
0x18e: {  	[hbm4b:s10+s3] =	stream.linear.scatter [tilespmem:s9], [sflag:$0xA], $0x80, $0x38;
	[tilespmem:$0x1EC00] =	vst v63  }
0x18f: {  	s7 =	simm.s32 $0x18798;
	s8 =	sadd.s32 $0x30, s20  }
0x190: {  	[hbm4b:s8+s3] =	stream.linear.scatter [tilespmem:s7], [sflag:$0xA], $0x80, $0x38;
	[tilespmem:$0x1EC00] =	vst v63  }
0x191: {  	s9 =	simm.s32 $0x18820;
	s10 =	sadd.s32 $0x40, s20  }
0x192: {  	[hbm4b:s10+s3] =	stream.linear.scatter [tilespmem:s9], [sflag:$0xA], $0x80, $0x38;
	[tilespmem:$0x1EC00] =	vst v63  }
0x193: {  	s4 =	simm.s32 $0x440;
	s7 =	simm.s32 $0x188A8;
	s8 =	sadd.s32 $0x50, s20  }
0x194: {  	[hbm4b:s8+s3] =	stream.linear.scatter [tilespmem:s7], [sflag:$0xA], $0x80, $0x38;
	[tilespmem:$0x1EC00] =	vst v63  }
0x195: {  	s9 =	simm.s32 $0x18930;
	s10 =	sadd.s32 $0x60, s20;
	s7 =	simm.s32 $0x2200  }
0x196: {  	[hbm4b:s10+s3] =	stream.linear.scatter [tilespmem:s9], [sflag:$0xA], $0x80, $0x38;
	[tilespmem:$0x1EC00] =	vst v63  }
0x197: {  	v9 =	vmov v21;
	v63 =	vmov v13;
	s8 =	simm.s32 $0x189B8;
	s9 =	sadd.s32 $0x70, s20;
	s20 =	sadd.s32 $0x1000, s20  }
.LBB2_9:
0x198: {  	[hbm4b:s9+s3] =	stream.linear.scatter [tilespmem:s8], [sflag:$0xA], $0x80, $0x38;
	[tilespmem:$0x1EC00] =	vst v63  }
0x199: {  	s8 =	smov.u32 s4;
	s4 =	smov.u32 s7  }
0x19a: {  	s10 =	sadd.s32 $0x1100, s7;
	s4 =	sshra.s32 s4, $0x2;
	s9 =	sadd.s32 $0x18600, s8  }
0x19b: {  	[hbm4b:s20+s3] =	stream.linear.scatter [tilespmem:s9], [sflag:$0xA], $0x80, $0x38;
	[tilespmem:$0x1EC00] =	vst v63  }
0x19c: {  	p1 =	sne.s32 s7, $0x7700;
	s7 =	sadd.s32 $0x18688, s8;
	s9 =	sadd.s32 $0x10, s20  }
0x19d: {  	[hbm4b:s9+s3] =	stream.linear.scatter [tilespmem:s7], [sflag:$0xA], $0x80, $0x38;
	[tilespmem:$0x1EC00] =	vst v63  }
0x19e: {  	s7 =	sadd.s32 $0x18710, s8;
	s9 =	sadd.s32 $0x20, s20  }
0x19f: {  	[hbm4b:s9+s3] =	stream.linear.scatter [tilespmem:s7], [sflag:$0xA], $0x80, $0x38;
	[tilespmem:$0x1EC00] =	vst v63  }
0x1a0: {  	s7 =	sadd.s32 $0x18798, s8;
	s9 =	sadd.s32 $0x30, s20  }
0x1a1: {  	[hbm4b:s9+s3] =	stream.linear.scatter [tilespmem:s7], [sflag:$0xA], $0x80, $0x38;
	[tilespmem:$0x1EC00] =	vst v63  }
0x1a2: {  	s7 =	sadd.s32 $0x18820, s8;
	s9 =	sadd.s32 $0x40, s20  }
0x1a3: {  	[hbm4b:s9+s3] =	stream.linear.scatter [tilespmem:s7], [sflag:$0xA], $0x80, $0x38;
	[tilespmem:$0x1EC00] =	vst v63  }
.Ltmp5:
0x1a4: {  	s7 =	sadd.s32 $0x188A8, s8;
	s9 =	sadd.s32 $0x50, s20;
	(pc) =	sbr.rel @p1 .LBB2_9-.Ltmp5, $4  }
0x1a5: {  	[hbm4b:s9+s3] =	stream.linear.scatter [tilespmem:s7], [sflag:$0xA], $0x80, $0x38;
	[tilespmem:$0x1EC00] =	vst v63  }
0x1a6: {  	s7 =	sadd.s32 $0x18930, s8;
	s9 =	sadd.s32 $0x60, s20;
	s8 =	sadd.s32 $0x189B8, s8  }
0x1a7: {  	[hbm4b:s9+s3] =	stream.linear.scatter [tilespmem:s7], [sflag:$0xA], $0x80, $0x38;
	[tilespmem:$0x1EC00] =	vst v63  }
0x1a8: {  	s9 =	sadd.s32 $0x70, s20;
	s20 =	sadd.s32 $0x1000, s20;
	s7 =	smov.u32 s10  }
0x1a9: {  	[hbm4b:s9+s3] =	stream.linear.scatter [tilespmem:s8], [sflag:$0xA], $0x80, $0x38;
	[tilespmem:$0x1EC00] =	vst v63  }
0x1aa: {  	s7 =	sadd.s32 $0x18600, s4  }
0x1ab: {  	[hbm4b:s20+s3] =	stream.linear.scatter [tilespmem:s7], [sflag:$0xA], $0x80, $0x38;
	[tilespmem:$0x1EC00] =	vst v63  }
0x1ac: {  	s9 =	sadd.s32 $0x18688, s4;
	s10 =	sadd.s32 $0x10, s20  }
0x1ad: {  	[hbm4b:s10+s3] =	stream.linear.scatter [tilespmem:s9], [sflag:$0xA], $0x80, $0x38;
	[tilespmem:$0x1EC00] =	vst v63  }
0x1ae: {  	s9 =	sadd.s32 $0x18710, s4;
	s10 =	sadd.s32 $0x20, s20  }
0x1af: {  	[hbm4b:s10+s3] =	stream.linear.scatter [tilespmem:s9], [sflag:$0xA], $0x80, $0x38;
	[tilespmem:$0x1EC00] =	vst v63  }
0x1b0: {  	s9 =	sadd.s32 $0x18798, s4;
	s10 =	sadd.s32 $0x30, s20  }
0x1b1: {  	[hbm4b:s10+s3] =	stream.linear.scatter [tilespmem:s9], [sflag:$0xA], $0x80, $0x38;
	[tilespmem:$0x1EC00] =	vst v63  }
0x1b2: {  	s9 =	sadd.s32 $0x18820, s4;
	s10 =	sadd.s32 $0x40, s20  }
0x1b3: {  	[hbm4b:s10+s3] =	stream.linear.scatter [tilespmem:s9], [sflag:$0xA], $0x80, $0x38;
	[tilespmem:$0x1EC00] =	vst v63  }
0x1b4: {  	s9 =	sadd.s32 $0x188A8, s4;
	s10 =	sadd.s32 $0x50, s20  }
0x1b5: {  	[hbm4b:s10+s3] =	stream.linear.scatter [tilespmem:s9], [sflag:$0xA], $0x80, $0x38;
	[tilespmem:$0x1EC00] =	vst v63  }
0x1b6: {  	s9 =	sadd.s32 $0x18930, s4;
	s10 =	sadd.s32 $0x60, s20  }
0x1b7: {  	[hbm4b:s10+s3] =	stream.linear.scatter [tilespmem:s9], [sflag:$0xA], $0x80, $0x38;
	[tilespmem:$0x1EC00] =	vst v63  }
0x1b8: {  	s8 =	sadd.s32 $0x189B8, s4;
	s9 =	sadd.s32 $0x70, s20  }
0x1b9: {  	[hbm4b:s9+s3] =	stream.linear.scatter [tilespmem:s8], [sflag:$0xA], $0x80, $0x38;
	[tilespmem:$0x1EC00] =	vst v63  }
0x1ba: {  	s10 =	sadd.s32 $0x280, s15;
	s20 =	simm.s32 $0x10400  }
0x1bb: {  	[tilespmem:s20], [sflag:$0x6] =	stream.indirect.gather [hbm4b:s5+s18], $0x40, s10, s18, $0xb8;
	[tilespmem:$0x1EC00] =	vst v63  }
0x1bc: {  	_ =	swait.ge [sflag:s0], $0x2000  }
0x1bd: {  	s9 =	simm.s32 $0x1;
	[sflag:s0] =	ssyncset.done $0x0  }
0x1be: {  	v2 =	vmov s9;
	s9 =	simm.s32 @!p0 $0xB;
	[sflag:s0] =	ssyncadd.s32 $0xFFFFE000  }
0x1bf: {  	s7 =	simm.s32 $0x7;
	s20 =	simm.s32 $0x3;
	_ =	swait.ge @!p0 [sflag:s9], $0x2000  }
0x1c0: {  	v35 =	vmov s7;
	s8 =	simm.s32 $0x0;
	v4 =	vmov s20;
	v22 =	vld [tilespmem:$0x1FFD0]  }
0x1c1: {  	v35 =	vshrl.u32 v35, $0x3;
	v0 =	vmov s8;
	v4 =	vshrl.u32 v4, $0x3;
	v6 =	vld [tilespmem:$0x1FE10]  }
0x1c2: {  	v0 =	vshrl.u32 v0, $0x3;
	v2 =	vshrl.u32 v2, $0x3;
	s20 =	simm.s32 $0x6;
	v4 =	vshll.u32 v4, v1;
	[sflag:s9] =	ssyncset.done @!p0 $0x0;
	v7 =	vld [tilespmem:$0x1FE50]  }
0x1c3: {  	v0 =	vshll.u32 v0, v1;
	v34 =	vmov s20;
	s20 =	simm.s32 $0xA5F0;
	v36 =	vbroadcast v4, $0x0;
	v4 =	vld [tilespmem:$0x1FE90];
	[sflag:s9] =	ssyncadd.s32 @!p0 $0xFFFFE000  }
0x1c4: {  	v35 =	vshll.u32 v35, v1;
	v2 =	vshll.u32 v2, v1;
	v39 =	vbroadcast v0, $0x0;
	v0 =	vld [tilespmem:s20+$0xFFFFFFD0]  }
0x1c5: {  	v41 =	vbroadcast v35, $0x0;
	v40 =	vbroadcast v2, $0x0;
	v38 =	vld [tilespmem:s20+$0xFFFFFE10]  }
0x1c6: {  	s10 =	simm.s32 $0x2;
	v42 =	vld [tilespmem:s20+$0xFFFFFE50]  }
0x1c7: {  	s8 =	simm.s32 $0x4;
	v3 =	vmov s10;
	v2 =	vadd.s32 v22, v41;
	v45 =	vadd.s32 v7, v40;
	v7 =	vld [tilespmem:$0x1FED0]  }
0x1c8: {  	v5 =	vmov s8;
	v3 =	vshrl.u32 v3, $0x3;
	v44 =	vld [tilespmem:s20+$0xFFFFFE90];
	v43 =	vadd.s32 v6, v39  }
0x1c9: {  	v5 =	vshrl.u32 v5, $0x3;
	v3 =	vshll.u32 v3, v1;
	v46 =	vld [tilespmem:s20+$0xFFFFFED0]  }
0x1ca: {  	v5 =	vshll.u32 v5, v1;
	v37 =	vbroadcast v3, $0x0;
	v47 =	vld [tilespmem:s20+$0xFFFFFF10];
	v0 =	vmul.f32 $8.000000000e+00, v0  }
0x1cb: {  	v35 =	vbroadcast v5, $0x0;
	v48 =	vld [tilespmem:s20+$0xFFFFFF50];
	v5 =	vmul.f32 $8.000000000e+00, v38  }
0x1cc: {  	v34 =	vshrl.u32 v34, $0x3;
	v4 =	vadd.s32 v4, v37;
	v56 =	vadd.s32 v7, v36;
	v7 =	vld [tilespmem:$0x1FF10];
	[tilespmem:v2+s1+$0x0] =	vst.idx.msk $0xffff, v0  }
0x1cd: {  	s10 =	simm.s32 $0x5;
	v3 =	vshll.u32 v34, v1;
	v50 =	vld [tilespmem:s20+$0xFFFFFF90];
	v42 =	vmul.f32 $8.000000000e+00, v42;
	[tilespmem:v43+s1+$0x0] =	vst.idx.msk $0xffff, v5  }
0x1ce: {  	v33 =	vmov s10;
	v34 =	vbroadcast v3, $0x0;
	v3 =	vld [tilespmem:$0x1FF50]  }
0x1cf: {  	v33 =	vshrl.u32 v33, $0x3;
	v2 =	vmul.f32 $8.000000000e+00, v44;
	v5 =	vld [tilespmem:s20+$0xFFFFFFE0];
	[tilespmem:v45+s1+$0x0] =	vst.idx.msk $0xffff, v42  }
0x1d0: {  	v33 =	vshll.u32 v33, v1;
	v30 =	vld [tilespmem:$0x1FF90]  }
0x1d1: {  	v33 =	vbroadcast v33, $0x0;
	v57 =	vmul.f32 $8.000000000e+00, v46;
	v43 =	vld [tilespmem:s20+$0xFFFFFE20];
	[tilespmem:v4+s1+$0x0] =	vst.idx.msk $0xffff, v2;
	v49 =	vadd.s32 v7, v35  }
0x1d2: {  	v7 =	vld [tilespmem:$0x1FE20]  }
0x1d3: {  	v59 =	vld [tilespmem:s20+$0xFFFFFE60];
	[tilespmem:v56+s1+$0x0] =	vst.idx.msk $0xffff, v57;
	v3 =	vadd.s32 v3, v33  }
0x1d4: {  	v2 =	vmul.f32 $8.000000000e+00, v47;
	v11 =	vld [tilespmem:$0x1FE60]  }
0x1d5: {  	v52 =	vld [tilespmem:s20+$0xFFFFFEA0];
	v58 =	vadd.s32 v30, v34  }
0x1d6: {  	v60 =	vmul.f32 $8.000000000e+00, v48;
	v4 =	vadd.s32 v63, v41;
	v53 =	vld [tilespmem:s20+$0xFFFFFEE0];
	[tilespmem:v49+s1+$0x0] =	vst.idx.msk $0xffff, v2  }
0x1d7: {  	v51 =	vadd.s32 v7, v39;
	v15 =	vld [tilespmem:$0x1FEA0]  }
0x1d8: {  	v2 =	vmul.f32 $8.000000000e+00, v50;
	v54 =	vld [tilespmem:s20+$0xFFFFFF20];
	[tilespmem:v3+s1+$0x0] =	vst.idx.msk $0xffff, v60  }
0x1d9: {  	v48 =	vadd.s32 v11, v40;
	v3 =	vmul.f32 $8.000000000e+00, v5;
	v19 =	vld [tilespmem:$0x1FEE0]  }
0x1da: {  	v61 =	vmul.f32 $8.000000000e+00, v43;
	v55 =	vld [tilespmem:s20+$0xFFFFFF60];
	[tilespmem:v58+s1+$0x0] =	vst.idx.msk $0xffff, v2  }
0x1db: {  	v23 =	vld [tilespmem:$0x1FF20];
	[tilespmem:v4+s1+$0x0] =	vst.idx.msk $0xffff, v3  }
0x1dc: {  	v32 =	vmul.f32 $8.000000000e+00, v59;
	v56 =	vld [tilespmem:s20+$0xFFFFFFA0];
	[tilespmem:v51+s1+$0x0] =	vst.idx.msk $0xffff, v61;
	v50 =	vadd.s32 v15, v37  }
0x1dd: {  	v27 =	vld [tilespmem:$0x1FF60]  }
0x1de: {  	v60 =	vld [tilespmem:s20+$0xFFFFFFF0];
	[tilespmem:v48+s1+$0x0] =	vst.idx.msk $0xffff, v32;
	v62 =	vadd.s32 v19, v36  }
0x1df: {  	s10 =	simm.s32 $0xA;
	v3 =	vmul.f32 $8.000000000e+00, v52;
	v31 =	vld [tilespmem:$0x1FFA0]  }
0x1e0: {  	v47 =	vmov s10;
	v51 =	vld [tilespmem:s20+$0xFFFFFE30];
	v46 =	vadd.s32 v23, v35  }
0x1e1: {  	v52 =	vshrl.u32 v47, $0x3;
	v61 =	vmul.f32 $8.000000000e+00, v53;
	v47 =	vld [tilespmem:s20+$0xFFFFFE70];
	[tilespmem:v50+s1+$0x0] =	vst.idx.msk $0xffff, v3  }
0x1e2: {  	v4 =	vadd.s32 v27, v33;
	v8 =	vld [tilespmem:$0x1FE30]  }
0x1e3: {  	v3 =	vmul.f32 $8.000000000e+00, v54;
	v57 =	vld [tilespmem:s20+$0xFFFFFEB0];
	[tilespmem:v62+s1+$0x0] =	vst.idx.msk $0xffff, v61  }
0x1e4: {  	v48 =	vadd.s32 v31, v34;
	v12 =	vld [tilespmem:$0x1FE70]  }
0x1e5: {  	v62 =	vmul.f32 $8.000000000e+00, v55;
	v58 =	vld [tilespmem:s20+$0xFFFFFEF0];
	[tilespmem:v46+s1+$0x0] =	vst.idx.msk $0xffff, v3  }
0x1e6: {  	s8 =	simm.s32 $0x8;
	v50 =	vadd.s32 v9, v41;
	v16 =	vld [tilespmem:$0x1FEB0]  }
0x1e7: {  	s7 =	simm.s32 $0xB;
	v0 =	vmov s8;
	v3 =	vmul.f32 $8.000000000e+00, v56;
	v59 =	vld [tilespmem:s20+$0xFFFFFF30];
	[tilespmem:v4+s1+$0x0] =	vst.idx.msk $0xffff, v62;
	v54 =	vadd.s32 v8, v39  }
0x1e8: {  	v0 =	vshrl.u32 v0, $0x3;
	v42 =	vmov s7;
	s10 =	simm.s32 $0xE;
	v20 =	vld [tilespmem:$0x1FEF0]  }
0x1e9: {  	v2 =	vmov s10;
	v4 =	vmul.f32 $8.000000000e+00, v60;
	v61 =	vld [tilespmem:s20+$0xFFFFFF70];
	[tilespmem:v48+s1+$0x0] =	vst.idx.msk $0xffff, v3;
	v32 =	vadd.s32 v12, v40  }
0x1ea: {  	v53 =	vshrl.u32 v42, $0x3;
	v42 =	vshrl.u32 v2, $0x3;
	v2 =	vmul.f32 $8.000000000e+00, v51;
	v24 =	vld [tilespmem:$0x1FF30]  }
0x1eb: {  	v0 =	vshll.u32 v0, v1;
	v62 =	vld [tilespmem:s20+$0xFFFFFFB0];
	[tilespmem:v50+s1+$0x0] =	vst.idx.msk $0xffff, v4;
	v46 =	vadd.s32 v16, v37  }
0x1ec: {  	v38 =	vbroadcast v0, $0x0;
	v0 =	vmul.f32 $8.000000000e+00, v47;
	v56 =	vld [tilespmem:s20+$0x0];
	[tilespmem:v54+s1+$0x0] =	vst.idx.msk $0xffff, v2  }
0x1ed: {  	v28 =	vld [tilespmem:$0x1FF70]  }
0x1ee: {  	v60 =	vadd.s32 v20, v36;
	v2 =	vmul.f32 $8.000000000e+00, v57;
	v50 =	vld [tilespmem:s20+$0xFFFFFE40];
	[tilespmem:v32+s1+$0x0] =	vst.idx.msk $0xffff, v0  }
0x1ef: {  	v32 =	vld [tilespmem:$0x1FFB0]  }
0x1f0: {  	v44 =	vshll.u32 v52, v1;
	v3 =	vadd.s32 v24, v35;
	v52 =	vld [tilespmem:s20+$0xFFFFFE80];
	[tilespmem:v46+s1+$0x0] =	vst.idx.msk $0xffff, v2  }
0x1f1: {  	s8 =	simm.s32 $0xC;
	v0 =	vmul.f32 $8.000000000e+00, v58;
	v26 =	vld [tilespmem:$0x1FFE0]  }
0x1f2: {  	v49 =	vmov s8;
	v10 =	vld [tilespmem:$0x1FE40]  }
0x1f3: {  	v43 =	vshrl.u32 v49, $0x3;
	v2 =	vmul.f32 $8.000000000e+00, v59;
	v49 =	vld [tilespmem:s20+$0xFFFFFEC0];
	[tilespmem:v60+s1+$0x0] =	vst.idx.msk $0xffff, v0  }
0x1f4: {  	s9 =	simm.s32 $0x9;
	v13 =	vld [tilespmem:$0x1FE80]  }
0x1f5: {  	v45 =	vmov s9;
	s9 =	simm.s32 $0xD;
	v54 =	vld [tilespmem:s20+$0xFFFFFF00];
	[tilespmem:v3+s1+$0x0] =	vst.idx.msk $0xffff, v2  }
0x1f6: {  	v45 =	vshrl.u32 v45, $0x3;
	v5 =	vmov s9;
	v17 =	vld [tilespmem:$0x1FEC0]  }
0x1f7: {  	v5 =	vshrl.u32 v5, $0x3;
	v47 =	vshll.u32 v45, v1;
	v45 =	vshll.u32 v53, v1;
	v21 =	vld [tilespmem:$0x1FF00]  }
0x1f8: {  	v46 =	vshll.u32 v43, v1;
	v43 =	vshll.u32 v5, v1;
	v55 =	vadd.s32 v28, v33;
	v25 =	vld [tilespmem:$0x1FF40]  }
0x1f9: {  	v51 =	vadd.s32 v32, v34;
	v29 =	vld [tilespmem:$0x1FF80];
	v53 =	vadd.s32 v26, v41;
	v48 =	vadd.s32 v10, v39  }
0x1fa: {  	s4 =	simm.s32 $0x10;
	s7 =	simm.s32 $0xF;
	v18 =	vld [tilespmem:$0x1FFC0];
	v39 =	vmul.f32 $8.000000000e+00, v61;
	v41 =	vadd.s32 v13, v40;
	v40 =	vmul.f32 $8.000000000e+00, v62  }
.LBB2_11:
0x1fb: {  	_ =	sdelay $0x1  }
0x1fc: {  	v14 =	vld [tilespmem:$0x1FE50];
	[tilespmem:v55+s1+$0x0] =	vst.idx.msk $0xffff, v39;
	v5 =	vmul.f32 $8.000000000e+00, v50  }
0x1fd: {  	v0 =	vmov s7;
	v2 =	vadd.s32 v17, v37;
	v3 =	vld [tilespmem:s20+$0xFFFFFF40];
	[tilespmem:v51+s1+$0x0] =	vst.idx.msk $0xffff, v40;
	v57 =	vmul.f32 $8.000000000e+00, v52  }
0x1fe: {  	v0 =	vshrl.u32 v0, $0x3;
	v58 =	vld [tilespmem:s20+$0xFFFFFFC0];
	[tilespmem:v48+s1+$0x0] =	vst.idx.msk $0xffff, v5  }
0x1ff: {  	v0 =	vshll.u32 v0, v1;
	v4 =	vmul.f32 $8.000000000e+00, v56;
	v56 =	vld [tilespmem:s20+$0xFFFFFF80];
	s20 =	sadd.s32 $0x200, s20;
	[tilespmem:v41+s1+$0x0] =	vst.idx.msk $0xffff, v57;
	v41 =	vbroadcast v47, $0x0  }
0x200: {  	v36 =	vadd.s32 v21, v36;
	v40 =	vbroadcast v0, $0x0;
	v0 =	vmul.f32 $8.000000000e+00, v49;
	v59 =	vld [tilespmem:s20+$0xFFFFFE10]  }
0x201: {  	[tilespmem:v53+s1+$0x0] =	vst.idx.msk $0xffff, v4;
	v5 =	vadd.s32 v29, v33;
	v53 =	vadd.s32 v14, v41;
	v14 =	vld [tilespmem:$0x1FE90]  }
0x202: {  	v35 =	vadd.s32 v25, v35;
	v39 =	vmov v38;
	[tilespmem:v2+s1+$0x0] =	vst.idx.msk $0xffff, v0  }
0x203: {  	v60 =	vmul.f32 $8.000000000e+00, v54;
	v0 =	vmul.f32 $8.000000000e+00, v3;
	v2 =	vadd.s32 v6, v39;
	v3 =	vld [tilespmem:s20+$0xFFFFFE90]  }
0x204: {  	v34 =	vadd.s32 v18, v34;
	v37 =	vbroadcast v44, $0x0;
	v61 =	vld [tilespmem:s20+$0xFFFFFE50];
	v38 =	vmul.f32 $8.000000000e+00, v56  }
0x205: {  	[tilespmem:v36+s1+$0x0] =	vst.idx.msk $0xffff, v60;
	v4 =	vld [tilespmem:s20+$0xFFFFFFD0]  }
0x206: {  	[tilespmem:v5+s1+$0x0] =	vst.idx.msk $0xffff, v38;
	v5 =	vmul.f32 $8.000000000e+00, v59;
	v54 =	vadd.s32 v14, v37;
	v14 =	vld [tilespmem:$0x1FED0]  }
0x207: {  	v52 =	vadd.s32 v22, v40;
	[tilespmem:v35+s1+$0x0] =	vst.idx.msk $0xffff, v0;
	v0 =	vmul.f32 $8.000000000e+00, v58  }
0x208: {  	[tilespmem:v2+s1+$0x0] =	vst.idx.msk $0xffff, v5;
	v2 =	vmul.f32 $8.000000000e+00, v3;
	v3 =	vld [tilespmem:$0x1FF50]  }
0x209: {  	v36 =	vbroadcast v45, $0x0;
	v48 =	vld [tilespmem:s20+$0xFFFFFED0];
	[tilespmem:v34+s1+$0x0] =	vst.idx.msk $0xffff, v0;
	v0 =	vmul.f32 $8.000000000e+00, v61  }
0x20a: {  	v4 =	vmul.f32 $8.000000000e+00, v4;
	v56 =	vld [tilespmem:s20+$0xFFFFFF50]  }
0x20b: {  	v33 =	vbroadcast v43, $0x0;
	[tilespmem:v53+s1+$0x0] =	vst.idx.msk $0xffff, v0;
	v62 =	vadd.s32 v14, v36;
	v14 =	vld [tilespmem:$0x1FF10]  }
0x20c: {  	[tilespmem:v52+s1+$0x0] =	vst.idx.msk $0xffff, v4;
	v61 =	vld [tilespmem:s20+$0xFFFFFE60]  }
0x20d: {  	v5 =	vld [tilespmem:s20+$0xFFFFFFE0];
	v3 =	vadd.s32 v3, v33  }
0x20e: {  	v35 =	vbroadcast v46, $0x0;
	v46 =	vadd.s32 v11, v41;
	v55 =	vld [tilespmem:s20+$0xFFFFFF10];
	v0 =	vmul.f32 $8.000000000e+00, v48  }
0x20f: {  	v42 =	vshll.u32 v42, v1;
	v45 =	vadd.s32 v63, v40;
	v59 =	vld [tilespmem:s20+$0xFFFFFE20]  }
0x210: {  	v34 =	vbroadcast v42, $0x0;
	v58 =	vld [tilespmem:s20+$0xFFFFFF90];
	v57 =	vadd.s32 v14, v35;
	[tilespmem:v62+s1+$0x0] =	vst.idx.msk $0xffff, v0;
	v0 =	vmul.f32 $8.000000000e+00, v56  }
0x211: {  	v51 =	vadd.s32 v7, v39;
	[tilespmem:v54+s1+$0x0] =	vst.idx.msk $0xffff, v2;
	v62 =	vmul.f32 $8.000000000e+00, v61  }
0x212: {  	v60 =	vadd.s32 v30, v34;
	v52 =	vld [tilespmem:s20+$0xFFFFFEA0];
	[tilespmem:v3+s1+$0x0] =	vst.idx.msk $0xffff, v0;
	v0 =	vmul.f32 $8.000000000e+00, v5  }
0x213: {  	s9 =	sadd.s32 $0x2, s4;
	v2 =	vmul.f32 $8.000000000e+00, v55;
	[tilespmem:v46+s1+$0x0] =	vst.idx.msk $0xffff, v62  }
0x214: {  	v50 =	vmov s9;
	v53 =	vld [tilespmem:s20+$0xFFFFFEE0];
	v5 =	vmul.f32 $8.000000000e+00, v59;
	[tilespmem:v45+s1+$0x0] =	vst.idx.msk $0xffff, v0  }
0x215: {  	v49 =	vadd.s32 v15, v37;
	v4 =	vmov s4;
	v55 =	vld [tilespmem:s20+$0xFFFFFF60];
	[tilespmem:v57+s1+$0x0] =	vst.idx.msk $0xffff, v2;
	v2 =	vmul.f32 $8.000000000e+00, v58  }
0x216: {  	v50 =	vshrl.u32 v50, $0x3;
	v42 =	vadd.s32 v19, v36;
	v4 =	vshrl.u32 v4, $0x3;
	[tilespmem:v51+s1+$0x0] =	vst.idx.msk $0xffff, v5;
	v54 =	vld [tilespmem:s20+$0xFFFFFF20]  }
0x217: {  	s8 =	sadd.s32 $0x1, s4;
	v0 =	vshll.u32 v4, v1;
	v4 =	vmul.f32 $8.000000000e+00, v52;
	v5 =	vadd.s32 v27, v33;
	v52 =	vld [tilespmem:s20+$0xFFFFFE70];
	[tilespmem:v60+s1+$0x0] =	vst.idx.msk $0xffff, v2  }
0x218: {  	v47 =	vmov s8;
	s8 =	sadd.s32 $0x4, s4;
	v44 =	vshll.u32 v50, v1;
	v60 =	vadd.s32 v23, v35;
	v61 =	vld [tilespmem:s20+$0xFFFFFFA0]  }
0x219: {  	s10 =	sadd.s32 $0x3, s4;
	v43 =	vmov s8;
	v45 =	vld [tilespmem:s20+$0xFFFFFFF0];
	v58 =	vadd.s32 v12, v41;
	v62 =	vmul.f32 $8.000000000e+00, v53  }
0x21a: {  	v38 =	vmov s10;
	v46 =	vadd.s32 v31, v34;
	v51 =	vld [tilespmem:s20+$0xFFFFFE30];
	[tilespmem:v49+s1+$0x0] =	vst.idx.msk $0xffff, v4;
	v55 =	vmul.f32 $8.000000000e+00, v55  }
0x21b: {  	v49 =	vadd.s32 v9, v40;
	v53 =	vshrl.u32 v38, $0x3;
	[tilespmem:v42+s1+$0x0] =	vst.idx.msk $0xffff, v62;
	v4 =	vmul.f32 $8.000000000e+00, v54  }
0x21c: {  	v38 =	vbroadcast v0, $0x0;
	v57 =	vld [tilespmem:s20+$0xFFFFFEB0];
	v0 =	vmul.f32 $8.000000000e+00, v52;
	[tilespmem:v5+s1+$0x0] =	vst.idx.msk $0xffff, v55;
	v54 =	vadd.s32 v8, v39  }
0x21d: {  	v47 =	vshrl.u32 v47, $0x3;
	v43 =	vshrl.u32 v43, $0x3;
	s10 =	sadd.s32 $0x6, s4;
	v59 =	vld [tilespmem:s20+$0xFFFFFEF0];
	[tilespmem:v60+s1+$0x0] =	vst.idx.msk $0xffff, v4;
	v4 =	vmul.f32 $8.000000000e+00, v61  }
0x21e: {  	v48 =	vadd.s32 v16, v37;
	v2 =	vmov s10;
	v5 =	vmul.f32 $8.000000000e+00, v45;
	[tilespmem:v58+s1+$0x0] =	vst.idx.msk $0xffff, v0;
	v60 =	vld [tilespmem:s20+$0xFFFFFF30]  }
0x21f: {  	s9 =	sadd.s32 $0x5, s4;
	v42 =	vshrl.u32 v2, $0x3;
	v2 =	vmul.f32 $8.000000000e+00, v51;
	v62 =	vld [tilespmem:s20+$0xFFFFFF70];
	v61 =	vadd.s32 v20, v36;
	[tilespmem:v46+s1+$0x0] =	vst.idx.msk $0xffff, v4  }
0x220: {  	p1 =	slt.u32 s4, $0x78;
	v47 =	vshll.u32 v47, v1;
	v14 =	vmovc v63;
	v3 =	vmov s9;
	[tilespmem:v49+s1+$0x0] =	vst.idx.msk $0xffff, v5;
	v4 =	vadd.s32 v24, v35;
	v63 =	vld [tilespmem:s20+$0xFFFFFFB0]  }
.Ltmp6:
0x221: {  	v3 =	vshrl.u32 v3, $0x3;
	v41 =	vadd.s32 v13, v41;
	v52 =	vld [tilespmem:s20+$0xFFFFFE80];
	[tilespmem:v54+s1+$0x0] =	vst.idx.msk $0xffff, v2;
	v2 =	vmul.f32 $8.000000000e+00, v57;
	(pc) =	sbr.rel @p1 .LBB2_11-.Ltmp6, $4  }
0x222: {  	v55 =	vadd.s32 v28, v33;
	v51 =	vadd.s32 v32, v34;
	v56 =	vld [tilespmem:s20+$0x0];
	v0 =	vmul.f32 $8.000000000e+00, v59  }
0x223: {  	v45 =	vshll.u32 v53, v1;
	v53 =	vadd.s32 v26, v40;
	v50 =	vld [tilespmem:s20+$0xFFFFFE40];
	[tilespmem:v48+s1+$0x0] =	vst.idx.msk $0xffff, v2;
	v2 =	vmul.f32 $8.000000000e+00, v60  }
0x224: {  	v46 =	vshll.u32 v43, v1;
	v43 =	vshll.u32 v3, v1;
	[tilespmem:v61+s1+$0x0] =	vst.idx.msk $0xffff, v0;
	v49 =	vld [tilespmem:s20+$0xFFFFFEC0]  }
0x225: {  	s7 =	sadd.s32 $0x7, s4;
	s4 =	sadd.s32 $0x8, s4;
	v48 =	vadd.s32 v10, v39;
	v39 =	vmul.f32 $8.000000000e+00, v62;
	v54 =	vld [tilespmem:s20+$0xFFFFFF00];
	[tilespmem:v4+s1+$0x0] =	vst.idx.msk $0xffff, v2;
	v40 =	vmul.f32 $8.000000000e+00, v63;
	v63 =	vmovc v14  }
0x226: {  	_ =	sdelay $0x3  }
0x227: {  	v0 =	vmov s7;
	v2 =	vadd.s32 v17, v37;
	v3 =	vld [tilespmem:s20+$0xFFFFFF40];
	v57 =	vmul.f32 $8.000000000e+00, v52;
	[tilespmem:v55+s1+$0x0] =	vst.idx.msk $0xffff, v39  }
0x228: {  	v36 =	vadd.s32 v21, v36;
	v4 =	vmul.f32 $8.000000000e+00, v56;
	v0 =	vshrl.u32 v0, $0x3;
	[tilespmem:v51+s1+$0x0] =	vst.idx.msk $0xffff, v40;
	v56 =	vld [tilespmem:s20+$0xFFFFFF80]  }
0x229: {  	v35 =	vadd.s32 v25, v35;
	s4 =	sadd.s32 $0x200, s20;
	v5 =	vmul.f32 $8.000000000e+00, v50;
	v0 =	vshll.u32 v0, v1;
	v40 =	vld [tilespmem:s20+$0xFFFFFFC0];
	[tilespmem:v41+s1+$0x0] =	vst.idx.msk $0xffff, v57  }
0x22a: {  	v33 =	vadd.s32 v29, v33;
	v58 =	vld [tilespmem:s4+$0xFFFFFFD0];
	[tilespmem:v53+s1+$0x0] =	vst.idx.msk $0xffff, v4;
	v0 =	vbroadcast v0, $0x0;
	v59 =	vmul.f32 $8.000000000e+00, v49  }
0x22b: {  	v34 =	vadd.s32 v18, v34;
	v60 =	vld [tilespmem:s4+$0xFFFFFE10];
	[tilespmem:v48+s1+$0x0] =	vst.idx.msk $0xffff, v5;
	v61 =	vmul.f32 $8.000000000e+00, v54  }
0x22c: {  	v49 =	vadd.s32 v22, v0;
	[tilespmem:v2+s1+$0x0] =	vst.idx.msk $0xffff, v59;
	v2 =	vmul.f32 $8.000000000e+00, v3  }
0x22d: {  	v62 =	vld [tilespmem:s4+$0xFFFFFE50];
	v3 =	vadd.s32 v6, v38;
	[tilespmem:v36+s1+$0x0] =	vst.idx.msk $0xffff, v61;
	v51 =	vmul.f32 $8.000000000e+00, v56  }
0x22e: {  	v52 =	vld [tilespmem:$0x1FE50];
	[tilespmem:v35+s1+$0x0] =	vst.idx.msk $0xffff, v2;
	v2 =	vmul.f32 $8.000000000e+00, v40  }
0x22f: {  	v4 =	vmul.f32 $8.000000000e+00, v58;
	v54 =	vld [tilespmem:$0x1FE90];
	[tilespmem:v33+s1+$0x0] =	vst.idx.msk $0xffff, v51  }
0x230: {  	v57 =	vmul.f32 $8.000000000e+00, v60;
	v58 =	vld [tilespmem:$0x1FED0];
	[tilespmem:v34+s1+$0x0] =	vst.idx.msk $0xffff, v2  }
0x231: {  	v61 =	vld [tilespmem:$0x1FF10];
	[tilespmem:v49+s1+$0x0] =	vst.idx.msk $0xffff, v4  }
0x232: {  	v47 =	vbroadcast v47, $0x0;
	v5 =	vld [tilespmem:s4+$0xFFFFFE90];
	[tilespmem:v3+s1+$0x0] =	vst.idx.msk $0xffff, v57  }
0x233: {  	v44 =	vbroadcast v44, $0x0;
	v4 =	vld [tilespmem:$0x1FF50]  }
0x234: {  	v45 =	vbroadcast v45, $0x0;
	v53 =	vld [tilespmem:s4+$0xFFFFFED0];
	v37 =	vadd.s32 v52, v47  }
0x235: {  	v46 =	vbroadcast v46, $0x0;
	v56 =	vld [tilespmem:s4+$0xFFFFFF10];
	v55 =	vadd.s32 v54, v44  }
0x236: {  	v42 =	vshll.u32 v42, v1;
	v43 =	vbroadcast v43, $0x0;
	v60 =	vld [tilespmem:s4+$0xFFFFFF50];
	v59 =	vadd.s32 v58, v45  }
0x237: {  	v42 =	vbroadcast v42, $0x0;
	v22 =	vld [tilespmem:s4+$0xFFFFFF90];
	v2 =	vmul.f32 $8.000000000e+00, v62;
	v62 =	vadd.s32 v61, v46  }
0x238: {  	v3 =	vmul.f32 $8.000000000e+00, v5;
	v33 =	vld [tilespmem:s4+$0xFFFFFE20];
	v4 =	vadd.s32 v4, v43  }
0x239: {  	v52 =	vld [tilespmem:s4+$0xFFFFFFE0];
	[tilespmem:v37+s1+$0x0] =	vst.idx.msk $0xffff, v2;
	v2 =	vmul.f32 $8.000000000e+00, v53;
	v53 =	vadd.s32 v30, v42  }
0x23a: {  	v54 =	vld [tilespmem:s4+$0xFFFFFE60];
	[tilespmem:v55+s1+$0x0] =	vst.idx.msk $0xffff, v3;
	v3 =	vmul.f32 $8.000000000e+00, v56;
	v56 =	vadd.s32 v7, v38  }
0x23b: {  	v55 =	vadd.s32 v63, v0;
	v57 =	vld [tilespmem:s4+$0xFFFFFEA0];
	[tilespmem:v59+s1+$0x0] =	vst.idx.msk $0xffff, v2;
	v2 =	vmul.f32 $8.000000000e+00, v60  }
0x23c: {  	v58 =	vadd.s32 v11, v47;
	v59 =	vld [tilespmem:s4+$0xFFFFFEE0];
	[tilespmem:v62+s1+$0x0] =	vst.idx.msk $0xffff, v3;
	v3 =	vmul.f32 $8.000000000e+00, v22  }
0x23d: {  	v60 =	vadd.s32 v15, v44;
	v62 =	vmul.f32 $8.000000000e+00, v33;
	v61 =	vld [tilespmem:s4+$0xFFFFFF20];
	[tilespmem:v4+s1+$0x0] =	vst.idx.msk $0xffff, v2  }
0x23e: {  	v22 =	vadd.s32 v19, v45;
	v2 =	vmul.f32 $8.000000000e+00, v52;
	v30 =	vld [tilespmem:s4+$0xFFFFFF60];
	[tilespmem:v53+s1+$0x0] =	vst.idx.msk $0xffff, v3  }
0x23f: {  	v52 =	vadd.s32 v23, v46;
	v3 =	vmul.f32 $8.000000000e+00, v54;
	[tilespmem:v56+s1+$0x0] =	vst.idx.msk $0xffff, v62;
	v53 =	vld [tilespmem:s4+$0xFFFFFFA0]  }
0x240: {  	v54 =	vadd.s32 v27, v43;
	[tilespmem:v55+s1+$0x0] =	vst.idx.msk $0xffff, v2;
	v2 =	vmul.f32 $8.000000000e+00, v57;
	v40 =	vld [tilespmem:s4+$0xFFFFFE30]  }
0x241: {  	v55 =	vadd.s32 v31, v42;
	v35 =	vld [tilespmem:s4+$0xFFFFFFF0];
	[tilespmem:v58+s1+$0x0] =	vst.idx.msk $0xffff, v3;
	v3 =	vmul.f32 $8.000000000e+00, v59  }
0x242: {  	v58 =	vadd.s32 v8, v38;
	v56 =	vld [tilespmem:s4+$0xFFFFFE70];
	[tilespmem:v60+s1+$0x0] =	vst.idx.msk $0xffff, v2;
	v2 =	vmul.f32 $8.000000000e+00, v61  }
0x243: {  	v57 =	vadd.s32 v9, v0;
	v59 =	vld [tilespmem:s4+$0xFFFFFEB0];
	[tilespmem:v22+s1+$0x0] =	vst.idx.msk $0xffff, v3;
	v3 =	vmul.f32 $8.000000000e+00, v30  }
0x244: {  	v60 =	vadd.s32 v12, v47;
	v61 =	vld [tilespmem:s4+$0xFFFFFEF0];
	[tilespmem:v52+s1+$0x0] =	vst.idx.msk $0xffff, v2;
	v2 =	vmul.f32 $8.000000000e+00, v53  }
0x245: {  	v62 =	vadd.s32 v16, v44;
	v19 =	vmul.f32 $8.000000000e+00, v40;
	v16 =	vld [tilespmem:s4+$0xFFFFFF30];
	[tilespmem:v54+s1+$0x0] =	vst.idx.msk $0xffff, v3  }
0x246: {  	v22 =	vadd.s32 v20, v45;
	v3 =	vmul.f32 $8.000000000e+00, v35;
	v23 =	vld [tilespmem:s4+$0xFFFFFF70];
	[tilespmem:v55+s1+$0x0] =	vst.idx.msk $0xffff, v2  }
0x247: {  	v27 =	vadd.s32 v24, v46;
	v2 =	vmul.f32 $8.000000000e+00, v56;
	[tilespmem:v58+s1+$0x0] =	vst.idx.msk $0xffff, v19;
	v30 =	vld [tilespmem:s4+$0xFFFFFFB0]  }
0x248: {  	v31 =	vadd.s32 v28, v43;
	[tilespmem:v57+s1+$0x0] =	vst.idx.msk $0xffff, v3;
	v3 =	vmul.f32 $8.000000000e+00, v59;
	v41 =	vld [tilespmem:s4+$0xFFFFFE40]  }
0x249: {  	v49 =	vadd.s32 v32, v42;
	v34 =	vld [tilespmem:s4+$0x0];
	[tilespmem:v60+s1+$0x0] =	vst.idx.msk $0xffff, v2;
	v2 =	vmul.f32 $8.000000000e+00, v61  }
0x24a: {  	v51 =	vadd.s32 v10, v38;
	v50 =	vld [tilespmem:s4+$0xFFFFFE80];
	[tilespmem:v62+s1+$0x0] =	vst.idx.msk $0xffff, v3;
	v3 =	vmul.f32 $8.000000000e+00, v16  }
0x24b: {  	v0 =	vadd.s32 v26, v0;
	v52 =	vld [tilespmem:s4+$0xFFFFFEC0];
	[tilespmem:v22+s1+$0x0] =	vst.idx.msk $0xffff, v2;
	v2 =	vmul.f32 $8.000000000e+00, v23  }
0x24c: {  	v53 =	vadd.s32 v13, v47;
	v54 =	vld [tilespmem:s4+$0xFFFFFF00];
	[tilespmem:v27+s1+$0x0] =	vst.idx.msk $0xffff, v3;
	v3 =	vmul.f32 $8.000000000e+00, v30  }
0x24d: {  	v55 =	vadd.s32 v17, v44;
	v57 =	vmul.f32 $8.000000000e+00, v41;
	v56 =	vld [tilespmem:s4+$0xFFFFFF40];
	[tilespmem:v31+s1+$0x0] =	vst.idx.msk $0xffff, v2  }
0x24e: {  	v58 =	vadd.s32 v21, v45;
	v2 =	vmul.f32 $8.000000000e+00, v34;
	v59 =	vld [tilespmem:s4+$0xFFFFFF80];
	[tilespmem:v49+s1+$0x0] =	vst.idx.msk $0xffff, v3  }
0x24f: {  	v60 =	vadd.s32 v25, v46;
	v3 =	vmul.f32 $8.000000000e+00, v50;
	[tilespmem:v51+s1+$0x0] =	vst.idx.msk $0xffff, v57;
	v61 =	vld [tilespmem:s4+$0xFFFFFFC0]  }
0x250: {  	[tilespmem:v0+s1+$0x0] =	vst.idx.msk $0xffff, v2;
	v0 =	vmul.f32 $8.000000000e+00, v52;
	v2 =	vadd.s32 v29, v43  }
0x251: {  	v62 =	vadd.s32 v18, v42;
	[tilespmem:v53+s1+$0x0] =	vst.idx.msk $0xffff, v3;
	v3 =	vmul.f32 $8.000000000e+00, v54  }
0x252: {  	[tilespmem:v55+s1+$0x0] =	vst.idx.msk $0xffff, v0;
	v0 =	vmul.f32 $8.000000000e+00, v56  }
0x253: {  	[tilespmem:v58+s1+$0x0] =	vst.idx.msk $0xffff, v3;
	v3 =	vmul.f32 $8.000000000e+00, v59  }
0x254: {  	[tilespmem:v60+s1+$0x0] =	vst.idx.msk $0xffff, v0;
	v0 =	vmul.f32 $8.000000000e+00, v61  }
0x255: {  	[tilespmem:v2+s1+$0x0] =	vst.idx.msk $0xffff, v3  }
0x256: {  	[tilespmem:v62+s1+$0x0] =	vst.idx.msk $0xffff, v0  }
0x257: {  	s10 =	rddreg [dreg:$0x6]  }
0x258: {  	s20 =	simm.s32 $0x1A800;
	s10 =	sadd.s32 s31, s10  }
0x259: {  	[hbm4b:s10+s3] =	stream.linear.scatter [tilespmem:s20], [sflag:$0xB], $0x80, $0x38;
	[tilespmem:$0x1EC00] =	vst v63  }
0x25a: {  	s7 =	simm.s32 $0x1A888;
	s8 =	sadd.s32 $0x10, s10  }
0x25b: {  	[hbm4b:s8+s3] =	stream.linear.scatter [tilespmem:s7], [sflag:$0xB], $0x80, $0x38;
	[tilespmem:$0x1EC00] =	vst v63  }
0x25c: {  	s9 =	simm.s32 $0x1A910;
	s20 =	sadd.s32 $0x20, s10  }
0x25d: {  	[hbm4b:s20+s3] =	stream.linear.scatter [tilespmem:s9], [sflag:$0xB], $0x80, $0x38;
	[tilespmem:$0x1EC00] =	vst v63  }
0x25e: {  	s7 =	simm.s32 $0x1A998;
	s8 =	sadd.s32 $0x30, s10  }
0x25f: {  	[hbm4b:s8+s3] =	stream.linear.scatter [tilespmem:s7], [sflag:$0xB], $0x80, $0x38;
	[tilespmem:$0x1EC00] =	vst v63  }
0x260: {  	s9 =	simm.s32 $0x1AA20;
	s20 =	sadd.s32 $0x40, s10  }
0x261: {  	[hbm4b:s20+s3] =	stream.linear.scatter [tilespmem:s9], [sflag:$0xB], $0x80, $0x38;
	[tilespmem:$0x1EC00] =	vst v63  }
0x262: {  	s4 =	simm.s32 $0x440;
	s7 =	simm.s32 $0x1AAA8;
	s8 =	sadd.s32 $0x50, s10  }
0x263: {  	[hbm4b:s8+s3] =	stream.linear.scatter [tilespmem:s7], [sflag:$0xB], $0x80, $0x38;
	[tilespmem:$0x1EC00] =	vst v63  }
0x264: {  	s9 =	simm.s32 $0x1AB30;
	s20 =	sadd.s32 $0x60, s10;
	s7 =	simm.s32 $0x2200  }
0x265: {  	[hbm4b:s20+s3] =	stream.linear.scatter [tilespmem:s9], [sflag:$0xB], $0x80, $0x38;
	[tilespmem:$0x1EC00] =	vst v63  }
0x266: {  	s8 =	simm.s32 $0x1ABB8;
	s9 =	sadd.s32 $0x70, s10;
	s20 =	sadd.s32 $0x1000, s10  }
.LBB2_13:
0x267: {  	[hbm4b:s9+s3] =	stream.linear.scatter [tilespmem:s8], [sflag:$0xB], $0x80, $0x38;
	[tilespmem:$0x1EC00] =	vst v63  }
0x268: {  	s8 =	smov.u32 s4;
	s4 =	smov.u32 s7  }
0x269: {  	s10 =	sadd.s32 $0x1100, s7;
	s4 =	sshra.s32 s4, $0x2;
	s9 =	sadd.s32 $0x1A800, s8  }
0x26a: {  	[hbm4b:s20+s3] =	stream.linear.scatter [tilespmem:s9], [sflag:$0xB], $0x80, $0x38;
	[tilespmem:$0x1EC00] =	vst v63  }
0x26b: {  	p1 =	sne.s32 s7, $0x7700;
	s7 =	sadd.s32 $0x1A888, s8;
	s9 =	sadd.s32 $0x10, s20  }
0x26c: {  	[hbm4b:s9+s3] =	stream.linear.scatter [tilespmem:s7], [sflag:$0xB], $0x80, $0x38;
	[tilespmem:$0x1EC00] =	vst v63  }
0x26d: {  	s7 =	sadd.s32 $0x1A910, s8;
	s9 =	sadd.s32 $0x20, s20  }
0x26e: {  	[hbm4b:s9+s3] =	stream.linear.scatter [tilespmem:s7], [sflag:$0xB], $0x80, $0x38;
	[tilespmem:$0x1EC00] =	vst v63  }
0x26f: {  	s7 =	sadd.s32 $0x1A998, s8;
	s9 =	sadd.s32 $0x30, s20  }
0x270: {  	[hbm4b:s9+s3] =	stream.linear.scatter [tilespmem:s7], [sflag:$0xB], $0x80, $0x38;
	[tilespmem:$0x1EC00] =	vst v63  }
0x271: {  	s7 =	sadd.s32 $0x1AA20, s8;
	s9 =	sadd.s32 $0x40, s20  }
0x272: {  	[hbm4b:s9+s3] =	stream.linear.scatter [tilespmem:s7], [sflag:$0xB], $0x80, $0x38;
	[tilespmem:$0x1EC00] =	vst v63  }
.Ltmp7:
0x273: {  	s7 =	sadd.s32 $0x1AAA8, s8;
	s9 =	sadd.s32 $0x50, s20;
	(pc) =	sbr.rel @p1 .LBB2_13-.Ltmp7, $4  }
0x274: {  	[hbm4b:s9+s3] =	stream.linear.scatter [tilespmem:s7], [sflag:$0xB], $0x80, $0x38;
	[tilespmem:$0x1EC00] =	vst v63  }
0x275: {  	s7 =	sadd.s32 $0x1AB30, s8;
	s9 =	sadd.s32 $0x60, s20;
	s8 =	sadd.s32 $0x1ABB8, s8  }
0x276: {  	[hbm4b:s9+s3] =	stream.linear.scatter [tilespmem:s7], [sflag:$0xB], $0x80, $0x38;
	[tilespmem:$0x1EC00] =	vst v63  }
0x277: {  	s9 =	sadd.s32 $0x70, s20;
	s20 =	sadd.s32 $0x1000, s20;
	s7 =	smov.u32 s10  }
0x278: {  	[hbm4b:s9+s3] =	stream.linear.scatter [tilespmem:s8], [sflag:$0xB], $0x80, $0x38;
	[tilespmem:$0x1EC00] =	vst v63  }
0x279: {  	s7 =	sadd.s32 $0x1A800, s4  }
0x27a: {  	[hbm4b:s20+s3] =	stream.linear.scatter [tilespmem:s7], [sflag:$0xB], $0x80, $0x38;
	[tilespmem:$0x1EC00] =	vst v63  }
0x27b: {  	s9 =	sadd.s32 $0x1A888, s4;
	s10 =	sadd.s32 $0x10, s20  }
0x27c: {  	[hbm4b:s10+s3] =	stream.linear.scatter [tilespmem:s9], [sflag:$0xB], $0x80, $0x38;
	[tilespmem:$0x1EC00] =	vst v63  }
0x27d: {  	s9 =	sadd.s32 $0x1A910, s4;
	s10 =	sadd.s32 $0x20, s20  }
0x27e: {  	[hbm4b:s10+s3] =	stream.linear.scatter [tilespmem:s9], [sflag:$0xB], $0x80, $0x38;
	[tilespmem:$0x1EC00] =	vst v63  }
0x27f: {  	s9 =	sadd.s32 $0x1A998, s4;
	s10 =	sadd.s32 $0x30, s20  }
0x280: {  	[hbm4b:s10+s3] =	stream.linear.scatter [tilespmem:s9], [sflag:$0xB], $0x80, $0x38;
	[tilespmem:$0x1EC00] =	vst v63  }
0x281: {  	s9 =	sadd.s32 $0x1AA20, s4;
	s10 =	sadd.s32 $0x40, s20  }
0x282: {  	[hbm4b:s10+s3] =	stream.linear.scatter [tilespmem:s9], [sflag:$0xB], $0x80, $0x38;
	[tilespmem:$0x1EC00] =	vst v63  }
0x283: {  	s9 =	sadd.s32 $0x1AAA8, s4;
	s10 =	sadd.s32 $0x50, s20  }
0x284: {  	[hbm4b:s10+s3] =	stream.linear.scatter [tilespmem:s9], [sflag:$0xB], $0x80, $0x38;
	[tilespmem:$0x1EC00] =	vst v63  }
0x285: {  	s9 =	sadd.s32 $0x1AB30, s4;
	s10 =	sadd.s32 $0x60, s20  }
0x286: {  	[hbm4b:s10+s3] =	stream.linear.scatter [tilespmem:s9], [sflag:$0xB], $0x80, $0x38;
	[tilespmem:$0x1EC00] =	vst v63  }
0x287: {  	s8 =	sadd.s32 $0x1ABB8, s4;
	s9 =	sadd.s32 $0x70, s20  }
0x288: {  	[hbm4b:s9+s3] =	stream.linear.scatter [tilespmem:s8], [sflag:$0xB], $0x80, $0x38;
	[tilespmem:$0x1EC00] =	vst v63  }
0x289: {  	s10 =	sadd.s32 $0x300, s15;
	s20 =	simm.s32 $0x12400  }
0x28a: {  	[tilespmem:s20], [sflag:$0x7] =	stream.indirect.gather [hbm4b:s5+s18], $0x40, s10, s18, $0xb8;
	[tilespmem:$0x1EC00] =	vst v63  }
0x28b: {  	_ =	swait.ge [sflag:s16], $0x2000  }
0x28c: {  	s9 =	simm.s32 $0x1;
	[sflag:s16] =	ssyncset.done $0x0  }
0x28d: {  	v2 =	vmov s9;
	s9 =	simm.s32 @!p0 $0xC;
	[sflag:s16] =	ssyncadd.s32 $0xFFFFE000  }
0x28e: {  	s7 =	simm.s32 $0x7;
	s20 =	simm.s32 $0x3;
	_ =	swait.ge @!p0 [sflag:s9], $0x2000  }
0x28f: {  	v35 =	vmov s7;
	s8 =	simm.s32 $0x0;
	v4 =	vmov s20;
	v22 =	vld [tilespmem:$0x1FFD0]  }
0x290: {  	v35 =	vshrl.u32 v35, $0x3;
	v0 =	vmov s8;
	v4 =	vshrl.u32 v4, $0x3;
	v6 =	vld [tilespmem:$0x1FE10]  }
0x291: {  	v0 =	vshrl.u32 v0, $0x3;
	v2 =	vshrl.u32 v2, $0x3;
	s20 =	simm.s32 $0x6;
	v4 =	vshll.u32 v4, v1;
	[sflag:s9] =	ssyncset.done @!p0 $0x0;
	v7 =	vld [tilespmem:$0x1FE50]  }
0x292: {  	v0 =	vshll.u32 v0, v1;
	v34 =	vmov s20;
	s20 =	simm.s32 $0xC5F0;
	v36 =	vbroadcast v4, $0x0;
	v4 =	vld [tilespmem:$0x1FE90];
	[sflag:s9] =	ssyncadd.s32 @!p0 $0xFFFFE000  }
0x293: {  	v35 =	vshll.u32 v35, v1;
	v2 =	vshll.u32 v2, v1;
	v39 =	vbroadcast v0, $0x0;
	v0 =	vld [tilespmem:s20+$0xFFFFFFD0]  }
0x294: {  	v41 =	vbroadcast v35, $0x0;
	v40 =	vbroadcast v2, $0x0;
	v38 =	vld [tilespmem:s20+$0xFFFFFE10]  }
0x295: {  	s10 =	simm.s32 $0x2;
	v42 =	vld [tilespmem:s20+$0xFFFFFE50]  }
0x296: {  	s8 =	simm.s32 $0x4;
	v3 =	vmov s10;
	v2 =	vadd.s32 v22, v41;
	v45 =	vadd.s32 v7, v40;
	v7 =	vld [tilespmem:$0x1FED0]  }
0x297: {  	v5 =	vmov s8;
	v3 =	vshrl.u32 v3, $0x3;
	v44 =	vld [tilespmem:s20+$0xFFFFFE90];
	v43 =	vadd.s32 v6, v39  }
0x298: {  	v5 =	vshrl.u32 v5, $0x3;
	v3 =	vshll.u32 v3, v1;
	v46 =	vld [tilespmem:s20+$0xFFFFFED0]  }
0x299: {  	v5 =	vshll.u32 v5, v1;
	v37 =	vbroadcast v3, $0x0;
	v47 =	vld [tilespmem:s20+$0xFFFFFF10];
	v0 =	vmul.f32 $8.000000000e+00, v0  }
0x29a: {  	v35 =	vbroadcast v5, $0x0;
	v48 =	vld [tilespmem:s20+$0xFFFFFF50];
	v5 =	vmul.f32 $8.000000000e+00, v38  }
0x29b: {  	v34 =	vshrl.u32 v34, $0x3;
	v4 =	vadd.s32 v4, v37;
	v56 =	vadd.s32 v7, v36;
	v7 =	vld [tilespmem:$0x1FF10];
	[tilespmem:v2+s19+$0x0] =	vst.idx.msk $0xffff, v0  }
0x29c: {  	s10 =	simm.s32 $0x5;
	v3 =	vshll.u32 v34, v1;
	v50 =	vld [tilespmem:s20+$0xFFFFFF90];
	v42 =	vmul.f32 $8.000000000e+00, v42;
	[tilespmem:v43+s19+$0x0] =	vst.idx.msk $0xffff, v5  }
0x29d: {  	v33 =	vmov s10;
	v34 =	vbroadcast v3, $0x0;
	v3 =	vld [tilespmem:$0x1FF50]  }
0x29e: {  	v33 =	vshrl.u32 v33, $0x3;
	v2 =	vmul.f32 $8.000000000e+00, v44;
	v5 =	vld [tilespmem:s20+$0xFFFFFFE0];
	[tilespmem:v45+s19+$0x0] =	vst.idx.msk $0xffff, v42  }
0x29f: {  	v33 =	vshll.u32 v33, v1;
	v30 =	vld [tilespmem:$0x1FF90]  }
0x2a0: {  	v33 =	vbroadcast v33, $0x0;
	v57 =	vmul.f32 $8.000000000e+00, v46;
	v43 =	vld [tilespmem:s20+$0xFFFFFE20];
	[tilespmem:v4+s19+$0x0] =	vst.idx.msk $0xffff, v2;
	v49 =	vadd.s32 v7, v35  }
0x2a1: {  	v7 =	vld [tilespmem:$0x1FE20]  }
0x2a2: {  	v59 =	vld [tilespmem:s20+$0xFFFFFE60];
	[tilespmem:v56+s19+$0x0] =	vst.idx.msk $0xffff, v57;
	v3 =	vadd.s32 v3, v33  }
0x2a3: {  	v2 =	vmul.f32 $8.000000000e+00, v47;
	v11 =	vld [tilespmem:$0x1FE60]  }
0x2a4: {  	v52 =	vld [tilespmem:s20+$0xFFFFFEA0];
	v58 =	vadd.s32 v30, v34  }
0x2a5: {  	v60 =	vmul.f32 $8.000000000e+00, v48;
	v4 =	vadd.s32 v63, v41;
	v53 =	vld [tilespmem:s20+$0xFFFFFEE0];
	[tilespmem:v49+s19+$0x0] =	vst.idx.msk $0xffff, v2  }
0x2a6: {  	v51 =	vadd.s32 v7, v39;
	v15 =	vld [tilespmem:$0x1FEA0]  }
0x2a7: {  	v2 =	vmul.f32 $8.000000000e+00, v50;
	v54 =	vld [tilespmem:s20+$0xFFFFFF20];
	[tilespmem:v3+s19+$0x0] =	vst.idx.msk $0xffff, v60  }
0x2a8: {  	v48 =	vadd.s32 v11, v40;
	v3 =	vmul.f32 $8.000000000e+00, v5;
	v19 =	vld [tilespmem:$0x1FEE0]  }
0x2a9: {  	v61 =	vmul.f32 $8.000000000e+00, v43;
	v55 =	vld [tilespmem:s20+$0xFFFFFF60];
	[tilespmem:v58+s19+$0x0] =	vst.idx.msk $0xffff, v2  }
0x2aa: {  	v23 =	vld [tilespmem:$0x1FF20];
	[tilespmem:v4+s19+$0x0] =	vst.idx.msk $0xffff, v3  }
0x2ab: {  	v32 =	vmul.f32 $8.000000000e+00, v59;
	v56 =	vld [tilespmem:s20+$0xFFFFFFA0];
	[tilespmem:v51+s19+$0x0] =	vst.idx.msk $0xffff, v61;
	v50 =	vadd.s32 v15, v37  }
0x2ac: {  	v27 =	vld [tilespmem:$0x1FF60]  }
0x2ad: {  	v60 =	vld [tilespmem:s20+$0xFFFFFFF0];
	[tilespmem:v48+s19+$0x0] =	vst.idx.msk $0xffff, v32;
	v62 =	vadd.s32 v19, v36  }
0x2ae: {  	s10 =	simm.s32 $0xA;
	v3 =	vmul.f32 $8.000000000e+00, v52;
	v31 =	vld [tilespmem:$0x1FFA0]  }
0x2af: {  	v47 =	vmov s10;
	v51 =	vld [tilespmem:s20+$0xFFFFFE30];
	v46 =	vadd.s32 v23, v35  }
0x2b0: {  	v52 =	vshrl.u32 v47, $0x3;
	v61 =	vmul.f32 $8.000000000e+00, v53;
	v47 =	vld [tilespmem:s20+$0xFFFFFE70];
	[tilespmem:v50+s19+$0x0] =	vst.idx.msk $0xffff, v3  }
0x2b1: {  	v4 =	vadd.s32 v27, v33;
	v8 =	vld [tilespmem:$0x1FE30]  }
0x2b2: {  	v3 =	vmul.f32 $8.000000000e+00, v54;
	v57 =	vld [tilespmem:s20+$0xFFFFFEB0];
	[tilespmem:v62+s19+$0x0] =	vst.idx.msk $0xffff, v61  }
0x2b3: {  	v48 =	vadd.s32 v31, v34;
	v12 =	vld [tilespmem:$0x1FE70]  }
0x2b4: {  	v62 =	vmul.f32 $8.000000000e+00, v55;
	v58 =	vld [tilespmem:s20+$0xFFFFFEF0];
	[tilespmem:v46+s19+$0x0] =	vst.idx.msk $0xffff, v3  }
0x2b5: {  	s8 =	simm.s32 $0x8;
	v50 =	vadd.s32 v9, v41;
	v16 =	vld [tilespmem:$0x1FEB0]  }
0x2b6: {  	s7 =	simm.s32 $0xB;
	v0 =	vmov s8;
	v3 =	vmul.f32 $8.000000000e+00, v56;
	v59 =	vld [tilespmem:s20+$0xFFFFFF30];
	[tilespmem:v4+s19+$0x0] =	vst.idx.msk $0xffff, v62;
	v54 =	vadd.s32 v8, v39  }
0x2b7: {  	v0 =	vshrl.u32 v0, $0x3;
	v42 =	vmov s7;
	s10 =	simm.s32 $0xE;
	v20 =	vld [tilespmem:$0x1FEF0]  }
0x2b8: {  	v2 =	vmov s10;
	v4 =	vmul.f32 $8.000000000e+00, v60;
	v61 =	vld [tilespmem:s20+$0xFFFFFF70];
	[tilespmem:v48+s19+$0x0] =	vst.idx.msk $0xffff, v3;
	v32 =	vadd.s32 v12, v40  }
0x2b9: {  	v53 =	vshrl.u32 v42, $0x3;
	v42 =	vshrl.u32 v2, $0x3;
	v2 =	vmul.f32 $8.000000000e+00, v51;
	v24 =	vld [tilespmem:$0x1FF30]  }
0x2ba: {  	v0 =	vshll.u32 v0, v1;
	v62 =	vld [tilespmem:s20+$0xFFFFFFB0];
	[tilespmem:v50+s19+$0x0] =	vst.idx.msk $0xffff, v4;
	v46 =	vadd.s32 v16, v37  }
0x2bb: {  	v38 =	vbroadcast v0, $0x0;
	v0 =	vmul.f32 $8.000000000e+00, v47;
	v56 =	vld [tilespmem:s20+$0x0];
	[tilespmem:v54+s19+$0x0] =	vst.idx.msk $0xffff, v2  }
0x2bc: {  	v28 =	vld [tilespmem:$0x1FF70]  }
0x2bd: {  	v60 =	vadd.s32 v20, v36;
	v2 =	vmul.f32 $8.000000000e+00, v57;
	v50 =	vld [tilespmem:s20+$0xFFFFFE40];
	[tilespmem:v32+s19+$0x0] =	vst.idx.msk $0xffff, v0  }
0x2be: {  	v32 =	vld [tilespmem:$0x1FFB0]  }
0x2bf: {  	v44 =	vshll.u32 v52, v1;
	v3 =	vadd.s32 v24, v35;
	v52 =	vld [tilespmem:s20+$0xFFFFFE80];
	[tilespmem:v46+s19+$0x0] =	vst.idx.msk $0xffff, v2  }
0x2c0: {  	s8 =	simm.s32 $0xC;
	v0 =	vmul.f32 $8.000000000e+00, v58;
	v26 =	vld [tilespmem:$0x1FFE0]  }
0x2c1: {  	v49 =	vmov s8;
	v10 =	vld [tilespmem:$0x1FE40]  }
0x2c2: {  	v43 =	vshrl.u32 v49, $0x3;
	v2 =	vmul.f32 $8.000000000e+00, v59;
	v49 =	vld [tilespmem:s20+$0xFFFFFEC0];
	[tilespmem:v60+s19+$0x0] =	vst.idx.msk $0xffff, v0  }
0x2c3: {  	s9 =	simm.s32 $0x9;
	v13 =	vld [tilespmem:$0x1FE80]  }
0x2c4: {  	v45 =	vmov s9;
	s9 =	simm.s32 $0xD;
	v54 =	vld [tilespmem:s20+$0xFFFFFF00];
	[tilespmem:v3+s19+$0x0] =	vst.idx.msk $0xffff, v2  }
0x2c5: {  	v45 =	vshrl.u32 v45, $0x3;
	v5 =	vmov s9;
	v17 =	vld [tilespmem:$0x1FEC0]  }
0x2c6: {  	v5 =	vshrl.u32 v5, $0x3;
	v47 =	vshll.u32 v45, v1;
	v45 =	vshll.u32 v53, v1;
	v21 =	vld [tilespmem:$0x1FF00]  }
0x2c7: {  	v46 =	vshll.u32 v43, v1;
	v43 =	vshll.u32 v5, v1;
	v55 =	vadd.s32 v28, v33;
	v25 =	vld [tilespmem:$0x1FF40]  }
0x2c8: {  	v51 =	vadd.s32 v32, v34;
	v29 =	vld [tilespmem:$0x1FF80];
	v53 =	vadd.s32 v26, v41;
	v48 =	vadd.s32 v10, v39  }
0x2c9: {  	s4 =	simm.s32 $0x10;
	s7 =	simm.s32 $0xF;
	v18 =	vld [tilespmem:$0x1FFC0];
	v39 =	vmul.f32 $8.000000000e+00, v61;
	v41 =	vadd.s32 v13, v40;
	v40 =	vmul.f32 $8.000000000e+00, v62  }
.LBB2_15:
0x2ca: {  	v0 =	vmov s7  }
0x2cb: {  	v2 =	vadd.s32 v17, v37;
	v3 =	vld [tilespmem:s20+$0xFFFFFF40];
	v0 =	vshrl.u32 v0, $0x3  }
0x2cc: {  	v61 =	vld [tilespmem:$0x1FE50];
	[tilespmem:v55+s19+$0x0] =	vst.idx.msk $0xffff, v39;
	v0 =	vshll.u32 v0, v1;
	v5 =	vmul.f32 $8.000000000e+00, v50  }
0x2cd: {  	[tilespmem:v51+s19+$0x0] =	vst.idx.msk $0xffff, v40;
	v62 =	vld [tilespmem:s20+$0xFFFFFF80];
	v40 =	vbroadcast v0, $0x0  }
0x2ce: {  	v4 =	vmul.f32 $8.000000000e+00, v56;
	v56 =	vld [tilespmem:s20+$0xFFFFFFC0];
	s20 =	sadd.s32 $0x200, s20;
	v0 =	vmul.f32 $8.000000000e+00, v49;
	[tilespmem:v48+s19+$0x0] =	vst.idx.msk $0xffff, v5  }
0x2cf: {  	v5 =	vadd.s32 v29, v33;
	v57 =	vld [tilespmem:s20+$0xFFFFFE10]  }
0x2d0: {  	v36 =	vadd.s32 v21, v36;
	v39 =	vmov v38;
	v55 =	vmul.f32 $8.000000000e+00, v52;
	v52 =	vld [tilespmem:$0x1FE90];
	[tilespmem:v2+s19+$0x0] =	vst.idx.msk $0xffff, v0  }
0x2d1: {  	[tilespmem:v53+s19+$0x0] =	vst.idx.msk $0xffff, v4;
	v0 =	vmul.f32 $8.000000000e+00, v3;
	v2 =	vadd.s32 v6, v39;
	v3 =	vld [tilespmem:s20+$0xFFFFFE90]  }
0x2d2: {  	v35 =	vadd.s32 v25, v35;
	[tilespmem:v41+s19+$0x0] =	vst.idx.msk $0xffff, v55;
	v55 =	vld [tilespmem:$0x1FED0];
	v38 =	vmul.f32 $8.000000000e+00, v62  }
0x2d3: {  	v58 =	vmul.f32 $8.000000000e+00, v54;
	v4 =	vld [tilespmem:s20+$0xFFFFFFD0]  }
0x2d4: {  	v34 =	vadd.s32 v18, v34;
	v59 =	vld [tilespmem:s20+$0xFFFFFE50];
	[tilespmem:v5+s19+$0x0] =	vst.idx.msk $0xffff, v38;
	v5 =	vmul.f32 $8.000000000e+00, v57  }
0x2d5: {  	v60 =	vadd.s32 v22, v40;
	v41 =	vbroadcast v47, $0x0;
	[tilespmem:v36+s19+$0x0] =	vst.idx.msk $0xffff, v58;
	v57 =	vld [tilespmem:$0x1FF10]  }
0x2d6: {  	v37 =	vbroadcast v44, $0x0;
	[tilespmem:v2+s19+$0x0] =	vst.idx.msk $0xffff, v5;
	v2 =	vmul.f32 $8.000000000e+00, v3;
	v3 =	vld [tilespmem:$0x1FF50]  }
0x2d7: {  	v36 =	vbroadcast v45, $0x0;
	v48 =	vld [tilespmem:s20+$0xFFFFFED0];
	v62 =	vadd.s32 v61, v41;
	[tilespmem:v35+s19+$0x0] =	vst.idx.msk $0xffff, v0;
	v0 =	vmul.f32 $8.000000000e+00, v56  }
0x2d8: {  	v35 =	vbroadcast v46, $0x0;
	v53 =	vadd.s32 v52, v37;
	v54 =	vld [tilespmem:s20+$0xFFFFFF10];
	v4 =	vmul.f32 $8.000000000e+00, v4  }
0x2d9: {  	v42 =	vshll.u32 v42, v1;
	v33 =	vbroadcast v43, $0x0;
	v38 =	vadd.s32 v55, v36;
	[tilespmem:v34+s19+$0x0] =	vst.idx.msk $0xffff, v0;
	v56 =	vld [tilespmem:s20+$0xFFFFFF50]  }
0x2da: {  	s9 =	sadd.s32 $0x2, s4;
	v34 =	vbroadcast v42, $0x0;
	v0 =	vmul.f32 $8.000000000e+00, v59;
	v59 =	vld [tilespmem:s20+$0xFFFFFF90];
	[tilespmem:v60+s19+$0x0] =	vst.idx.msk $0xffff, v4;
	v58 =	vadd.s32 v57, v35  }
0x2db: {  	v51 =	vadd.s32 v7, v39;
	v50 =	vmov s9;
	v5 =	vld [tilespmem:s20+$0xFFFFFFE0];
	v3 =	vadd.s32 v3, v33  }
0x2dc: {  	v49 =	vadd.s32 v15, v37;
	v61 =	vadd.s32 v30, v34;
	[tilespmem:v62+s19+$0x0] =	vst.idx.msk $0xffff, v0;
	v0 =	vmul.f32 $8.000000000e+00, v48;
	v60 =	vld [tilespmem:s20+$0xFFFFFE20]  }
0x2dd: {  	s8 =	sadd.s32 $0x1, s4;
	v50 =	vshrl.u32 v50, $0x3;
	v45 =	vadd.s32 v63, v40;
	v62 =	vld [tilespmem:s20+$0xFFFFFE60];
	[tilespmem:v53+s19+$0x0] =	vst.idx.msk $0xffff, v2;
	v2 =	vmul.f32 $8.000000000e+00, v54  }
0x2de: {  	v47 =	vmov s8;
	s8 =	sadd.s32 $0x4, s4;
	v44 =	vshll.u32 v50, v1;
	[tilespmem:v38+s19+$0x0] =	vst.idx.msk $0xffff, v0;
	v52 =	vld [tilespmem:s20+$0xFFFFFEA0];
	v0 =	vmul.f32 $8.000000000e+00, v56  }
0x2df: {  	v43 =	vmov s8;
	v46 =	vadd.s32 v11, v41;
	v63 =	vld [tilespmem:s20+$0xFFFFFEE0];
	[tilespmem:v58+s19+$0x0] =	vst.idx.msk $0xffff, v2;
	v2 =	vmul.f32 $8.000000000e+00, v59  }
0x2e0: {  	v47 =	vshrl.u32 v47, $0x3;
	v43 =	vshrl.u32 v43, $0x3;
	v54 =	vld [tilespmem:s20+$0xFFFFFF20];
	[tilespmem:v3+s19+$0x0] =	vst.idx.msk $0xffff, v0;
	v0 =	vmul.f32 $8.000000000e+00, v5  }
0x2e1: {  	v42 =	vadd.s32 v19, v36;
	v4 =	vmov s4;
	v5 =	vmul.f32 $8.000000000e+00, v60;
	[tilespmem:v61+s19+$0x0] =	vst.idx.msk $0xffff, v2;
	v55 =	vld [tilespmem:s20+$0xFFFFFF60]  }
0x2e2: {  	v4 =	vshrl.u32 v4, $0x3;
	v60 =	vmul.f32 $8.000000000e+00, v62;
	v61 =	vadd.s32 v23, v35;
	v62 =	vld [tilespmem:s20+$0xFFFFFFA0];
	[tilespmem:v45+s19+$0x0] =	vst.idx.msk $0xffff, v0  }
0x2e3: {  	v0 =	vshll.u32 v4, v1;
	[tilespmem:v51+s19+$0x0] =	vst.idx.msk $0xffff, v5;
	v4 =	vmul.f32 $8.000000000e+00, v52;
	v5 =	vadd.s32 v27, v33;
	v45 =	vld [tilespmem:s20+$0xFFFFFFF0]  }
0x2e4: {  	v47 =	vshll.u32 v47, v1;
	v63 =	vmul.f32 $8.000000000e+00, v63;
	[tilespmem:v46+s19+$0x0] =	vst.idx.msk $0xffff, v60;
	v46 =	vadd.s32 v31, v34;
	v51 =	vld [tilespmem:s20+$0xFFFFFE30]  }
0x2e5: {  	s10 =	sadd.s32 $0x3, s4;
	v48 =	vadd.s32 v16, v37;
	v52 =	vld [tilespmem:s20+$0xFFFFFE70];
	[tilespmem:v49+s19+$0x0] =	vst.idx.msk $0xffff, v4;
	v4 =	vmul.f32 $8.000000000e+00, v54;
	v49 =	vadd.s32 v9, v40  }
0x2e6: {  	v38 =	vmov s10;
	[tilespmem:v42+s19+$0x0] =	vst.idx.msk $0xffff, v63;
	v54 =	vadd.s32 v8, v39;
	v57 =	vld [tilespmem:s20+$0xFFFFFEB0];
	v55 =	vmul.f32 $8.000000000e+00, v55  }
0x2e7: {  	s9 =	sadd.s32 $0x5, s4;
	s10 =	sadd.s32 $0x6, s4;
	v53 =	vshrl.u32 v38, $0x3;
	v58 =	vadd.s32 v12, v41;
	v59 =	vld [tilespmem:s20+$0xFFFFFEF0];
	[tilespmem:v61+s19+$0x0] =	vst.idx.msk $0xffff, v4;
	v4 =	vmul.f32 $8.000000000e+00, v62  }
0x2e8: {  	v3 =	vmov s9;
	v2 =	vmov s10;
	v60 =	vld [tilespmem:s20+$0xFFFFFF30];
	[tilespmem:v5+s19+$0x0] =	vst.idx.msk $0xffff, v55;
	v5 =	vmul.f32 $8.000000000e+00, v45  }
0x2e9: {  	v42 =	vshrl.u32 v2, $0x3;
	v61 =	vadd.s32 v20, v36;
	v2 =	vmul.f32 $8.000000000e+00, v51;
	[tilespmem:v46+s19+$0x0] =	vst.idx.msk $0xffff, v4;
	v62 =	vld [tilespmem:s20+$0xFFFFFF70]  }
0x2ea: {  	p0 =	slt.u32 s4, $0x78;
	v38 =	vbroadcast v0, $0x0;
	v0 =	vmul.f32 $8.000000000e+00, v52;
	v4 =	vadd.s32 v24, v35;
	v63 =	vld [tilespmem:s20+$0xFFFFFFB0];
	[tilespmem:v49+s19+$0x0] =	vst.idx.msk $0xffff, v5  }
.Ltmp8:
0x2eb: {  	v41 =	vadd.s32 v13, v41;
	v3 =	vshrl.u32 v3, $0x3;
	[tilespmem:v54+s19+$0x0] =	vst.idx.msk $0xffff, v2;
	v2 =	vmul.f32 $8.000000000e+00, v57;
	v56 =	vld [tilespmem:s20+$0x0];
	(pc) =	sbr.rel @p0 .LBB2_15-.Ltmp8, $4  }
0x2ec: {  	v55 =	vadd.s32 v28, v33;
	v51 =	vadd.s32 v32, v34;
	[tilespmem:v58+s19+$0x0] =	vst.idx.msk $0xffff, v0;
	v0 =	vmul.f32 $8.000000000e+00, v59;
	v50 =	vld [tilespmem:s20+$0xFFFFFE40]  }
0x2ed: {  	v45 =	vshll.u32 v53, v1;
	v53 =	vadd.s32 v26, v40;
	v52 =	vld [tilespmem:s20+$0xFFFFFE80];
	[tilespmem:v48+s19+$0x0] =	vst.idx.msk $0xffff, v2;
	v2 =	vmul.f32 $8.000000000e+00, v60  }
0x2ee: {  	v46 =	vshll.u32 v43, v1;
	v43 =	vshll.u32 v3, v1;
	[tilespmem:v61+s19+$0x0] =	vst.idx.msk $0xffff, v0;
	v49 =	vld [tilespmem:s20+$0xFFFFFEC0]  }
0x2ef: {  	s7 =	sadd.s32 $0x7, s4;
	s4 =	sadd.s32 $0x8, s4;
	v48 =	vadd.s32 v10, v39;
	v54 =	vld [tilespmem:s20+$0xFFFFFF00];
	v39 =	vmul.f32 $8.000000000e+00, v62;
	[tilespmem:v4+s19+$0x0] =	vst.idx.msk $0xffff, v2;
	v40 =	vmul.f32 $8.000000000e+00, v63;
	v63 =	vmovc v14  }
0x2f0: {  	_ =	sdelay $0x3  }
0x2f1: {  	v0 =	vmov s7;
	v2 =	vadd.s32 v17, v37;
	v3 =	vld [tilespmem:s20+$0xFFFFFF40];
	v4 =	vmul.f32 $8.000000000e+00, v56;
	[tilespmem:v55+s19+$0x0] =	vst.idx.msk $0xffff, v39  }
0x2f2: {  	v36 =	vadd.s32 v21, v36;
	v0 =	vshrl.u32 v0, $0x3;
	v5 =	vmul.f32 $8.000000000e+00, v50;
	[tilespmem:v51+s19+$0x0] =	vst.idx.msk $0xffff, v40;
	v56 =	vld [tilespmem:s20+$0xFFFFFF80]  }
0x2f3: {  	v35 =	vadd.s32 v25, v35;
	s4 =	sadd.s32 $0x200, s20;
	v0 =	vshll.u32 v0, v1;
	v57 =	vmul.f32 $8.000000000e+00, v52;
	v40 =	vld [tilespmem:s20+$0xFFFFFFC0];
	[tilespmem:v53+s19+$0x0] =	vst.idx.msk $0xffff, v4  }
0x2f4: {  	v33 =	vadd.s32 v29, v33;
	v58 =	vld [tilespmem:s4+$0xFFFFFFD0];
	v0 =	vbroadcast v0, $0x0;
	[tilespmem:v48+s19+$0x0] =	vst.idx.msk $0xffff, v5;
	v59 =	vmul.f32 $8.000000000e+00, v49  }
0x2f5: {  	v34 =	vadd.s32 v18, v34;
	v60 =	vld [tilespmem:s4+$0xFFFFFE10];
	[tilespmem:v41+s19+$0x0] =	vst.idx.msk $0xffff, v57;
	v61 =	vmul.f32 $8.000000000e+00, v54  }
0x2f6: {  	v49 =	vadd.s32 v22, v0;
	[tilespmem:v2+s19+$0x0] =	vst.idx.msk $0xffff, v59;
	v2 =	vmul.f32 $8.000000000e+00, v3  }
0x2f7: {  	v62 =	vld [tilespmem:s4+$0xFFFFFE50];
	v3 =	vadd.s32 v6, v38;
	[tilespmem:v36+s19+$0x0] =	vst.idx.msk $0xffff, v61;
	v51 =	vmul.f32 $8.000000000e+00, v56  }
0x2f8: {  	v52 =	vld [tilespmem:$0x1FE50];
	[tilespmem:v35+s19+$0x0] =	vst.idx.msk $0xffff, v2;
	v2 =	vmul.f32 $8.000000000e+00, v40  }
0x2f9: {  	v4 =	vmul.f32 $8.000000000e+00, v58;
	v54 =	vld [tilespmem:$0x1FE90];
	[tilespmem:v33+s19+$0x0] =	vst.idx.msk $0xffff, v51  }
0x2fa: {  	v57 =	vmul.f32 $8.000000000e+00, v60;
	v58 =	vld [tilespmem:$0x1FED0];
	[tilespmem:v34+s19+$0x0] =	vst.idx.msk $0xffff, v2  }
0x2fb: {  	v61 =	vld [tilespmem:$0x1FF10];
	[tilespmem:v49+s19+$0x0] =	vst.idx.msk $0xffff, v4  }
0x2fc: {  	v47 =	vbroadcast v47, $0x0;
	v5 =	vld [tilespmem:s4+$0xFFFFFE90];
	[tilespmem:v3+s19+$0x0] =	vst.idx.msk $0xffff, v57  }
0x2fd: {  	v44 =	vbroadcast v44, $0x0;
	v4 =	vld [tilespmem:$0x1FF50]  }
0x2fe: {  	v45 =	vbroadcast v45, $0x0;
	v53 =	vld [tilespmem:s4+$0xFFFFFED0];
	v37 =	vadd.s32 v52, v47  }
0x2ff: {  	v46 =	vbroadcast v46, $0x0;
	v56 =	vld [tilespmem:s4+$0xFFFFFF10];
	v55 =	vadd.s32 v54, v44  }
0x300: {  	v42 =	vshll.u32 v42, v1;
	v43 =	vbroadcast v43, $0x0;
	v60 =	vld [tilespmem:s4+$0xFFFFFF50];
	v59 =	vadd.s32 v58, v45  }
0x301: {  	v42 =	vbroadcast v42, $0x0;
	v22 =	vld [tilespmem:s4+$0xFFFFFF90];
	v2 =	vmul.f32 $8.000000000e+00, v62;
	v62 =	vadd.s32 v61, v46  }
0x302: {  	v3 =	vmul.f32 $8.000000000e+00, v5;
	v33 =	vld [tilespmem:s4+$0xFFFFFE20];
	v4 =	vadd.s32 v4, v43  }
0x303: {  	v52 =	vld [tilespmem:s4+$0xFFFFFFE0];
	[tilespmem:v37+s19+$0x0] =	vst.idx.msk $0xffff, v2;
	v2 =	vmul.f32 $8.000000000e+00, v53;
	v53 =	vadd.s32 v30, v42  }
0x304: {  	v54 =	vld [tilespmem:s4+$0xFFFFFE60];
	[tilespmem:v55+s19+$0x0] =	vst.idx.msk $0xffff, v3;
	v3 =	vmul.f32 $8.000000000e+00, v56;
	v56 =	vadd.s32 v7, v38  }
0x305: {  	v55 =	vadd.s32 v63, v0;
	v57 =	vld [tilespmem:s4+$0xFFFFFEA0];
	[tilespmem:v59+s19+$0x0] =	vst.idx.msk $0xffff, v2;
	v2 =	vmul.f32 $8.000000000e+00, v60  }
0x306: {  	v58 =	vadd.s32 v11, v47;
	v59 =	vld [tilespmem:s4+$0xFFFFFEE0];
	[tilespmem:v62+s19+$0x0] =	vst.idx.msk $0xffff, v3;
	v3 =	vmul.f32 $8.000000000e+00, v22  }
0x307: {  	v60 =	vadd.s32 v15, v44;
	v62 =	vmul.f32 $8.000000000e+00, v33;
	v61 =	vld [tilespmem:s4+$0xFFFFFF20];
	[tilespmem:v4+s19+$0x0] =	vst.idx.msk $0xffff, v2  }
0x308: {  	v22 =	vadd.s32 v19, v45;
	v2 =	vmul.f32 $8.000000000e+00, v52;
	v30 =	vld [tilespmem:s4+$0xFFFFFF60];
	[tilespmem:v53+s19+$0x0] =	vst.idx.msk $0xffff, v3  }
0x309: {  	v52 =	vadd.s32 v23, v46;
	v3 =	vmul.f32 $8.000000000e+00, v54;
	[tilespmem:v56+s19+$0x0] =	vst.idx.msk $0xffff, v62;
	v53 =	vld [tilespmem:s4+$0xFFFFFFA0]  }
0x30a: {  	v54 =	vadd.s32 v27, v43;
	[tilespmem:v55+s19+$0x0] =	vst.idx.msk $0xffff, v2;
	v2 =	vmul.f32 $8.000000000e+00, v57;
	v40 =	vld [tilespmem:s4+$0xFFFFFE30]  }
0x30b: {  	v55 =	vadd.s32 v31, v42;
	v35 =	vld [tilespmem:s4+$0xFFFFFFF0];
	[tilespmem:v58+s19+$0x0] =	vst.idx.msk $0xffff, v3;
	v3 =	vmul.f32 $8.000000000e+00, v59  }
0x30c: {  	v58 =	vadd.s32 v8, v38;
	v56 =	vld [tilespmem:s4+$0xFFFFFE70];
	[tilespmem:v60+s19+$0x0] =	vst.idx.msk $0xffff, v2;
	v2 =	vmul.f32 $8.000000000e+00, v61  }
0x30d: {  	v57 =	vadd.s32 v9, v0;
	v59 =	vld [tilespmem:s4+$0xFFFFFEB0];
	[tilespmem:v22+s19+$0x0] =	vst.idx.msk $0xffff, v3;
	v3 =	vmul.f32 $8.000000000e+00, v30  }
0x30e: {  	v60 =	vadd.s32 v12, v47;
	v61 =	vld [tilespmem:s4+$0xFFFFFEF0];
	[tilespmem:v52+s19+$0x0] =	vst.idx.msk $0xffff, v2;
	v2 =	vmul.f32 $8.000000000e+00, v53  }
0x30f: {  	v62 =	vadd.s32 v16, v44;
	v19 =	vmul.f32 $8.000000000e+00, v40;
	v16 =	vld [tilespmem:s4+$0xFFFFFF30];
	[tilespmem:v54+s19+$0x0] =	vst.idx.msk $0xffff, v3  }
0x310: {  	v22 =	vadd.s32 v20, v45;
	v3 =	vmul.f32 $8.000000000e+00, v35;
	v23 =	vld [tilespmem:s4+$0xFFFFFF70];
	[tilespmem:v55+s19+$0x0] =	vst.idx.msk $0xffff, v2  }
0x311: {  	v27 =	vadd.s32 v24, v46;
	v2 =	vmul.f32 $8.000000000e+00, v56;
	[tilespmem:v58+s19+$0x0] =	vst.idx.msk $0xffff, v19;
	v30 =	vld [tilespmem:s4+$0xFFFFFFB0]  }
0x312: {  	v31 =	vadd.s32 v28, v43;
	[tilespmem:v57+s19+$0x0] =	vst.idx.msk $0xffff, v3;
	v3 =	vmul.f32 $8.000000000e+00, v59;
	v41 =	vld [tilespmem:s4+$0xFFFFFE40]  }
0x313: {  	v49 =	vadd.s32 v32, v42;
	v34 =	vld [tilespmem:s4+$0x0];
	[tilespmem:v60+s19+$0x0] =	vst.idx.msk $0xffff, v2;
	v2 =	vmul.f32 $8.000000000e+00, v61  }
0x314: {  	v51 =	vadd.s32 v10, v38;
	v50 =	vld [tilespmem:s4+$0xFFFFFE80];
	[tilespmem:v62+s19+$0x0] =	vst.idx.msk $0xffff, v3;
	v3 =	vmul.f32 $8.000000000e+00, v16  }
0x315: {  	v0 =	vadd.s32 v26, v0;
	v52 =	vld [tilespmem:s4+$0xFFFFFEC0];
	[tilespmem:v22+s19+$0x0] =	vst.idx.msk $0xffff, v2;
	v2 =	vmul.f32 $8.000000000e+00, v23  }
0x316: {  	v53 =	vadd.s32 v13, v47;
	v54 =	vld [tilespmem:s4+$0xFFFFFF00];
	[tilespmem:v27+s19+$0x0] =	vst.idx.msk $0xffff, v3;
	v3 =	vmul.f32 $8.000000000e+00, v30  }
0x317: {  	v55 =	vadd.s32 v17, v44;
	v57 =	vmul.f32 $8.000000000e+00, v41;
	v56 =	vld [tilespmem:s4+$0xFFFFFF40];
	[tilespmem:v31+s19+$0x0] =	vst.idx.msk $0xffff, v2  }
0x318: {  	v58 =	vadd.s32 v21, v45;
	v2 =	vmul.f32 $8.000000000e+00, v34;
	v59 =	vld [tilespmem:s4+$0xFFFFFF80];
	[tilespmem:v49+s19+$0x0] =	vst.idx.msk $0xffff, v3  }
0x319: {  	v60 =	vadd.s32 v25, v46;
	v3 =	vmul.f32 $8.000000000e+00, v50;
	[tilespmem:v51+s19+$0x0] =	vst.idx.msk $0xffff, v57;
	v61 =	vld [tilespmem:s4+$0xFFFFFFC0]  }
0x31a: {  	[tilespmem:v0+s19+$0x0] =	vst.idx.msk $0xffff, v2;
	v0 =	vmul.f32 $8.000000000e+00, v52;
	v2 =	vadd.s32 v29, v43  }
0x31b: {  	v62 =	vadd.s32 v18, v42;
	[tilespmem:v53+s19+$0x0] =	vst.idx.msk $0xffff, v3;
	v3 =	vmul.f32 $8.000000000e+00, v54  }
0x31c: {  	[tilespmem:v55+s19+$0x0] =	vst.idx.msk $0xffff, v0;
	v0 =	vmul.f32 $8.000000000e+00, v56  }
0x31d: {  	[tilespmem:v58+s19+$0x0] =	vst.idx.msk $0xffff, v3;
	v3 =	vmul.f32 $8.000000000e+00, v59  }
0x31e: {  	[tilespmem:v60+s19+$0x0] =	vst.idx.msk $0xffff, v0;
	v0 =	vmul.f32 $8.000000000e+00, v61  }
0x31f: {  	[tilespmem:v2+s19+$0x0] =	vst.idx.msk $0xffff, v3  }
0x320: {  	[tilespmem:v62+s19+$0x0] =	vst.idx.msk $0xffff, v0  }
0x321: {  	s10 =	rddreg [dreg:$0x7]  }
0x322: {  	s20 =	simm.s32 $0x1CA00;
	s10 =	sadd.s32 s31, s10  }
0x323: {  	[hbm4b:s10+s3] =	stream.linear.scatter [tilespmem:s20], [sflag:$0xC], $0x80, $0x38;
	[tilespmem:$0x1EC00] =	vst v63  }
0x324: {  	s7 =	simm.s32 $0x1CA88;
	s8 =	sadd.s32 $0x10, s10  }
0x325: {  	[hbm4b:s8+s3] =	stream.linear.scatter [tilespmem:s7], [sflag:$0xC], $0x80, $0x38;
	[tilespmem:$0x1EC00] =	vst v63  }
0x326: {  	s9 =	simm.s32 $0x1CB10;
	s20 =	sadd.s32 $0x20, s10  }
0x327: {  	[hbm4b:s20+s3] =	stream.linear.scatter [tilespmem:s9], [sflag:$0xC], $0x80, $0x38;
	[tilespmem:$0x1EC00] =	vst v63  }
0x328: {  	s7 =	simm.s32 $0x1CB98;
	s8 =	sadd.s32 $0x30, s10  }
0x329: {  	[hbm4b:s8+s3] =	stream.linear.scatter [tilespmem:s7], [sflag:$0xC], $0x80, $0x38;
	[tilespmem:$0x1EC00] =	vst v63  }
0x32a: {  	s9 =	simm.s32 $0x1CC20;
	s20 =	sadd.s32 $0x40, s10  }
0x32b: {  	[hbm4b:s20+s3] =	stream.linear.scatter [tilespmem:s9], [sflag:$0xC], $0x80, $0x38;
	[tilespmem:$0x1EC00] =	vst v63  }
0x32c: {  	s4 =	simm.s32 $0x440;
	s7 =	simm.s32 $0x1CCA8;
	s8 =	sadd.s32 $0x50, s10  }
0x32d: {  	[hbm4b:s8+s3] =	stream.linear.scatter [tilespmem:s7], [sflag:$0xC], $0x80, $0x38;
	[tilespmem:$0x1EC00] =	vst v63  }
0x32e: {  	s9 =	simm.s32 $0x1CD30;
	s20 =	sadd.s32 $0x60, s10;
	s7 =	simm.s32 $0x2200  }
0x32f: {  	[hbm4b:s20+s3] =	stream.linear.scatter [tilespmem:s9], [sflag:$0xC], $0x80, $0x38;
	[tilespmem:$0x1EC00] =	vst v63  }
0x330: {  	s8 =	simm.s32 $0x1CDB8;
	s9 =	sadd.s32 $0x70, s10;
	s20 =	sadd.s32 $0x1000, s10  }
.LBB2_17:
0x331: {  	[hbm4b:s9+s3] =	stream.linear.scatter [tilespmem:s8], [sflag:$0xC], $0x80, $0x38;
	[tilespmem:$0x1EC00] =	vst v63  }
0x332: {  	s8 =	smov.u32 s4;
	s4 =	smov.u32 s7  }
0x333: {  	s10 =	sadd.s32 $0x1100, s7;
	s4 =	sshra.s32 s4, $0x2;
	s9 =	sadd.s32 $0x1CA00, s8  }
0x334: {  	[hbm4b:s20+s3] =	stream.linear.scatter [tilespmem:s9], [sflag:$0xC], $0x80, $0x38;
	[tilespmem:$0x1EC00] =	vst v63  }
0x335: {  	p0 =	sne.s32 s7, $0x7700;
	s7 =	sadd.s32 $0x1CA88, s8;
	s9 =	sadd.s32 $0x10, s20  }
0x336: {  	[hbm4b:s9+s3] =	stream.linear.scatter [tilespmem:s7], [sflag:$0xC], $0x80, $0x38;
	[tilespmem:$0x1EC00] =	vst v63  }
0x337: {  	s7 =	sadd.s32 $0x1CB10, s8;
	s9 =	sadd.s32 $0x20, s20  }
0x338: {  	[hbm4b:s9+s3] =	stream.linear.scatter [tilespmem:s7], [sflag:$0xC], $0x80, $0x38;
	[tilespmem:$0x1EC00] =	vst v63  }
0x339: {  	s7 =	sadd.s32 $0x1CB98, s8;
	s9 =	sadd.s32 $0x30, s20  }
0x33a: {  	[hbm4b:s9+s3] =	stream.linear.scatter [tilespmem:s7], [sflag:$0xC], $0x80, $0x38;
	[tilespmem:$0x1EC00] =	vst v63  }
0x33b: {  	s7 =	sadd.s32 $0x1CC20, s8;
	s9 =	sadd.s32 $0x40, s20  }
0x33c: {  	[hbm4b:s9+s3] =	stream.linear.scatter [tilespmem:s7], [sflag:$0xC], $0x80, $0x38;
	[tilespmem:$0x1EC00] =	vst v63  }
.Ltmp9:
0x33d: {  	s7 =	sadd.s32 $0x1CCA8, s8;
	s9 =	sadd.s32 $0x50, s20;
	(pc) =	sbr.rel @p0 .LBB2_17-.Ltmp9, $4  }
0x33e: {  	[hbm4b:s9+s3] =	stream.linear.scatter [tilespmem:s7], [sflag:$0xC], $0x80, $0x38;
	[tilespmem:$0x1EC00] =	vst v63  }
0x33f: {  	s7 =	sadd.s32 $0x1CD30, s8;
	s9 =	sadd.s32 $0x60, s20;
	s8 =	sadd.s32 $0x1CDB8, s8  }
0x340: {  	[hbm4b:s9+s3] =	stream.linear.scatter [tilespmem:s7], [sflag:$0xC], $0x80, $0x38;
	[tilespmem:$0x1EC00] =	vst v63  }
0x341: {  	s9 =	sadd.s32 $0x70, s20;
	s20 =	sadd.s32 $0x1000, s20;
	s7 =	smov.u32 s10  }
0x342: {  	[hbm4b:s9+s3] =	stream.linear.scatter [tilespmem:s8], [sflag:$0xC], $0x80, $0x38;
	[tilespmem:$0x1EC00] =	vst v63  }
0x343: {  	s7 =	sadd.s32 $0x1CA00, s4  }
0x344: {  	[hbm4b:s20+s3] =	stream.linear.scatter [tilespmem:s7], [sflag:$0xC], $0x80, $0x38;
	[tilespmem:$0x1EC00] =	vst v63  }
0x345: {  	s9 =	sadd.s32 $0x1CA88, s4;
	s10 =	sadd.s32 $0x10, s20  }
0x346: {  	[hbm4b:s10+s3] =	stream.linear.scatter [tilespmem:s9], [sflag:$0xC], $0x80, $0x38;
	[tilespmem:$0x1EC00] =	vst v63  }
0x347: {  	s9 =	sadd.s32 $0x1CB10, s4;
	s10 =	sadd.s32 $0x20, s20  }
0x348: {  	[hbm4b:s10+s3] =	stream.linear.scatter [tilespmem:s9], [sflag:$0xC], $0x80, $0x38;
	[tilespmem:$0x1EC00] =	vst v63  }
0x349: {  	s9 =	sadd.s32 $0x1CB98, s4;
	s10 =	sadd.s32 $0x30, s20  }
0x34a: {  	[hbm4b:s10+s3] =	stream.linear.scatter [tilespmem:s9], [sflag:$0xC], $0x80, $0x38;
	[tilespmem:$0x1EC00] =	vst v63  }
0x34b: {  	s9 =	sadd.s32 $0x1CC20, s4;
	s10 =	sadd.s32 $0x40, s20  }
0x34c: {  	[hbm4b:s10+s3] =	stream.linear.scatter [tilespmem:s9], [sflag:$0xC], $0x80, $0x38;
	[tilespmem:$0x1EC00] =	vst v63  }
0x34d: {  	s9 =	sadd.s32 $0x1CCA8, s4;
	s10 =	sadd.s32 $0x50, s20  }
0x34e: {  	[hbm4b:s10+s3] =	stream.linear.scatter [tilespmem:s9], [sflag:$0xC], $0x80, $0x38;
	[tilespmem:$0x1EC00] =	vst v63  }
0x34f: {  	s9 =	sadd.s32 $0x1CD30, s4;
	s10 =	sadd.s32 $0x60, s20  }
0x350: {  	[hbm4b:s10+s3] =	stream.linear.scatter [tilespmem:s9], [sflag:$0xC], $0x80, $0x38;
	[tilespmem:$0x1EC00] =	vst v63  }
0x351: {  	s8 =	sadd.s32 $0x1CDB8, s4;
	s9 =	sadd.s32 $0x70, s20  }
0x352: {  	[hbm4b:s9+s3] =	stream.linear.scatter [tilespmem:s8], [sflag:$0xC], $0x80, $0x38;
	[tilespmem:$0x1EC00] =	vst v63  }
0x353: {  	s10 =	sadd.s32 $0x380, s15;
	s20 =	simm.s32 $0x14400  }
0x354: {  	[tilespmem:s20], [sflag:$0x8] =	stream.indirect.gather [hbm4b:s5+s18], $0x40, s10, s18, $0xb8;
	[tilespmem:$0x1EC00] =	vst v63  }
0x355: {  	_ =	swait.ge [sflag:s21], $0x2000  }
0x356: {  	[sflag:s21] =	ssyncset.done $0x0  }
0x357: {  	s7 =	simm.s32 $0x7;
	[sflag:s21] =	ssyncadd.s32 $0xFFFFE000  }
0x358: {  	v35 =	vmov s7;
	s20 =	simm.s32 $0x3;
	_ =	swait.ge [sflag:s22], $0x2000  }
0x359: {  	v35 =	vshrl.u32 v35, $0x3;
	s8 =	simm.s32 $0x0;
	s9 =	simm.s32 $0x1;
	v4 =	vmov s20;
	v22 =	vld [tilespmem:$0x1FFD0]  }
0x35a: {  	v0 =	vmov s8;
	v2 =	vmov s9;
	v4 =	vshrl.u32 v4, $0x3;
	v6 =	vld [tilespmem:$0x1FE10]  }
0x35b: {  	v0 =	vshrl.u32 v0, $0x3;
	v2 =	vshrl.u32 v2, $0x3;
	s20 =	simm.s32 $0x6;
	v4 =	vshll.u32 v4, v1;
	[sflag:s22] =	ssyncset.done $0x0;
	v7 =	vld [tilespmem:$0x1FE50]  }
0x35c: {  	v0 =	vshll.u32 v0, v1;
	v34 =	vmov s20;
	s20 =	simm.s32 $0xE5F0;
	v36 =	vbroadcast v4, $0x0;
	v4 =	vld [tilespmem:$0x1FE90];
	[sflag:s22] =	ssyncadd.s32 $0xFFFFE000  }
0x35d: {  	v35 =	vshll.u32 v35, v1;
	v2 =	vshll.u32 v2, v1;
	v39 =	vbroadcast v0, $0x0;
	v0 =	vld [tilespmem:s20+$0xFFFFFFD0]  }
0x35e: {  	v41 =	vbroadcast v35, $0x0;
	v40 =	vbroadcast v2, $0x0;
	v38 =	vld [tilespmem:s20+$0xFFFFFE10]  }
0x35f: {  	s10 =	simm.s32 $0x2;
	v42 =	vld [tilespmem:s20+$0xFFFFFE50]  }
0x360: {  	s9 =	simm.s32 $0x4;
	v3 =	vmov s10;
	v2 =	vadd.s32 v22, v41;
	v45 =	vadd.s32 v7, v40;
	v7 =	vld [tilespmem:$0x1FED0]  }
0x361: {  	v5 =	vmov s9;
	v3 =	vshrl.u32 v3, $0x3;
	v44 =	vld [tilespmem:s20+$0xFFFFFE90];
	v43 =	vadd.s32 v6, v39  }
0x362: {  	v5 =	vshrl.u32 v5, $0x3;
	v3 =	vshll.u32 v3, v1;
	v46 =	vld [tilespmem:s20+$0xFFFFFED0]  }
0x363: {  	v5 =	vshll.u32 v5, v1;
	v37 =	vbroadcast v3, $0x0;
	v47 =	vld [tilespmem:s20+$0xFFFFFF10];
	v0 =	vmul.f32 $8.000000000e+00, v0  }
0x364: {  	v35 =	vbroadcast v5, $0x0;
	v48 =	vld [tilespmem:s20+$0xFFFFFF50];
	v5 =	vmul.f32 $8.000000000e+00, v38  }
0x365: {  	v34 =	vshrl.u32 v34, $0x3;
	v4 =	vadd.s32 v4, v37;
	v56 =	vadd.s32 v7, v36;
	v7 =	vld [tilespmem:$0x1FF10];
	[tilespmem:v2+s26+$0x0] =	vst.idx.msk $0xffff, v0  }
0x366: {  	s10 =	simm.s32 $0x5;
	v3 =	vshll.u32 v34, v1;
	v50 =	vld [tilespmem:s20+$0xFFFFFF90];
	v42 =	vmul.f32 $8.000000000e+00, v42;
	[tilespmem:v43+s26+$0x0] =	vst.idx.msk $0xffff, v5  }
0x367: {  	v33 =	vmov s10;
	v34 =	vbroadcast v3, $0x0;
	v3 =	vld [tilespmem:$0x1FF50]  }
0x368: {  	v33 =	vshrl.u32 v33, $0x3;
	v2 =	vmul.f32 $8.000000000e+00, v44;
	v5 =	vld [tilespmem:s20+$0xFFFFFFE0];
	[tilespmem:v45+s26+$0x0] =	vst.idx.msk $0xffff, v42  }
0x369: {  	v33 =	vshll.u32 v33, v1;
	v30 =	vld [tilespmem:$0x1FF90]  }
0x36a: {  	v33 =	vbroadcast v33, $0x0;
	v57 =	vmul.f32 $8.000000000e+00, v46;
	v43 =	vld [tilespmem:s20+$0xFFFFFE20];
	[tilespmem:v4+s26+$0x0] =	vst.idx.msk $0xffff, v2;
	v49 =	vadd.s32 v7, v35  }
0x36b: {  	v7 =	vld [tilespmem:$0x1FE20]  }
0x36c: {  	v59 =	vld [tilespmem:s20+$0xFFFFFE60];
	[tilespmem:v56+s26+$0x0] =	vst.idx.msk $0xffff, v57;
	v3 =	vadd.s32 v3, v33  }
0x36d: {  	v2 =	vmul.f32 $8.000000000e+00, v47;
	v11 =	vld [tilespmem:$0x1FE60]  }
0x36e: {  	v52 =	vld [tilespmem:s20+$0xFFFFFEA0];
	v58 =	vadd.s32 v30, v34  }
0x36f: {  	v60 =	vmul.f32 $8.000000000e+00, v48;
	v4 =	vadd.s32 v63, v41;
	v53 =	vld [tilespmem:s20+$0xFFFFFEE0];
	[tilespmem:v49+s26+$0x0] =	vst.idx.msk $0xffff, v2  }
0x370: {  	v51 =	vadd.s32 v7, v39;
	v15 =	vld [tilespmem:$0x1FEA0]  }
0x371: {  	v2 =	vmul.f32 $8.000000000e+00, v50;
	v54 =	vld [tilespmem:s20+$0xFFFFFF20];
	[tilespmem:v3+s26+$0x0] =	vst.idx.msk $0xffff, v60  }
0x372: {  	v48 =	vadd.s32 v11, v40;
	v3 =	vmul.f32 $8.000000000e+00, v5;
	v19 =	vld [tilespmem:$0x1FEE0]  }
0x373: {  	v61 =	vmul.f32 $8.000000000e+00, v43;
	v55 =	vld [tilespmem:s20+$0xFFFFFF60];
	[tilespmem:v58+s26+$0x0] =	vst.idx.msk $0xffff, v2  }
0x374: {  	v23 =	vld [tilespmem:$0x1FF20];
	[tilespmem:v4+s26+$0x0] =	vst.idx.msk $0xffff, v3  }
0x375: {  	v32 =	vmul.f32 $8.000000000e+00, v59;
	v56 =	vld [tilespmem:s20+$0xFFFFFFA0];
	[tilespmem:v51+s26+$0x0] =	vst.idx.msk $0xffff, v61;
	v50 =	vadd.s32 v15, v37  }
0x376: {  	v27 =	vld [tilespmem:$0x1FF60]  }
0x377: {  	v60 =	vld [tilespmem:s20+$0xFFFFFFF0];
	[tilespmem:v48+s26+$0x0] =	vst.idx.msk $0xffff, v32;
	v62 =	vadd.s32 v19, v36  }
0x378: {  	s10 =	simm.s32 $0xA;
	v3 =	vmul.f32 $8.000000000e+00, v52;
	v31 =	vld [tilespmem:$0x1FFA0]  }
0x379: {  	v47 =	vmov s10;
	v51 =	vld [tilespmem:s20+$0xFFFFFE30];
	v46 =	vadd.s32 v23, v35  }
0x37a: {  	v52 =	vshrl.u32 v47, $0x3;
	v61 =	vmul.f32 $8.000000000e+00, v53;
	v47 =	vld [tilespmem:s20+$0xFFFFFE70];
	[tilespmem:v50+s26+$0x0] =	vst.idx.msk $0xffff, v3  }
0x37b: {  	v4 =	vadd.s32 v27, v33;
	v8 =	vld [tilespmem:$0x1FE30]  }
0x37c: {  	v3 =	vmul.f32 $8.000000000e+00, v54;
	v57 =	vld [tilespmem:s20+$0xFFFFFEB0];
	[tilespmem:v62+s26+$0x0] =	vst.idx.msk $0xffff, v61  }
0x37d: {  	v48 =	vadd.s32 v31, v34;
	v12 =	vld [tilespmem:$0x1FE70]  }
0x37e: {  	v62 =	vmul.f32 $8.000000000e+00, v55;
	v58 =	vld [tilespmem:s20+$0xFFFFFEF0];
	[tilespmem:v46+s26+$0x0] =	vst.idx.msk $0xffff, v3  }
0x37f: {  	s8 =	simm.s32 $0x8;
	v50 =	vadd.s32 v9, v41;
	v16 =	vld [tilespmem:$0x1FEB0]  }
0x380: {  	s7 =	simm.s32 $0xB;
	v0 =	vmov s8;
	v3 =	vmul.f32 $8.000000000e+00, v56;
	v59 =	vld [tilespmem:s20+$0xFFFFFF30];
	[tilespmem:v4+s26+$0x0] =	vst.idx.msk $0xffff, v62;
	v54 =	vadd.s32 v8, v39  }
0x381: {  	v0 =	vshrl.u32 v0, $0x3;
	v42 =	vmov s7;
	s10 =	simm.s32 $0xE;
	v20 =	vld [tilespmem:$0x1FEF0]  }
0x382: {  	v2 =	vmov s10;
	v4 =	vmul.f32 $8.000000000e+00, v60;
	v61 =	vld [tilespmem:s20+$0xFFFFFF70];
	[tilespmem:v48+s26+$0x0] =	vst.idx.msk $0xffff, v3;
	v32 =	vadd.s32 v12, v40  }
0x383: {  	v53 =	vshrl.u32 v42, $0x3;
	v42 =	vshrl.u32 v2, $0x3;
	v2 =	vmul.f32 $8.000000000e+00, v51;
	v24 =	vld [tilespmem:$0x1FF30]  }
0x384: {  	v0 =	vshll.u32 v0, v1;
	v62 =	vld [tilespmem:s20+$0xFFFFFFB0];
	[tilespmem:v50+s26+$0x0] =	vst.idx.msk $0xffff, v4;
	v46 =	vadd.s32 v16, v37  }
0x385: {  	v38 =	vbroadcast v0, $0x0;
	v0 =	vmul.f32 $8.000000000e+00, v47;
	v56 =	vld [tilespmem:s20+$0x0];
	[tilespmem:v54+s26+$0x0] =	vst.idx.msk $0xffff, v2  }
0x386: {  	v28 =	vld [tilespmem:$0x1FF70]  }
0x387: {  	v60 =	vadd.s32 v20, v36;
	v2 =	vmul.f32 $8.000000000e+00, v57;
	v50 =	vld [tilespmem:s20+$0xFFFFFE40];
	[tilespmem:v32+s26+$0x0] =	vst.idx.msk $0xffff, v0  }
0x388: {  	v32 =	vld [tilespmem:$0x1FFB0]  }
0x389: {  	v44 =	vshll.u32 v52, v1;
	v3 =	vadd.s32 v24, v35;
	v52 =	vld [tilespmem:s20+$0xFFFFFE80];
	[tilespmem:v46+s26+$0x0] =	vst.idx.msk $0xffff, v2  }
0x38a: {  	s8 =	simm.s32 $0xC;
	v0 =	vmul.f32 $8.000000000e+00, v58;
	v26 =	vld [tilespmem:$0x1FFE0]  }
0x38b: {  	v49 =	vmov s8;
	v10 =	vld [tilespmem:$0x1FE40]  }
0x38c: {  	v43 =	vshrl.u32 v49, $0x3;
	v2 =	vmul.f32 $8.000000000e+00, v59;
	v49 =	vld [tilespmem:s20+$0xFFFFFEC0];
	[tilespmem:v60+s26+$0x0] =	vst.idx.msk $0xffff, v0  }
0x38d: {  	s9 =	simm.s32 $0x9;
	v13 =	vld [tilespmem:$0x1FE80]  }
0x38e: {  	v45 =	vmov s9;
	s9 =	simm.s32 $0xD;
	v54 =	vld [tilespmem:s20+$0xFFFFFF00];
	[tilespmem:v3+s26+$0x0] =	vst.idx.msk $0xffff, v2  }
0x38f: {  	v45 =	vshrl.u32 v45, $0x3;
	v5 =	vmov s9;
	v17 =	vld [tilespmem:$0x1FEC0]  }
0x390: {  	v5 =	vshrl.u32 v5, $0x3;
	v47 =	vshll.u32 v45, v1;
	v45 =	vshll.u32 v53, v1;
	v21 =	vld [tilespmem:$0x1FF00]  }
0x391: {  	v46 =	vshll.u32 v43, v1;
	v43 =	vshll.u32 v5, v1;
	v55 =	vadd.s32 v28, v33;
	v25 =	vld [tilespmem:$0x1FF40]  }
0x392: {  	v51 =	vadd.s32 v32, v34;
	v29 =	vld [tilespmem:$0x1FF80];
	v53 =	vadd.s32 v26, v41;
	v48 =	vadd.s32 v10, v39  }
0x393: {  	s4 =	simm.s32 $0x10;
	s7 =	simm.s32 $0xF;
	v18 =	vld [tilespmem:$0x1FFC0];
	v39 =	vmul.f32 $8.000000000e+00, v61;
	v41 =	vadd.s32 v13, v40;
	v40 =	vmul.f32 $8.000000000e+00, v62  }
.LBB2_19:
0x394: {  	v0 =	vmov s7  }
0x395: {  	v2 =	vadd.s32 v17, v37;
	v3 =	vld [tilespmem:s20+$0xFFFFFF40];
	v0 =	vshrl.u32 v0, $0x3  }
0x396: {  	v61 =	vld [tilespmem:$0x1FE50];
	[tilespmem:v55+s26+$0x0] =	vst.idx.msk $0xffff, v39;
	v0 =	vshll.u32 v0, v1;
	v5 =	vmul.f32 $8.000000000e+00, v50  }
0x397: {  	[tilespmem:v51+s26+$0x0] =	vst.idx.msk $0xffff, v40;
	v62 =	vld [tilespmem:s20+$0xFFFFFF80];
	v40 =	vbroadcast v0, $0x0  }
0x398: {  	v4 =	vmul.f32 $8.000000000e+00, v56;
	v56 =	vld [tilespmem:s20+$0xFFFFFFC0];
	s20 =	sadd.s32 $0x200, s20;
	v0 =	vmul.f32 $8.000000000e+00, v49;
	[tilespmem:v48+s26+$0x0] =	vst.idx.msk $0xffff, v5  }
0x399: {  	v5 =	vadd.s32 v29, v33;
	v57 =	vld [tilespmem:s20+$0xFFFFFE10]  }
0x39a: {  	v36 =	vadd.s32 v21, v36;
	v39 =	vmov v38;
	v55 =	vmul.f32 $8.000000000e+00, v52;
	v52 =	vld [tilespmem:$0x1FE90];
	[tilespmem:v2+s26+$0x0] =	vst.idx.msk $0xffff, v0  }
0x39b: {  	[tilespmem:v53+s26+$0x0] =	vst.idx.msk $0xffff, v4;
	v0 =	vmul.f32 $8.000000000e+00, v3;
	v2 =	vadd.s32 v6, v39;
	v3 =	vld [tilespmem:s20+$0xFFFFFE90]  }
0x39c: {  	v35 =	vadd.s32 v25, v35;
	[tilespmem:v41+s26+$0x0] =	vst.idx.msk $0xffff, v55;
	v55 =	vld [tilespmem:$0x1FED0];
	v38 =	vmul.f32 $8.000000000e+00, v62  }
0x39d: {  	v58 =	vmul.f32 $8.000000000e+00, v54;
	v4 =	vld [tilespmem:s20+$0xFFFFFFD0]  }
0x39e: {  	v34 =	vadd.s32 v18, v34;
	v59 =	vld [tilespmem:s20+$0xFFFFFE50];
	[tilespmem:v5+s26+$0x0] =	vst.idx.msk $0xffff, v38;
	v5 =	vmul.f32 $8.000000000e+00, v57  }
0x39f: {  	v60 =	vadd.s32 v22, v40;
	v41 =	vbroadcast v47, $0x0;
	[tilespmem:v36+s26+$0x0] =	vst.idx.msk $0xffff, v58;
	v57 =	vld [tilespmem:$0x1FF10]  }
0x3a0: {  	v37 =	vbroadcast v44, $0x0;
	[tilespmem:v2+s26+$0x0] =	vst.idx.msk $0xffff, v5;
	v2 =	vmul.f32 $8.000000000e+00, v3;
	v3 =	vld [tilespmem:$0x1FF50]  }
0x3a1: {  	v36 =	vbroadcast v45, $0x0;
	v48 =	vld [tilespmem:s20+$0xFFFFFED0];
	v62 =	vadd.s32 v61, v41;
	[tilespmem:v35+s26+$0x0] =	vst.idx.msk $0xffff, v0;
	v0 =	vmul.f32 $8.000000000e+00, v56  }
0x3a2: {  	v35 =	vbroadcast v46, $0x0;
	v53 =	vadd.s32 v52, v37;
	v54 =	vld [tilespmem:s20+$0xFFFFFF10];
	v4 =	vmul.f32 $8.000000000e+00, v4  }
0x3a3: {  	v42 =	vshll.u32 v42, v1;
	v33 =	vbroadcast v43, $0x0;
	v38 =	vadd.s32 v55, v36;
	[tilespmem:v34+s26+$0x0] =	vst.idx.msk $0xffff, v0;
	v56 =	vld [tilespmem:s20+$0xFFFFFF50]  }
0x3a4: {  	s9 =	sadd.s32 $0x2, s4;
	v34 =	vbroadcast v42, $0x0;
	v0 =	vmul.f32 $8.000000000e+00, v59;
	v59 =	vld [tilespmem:s20+$0xFFFFFF90];
	[tilespmem:v60+s26+$0x0] =	vst.idx.msk $0xffff, v4;
	v58 =	vadd.s32 v57, v35  }
0x3a5: {  	v51 =	vadd.s32 v7, v39;
	v50 =	vmov s9;
	v5 =	vld [tilespmem:s20+$0xFFFFFFE0];
	v3 =	vadd.s32 v3, v33  }
0x3a6: {  	v49 =	vadd.s32 v15, v37;
	v61 =	vadd.s32 v30, v34;
	[tilespmem:v62+s26+$0x0] =	vst.idx.msk $0xffff, v0;
	v0 =	vmul.f32 $8.000000000e+00, v48;
	v60 =	vld [tilespmem:s20+$0xFFFFFE20]  }
0x3a7: {  	s8 =	sadd.s32 $0x1, s4;
	v50 =	vshrl.u32 v50, $0x3;
	v45 =	vadd.s32 v63, v40;
	v62 =	vld [tilespmem:s20+$0xFFFFFE60];
	[tilespmem:v53+s26+$0x0] =	vst.idx.msk $0xffff, v2;
	v2 =	vmul.f32 $8.000000000e+00, v54  }
0x3a8: {  	v47 =	vmov s8;
	s8 =	sadd.s32 $0x4, s4;
	v44 =	vshll.u32 v50, v1;
	[tilespmem:v38+s26+$0x0] =	vst.idx.msk $0xffff, v0;
	v52 =	vld [tilespmem:s20+$0xFFFFFEA0];
	v0 =	vmul.f32 $8.000000000e+00, v56  }
0x3a9: {  	v43 =	vmov s8;
	v46 =	vadd.s32 v11, v41;
	v63 =	vld [tilespmem:s20+$0xFFFFFEE0];
	[tilespmem:v58+s26+$0x0] =	vst.idx.msk $0xffff, v2;
	v2 =	vmul.f32 $8.000000000e+00, v59  }
0x3aa: {  	v47 =	vshrl.u32 v47, $0x3;
	v43 =	vshrl.u32 v43, $0x3;
	v54 =	vld [tilespmem:s20+$0xFFFFFF20];
	[tilespmem:v3+s26+$0x0] =	vst.idx.msk $0xffff, v0;
	v0 =	vmul.f32 $8.000000000e+00, v5  }
0x3ab: {  	v42 =	vadd.s32 v19, v36;
	v4 =	vmov s4;
	v5 =	vmul.f32 $8.000000000e+00, v60;
	[tilespmem:v61+s26+$0x0] =	vst.idx.msk $0xffff, v2;
	v55 =	vld [tilespmem:s20+$0xFFFFFF60]  }
0x3ac: {  	v4 =	vshrl.u32 v4, $0x3;
	v60 =	vmul.f32 $8.000000000e+00, v62;
	v61 =	vadd.s32 v23, v35;
	v62 =	vld [tilespmem:s20+$0xFFFFFFA0];
	[tilespmem:v45+s26+$0x0] =	vst.idx.msk $0xffff, v0  }
0x3ad: {  	v0 =	vshll.u32 v4, v1;
	[tilespmem:v51+s26+$0x0] =	vst.idx.msk $0xffff, v5;
	v4 =	vmul.f32 $8.000000000e+00, v52;
	v5 =	vadd.s32 v27, v33;
	v45 =	vld [tilespmem:s20+$0xFFFFFFF0]  }
0x3ae: {  	v47 =	vshll.u32 v47, v1;
	v63 =	vmul.f32 $8.000000000e+00, v63;
	[tilespmem:v46+s26+$0x0] =	vst.idx.msk $0xffff, v60;
	v46 =	vadd.s32 v31, v34;
	v51 =	vld [tilespmem:s20+$0xFFFFFE30]  }
0x3af: {  	s10 =	sadd.s32 $0x3, s4;
	v48 =	vadd.s32 v16, v37;
	v52 =	vld [tilespmem:s20+$0xFFFFFE70];
	[tilespmem:v49+s26+$0x0] =	vst.idx.msk $0xffff, v4;
	v4 =	vmul.f32 $8.000000000e+00, v54;
	v49 =	vadd.s32 v9, v40  }
0x3b0: {  	v38 =	vmov s10;
	[tilespmem:v42+s26+$0x0] =	vst.idx.msk $0xffff, v63;
	v54 =	vadd.s32 v8, v39;
	v57 =	vld [tilespmem:s20+$0xFFFFFEB0];
	v55 =	vmul.f32 $8.000000000e+00, v55  }
0x3b1: {  	s9 =	sadd.s32 $0x5, s4;
	s10 =	sadd.s32 $0x6, s4;
	v53 =	vshrl.u32 v38, $0x3;
	v58 =	vadd.s32 v12, v41;
	v59 =	vld [tilespmem:s20+$0xFFFFFEF0];
	[tilespmem:v61+s26+$0x0] =	vst.idx.msk $0xffff, v4;
	v4 =	vmul.f32 $8.000000000e+00, v62  }
0x3b2: {  	v3 =	vmov s9;
	v2 =	vmov s10;
	v60 =	vld [tilespmem:s20+$0xFFFFFF30];
	[tilespmem:v5+s26+$0x0] =	vst.idx.msk $0xffff, v55;
	v5 =	vmul.f32 $8.000000000e+00, v45  }
0x3b3: {  	v42 =	vshrl.u32 v2, $0x3;
	v61 =	vadd.s32 v20, v36;
	v2 =	vmul.f32 $8.000000000e+00, v51;
	[tilespmem:v46+s26+$0x0] =	vst.idx.msk $0xffff, v4;
	v62 =	vld [tilespmem:s20+$0xFFFFFF70]  }
0x3b4: {  	p0 =	slt.u32 s4, $0x78;
	v38 =	vbroadcast v0, $0x0;
	v0 =	vmul.f32 $8.000000000e+00, v52;
	v4 =	vadd.s32 v24, v35;
	v63 =	vld [tilespmem:s20+$0xFFFFFFB0];
	[tilespmem:v49+s26+$0x0] =	vst.idx.msk $0xffff, v5  }
.Ltmp10:
0x3b5: {  	v41 =	vadd.s32 v13, v41;
	v3 =	vshrl.u32 v3, $0x3;
	[tilespmem:v54+s26+$0x0] =	vst.idx.msk $0xffff, v2;
	v2 =	vmul.f32 $8.000000000e+00, v57;
	v56 =	vld [tilespmem:s20+$0x0];
	(pc) =	sbr.rel @p0 .LBB2_19-.Ltmp10, $4  }
0x3b6: {  	v55 =	vadd.s32 v28, v33;
	v51 =	vadd.s32 v32, v34;
	[tilespmem:v58+s26+$0x0] =	vst.idx.msk $0xffff, v0;
	v0 =	vmul.f32 $8.000000000e+00, v59;
	v50 =	vld [tilespmem:s20+$0xFFFFFE40]  }
0x3b7: {  	v45 =	vshll.u32 v53, v1;
	v53 =	vadd.s32 v26, v40;
	v52 =	vld [tilespmem:s20+$0xFFFFFE80];
	[tilespmem:v48+s26+$0x0] =	vst.idx.msk $0xffff, v2;
	v2 =	vmul.f32 $8.000000000e+00, v60  }
0x3b8: {  	v46 =	vshll.u32 v43, v1;
	v43 =	vshll.u32 v3, v1;
	[tilespmem:v61+s26+$0x0] =	vst.idx.msk $0xffff, v0;
	v49 =	vld [tilespmem:s20+$0xFFFFFEC0]  }
0x3b9: {  	s7 =	sadd.s32 $0x7, s4;
	s4 =	sadd.s32 $0x8, s4;
	v48 =	vadd.s32 v10, v39;
	v54 =	vld [tilespmem:s20+$0xFFFFFF00];
	v39 =	vmul.f32 $8.000000000e+00, v62;
	[tilespmem:v4+s26+$0x0] =	vst.idx.msk $0xffff, v2;
	v40 =	vmul.f32 $8.000000000e+00, v63;
	v63 =	vmovc v14  }
0x3ba: {  	_ =	sdelay $0x3  }
0x3bb: {  	v0 =	vmov s7;
	v2 =	vadd.s32 v17, v37;
	v3 =	vld [tilespmem:s20+$0xFFFFFF40];
	v4 =	vmul.f32 $8.000000000e+00, v56;
	[tilespmem:v55+s26+$0x0] =	vst.idx.msk $0xffff, v39  }
0x3bc: {  	v36 =	vadd.s32 v21, v36;
	v0 =	vshrl.u32 v0, $0x3;
	v5 =	vmul.f32 $8.000000000e+00, v50;
	[tilespmem:v51+s26+$0x0] =	vst.idx.msk $0xffff, v40;
	v56 =	vld [tilespmem:s20+$0xFFFFFF80]  }
0x3bd: {  	v35 =	vadd.s32 v25, v35;
	s4 =	sadd.s32 $0x200, s20;
	v0 =	vshll.u32 v0, v1;
	v57 =	vmul.f32 $8.000000000e+00, v52;
	v40 =	vld [tilespmem:s20+$0xFFFFFFC0];
	[tilespmem:v53+s26+$0x0] =	vst.idx.msk $0xffff, v4  }
0x3be: {  	v33 =	vadd.s32 v29, v33;
	v58 =	vld [tilespmem:s4+$0xFFFFFFD0];
	v0 =	vbroadcast v0, $0x0;
	[tilespmem:v48+s26+$0x0] =	vst.idx.msk $0xffff, v5;
	v59 =	vmul.f32 $8.000000000e+00, v49  }
0x3bf: {  	v34 =	vadd.s32 v18, v34;
	v60 =	vld [tilespmem:s4+$0xFFFFFE10];
	[tilespmem:v41+s26+$0x0] =	vst.idx.msk $0xffff, v57;
	v61 =	vmul.f32 $8.000000000e+00, v54  }
0x3c0: {  	v49 =	vadd.s32 v22, v0;
	[tilespmem:v2+s26+$0x0] =	vst.idx.msk $0xffff, v59;
	v2 =	vmul.f32 $8.000000000e+00, v3  }
0x3c1: {  	v62 =	vld [tilespmem:s4+$0xFFFFFE50];
	v3 =	vadd.s32 v6, v38;
	[tilespmem:v36+s26+$0x0] =	vst.idx.msk $0xffff, v61;
	v51 =	vmul.f32 $8.000000000e+00, v56  }
0x3c2: {  	v52 =	vld [tilespmem:$0x1FE50];
	[tilespmem:v35+s26+$0x0] =	vst.idx.msk $0xffff, v2;
	v2 =	vmul.f32 $8.000000000e+00, v40  }
0x3c3: {  	v4 =	vmul.f32 $8.000000000e+00, v58;
	v54 =	vld [tilespmem:$0x1FE90];
	[tilespmem:v33+s26+$0x0] =	vst.idx.msk $0xffff, v51  }
0x3c4: {  	v57 =	vmul.f32 $8.000000000e+00, v60;
	v58 =	vld [tilespmem:$0x1FED0];
	[tilespmem:v34+s26+$0x0] =	vst.idx.msk $0xffff, v2  }
0x3c5: {  	v61 =	vld [tilespmem:$0x1FF10];
	[tilespmem:v49+s26+$0x0] =	vst.idx.msk $0xffff, v4  }
0x3c6: {  	v47 =	vbroadcast v47, $0x0;
	v5 =	vld [tilespmem:s4+$0xFFFFFE90];
	[tilespmem:v3+s26+$0x0] =	vst.idx.msk $0xffff, v57  }
0x3c7: {  	v44 =	vbroadcast v44, $0x0;
	v4 =	vld [tilespmem:$0x1FF50]  }
0x3c8: {  	v45 =	vbroadcast v45, $0x0;
	v53 =	vld [tilespmem:s4+$0xFFFFFED0];
	v37 =	vadd.s32 v52, v47  }
0x3c9: {  	v46 =	vbroadcast v46, $0x0;
	v56 =	vld [tilespmem:s4+$0xFFFFFF10];
	v55 =	vadd.s32 v54, v44  }
0x3ca: {  	v42 =	vshll.u32 v42, v1;
	v43 =	vbroadcast v43, $0x0;
	v60 =	vld [tilespmem:s4+$0xFFFFFF50];
	v59 =	vadd.s32 v58, v45  }
0x3cb: {  	v42 =	vbroadcast v42, $0x0;
	v22 =	vld [tilespmem:s4+$0xFFFFFF90];
	v2 =	vmul.f32 $8.000000000e+00, v62;
	v62 =	vadd.s32 v61, v46  }
0x3cc: {  	v3 =	vmul.f32 $8.000000000e+00, v5;
	v33 =	vld [tilespmem:s4+$0xFFFFFE20];
	v4 =	vadd.s32 v4, v43  }
0x3cd: {  	v52 =	vld [tilespmem:s4+$0xFFFFFFE0];
	[tilespmem:v37+s26+$0x0] =	vst.idx.msk $0xffff, v2;
	v2 =	vmul.f32 $8.000000000e+00, v53;
	v53 =	vadd.s32 v30, v42  }
0x3ce: {  	v54 =	vld [tilespmem:s4+$0xFFFFFE60];
	[tilespmem:v55+s26+$0x0] =	vst.idx.msk $0xffff, v3;
	v3 =	vmul.f32 $8.000000000e+00, v56;
	v56 =	vadd.s32 v7, v38  }
0x3cf: {  	v55 =	vadd.s32 v63, v0;
	v57 =	vld [tilespmem:s4+$0xFFFFFEA0];
	[tilespmem:v59+s26+$0x0] =	vst.idx.msk $0xffff, v2;
	v2 =	vmul.f32 $8.000000000e+00, v60  }
0x3d0: {  	v58 =	vadd.s32 v11, v47;
	v59 =	vld [tilespmem:s4+$0xFFFFFEE0];
	[tilespmem:v62+s26+$0x0] =	vst.idx.msk $0xffff, v3;
	v3 =	vmul.f32 $8.000000000e+00, v22  }
0x3d1: {  	v60 =	vadd.s32 v15, v44;
	v62 =	vmul.f32 $8.000000000e+00, v33;
	v61 =	vld [tilespmem:s4+$0xFFFFFF20];
	[tilespmem:v4+s26+$0x0] =	vst.idx.msk $0xffff, v2  }
0x3d2: {  	v22 =	vadd.s32 v19, v45;
	v2 =	vmul.f32 $8.000000000e+00, v52;
	v30 =	vld [tilespmem:s4+$0xFFFFFF60];
	[tilespmem:v53+s26+$0x0] =	vst.idx.msk $0xffff, v3  }
0x3d3: {  	v52 =	vadd.s32 v23, v46;
	v3 =	vmul.f32 $8.000000000e+00, v54;
	[tilespmem:v56+s26+$0x0] =	vst.idx.msk $0xffff, v62;
	v53 =	vld [tilespmem:s4+$0xFFFFFFA0]  }
0x3d4: {  	v54 =	vadd.s32 v27, v43;
	[tilespmem:v55+s26+$0x0] =	vst.idx.msk $0xffff, v2;
	v2 =	vmul.f32 $8.000000000e+00, v57;
	v40 =	vld [tilespmem:s4+$0xFFFFFE30]  }
0x3d5: {  	v55 =	vadd.s32 v31, v42;
	v35 =	vld [tilespmem:s4+$0xFFFFFFF0];
	[tilespmem:v58+s26+$0x0] =	vst.idx.msk $0xffff, v3;
	v3 =	vmul.f32 $8.000000000e+00, v59  }
0x3d6: {  	v58 =	vadd.s32 v8, v38;
	v56 =	vld [tilespmem:s4+$0xFFFFFE70];
	[tilespmem:v60+s26+$0x0] =	vst.idx.msk $0xffff, v2;
	v2 =	vmul.f32 $8.000000000e+00, v61  }
0x3d7: {  	v57 =	vadd.s32 v9, v0;
	v59 =	vld [tilespmem:s4+$0xFFFFFEB0];
	[tilespmem:v22+s26+$0x0] =	vst.idx.msk $0xffff, v3;
	v3 =	vmul.f32 $8.000000000e+00, v30  }
0x3d8: {  	v60 =	vadd.s32 v12, v47;
	v61 =	vld [tilespmem:s4+$0xFFFFFEF0];
	[tilespmem:v52+s26+$0x0] =	vst.idx.msk $0xffff, v2;
	v2 =	vmul.f32 $8.000000000e+00, v53  }
0x3d9: {  	v62 =	vadd.s32 v16, v44;
	v19 =	vmul.f32 $8.000000000e+00, v40;
	v16 =	vld [tilespmem:s4+$0xFFFFFF30];
	[tilespmem:v54+s26+$0x0] =	vst.idx.msk $0xffff, v3  }
0x3da: {  	v22 =	vadd.s32 v20, v45;
	v3 =	vmul.f32 $8.000000000e+00, v35;
	v23 =	vld [tilespmem:s4+$0xFFFFFF70];
	[tilespmem:v55+s26+$0x0] =	vst.idx.msk $0xffff, v2  }
0x3db: {  	v27 =	vadd.s32 v24, v46;
	v2 =	vmul.f32 $8.000000000e+00, v56;
	[tilespmem:v58+s26+$0x0] =	vst.idx.msk $0xffff, v19;
	v30 =	vld [tilespmem:s4+$0xFFFFFFB0]  }
0x3dc: {  	v31 =	vadd.s32 v28, v43;
	[tilespmem:v57+s26+$0x0] =	vst.idx.msk $0xffff, v3;
	v3 =	vmul.f32 $8.000000000e+00, v59;
	v41 =	vld [tilespmem:s4+$0xFFFFFE40]  }
0x3dd: {  	v49 =	vadd.s32 v32, v42;
	v34 =	vld [tilespmem:s4+$0x0];
	[tilespmem:v60+s26+$0x0] =	vst.idx.msk $0xffff, v2;
	v2 =	vmul.f32 $8.000000000e+00, v61  }
0x3de: {  	v51 =	vadd.s32 v10, v38;
	v50 =	vld [tilespmem:s4+$0xFFFFFE80];
	[tilespmem:v62+s26+$0x0] =	vst.idx.msk $0xffff, v3;
	v3 =	vmul.f32 $8.000000000e+00, v16  }
0x3df: {  	v0 =	vadd.s32 v26, v0;
	v52 =	vld [tilespmem:s4+$0xFFFFFEC0];
	[tilespmem:v22+s26+$0x0] =	vst.idx.msk $0xffff, v2;
	v2 =	vmul.f32 $8.000000000e+00, v23  }
0x3e0: {  	v53 =	vadd.s32 v13, v47;
	v54 =	vld [tilespmem:s4+$0xFFFFFF00];
	[tilespmem:v27+s26+$0x0] =	vst.idx.msk $0xffff, v3;
	v3 =	vmul.f32 $8.000000000e+00, v30  }
0x3e1: {  	v55 =	vadd.s32 v17, v44;
	v57 =	vmul.f32 $8.000000000e+00, v41;
	v56 =	vld [tilespmem:s4+$0xFFFFFF40];
	[tilespmem:v31+s26+$0x0] =	vst.idx.msk $0xffff, v2  }
0x3e2: {  	v58 =	vadd.s32 v21, v45;
	v2 =	vmul.f32 $8.000000000e+00, v34;
	v59 =	vld [tilespmem:s4+$0xFFFFFF80];
	[tilespmem:v49+s26+$0x0] =	vst.idx.msk $0xffff, v3  }
0x3e3: {  	v60 =	vadd.s32 v25, v46;
	v3 =	vmul.f32 $8.000000000e+00, v50;
	[tilespmem:v51+s26+$0x0] =	vst.idx.msk $0xffff, v57;
	v61 =	vld [tilespmem:s4+$0xFFFFFFC0]  }
0x3e4: {  	[tilespmem:v0+s26+$0x0] =	vst.idx.msk $0xffff, v2;
	v0 =	vmul.f32 $8.000000000e+00, v52;
	v2 =	vadd.s32 v29, v43  }
0x3e5: {  	v62 =	vadd.s32 v18, v42;
	[tilespmem:v53+s26+$0x0] =	vst.idx.msk $0xffff, v3;
	v3 =	vmul.f32 $8.000000000e+00, v54  }
0x3e6: {  	[tilespmem:v55+s26+$0x0] =	vst.idx.msk $0xffff, v0;
	v0 =	vmul.f32 $8.000000000e+00, v56  }
0x3e7: {  	[tilespmem:v58+s26+$0x0] =	vst.idx.msk $0xffff, v3;
	v3 =	vmul.f32 $8.000000000e+00, v59  }
0x3e8: {  	[tilespmem:v60+s26+$0x0] =	vst.idx.msk $0xffff, v0;
	v0 =	vmul.f32 $8.000000000e+00, v61  }
0x3e9: {  	[tilespmem:v2+s26+$0x0] =	vst.idx.msk $0xffff, v3  }
0x3ea: {  	[tilespmem:v62+s26+$0x0] =	vst.idx.msk $0xffff, v0  }
0x3eb: {  	s10 =	rddreg [dreg:$0x8]  }
0x3ec: {  	s20 =	simm.s32 $0x16400;
	s10 =	sadd.s32 s31, s10  }
0x3ed: {  	[hbm4b:s10+s3] =	stream.linear.scatter [tilespmem:s20], [sflag:$0x9], $0x80, $0x38;
	[tilespmem:$0x1EC00] =	vst v63  }
0x3ee: {  	s7 =	simm.s32 $0x16488;
	s8 =	sadd.s32 $0x10, s10  }
0x3ef: {  	[hbm4b:s8+s3] =	stream.linear.scatter [tilespmem:s7], [sflag:$0x9], $0x80, $0x38;
	[tilespmem:$0x1EC00] =	vst v63  }
0x3f0: {  	s9 =	simm.s32 $0x16510;
	s20 =	sadd.s32 $0x20, s10  }
0x3f1: {  	[hbm4b:s20+s3] =	stream.linear.scatter [tilespmem:s9], [sflag:$0x9], $0x80, $0x38;
	[tilespmem:$0x1EC00] =	vst v63  }
0x3f2: {  	s7 =	simm.s32 $0x16598;
	s8 =	sadd.s32 $0x30, s10  }
0x3f3: {  	[hbm4b:s8+s3] =	stream.linear.scatter [tilespmem:s7], [sflag:$0x9], $0x80, $0x38;
	[tilespmem:$0x1EC00] =	vst v63  }
0x3f4: {  	s9 =	simm.s32 $0x16620;
	s20 =	sadd.s32 $0x40, s10  }
0x3f5: {  	[hbm4b:s20+s3] =	stream.linear.scatter [tilespmem:s9], [sflag:$0x9], $0x80, $0x38;
	[tilespmem:$0x1EC00] =	vst v63  }
0x3f6: {  	s4 =	simm.s32 $0x440;
	s7 =	simm.s32 $0x166A8;
	s8 =	sadd.s32 $0x50, s10  }
0x3f7: {  	[hbm4b:s8+s3] =	stream.linear.scatter [tilespmem:s7], [sflag:$0x9], $0x80, $0x38;
	[tilespmem:$0x1EC00] =	vst v63  }
0x3f8: {  	s9 =	simm.s32 $0x16730;
	s20 =	sadd.s32 $0x60, s10;
	s7 =	simm.s32 $0x2200  }
0x3f9: {  	[hbm4b:s20+s3] =	stream.linear.scatter [tilespmem:s9], [sflag:$0x9], $0x80, $0x38;
	[tilespmem:$0x1EC00] =	vst v63  }
0x3fa: {  	s8 =	simm.s32 $0x167B8;
	s9 =	sadd.s32 $0x70, s10;
	s20 =	sadd.s32 $0x1000, s10  }
.LBB2_21:
0x3fb: {  	[hbm4b:s9+s3] =	stream.linear.scatter [tilespmem:s8], [sflag:$0x9], $0x80, $0x38;
	[tilespmem:$0x1EC00] =	vst v63  }
0x3fc: {  	s8 =	smov.u32 s4;
	s4 =	smov.u32 s7  }
0x3fd: {  	s10 =	sadd.s32 $0x1100, s7;
	s4 =	sshra.s32 s4, $0x2;
	s9 =	sadd.s32 $0x16400, s8  }
0x3fe: {  	[hbm4b:s20+s3] =	stream.linear.scatter [tilespmem:s9], [sflag:$0x9], $0x80, $0x38;
	[tilespmem:$0x1EC00] =	vst v63  }
0x3ff: {  	p0 =	sne.s32 s7, $0x7700;
	s7 =	sadd.s32 $0x16488, s8;
	s9 =	sadd.s32 $0x10, s20  }
0x400: {  	[hbm4b:s9+s3] =	stream.linear.scatter [tilespmem:s7], [sflag:$0x9], $0x80, $0x38;
	[tilespmem:$0x1EC00] =	vst v63  }
0x401: {  	s7 =	sadd.s32 $0x16510, s8;
	s9 =	sadd.s32 $0x20, s20  }
0x402: {  	[hbm4b:s9+s3] =	stream.linear.scatter [tilespmem:s7], [sflag:$0x9], $0x80, $0x38;
	[tilespmem:$0x1EC00] =	vst v63  }
0x403: {  	s7 =	sadd.s32 $0x16598, s8;
	s9 =	sadd.s32 $0x30, s20  }
0x404: {  	[hbm4b:s9+s3] =	stream.linear.scatter [tilespmem:s7], [sflag:$0x9], $0x80, $0x38;
	[tilespmem:$0x1EC00] =	vst v63  }
0x405: {  	s7 =	sadd.s32 $0x16620, s8;
	s9 =	sadd.s32 $0x40, s20  }
0x406: {  	[hbm4b:s9+s3] =	stream.linear.scatter [tilespmem:s7], [sflag:$0x9], $0x80, $0x38;
	[tilespmem:$0x1EC00] =	vst v63  }
.Ltmp11:
0x407: {  	s7 =	sadd.s32 $0x166A8, s8;
	s9 =	sadd.s32 $0x50, s20;
	(pc) =	sbr.rel @p0 .LBB2_21-.Ltmp11, $4  }
0x408: {  	[hbm4b:s9+s3] =	stream.linear.scatter [tilespmem:s7], [sflag:$0x9], $0x80, $0x38;
	[tilespmem:$0x1EC00] =	vst v63  }
0x409: {  	s7 =	sadd.s32 $0x16730, s8;
	s9 =	sadd.s32 $0x60, s20;
	s8 =	sadd.s32 $0x167B8, s8  }
0x40a: {  	[hbm4b:s9+s3] =	stream.linear.scatter [tilespmem:s7], [sflag:$0x9], $0x80, $0x38;
	[tilespmem:$0x1EC00] =	vst v63  }
0x40b: {  	s9 =	sadd.s32 $0x70, s20;
	s20 =	sadd.s32 $0x1000, s20;
	s7 =	smov.u32 s10  }
0x40c: {  	[hbm4b:s9+s3] =	stream.linear.scatter [tilespmem:s8], [sflag:$0x9], $0x80, $0x38;
	[tilespmem:$0x1EC00] =	vst v63  }
0x40d: {  	s7 =	sadd.s32 $0x16400, s4  }
0x40e: {  	[hbm4b:s20+s3] =	stream.linear.scatter [tilespmem:s7], [sflag:$0x9], $0x80, $0x38;
	[tilespmem:$0x1EC00] =	vst v63  }
0x40f: {  	s9 =	sadd.s32 $0x16488, s4;
	s10 =	sadd.s32 $0x10, s20  }
0x410: {  	[hbm4b:s10+s3] =	stream.linear.scatter [tilespmem:s9], [sflag:$0x9], $0x80, $0x38;
	[tilespmem:$0x1EC00] =	vst v63  }
0x411: {  	s9 =	sadd.s32 $0x16510, s4;
	s10 =	sadd.s32 $0x20, s20  }
0x412: {  	[hbm4b:s10+s3] =	stream.linear.scatter [tilespmem:s9], [sflag:$0x9], $0x80, $0x38;
	[tilespmem:$0x1EC00] =	vst v63  }
0x413: {  	s9 =	sadd.s32 $0x16598, s4;
	s10 =	sadd.s32 $0x30, s20  }
0x414: {  	[hbm4b:s10+s3] =	stream.linear.scatter [tilespmem:s9], [sflag:$0x9], $0x80, $0x38;
	[tilespmem:$0x1EC00] =	vst v63  }
0x415: {  	s9 =	sadd.s32 $0x16620, s4;
	s10 =	sadd.s32 $0x40, s20  }
0x416: {  	[hbm4b:s10+s3] =	stream.linear.scatter [tilespmem:s9], [sflag:$0x9], $0x80, $0x38;
	[tilespmem:$0x1EC00] =	vst v63  }
0x417: {  	s9 =	sadd.s32 $0x166A8, s4;
	s10 =	sadd.s32 $0x50, s20  }
0x418: {  	[hbm4b:s10+s3] =	stream.linear.scatter [tilespmem:s9], [sflag:$0x9], $0x80, $0x38;
	[tilespmem:$0x1EC00] =	vst v63  }
0x419: {  	s8 =	sadd.s32 $0x16730, s4;
	s9 =	sadd.s32 $0x60, s20  }
0x41a: {  	[hbm4b:s9+s3] =	stream.linear.scatter [tilespmem:s8], [sflag:$0x9], $0x80, $0x38;
	[tilespmem:$0x1EC00] =	vst v63  }
0x41b: {  	p0 =	seq.s32 s28, $0x18;
	s10 =	sadd.s32 $0x167B8, s4;
	s20 =	sadd.s32 $0x70, s20  }
0x41c: {  	[hbm4b:s20+s3] =	stream.linear.scatter [tilespmem:s10], [sflag:$0x9], $0x80, $0x38;
	[tilespmem:$0x1EC00] =	vst v63  }
0x41d: {  	s7 =	simm.s32 @!p0 $0x80;
	s4 =	sadd.s32 @!p0 $0x400, s15;
	s8 =	simm.s32 @!p0 $0x6400  }
0x41e: {  	[tilespmem:s8], [sflag:$0x1] =	stream.indirect.gather @!p0 [hbm4b:s5+s7], $0x40, s4, s7, $0xb8;
	[tilespmem:$0x1EC00] =	vst v63  }
0x41f: {  	_ =	swait.ge [sflag:s23], $0x2000  }
0x420: {  	[sflag:s23] =	ssyncset.done $0x0  }
0x421: {  	s9 =	simm.s32 $0x1;
	[sflag:s23] =	ssyncadd.s32 $0xFFFFE000  }
0x422: {  	v2 =	vmov s9;
	s20 =	simm.s32 $0x3;
	_ =	swait.ge [sflag:s6], $0x2000  }
0x423: {  	v2 =	vshrl.u32 v2, $0x3;
	v4 =	vmov s20;
	s20 =	simm.s32 $0x6;
	s8 =	simm.s32 $0x0;
	v22 =	vld [tilespmem:$0x1FFD0]  }
0x424: {  	v34 =	vmov s20;
	s7 =	simm.s32 $0x7;
	v4 =	vshrl.u32 v4, $0x3;
	v0 =	vmov s8;
	v6 =	vld [tilespmem:$0x1FE10]  }
0x425: {  	v35 =	vmov s7;
	v4 =	vshll.u32 v4, v1;
	v0 =	vshrl.u32 v0, $0x3;
	[sflag:s6] =	ssyncset.done $0x0;
	v7 =	vld [tilespmem:$0x1FE50]  }
0x426: {  	s20 =	simm.s32 $0x105F0;
	v35 =	vshrl.u32 v35, $0x3;
	v36 =	vbroadcast v4, $0x0;
	v0 =	vshll.u32 v0, v1;
	v4 =	vld [tilespmem:$0x1FE90];
	[sflag:s6] =	ssyncadd.s32 $0xFFFFE000  }
0x427: {  	v2 =	vshll.u32 v2, v1;
	v35 =	vshll.u32 v35, v1;
	v39 =	vbroadcast v0, $0x0;
	v0 =	vld [tilespmem:s20+$0xFFFFFFD0]  }
0x428: {  	v40 =	vbroadcast v2, $0x0;
	v41 =	vbroadcast v35, $0x0;
	v38 =	vld [tilespmem:s20+$0xFFFFFE10]  }
0x429: {  	s10 =	simm.s32 $0x2;
	v42 =	vld [tilespmem:s20+$0xFFFFFE50]  }
0x42a: {  	s9 =	simm.s32 $0x4;
	v3 =	vmov s10;
	v2 =	vadd.s32 v22, v41;
	v45 =	vadd.s32 v7, v40;
	v7 =	vld [tilespmem:$0x1FED0]  }
0x42b: {  	v5 =	vmov s9;
	v3 =	vshrl.u32 v3, $0x3;
	v44 =	vld [tilespmem:s20+$0xFFFFFE90];
	v43 =	vadd.s32 v6, v39  }
0x42c: {  	v5 =	vshrl.u32 v5, $0x3;
	v3 =	vshll.u32 v3, v1;
	v46 =	vld [tilespmem:s20+$0xFFFFFED0]  }
0x42d: {  	v5 =	vshll.u32 v5, v1;
	v37 =	vbroadcast v3, $0x0;
	v47 =	vld [tilespmem:s20+$0xFFFFFF10];
	v0 =	vmul.f32 $8.000000000e+00, v0  }
0x42e: {  	v35 =	vbroadcast v5, $0x0;
	v48 =	vld [tilespmem:s20+$0xFFFFFF50];
	v5 =	vmul.f32 $8.000000000e+00, v38  }
0x42f: {  	v34 =	vshrl.u32 v34, $0x3;
	v4 =	vadd.s32 v4, v37;
	v56 =	vadd.s32 v7, v36;
	v7 =	vld [tilespmem:$0x1FF10];
	[tilespmem:v2+s30+$0x0] =	vst.idx.msk $0xffff, v0  }
0x430: {  	s10 =	simm.s32 $0x5;
	v3 =	vshll.u32 v34, v1;
	v50 =	vld [tilespmem:s20+$0xFFFFFF90];
	v42 =	vmul.f32 $8.000000000e+00, v42;
	[tilespmem:v43+s30+$0x0] =	vst.idx.msk $0xffff, v5  }
0x431: {  	v33 =	vmov s10;
	v34 =	vbroadcast v3, $0x0;
	v3 =	vld [tilespmem:$0x1FF50]  }
0x432: {  	v33 =	vshrl.u32 v33, $0x3;
	v2 =	vmul.f32 $8.000000000e+00, v44;
	v5 =	vld [tilespmem:s20+$0xFFFFFFE0];
	[tilespmem:v45+s30+$0x0] =	vst.idx.msk $0xffff, v42  }
0x433: {  	v33 =	vshll.u32 v33, v1;
	v30 =	vld [tilespmem:$0x1FF90]  }
0x434: {  	v33 =	vbroadcast v33, $0x0;
	v57 =	vmul.f32 $8.000000000e+00, v46;
	v43 =	vld [tilespmem:s20+$0xFFFFFE20];
	[tilespmem:v4+s30+$0x0] =	vst.idx.msk $0xffff, v2;
	v49 =	vadd.s32 v7, v35  }
0x435: {  	v7 =	vld [tilespmem:$0x1FE20]  }
0x436: {  	v59 =	vld [tilespmem:s20+$0xFFFFFE60];
	[tilespmem:v56+s30+$0x0] =	vst.idx.msk $0xffff, v57;
	v3 =	vadd.s32 v3, v33  }
0x437: {  	v2 =	vmul.f32 $8.000000000e+00, v47;
	v11 =	vld [tilespmem:$0x1FE60]  }
0x438: {  	v52 =	vld [tilespmem:s20+$0xFFFFFEA0];
	v58 =	vadd.s32 v30, v34  }
0x439: {  	v60 =	vmul.f32 $8.000000000e+00, v48;
	v4 =	vadd.s32 v63, v41;
	v53 =	vld [tilespmem:s20+$0xFFFFFEE0];
	[tilespmem:v49+s30+$0x0] =	vst.idx.msk $0xffff, v2  }
0x43a: {  	v51 =	vadd.s32 v7, v39;
	v15 =	vld [tilespmem:$0x1FEA0]  }
0x43b: {  	v2 =	vmul.f32 $8.000000000e+00, v50;
	v54 =	vld [tilespmem:s20+$0xFFFFFF20];
	[tilespmem:v3+s30+$0x0] =	vst.idx.msk $0xffff, v60  }
0x43c: {  	v48 =	vadd.s32 v11, v40;
	v3 =	vmul.f32 $8.000000000e+00, v5;
	v19 =	vld [tilespmem:$0x1FEE0]  }
0x43d: {  	v61 =	vmul.f32 $8.000000000e+00, v43;
	v55 =	vld [tilespmem:s20+$0xFFFFFF60];
	[tilespmem:v58+s30+$0x0] =	vst.idx.msk $0xffff, v2  }
0x43e: {  	v23 =	vld [tilespmem:$0x1FF20];
	[tilespmem:v4+s30+$0x0] =	vst.idx.msk $0xffff, v3  }
0x43f: {  	v32 =	vmul.f32 $8.000000000e+00, v59;
	v56 =	vld [tilespmem:s20+$0xFFFFFFA0];
	[tilespmem:v51+s30+$0x0] =	vst.idx.msk $0xffff, v61;
	v50 =	vadd.s32 v15, v37  }
0x440: {  	v27 =	vld [tilespmem:$0x1FF60]  }
0x441: {  	v60 =	vld [tilespmem:s20+$0xFFFFFFF0];
	[tilespmem:v48+s30+$0x0] =	vst.idx.msk $0xffff, v32;
	v62 =	vadd.s32 v19, v36  }
0x442: {  	s10 =	simm.s32 $0xA;
	v3 =	vmul.f32 $8.000000000e+00, v52;
	v31 =	vld [tilespmem:$0x1FFA0]  }
0x443: {  	v47 =	vmov s10;
	v51 =	vld [tilespmem:s20+$0xFFFFFE30];
	v46 =	vadd.s32 v23, v35  }
0x444: {  	v52 =	vshrl.u32 v47, $0x3;
	v61 =	vmul.f32 $8.000000000e+00, v53;
	v47 =	vld [tilespmem:s20+$0xFFFFFE70];
	[tilespmem:v50+s30+$0x0] =	vst.idx.msk $0xffff, v3  }
0x445: {  	v4 =	vadd.s32 v27, v33;
	v8 =	vld [tilespmem:$0x1FE30]  }
0x446: {  	v3 =	vmul.f32 $8.000000000e+00, v54;
	v57 =	vld [tilespmem:s20+$0xFFFFFEB0];
	[tilespmem:v62+s30+$0x0] =	vst.idx.msk $0xffff, v61  }
0x447: {  	v48 =	vadd.s32 v31, v34;
	v12 =	vld [tilespmem:$0x1FE70]  }
0x448: {  	v62 =	vmul.f32 $8.000000000e+00, v55;
	v58 =	vld [tilespmem:s20+$0xFFFFFEF0];
	[tilespmem:v46+s30+$0x0] =	vst.idx.msk $0xffff, v3  }
0x449: {  	s8 =	simm.s32 $0x8;
	v50 =	vadd.s32 v9, v41;
	v16 =	vld [tilespmem:$0x1FEB0]  }
0x44a: {  	s7 =	simm.s32 $0xB;
	v0 =	vmov s8;
	v3 =	vmul.f32 $8.000000000e+00, v56;
	v59 =	vld [tilespmem:s20+$0xFFFFFF30];
	[tilespmem:v4+s30+$0x0] =	vst.idx.msk $0xffff, v62;
	v54 =	vadd.s32 v8, v39  }
0x44b: {  	v0 =	vshrl.u32 v0, $0x3;
	v42 =	vmov s7;
	s10 =	simm.s32 $0xE;
	v20 =	vld [tilespmem:$0x1FEF0]  }
0x44c: {  	v2 =	vmov s10;
	v4 =	vmul.f32 $8.000000000e+00, v60;
	v61 =	vld [tilespmem:s20+$0xFFFFFF70];
	[tilespmem:v48+s30+$0x0] =	vst.idx.msk $0xffff, v3;
	v32 =	vadd.s32 v12, v40  }
0x44d: {  	v53 =	vshrl.u32 v42, $0x3;
	v42 =	vshrl.u32 v2, $0x3;
	v2 =	vmul.f32 $8.000000000e+00, v51;
	v24 =	vld [tilespmem:$0x1FF30]  }
0x44e: {  	v0 =	vshll.u32 v0, v1;
	v62 =	vld [tilespmem:s20+$0xFFFFFFB0];
	[tilespmem:v50+s30+$0x0] =	vst.idx.msk $0xffff, v4;
	v46 =	vadd.s32 v16, v37  }
0x44f: {  	v38 =	vbroadcast v0, $0x0;
	v0 =	vmul.f32 $8.000000000e+00, v47;
	v56 =	vld [tilespmem:s20+$0x0];
	[tilespmem:v54+s30+$0x0] =	vst.idx.msk $0xffff, v2  }
0x450: {  	v28 =	vld [tilespmem:$0x1FF70]  }
0x451: {  	v60 =	vadd.s32 v20, v36;
	v2 =	vmul.f32 $8.000000000e+00, v57;
	v50 =	vld [tilespmem:s20+$0xFFFFFE40];
	[tilespmem:v32+s30+$0x0] =	vst.idx.msk $0xffff, v0  }
0x452: {  	v32 =	vld [tilespmem:$0x1FFB0]  }
0x453: {  	v44 =	vshll.u32 v52, v1;
	v3 =	vadd.s32 v24, v35;
	v52 =	vld [tilespmem:s20+$0xFFFFFE80];
	[tilespmem:v46+s30+$0x0] =	vst.idx.msk $0xffff, v2  }
0x454: {  	s8 =	simm.s32 $0xC;
	v0 =	vmul.f32 $8.000000000e+00, v58;
	v26 =	vld [tilespmem:$0x1FFE0]  }
0x455: {  	v49 =	vmov s8;
	v10 =	vld [tilespmem:$0x1FE40]  }
0x456: {  	v43 =	vshrl.u32 v49, $0x3;
	v2 =	vmul.f32 $8.000000000e+00, v59;
	v49 =	vld [tilespmem:s20+$0xFFFFFEC0];
	[tilespmem:v60+s30+$0x0] =	vst.idx.msk $0xffff, v0  }
0x457: {  	s9 =	simm.s32 $0x9;
	v13 =	vld [tilespmem:$0x1FE80]  }
0x458: {  	v45 =	vmov s9;
	s9 =	simm.s32 $0xD;
	v54 =	vld [tilespmem:s20+$0xFFFFFF00];
	[tilespmem:v3+s30+$0x0] =	vst.idx.msk $0xffff, v2  }
0x459: {  	v45 =	vshrl.u32 v45, $0x3;
	v5 =	vmov s9;
	v17 =	vld [tilespmem:$0x1FEC0]  }
0x45a: {  	v5 =	vshrl.u32 v5, $0x3;
	v47 =	vshll.u32 v45, v1;
	v45 =	vshll.u32 v53, v1;
	v21 =	vld [tilespmem:$0x1FF00]  }
0x45b: {  	v46 =	vshll.u32 v43, v1;
	v43 =	vshll.u32 v5, v1;
	v55 =	vadd.s32 v28, v33;
	v25 =	vld [tilespmem:$0x1FF40]  }
0x45c: {  	v51 =	vadd.s32 v32, v34;
	v29 =	vld [tilespmem:$0x1FF80];
	v53 =	vadd.s32 v26, v41;
	v48 =	vadd.s32 v10, v39  }
0x45d: {  	s4 =	simm.s32 $0x10;
	s7 =	simm.s32 $0xF;
	v18 =	vld [tilespmem:$0x1FFC0];
	v39 =	vmul.f32 $8.000000000e+00, v61;
	v41 =	vadd.s32 v13, v40;
	v40 =	vmul.f32 $8.000000000e+00, v62  }
.LBB2_23:
0x45e: {  	v0 =	vmov s7  }
0x45f: {  	v2 =	vadd.s32 v17, v37;
	v3 =	vld [tilespmem:s20+$0xFFFFFF40];
	v0 =	vshrl.u32 v0, $0x3  }
0x460: {  	v61 =	vld [tilespmem:$0x1FE50];
	[tilespmem:v55+s30+$0x0] =	vst.idx.msk $0xffff, v39;
	v0 =	vshll.u32 v0, v1;
	v5 =	vmul.f32 $8.000000000e+00, v50  }
0x461: {  	[tilespmem:v51+s30+$0x0] =	vst.idx.msk $0xffff, v40;
	v62 =	vld [tilespmem:s20+$0xFFFFFF80];
	v40 =	vbroadcast v0, $0x0  }
0x462: {  	v4 =	vmul.f32 $8.000000000e+00, v56;
	v56 =	vld [tilespmem:s20+$0xFFFFFFC0];
	s20 =	sadd.s32 $0x200, s20;
	v0 =	vmul.f32 $8.000000000e+00, v49;
	[tilespmem:v48+s30+$0x0] =	vst.idx.msk $0xffff, v5  }
0x463: {  	v5 =	vadd.s32 v29, v33;
	v57 =	vld [tilespmem:s20+$0xFFFFFE10]  }
0x464: {  	v36 =	vadd.s32 v21, v36;
	v39 =	vmov v38;
	v55 =	vmul.f32 $8.000000000e+00, v52;
	v52 =	vld [tilespmem:$0x1FE90];
	[tilespmem:v2+s30+$0x0] =	vst.idx.msk $0xffff, v0  }
0x465: {  	[tilespmem:v53+s30+$0x0] =	vst.idx.msk $0xffff, v4;
	v0 =	vmul.f32 $8.000000000e+00, v3;
	v2 =	vadd.s32 v6, v39;
	v3 =	vld [tilespmem:s20+$0xFFFFFE90]  }
0x466: {  	v35 =	vadd.s32 v25, v35;
	[tilespmem:v41+s30+$0x0] =	vst.idx.msk $0xffff, v55;
	v55 =	vld [tilespmem:$0x1FED0];
	v38 =	vmul.f32 $8.000000000e+00, v62  }
0x467: {  	v58 =	vmul.f32 $8.000000000e+00, v54;
	v4 =	vld [tilespmem:s20+$0xFFFFFFD0]  }
0x468: {  	v34 =	vadd.s32 v18, v34;
	v59 =	vld [tilespmem:s20+$0xFFFFFE50];
	[tilespmem:v5+s30+$0x0] =	vst.idx.msk $0xffff, v38;
	v5 =	vmul.f32 $8.000000000e+00, v57  }
0x469: {  	v60 =	vadd.s32 v22, v40;
	v41 =	vbroadcast v47, $0x0;
	[tilespmem:v36+s30+$0x0] =	vst.idx.msk $0xffff, v58;
	v57 =	vld [tilespmem:$0x1FF10]  }
0x46a: {  	v37 =	vbroadcast v44, $0x0;
	[tilespmem:v2+s30+$0x0] =	vst.idx.msk $0xffff, v5;
	v2 =	vmul.f32 $8.000000000e+00, v3;
	v3 =	vld [tilespmem:$0x1FF50]  }
0x46b: {  	v36 =	vbroadcast v45, $0x0;
	v48 =	vld [tilespmem:s20+$0xFFFFFED0];
	v62 =	vadd.s32 v61, v41;
	[tilespmem:v35+s30+$0x0] =	vst.idx.msk $0xffff, v0;
	v0 =	vmul.f32 $8.000000000e+00, v56  }
0x46c: {  	v35 =	vbroadcast v46, $0x0;
	v53 =	vadd.s32 v52, v37;
	v54 =	vld [tilespmem:s20+$0xFFFFFF10];
	v4 =	vmul.f32 $8.000000000e+00, v4  }
0x46d: {  	v42 =	vshll.u32 v42, v1;
	v33 =	vbroadcast v43, $0x0;
	v38 =	vadd.s32 v55, v36;
	[tilespmem:v34+s30+$0x0] =	vst.idx.msk $0xffff, v0;
	v56 =	vld [tilespmem:s20+$0xFFFFFF50]  }
0x46e: {  	s9 =	sadd.s32 $0x2, s4;
	v34 =	vbroadcast v42, $0x0;
	v0 =	vmul.f32 $8.000000000e+00, v59;
	v59 =	vld [tilespmem:s20+$0xFFFFFF90];
	[tilespmem:v60+s30+$0x0] =	vst.idx.msk $0xffff, v4;
	v58 =	vadd.s32 v57, v35  }
0x46f: {  	v51 =	vadd.s32 v7, v39;
	v50 =	vmov s9;
	v5 =	vld [tilespmem:s20+$0xFFFFFFE0];
	v3 =	vadd.s32 v3, v33  }
0x470: {  	v49 =	vadd.s32 v15, v37;
	v61 =	vadd.s32 v30, v34;
	[tilespmem:v62+s30+$0x0] =	vst.idx.msk $0xffff, v0;
	v0 =	vmul.f32 $8.000000000e+00, v48;
	v60 =	vld [tilespmem:s20+$0xFFFFFE20]  }
0x471: {  	s8 =	sadd.s32 $0x1, s4;
	v50 =	vshrl.u32 v50, $0x3;
	v45 =	vadd.s32 v63, v40;
	v62 =	vld [tilespmem:s20+$0xFFFFFE60];
	[tilespmem:v53+s30+$0x0] =	vst.idx.msk $0xffff, v2;
	v2 =	vmul.f32 $8.000000000e+00, v54  }
0x472: {  	v47 =	vmov s8;
	s8 =	sadd.s32 $0x4, s4;
	v44 =	vshll.u32 v50, v1;
	[tilespmem:v38+s30+$0x0] =	vst.idx.msk $0xffff, v0;
	v52 =	vld [tilespmem:s20+$0xFFFFFEA0];
	v0 =	vmul.f32 $8.000000000e+00, v56  }
0x473: {  	v43 =	vmov s8;
	v46 =	vadd.s32 v11, v41;
	v63 =	vld [tilespmem:s20+$0xFFFFFEE0];
	[tilespmem:v58+s30+$0x0] =	vst.idx.msk $0xffff, v2;
	v2 =	vmul.f32 $8.000000000e+00, v59  }
0x474: {  	v47 =	vshrl.u32 v47, $0x3;
	v43 =	vshrl.u32 v43, $0x3;
	v54 =	vld [tilespmem:s20+$0xFFFFFF20];
	[tilespmem:v3+s30+$0x0] =	vst.idx.msk $0xffff, v0;
	v0 =	vmul.f32 $8.000000000e+00, v5  }
0x475: {  	v42 =	vadd.s32 v19, v36;
	v4 =	vmov s4;
	v5 =	vmul.f32 $8.000000000e+00, v60;
	[tilespmem:v61+s30+$0x0] =	vst.idx.msk $0xffff, v2;
	v55 =	vld [tilespmem:s20+$0xFFFFFF60]  }
0x476: {  	v4 =	vshrl.u32 v4, $0x3;
	v60 =	vmul.f32 $8.000000000e+00, v62;
	v61 =	vadd.s32 v23, v35;
	v62 =	vld [tilespmem:s20+$0xFFFFFFA0];
	[tilespmem:v45+s30+$0x0] =	vst.idx.msk $0xffff, v0  }
0x477: {  	v0 =	vshll.u32 v4, v1;
	[tilespmem:v51+s30+$0x0] =	vst.idx.msk $0xffff, v5;
	v4 =	vmul.f32 $8.000000000e+00, v52;
	v5 =	vadd.s32 v27, v33;
	v45 =	vld [tilespmem:s20+$0xFFFFFFF0]  }
0x478: {  	v47 =	vshll.u32 v47, v1;
	v63 =	vmul.f32 $8.000000000e+00, v63;
	[tilespmem:v46+s30+$0x0] =	vst.idx.msk $0xffff, v60;
	v46 =	vadd.s32 v31, v34;
	v51 =	vld [tilespmem:s20+$0xFFFFFE30]  }
0x479: {  	s10 =	sadd.s32 $0x3, s4;
	v48 =	vadd.s32 v16, v37;
	v52 =	vld [tilespmem:s20+$0xFFFFFE70];
	[tilespmem:v49+s30+$0x0] =	vst.idx.msk $0xffff, v4;
	v4 =	vmul.f32 $8.000000000e+00, v54;
	v49 =	vadd.s32 v9, v40  }
0x47a: {  	v38 =	vmov s10;
	[tilespmem:v42+s30+$0x0] =	vst.idx.msk $0xffff, v63;
	v54 =	vadd.s32 v8, v39;
	v57 =	vld [tilespmem:s20+$0xFFFFFEB0];
	v55 =	vmul.f32 $8.000000000e+00, v55  }
0x47b: {  	s9 =	sadd.s32 $0x5, s4;
	s10 =	sadd.s32 $0x6, s4;
	v53 =	vshrl.u32 v38, $0x3;
	v58 =	vadd.s32 v12, v41;
	v59 =	vld [tilespmem:s20+$0xFFFFFEF0];
	[tilespmem:v61+s30+$0x0] =	vst.idx.msk $0xffff, v4;
	v4 =	vmul.f32 $8.000000000e+00, v62  }
0x47c: {  	v3 =	vmov s9;
	v2 =	vmov s10;
	v60 =	vld [tilespmem:s20+$0xFFFFFF30];
	[tilespmem:v5+s30+$0x0] =	vst.idx.msk $0xffff, v55;
	v5 =	vmul.f32 $8.000000000e+00, v45  }
0x47d: {  	v42 =	vshrl.u32 v2, $0x3;
	v61 =	vadd.s32 v20, v36;
	v2 =	vmul.f32 $8.000000000e+00, v51;
	[tilespmem:v46+s30+$0x0] =	vst.idx.msk $0xffff, v4;
	v62 =	vld [tilespmem:s20+$0xFFFFFF70]  }
0x47e: {  	p1 =	slt.u32 s4, $0x78;
	v38 =	vbroadcast v0, $0x0;
	v0 =	vmul.f32 $8.000000000e+00, v52;
	v4 =	vadd.s32 v24, v35;
	v63 =	vld [tilespmem:s20+$0xFFFFFFB0];
	[tilespmem:v49+s30+$0x0] =	vst.idx.msk $0xffff, v5  }
.Ltmp12:
0x47f: {  	v41 =	vadd.s32 v13, v41;
	v3 =	vshrl.u32 v3, $0x3;
	[tilespmem:v54+s30+$0x0] =	vst.idx.msk $0xffff, v2;
	v2 =	vmul.f32 $8.000000000e+00, v57;
	v56 =	vld [tilespmem:s20+$0x0];
	(pc) =	sbr.rel @p1 .LBB2_23-.Ltmp12, $4  }
0x480: {  	v55 =	vadd.s32 v28, v33;
	v51 =	vadd.s32 v32, v34;
	[tilespmem:v58+s30+$0x0] =	vst.idx.msk $0xffff, v0;
	v0 =	vmul.f32 $8.000000000e+00, v59;
	v50 =	vld [tilespmem:s20+$0xFFFFFE40]  }
0x481: {  	v45 =	vshll.u32 v53, v1;
	v53 =	vadd.s32 v26, v40;
	v52 =	vld [tilespmem:s20+$0xFFFFFE80];
	[tilespmem:v48+s30+$0x0] =	vst.idx.msk $0xffff, v2;
	v2 =	vmul.f32 $8.000000000e+00, v60  }
0x482: {  	v46 =	vshll.u32 v43, v1;
	v43 =	vshll.u32 v3, v1;
	[tilespmem:v61+s30+$0x0] =	vst.idx.msk $0xffff, v0;
	v49 =	vld [tilespmem:s20+$0xFFFFFEC0]  }
0x483: {  	s7 =	sadd.s32 $0x7, s4;
	s4 =	sadd.s32 $0x8, s4;
	v48 =	vadd.s32 v10, v39;
	v54 =	vld [tilespmem:s20+$0xFFFFFF00];
	v39 =	vmul.f32 $8.000000000e+00, v62;
	[tilespmem:v4+s30+$0x0] =	vst.idx.msk $0xffff, v2;
	v40 =	vmul.f32 $8.000000000e+00, v63;
	v63 =	vmovc v14  }
0x484: {  	_ =	sdelay $0x3  }
0x485: {  	v0 =	vmov s7;
	v2 =	vadd.s32 v17, v37;
	v3 =	vld [tilespmem:s20+$0xFFFFFF40];
	v4 =	vmul.f32 $8.000000000e+00, v56;
	[tilespmem:v55+s30+$0x0] =	vst.idx.msk $0xffff, v39  }
0x486: {  	v36 =	vadd.s32 v21, v36;
	v0 =	vshrl.u32 v0, $0x3;
	v5 =	vmul.f32 $8.000000000e+00, v50;
	[tilespmem:v51+s30+$0x0] =	vst.idx.msk $0xffff, v40;
	v56 =	vld [tilespmem:s20+$0xFFFFFF80]  }
0x487: {  	v35 =	vadd.s32 v25, v35;
	s4 =	sadd.s32 $0x200, s20;
	v0 =	vshll.u32 v0, v1;
	v57 =	vmul.f32 $8.000000000e+00, v52;
	v40 =	vld [tilespmem:s20+$0xFFFFFFC0];
	[tilespmem:v53+s30+$0x0] =	vst.idx.msk $0xffff, v4  }
0x488: {  	v33 =	vadd.s32 v29, v33;
	v58 =	vld [tilespmem:s4+$0xFFFFFFD0];
	v0 =	vbroadcast v0, $0x0;
	[tilespmem:v48+s30+$0x0] =	vst.idx.msk $0xffff, v5;
	v59 =	vmul.f32 $8.000000000e+00, v49  }
0x489: {  	v34 =	vadd.s32 v18, v34;
	v60 =	vld [tilespmem:s4+$0xFFFFFE10];
	[tilespmem:v41+s30+$0x0] =	vst.idx.msk $0xffff, v57;
	v61 =	vmul.f32 $8.000000000e+00, v54  }
0x48a: {  	v49 =	vadd.s32 v22, v0;
	[tilespmem:v2+s30+$0x0] =	vst.idx.msk $0xffff, v59;
	v2 =	vmul.f32 $8.000000000e+00, v3  }
0x48b: {  	v62 =	vld [tilespmem:s4+$0xFFFFFE50];
	v3 =	vadd.s32 v6, v38;
	[tilespmem:v36+s30+$0x0] =	vst.idx.msk $0xffff, v61;
	v51 =	vmul.f32 $8.000000000e+00, v56  }
0x48c: {  	v52 =	vld [tilespmem:$0x1FE50];
	[tilespmem:v35+s30+$0x0] =	vst.idx.msk $0xffff, v2;
	v2 =	vmul.f32 $8.000000000e+00, v40  }
0x48d: {  	v4 =	vmul.f32 $8.000000000e+00, v58;
	v54 =	vld [tilespmem:$0x1FE90];
	[tilespmem:v33+s30+$0x0] =	vst.idx.msk $0xffff, v51  }
0x48e: {  	v57 =	vmul.f32 $8.000000000e+00, v60;
	v58 =	vld [tilespmem:$0x1FED0];
	[tilespmem:v34+s30+$0x0] =	vst.idx.msk $0xffff, v2  }
0x48f: {  	v61 =	vld [tilespmem:$0x1FF10];
	[tilespmem:v49+s30+$0x0] =	vst.idx.msk $0xffff, v4  }
0x490: {  	v47 =	vbroadcast v47, $0x0;
	v5 =	vld [tilespmem:s4+$0xFFFFFE90];
	[tilespmem:v3+s30+$0x0] =	vst.idx.msk $0xffff, v57  }
0x491: {  	v44 =	vbroadcast v44, $0x0;
	v4 =	vld [tilespmem:$0x1FF50]  }
0x492: {  	v45 =	vbroadcast v45, $0x0;
	v53 =	vld [tilespmem:s4+$0xFFFFFED0];
	v37 =	vadd.s32 v52, v47  }
0x493: {  	v46 =	vbroadcast v46, $0x0;
	v56 =	vld [tilespmem:s4+$0xFFFFFF10];
	v55 =	vadd.s32 v54, v44  }
0x494: {  	v42 =	vshll.u32 v42, v1;
	v43 =	vbroadcast v43, $0x0;
	v60 =	vld [tilespmem:s4+$0xFFFFFF50];
	v59 =	vadd.s32 v58, v45  }
0x495: {  	v42 =	vbroadcast v42, $0x0;
	v22 =	vld [tilespmem:s4+$0xFFFFFF90];
	v2 =	vmul.f32 $8.000000000e+00, v62;
	v62 =	vadd.s32 v61, v46  }
0x496: {  	v3 =	vmul.f32 $8.000000000e+00, v5;
	v33 =	vld [tilespmem:s4+$0xFFFFFE20];
	v4 =	vadd.s32 v4, v43  }
0x497: {  	v52 =	vld [tilespmem:s4+$0xFFFFFFE0];
	[tilespmem:v37+s30+$0x0] =	vst.idx.msk $0xffff, v2;
	v2 =	vmul.f32 $8.000000000e+00, v53;
	v53 =	vadd.s32 v30, v42  }
0x498: {  	v54 =	vld [tilespmem:s4+$0xFFFFFE60];
	[tilespmem:v55+s30+$0x0] =	vst.idx.msk $0xffff, v3;
	v3 =	vmul.f32 $8.000000000e+00, v56;
	v56 =	vadd.s32 v7, v38  }
0x499: {  	v55 =	vadd.s32 v63, v0;
	v57 =	vld [tilespmem:s4+$0xFFFFFEA0];
	[tilespmem:v59+s30+$0x0] =	vst.idx.msk $0xffff, v2;
	v2 =	vmul.f32 $8.000000000e+00, v60  }
0x49a: {  	v58 =	vadd.s32 v11, v47;
	v59 =	vld [tilespmem:s4+$0xFFFFFEE0];
	[tilespmem:v62+s30+$0x0] =	vst.idx.msk $0xffff, v3;
	v3 =	vmul.f32 $8.000000000e+00, v22  }
0x49b: {  	v60 =	vadd.s32 v15, v44;
	v62 =	vmul.f32 $8.000000000e+00, v33;
	v61 =	vld [tilespmem:s4+$0xFFFFFF20];
	[tilespmem:v4+s30+$0x0] =	vst.idx.msk $0xffff, v2  }
0x49c: {  	v22 =	vadd.s32 v19, v45;
	v2 =	vmul.f32 $8.000000000e+00, v52;
	v30 =	vld [tilespmem:s4+$0xFFFFFF60];
	[tilespmem:v53+s30+$0x0] =	vst.idx.msk $0xffff, v3  }
0x49d: {  	v52 =	vadd.s32 v23, v46;
	v3 =	vmul.f32 $8.000000000e+00, v54;
	[tilespmem:v56+s30+$0x0] =	vst.idx.msk $0xffff, v62;
	v53 =	vld [tilespmem:s4+$0xFFFFFFA0]  }
0x49e: {  	v54 =	vadd.s32 v27, v43;
	[tilespmem:v55+s30+$0x0] =	vst.idx.msk $0xffff, v2;
	v2 =	vmul.f32 $8.000000000e+00, v57;
	v40 =	vld [tilespmem:s4+$0xFFFFFE30]  }
0x49f: {  	v55 =	vadd.s32 v31, v42;
	v35 =	vld [tilespmem:s4+$0xFFFFFFF0];
	[tilespmem:v58+s30+$0x0] =	vst.idx.msk $0xffff, v3;
	v3 =	vmul.f32 $8.000000000e+00, v59  }
0x4a0: {  	v58 =	vadd.s32 v8, v38;
	v56 =	vld [tilespmem:s4+$0xFFFFFE70];
	[tilespmem:v60+s30+$0x0] =	vst.idx.msk $0xffff, v2;
	v2 =	vmul.f32 $8.000000000e+00, v61  }
0x4a1: {  	v57 =	vadd.s32 v9, v0;
	v59 =	vld [tilespmem:s4+$0xFFFFFEB0];
	[tilespmem:v22+s30+$0x0] =	vst.idx.msk $0xffff, v3;
	v3 =	vmul.f32 $8.000000000e+00, v30  }
0x4a2: {  	v60 =	vadd.s32 v12, v47;
	v61 =	vld [tilespmem:s4+$0xFFFFFEF0];
	[tilespmem:v52+s30+$0x0] =	vst.idx.msk $0xffff, v2;
	v2 =	vmul.f32 $8.000000000e+00, v53  }
0x4a3: {  	v62 =	vadd.s32 v16, v44;
	v19 =	vmul.f32 $8.000000000e+00, v40;
	v16 =	vld [tilespmem:s4+$0xFFFFFF30];
	[tilespmem:v54+s30+$0x0] =	vst.idx.msk $0xffff, v3  }
0x4a4: {  	v22 =	vadd.s32 v20, v45;
	v3 =	vmul.f32 $8.000000000e+00, v35;
	v23 =	vld [tilespmem:s4+$0xFFFFFF70];
	[tilespmem:v55+s30+$0x0] =	vst.idx.msk $0xffff, v2  }
0x4a5: {  	v27 =	vadd.s32 v24, v46;
	v2 =	vmul.f32 $8.000000000e+00, v56;
	[tilespmem:v58+s30+$0x0] =	vst.idx.msk $0xffff, v19;
	v30 =	vld [tilespmem:s4+$0xFFFFFFB0]  }
0x4a6: {  	v31 =	vadd.s32 v28, v43;
	[tilespmem:v57+s30+$0x0] =	vst.idx.msk $0xffff, v3;
	v3 =	vmul.f32 $8.000000000e+00, v59;
	v41 =	vld [tilespmem:s4+$0xFFFFFE40]  }
0x4a7: {  	v49 =	vadd.s32 v32, v42;
	v34 =	vld [tilespmem:s4+$0x0];
	[tilespmem:v60+s30+$0x0] =	vst.idx.msk $0xffff, v2;
	v2 =	vmul.f32 $8.000000000e+00, v61  }
0x4a8: {  	v51 =	vadd.s32 v10, v38;
	v50 =	vld [tilespmem:s4+$0xFFFFFE80];
	[tilespmem:v62+s30+$0x0] =	vst.idx.msk $0xffff, v3;
	v3 =	vmul.f32 $8.000000000e+00, v16  }
0x4a9: {  	v0 =	vadd.s32 v26, v0;
	v52 =	vld [tilespmem:s4+$0xFFFFFEC0];
	[tilespmem:v22+s30+$0x0] =	vst.idx.msk $0xffff, v2;
	v2 =	vmul.f32 $8.000000000e+00, v23  }
0x4aa: {  	v53 =	vadd.s32 v13, v47;
	v54 =	vld [tilespmem:s4+$0xFFFFFF00];
	[tilespmem:v27+s30+$0x0] =	vst.idx.msk $0xffff, v3;
	v3 =	vmul.f32 $8.000000000e+00, v30  }
0x4ab: {  	v55 =	vadd.s32 v17, v44;
	v57 =	vmul.f32 $8.000000000e+00, v41;
	v56 =	vld [tilespmem:s4+$0xFFFFFF40];
	[tilespmem:v31+s30+$0x0] =	vst.idx.msk $0xffff, v2  }
0x4ac: {  	v58 =	vadd.s32 v21, v45;
	v2 =	vmul.f32 $8.000000000e+00, v34;
	v59 =	vld [tilespmem:s4+$0xFFFFFF80];
	[tilespmem:v49+s30+$0x0] =	vst.idx.msk $0xffff, v3  }
0x4ad: {  	v60 =	vadd.s32 v25, v46;
	v3 =	vmul.f32 $8.000000000e+00, v50;
	[tilespmem:v51+s30+$0x0] =	vst.idx.msk $0xffff, v57;
	v61 =	vld [tilespmem:s4+$0xFFFFFFC0]  }
0x4ae: {  	[tilespmem:v0+s30+$0x0] =	vst.idx.msk $0xffff, v2;
	v0 =	vmul.f32 $8.000000000e+00, v52;
	v2 =	vadd.s32 v29, v43  }
0x4af: {  	v62 =	vadd.s32 v18, v42;
	[tilespmem:v53+s30+$0x0] =	vst.idx.msk $0xffff, v3;
	v3 =	vmul.f32 $8.000000000e+00, v54  }
0x4b0: {  	[tilespmem:v55+s30+$0x0] =	vst.idx.msk $0xffff, v0;
	v0 =	vmul.f32 $8.000000000e+00, v56  }
0x4b1: {  	[tilespmem:v58+s30+$0x0] =	vst.idx.msk $0xffff, v3;
	v3 =	vmul.f32 $8.000000000e+00, v59  }
0x4b2: {  	[tilespmem:v60+s30+$0x0] =	vst.idx.msk $0xffff, v0;
	v0 =	vmul.f32 $8.000000000e+00, v61  }
0x4b3: {  	[tilespmem:v2+s30+$0x0] =	vst.idx.msk $0xffff, v3  }
0x4b4: {  	[tilespmem:v62+s30+$0x0] =	vst.idx.msk $0xffff, v0  }
0x4b5: {  	s10 =	rddreg [dreg:$0x9]  }
0x4b6: {  	s20 =	simm.s32 $0x18600;
	s10 =	sadd.s32 s31, s10  }
0x4b7: {  	[hbm4b:s10+s3] =	stream.linear.scatter [tilespmem:s20], [sflag:$0xA], $0x80, $0x38;
	[tilespmem:$0x1EC00] =	vst v63  }
0x4b8: {  	s7 =	simm.s32 $0x18688;
	s8 =	sadd.s32 $0x10, s10  }
0x4b9: {  	[hbm4b:s8+s3] =	stream.linear.scatter [tilespmem:s7], [sflag:$0xA], $0x80, $0x38;
	[tilespmem:$0x1EC00] =	vst v63  }
0x4ba: {  	s9 =	simm.s32 $0x18710;
	s20 =	sadd.s32 $0x20, s10  }
0x4bb: {  	[hbm4b:s20+s3] =	stream.linear.scatter [tilespmem:s9], [sflag:$0xA], $0x80, $0x38;
	[tilespmem:$0x1EC00] =	vst v63  }
0x4bc: {  	s7 =	simm.s32 $0x18798;
	s8 =	sadd.s32 $0x30, s10  }
0x4bd: {  	[hbm4b:s8+s3] =	stream.linear.scatter [tilespmem:s7], [sflag:$0xA], $0x80, $0x38;
	[tilespmem:$0x1EC00] =	vst v63  }
0x4be: {  	s9 =	simm.s32 $0x18820;
	s20 =	sadd.s32 $0x40, s10  }
0x4bf: {  	[hbm4b:s20+s3] =	stream.linear.scatter [tilespmem:s9], [sflag:$0xA], $0x80, $0x38;
	[tilespmem:$0x1EC00] =	vst v63  }
0x4c0: {  	s4 =	simm.s32 $0x440;
	s7 =	simm.s32 $0x188A8;
	s8 =	sadd.s32 $0x50, s10  }
0x4c1: {  	[hbm4b:s8+s3] =	stream.linear.scatter [tilespmem:s7], [sflag:$0xA], $0x80, $0x38;
	[tilespmem:$0x1EC00] =	vst v63  }
0x4c2: {  	s9 =	simm.s32 $0x18930;
	s20 =	sadd.s32 $0x60, s10;
	s7 =	simm.s32 $0x2200  }
0x4c3: {  	[hbm4b:s20+s3] =	stream.linear.scatter [tilespmem:s9], [sflag:$0xA], $0x80, $0x38;
	[tilespmem:$0x1EC00] =	vst v63  }
0x4c4: {  	s8 =	simm.s32 $0x189B8;
	s9 =	sadd.s32 $0x70, s10;
	s20 =	sadd.s32 $0x1000, s10  }
.LBB2_25:
0x4c5: {  	[hbm4b:s9+s3] =	stream.linear.scatter [tilespmem:s8], [sflag:$0xA], $0x80, $0x38;
	[tilespmem:$0x1EC00] =	vst v63  }
0x4c6: {  	s8 =	smov.u32 s4;
	s4 =	smov.u32 s7  }
0x4c7: {  	s10 =	sadd.s32 $0x1100, s7;
	s4 =	sshra.s32 s4, $0x2;
	s9 =	sadd.s32 $0x18600, s8  }
0x4c8: {  	[hbm4b:s20+s3] =	stream.linear.scatter [tilespmem:s9], [sflag:$0xA], $0x80, $0x38;
	[tilespmem:$0x1EC00] =	vst v63  }
0x4c9: {  	p1 =	sne.s32 s7, $0x7700;
	s7 =	sadd.s32 $0x18688, s8;
	s9 =	sadd.s32 $0x10, s20  }
0x4ca: {  	[hbm4b:s9+s3] =	stream.linear.scatter [tilespmem:s7], [sflag:$0xA], $0x80, $0x38;
	[tilespmem:$0x1EC00] =	vst v63  }
0x4cb: {  	s7 =	sadd.s32 $0x18710, s8;
	s9 =	sadd.s32 $0x20, s20  }
0x4cc: {  	[hbm4b:s9+s3] =	stream.linear.scatter [tilespmem:s7], [sflag:$0xA], $0x80, $0x38;
	[tilespmem:$0x1EC00] =	vst v63  }
0x4cd: {  	s7 =	sadd.s32 $0x18798, s8;
	s9 =	sadd.s32 $0x30, s20  }
0x4ce: {  	[hbm4b:s9+s3] =	stream.linear.scatter [tilespmem:s7], [sflag:$0xA], $0x80, $0x38;
	[tilespmem:$0x1EC00] =	vst v63  }
0x4cf: {  	s7 =	sadd.s32 $0x18820, s8;
	s9 =	sadd.s32 $0x40, s20  }
0x4d0: {  	[hbm4b:s9+s3] =	stream.linear.scatter [tilespmem:s7], [sflag:$0xA], $0x80, $0x38;
	[tilespmem:$0x1EC00] =	vst v63  }
.Ltmp13:
0x4d1: {  	s7 =	sadd.s32 $0x188A8, s8;
	s9 =	sadd.s32 $0x50, s20;
	(pc) =	sbr.rel @p1 .LBB2_25-.Ltmp13, $4  }
0x4d2: {  	[hbm4b:s9+s3] =	stream.linear.scatter [tilespmem:s7], [sflag:$0xA], $0x80, $0x38;
	[tilespmem:$0x1EC00] =	vst v63  }
0x4d3: {  	s7 =	sadd.s32 $0x18930, s8;
	s9 =	sadd.s32 $0x60, s20;
	s8 =	sadd.s32 $0x189B8, s8  }
0x4d4: {  	[hbm4b:s9+s3] =	stream.linear.scatter [tilespmem:s7], [sflag:$0xA], $0x80, $0x38;
	[tilespmem:$0x1EC00] =	vst v63  }
0x4d5: {  	s9 =	sadd.s32 $0x70, s20;
	s20 =	sadd.s32 $0x1000, s20;
	s7 =	smov.u32 s10  }
0x4d6: {  	[hbm4b:s9+s3] =	stream.linear.scatter [tilespmem:s8], [sflag:$0xA], $0x80, $0x38;
	[tilespmem:$0x1EC00] =	vst v63  }
0x4d7: {  	s7 =	sadd.s32 $0x18600, s4  }
0x4d8: {  	[hbm4b:s20+s3] =	stream.linear.scatter [tilespmem:s7], [sflag:$0xA], $0x80, $0x38;
	[tilespmem:$0x1EC00] =	vst v63  }
0x4d9: {  	s9 =	sadd.s32 $0x18688, s4;
	s10 =	sadd.s32 $0x10, s20  }
0x4da: {  	[hbm4b:s10+s3] =	stream.linear.scatter [tilespmem:s9], [sflag:$0xA], $0x80, $0x38;
	[tilespmem:$0x1EC00] =	vst v63  }
0x4db: {  	s9 =	sadd.s32 $0x18710, s4;
	s10 =	sadd.s32 $0x20, s20  }
0x4dc: {  	[hbm4b:s10+s3] =	stream.linear.scatter [tilespmem:s9], [sflag:$0xA], $0x80, $0x38;
	[tilespmem:$0x1EC00] =	vst v63  }
0x4dd: {  	s9 =	sadd.s32 $0x18798, s4;
	s10 =	sadd.s32 $0x30, s20  }
0x4de: {  	[hbm4b:s10+s3] =	stream.linear.scatter [tilespmem:s9], [sflag:$0xA], $0x80, $0x38;
	[tilespmem:$0x1EC00] =	vst v63  }
0x4df: {  	s9 =	sadd.s32 $0x18820, s4;
	s10 =	sadd.s32 $0x40, s20  }
0x4e0: {  	[hbm4b:s10+s3] =	stream.linear.scatter [tilespmem:s9], [sflag:$0xA], $0x80, $0x38;
	[tilespmem:$0x1EC00] =	vst v63  }
0x4e1: {  	s9 =	sadd.s32 $0x188A8, s4;
	s10 =	sadd.s32 $0x50, s20  }
0x4e2: {  	[hbm4b:s10+s3] =	stream.linear.scatter [tilespmem:s9], [sflag:$0xA], $0x80, $0x38;
	[tilespmem:$0x1EC00] =	vst v63  }
0x4e3: {  	s8 =	sadd.s32 $0x18930, s4;
	s9 =	sadd.s32 $0x60, s20  }
0x4e4: {  	[hbm4b:s9+s3] =	stream.linear.scatter [tilespmem:s8], [sflag:$0xA], $0x80, $0x38;
	[tilespmem:$0x1EC00] =	vst v63  }
0x4e5: {  	s10 =	sadd.s32 $0x189B8, s4;
	s20 =	sadd.s32 $0x70, s20  }
0x4e6: {  	[hbm4b:s20+s3] =	stream.linear.scatter [tilespmem:s10], [sflag:$0xA], $0x80, $0x38;
	[tilespmem:$0x1EC00] =	vst v63  }
0x4e7: {  	s7 =	simm.s32 @!p0 $0x80;
	s4 =	sadd.s32 @!p0 $0x480, s15;
	s8 =	simm.s32 @!p0 $0x8400  }
0x4e8: {  	[tilespmem:s8], [sflag:$0x2] =	stream.indirect.gather @!p0 [hbm4b:s5+s7], $0x40, s4, s7, $0xb8;
	[tilespmem:$0x1EC00] =	vst v63  }
0x4e9: {  	_ =	swait.ge [sflag:s14], $0x2000  }
0x4ea: {  	[sflag:s14] =	ssyncset.done $0x0  }
0x4eb: {  	s9 =	simm.s32 $0x1;
	[sflag:s14] =	ssyncadd.s32 $0xFFFFE000  }
0x4ec: {  	v2 =	vmov s9;
	s20 =	simm.s32 $0x3;
	_ =	swait.ge [sflag:s17], $0x2000  }
0x4ed: {  	v2 =	vshrl.u32 v2, $0x3;
	v4 =	vmov s20;
	s20 =	simm.s32 $0x6;
	s8 =	simm.s32 $0x0;
	v22 =	vld [tilespmem:$0x1FFD0]  }
0x4ee: {  	v34 =	vmov s20;
	s7 =	simm.s32 $0x7;
	v4 =	vshrl.u32 v4, $0x3;
	v0 =	vmov s8;
	v6 =	vld [tilespmem:$0x1FE10]  }
0x4ef: {  	v35 =	vmov s7;
	v4 =	vshll.u32 v4, v1;
	v0 =	vshrl.u32 v0, $0x3;
	[sflag:s17] =	ssyncset.done $0x0;
	v7 =	vld [tilespmem:$0x1FE50]  }
0x4f0: {  	s20 =	simm.s32 $0x125F0;
	v35 =	vshrl.u32 v35, $0x3;
	v36 =	vbroadcast v4, $0x0;
	v0 =	vshll.u32 v0, v1;
	v4 =	vld [tilespmem:$0x1FE90];
	[sflag:s17] =	ssyncadd.s32 $0xFFFFE000  }
0x4f1: {  	v2 =	vshll.u32 v2, v1;
	v35 =	vshll.u32 v35, v1;
	v39 =	vbroadcast v0, $0x0;
	v0 =	vld [tilespmem:s20+$0xFFFFFFD0]  }
0x4f2: {  	v40 =	vbroadcast v2, $0x0;
	v41 =	vbroadcast v35, $0x0;
	v38 =	vld [tilespmem:s20+$0xFFFFFE10]  }
0x4f3: {  	s10 =	simm.s32 $0x2;
	v42 =	vld [tilespmem:s20+$0xFFFFFE50]  }
0x4f4: {  	s9 =	simm.s32 $0x4;
	v3 =	vmov s10;
	v2 =	vadd.s32 v22, v41;
	v45 =	vadd.s32 v7, v40;
	v7 =	vld [tilespmem:$0x1FED0]  }
0x4f5: {  	v5 =	vmov s9;
	v3 =	vshrl.u32 v3, $0x3;
	v44 =	vld [tilespmem:s20+$0xFFFFFE90];
	v43 =	vadd.s32 v6, v39  }
0x4f6: {  	v5 =	vshrl.u32 v5, $0x3;
	v3 =	vshll.u32 v3, v1;
	v46 =	vld [tilespmem:s20+$0xFFFFFED0]  }
0x4f7: {  	v5 =	vshll.u32 v5, v1;
	v37 =	vbroadcast v3, $0x0;
	v47 =	vld [tilespmem:s20+$0xFFFFFF10];
	v0 =	vmul.f32 $8.000000000e+00, v0  }
0x4f8: {  	v35 =	vbroadcast v5, $0x0;
	v48 =	vld [tilespmem:s20+$0xFFFFFF50];
	v5 =	vmul.f32 $8.000000000e+00, v38  }
0x4f9: {  	v34 =	vshrl.u32 v34, $0x3;
	v4 =	vadd.s32 v4, v37;
	v56 =	vadd.s32 v7, v36;
	v7 =	vld [tilespmem:$0x1FF10];
	[tilespmem:v2+s1+$0x0] =	vst.idx.msk $0xffff, v0  }
0x4fa: {  	s10 =	simm.s32 $0x5;
	v3 =	vshll.u32 v34, v1;
	v50 =	vld [tilespmem:s20+$0xFFFFFF90];
	v42 =	vmul.f32 $8.000000000e+00, v42;
	[tilespmem:v43+s1+$0x0] =	vst.idx.msk $0xffff, v5  }
0x4fb: {  	v33 =	vmov s10;
	v34 =	vbroadcast v3, $0x0;
	v3 =	vld [tilespmem:$0x1FF50]  }
0x4fc: {  	v33 =	vshrl.u32 v33, $0x3;
	v2 =	vmul.f32 $8.000000000e+00, v44;
	v5 =	vld [tilespmem:s20+$0xFFFFFFE0];
	[tilespmem:v45+s1+$0x0] =	vst.idx.msk $0xffff, v42  }
0x4fd: {  	v33 =	vshll.u32 v33, v1;
	v30 =	vld [tilespmem:$0x1FF90]  }
0x4fe: {  	v33 =	vbroadcast v33, $0x0;
	v57 =	vmul.f32 $8.000000000e+00, v46;
	v43 =	vld [tilespmem:s20+$0xFFFFFE20];
	[tilespmem:v4+s1+$0x0] =	vst.idx.msk $0xffff, v2;
	v49 =	vadd.s32 v7, v35  }
0x4ff: {  	v7 =	vld [tilespmem:$0x1FE20]  }
0x500: {  	v59 =	vld [tilespmem:s20+$0xFFFFFE60];
	[tilespmem:v56+s1+$0x0] =	vst.idx.msk $0xffff, v57;
	v3 =	vadd.s32 v3, v33  }
0x501: {  	v2 =	vmul.f32 $8.000000000e+00, v47;
	v11 =	vld [tilespmem:$0x1FE60]  }
0x502: {  	v52 =	vld [tilespmem:s20+$0xFFFFFEA0];
	v58 =	vadd.s32 v30, v34  }
0x503: {  	v60 =	vmul.f32 $8.000000000e+00, v48;
	v4 =	vadd.s32 v63, v41;
	v53 =	vld [tilespmem:s20+$0xFFFFFEE0];
	[tilespmem:v49+s1+$0x0] =	vst.idx.msk $0xffff, v2  }
0x504: {  	v51 =	vadd.s32 v7, v39;
	v15 =	vld [tilespmem:$0x1FEA0]  }
0x505: {  	v2 =	vmul.f32 $8.000000000e+00, v50;
	v54 =	vld [tilespmem:s20+$0xFFFFFF20];
	[tilespmem:v3+s1+$0x0] =	vst.idx.msk $0xffff, v60  }
0x506: {  	v48 =	vadd.s32 v11, v40;
	v3 =	vmul.f32 $8.000000000e+00, v5;
	v19 =	vld [tilespmem:$0x1FEE0]  }
0x507: {  	v61 =	vmul.f32 $8.000000000e+00, v43;
	v55 =	vld [tilespmem:s20+$0xFFFFFF60];
	[tilespmem:v58+s1+$0x0] =	vst.idx.msk $0xffff, v2  }
0x508: {  	v23 =	vld [tilespmem:$0x1FF20];
	[tilespmem:v4+s1+$0x0] =	vst.idx.msk $0xffff, v3  }
0x509: {  	v32 =	vmul.f32 $8.000000000e+00, v59;
	v56 =	vld [tilespmem:s20+$0xFFFFFFA0];
	[tilespmem:v51+s1+$0x0] =	vst.idx.msk $0xffff, v61;
	v50 =	vadd.s32 v15, v37  }
0x50a: {  	v27 =	vld [tilespmem:$0x1FF60]  }
0x50b: {  	v60 =	vld [tilespmem:s20+$0xFFFFFFF0];
	[tilespmem:v48+s1+$0x0] =	vst.idx.msk $0xffff, v32;
	v62 =	vadd.s32 v19, v36  }
0x50c: {  	s10 =	simm.s32 $0xA;
	v3 =	vmul.f32 $8.000000000e+00, v52;
	v31 =	vld [tilespmem:$0x1FFA0]  }
0x50d: {  	v47 =	vmov s10;
	v51 =	vld [tilespmem:s20+$0xFFFFFE30];
	v46 =	vadd.s32 v23, v35  }
0x50e: {  	v52 =	vshrl.u32 v47, $0x3;
	v61 =	vmul.f32 $8.000000000e+00, v53;
	v47 =	vld [tilespmem:s20+$0xFFFFFE70];
	[tilespmem:v50+s1+$0x0] =	vst.idx.msk $0xffff, v3  }
0x50f: {  	v4 =	vadd.s32 v27, v33;
	v8 =	vld [tilespmem:$0x1FE30]  }
0x510: {  	v3 =	vmul.f32 $8.000000000e+00, v54;
	v57 =	vld [tilespmem:s20+$0xFFFFFEB0];
	[tilespmem:v62+s1+$0x0] =	vst.idx.msk $0xffff, v61  }
0x511: {  	v48 =	vadd.s32 v31, v34;
	v12 =	vld [tilespmem:$0x1FE70]  }
0x512: {  	v62 =	vmul.f32 $8.000000000e+00, v55;
	v58 =	vld [tilespmem:s20+$0xFFFFFEF0];
	[tilespmem:v46+s1+$0x0] =	vst.idx.msk $0xffff, v3  }
0x513: {  	s8 =	simm.s32 $0x8;
	v50 =	vadd.s32 v9, v41;
	v16 =	vld [tilespmem:$0x1FEB0]  }
0x514: {  	s7 =	simm.s32 $0xB;
	v0 =	vmov s8;
	v3 =	vmul.f32 $8.000000000e+00, v56;
	v59 =	vld [tilespmem:s20+$0xFFFFFF30];
	[tilespmem:v4+s1+$0x0] =	vst.idx.msk $0xffff, v62;
	v54 =	vadd.s32 v8, v39  }
0x515: {  	v0 =	vshrl.u32 v0, $0x3;
	v42 =	vmov s7;
	s10 =	simm.s32 $0xE;
	v20 =	vld [tilespmem:$0x1FEF0]  }
0x516: {  	v2 =	vmov s10;
	v4 =	vmul.f32 $8.000000000e+00, v60;
	v61 =	vld [tilespmem:s20+$0xFFFFFF70];
	[tilespmem:v48+s1+$0x0] =	vst.idx.msk $0xffff, v3;
	v32 =	vadd.s32 v12, v40  }
0x517: {  	v53 =	vshrl.u32 v42, $0x3;
	v42 =	vshrl.u32 v2, $0x3;
	v2 =	vmul.f32 $8.000000000e+00, v51;
	v24 =	vld [tilespmem:$0x1FF30]  }
0x518: {  	v0 =	vshll.u32 v0, v1;
	v62 =	vld [tilespmem:s20+$0xFFFFFFB0];
	[tilespmem:v50+s1+$0x0] =	vst.idx.msk $0xffff, v4;
	v46 =	vadd.s32 v16, v37  }
0x519: {  	v38 =	vbroadcast v0, $0x0;
	v0 =	vmul.f32 $8.000000000e+00, v47;
	v56 =	vld [tilespmem:s20+$0x0];
	[tilespmem:v54+s1+$0x0] =	vst.idx.msk $0xffff, v2  }
0x51a: {  	v28 =	vld [tilespmem:$0x1FF70]  }
0x51b: {  	v60 =	vadd.s32 v20, v36;
	v2 =	vmul.f32 $8.000000000e+00, v57;
	v50 =	vld [tilespmem:s20+$0xFFFFFE40];
	[tilespmem:v32+s1+$0x0] =	vst.idx.msk $0xffff, v0  }
0x51c: {  	v32 =	vld [tilespmem:$0x1FFB0]  }
0x51d: {  	v44 =	vshll.u32 v52, v1;
	v3 =	vadd.s32 v24, v35;
	v52 =	vld [tilespmem:s20+$0xFFFFFE80];
	[tilespmem:v46+s1+$0x0] =	vst.idx.msk $0xffff, v2  }
0x51e: {  	s8 =	simm.s32 $0xC;
	v0 =	vmul.f32 $8.000000000e+00, v58;
	v26 =	vld [tilespmem:$0x1FFE0]  }
0x51f: {  	v49 =	vmov s8;
	v10 =	vld [tilespmem:$0x1FE40]  }
0x520: {  	v43 =	vshrl.u32 v49, $0x3;
	v2 =	vmul.f32 $8.000000000e+00, v59;
	v49 =	vld [tilespmem:s20+$0xFFFFFEC0];
	[tilespmem:v60+s1+$0x0] =	vst.idx.msk $0xffff, v0  }
0x521: {  	s9 =	simm.s32 $0x9;
	v13 =	vld [tilespmem:$0x1FE80]  }
0x522: {  	v45 =	vmov s9;
	s9 =	simm.s32 $0xD;
	v54 =	vld [tilespmem:s20+$0xFFFFFF00];
	[tilespmem:v3+s1+$0x0] =	vst.idx.msk $0xffff, v2  }
0x523: {  	v45 =	vshrl.u32 v45, $0x3;
	v5 =	vmov s9;
	v17 =	vld [tilespmem:$0x1FEC0]  }
0x524: {  	v5 =	vshrl.u32 v5, $0x3;
	v47 =	vshll.u32 v45, v1;
	v45 =	vshll.u32 v53, v1;
	v21 =	vld [tilespmem:$0x1FF00]  }
0x525: {  	v46 =	vshll.u32 v43, v1;
	v43 =	vshll.u32 v5, v1;
	v55 =	vadd.s32 v28, v33;
	v25 =	vld [tilespmem:$0x1FF40]  }
0x526: {  	v51 =	vadd.s32 v32, v34;
	v29 =	vld [tilespmem:$0x1FF80];
	v53 =	vadd.s32 v26, v41;
	v48 =	vadd.s32 v10, v39  }
0x527: {  	s4 =	simm.s32 $0x10;
	s7 =	simm.s32 $0xF;
	v18 =	vld [tilespmem:$0x1FFC0];
	v39 =	vmul.f32 $8.000000000e+00, v61;
	v41 =	vadd.s32 v13, v40;
	v40 =	vmul.f32 $8.000000000e+00, v62  }
.LBB2_27:
0x528: {  	v0 =	vmov s7  }
0x529: {  	v2 =	vadd.s32 v17, v37;
	v3 =	vld [tilespmem:s20+$0xFFFFFF40];
	v0 =	vshrl.u32 v0, $0x3  }
0x52a: {  	v61 =	vld [tilespmem:$0x1FE50];
	[tilespmem:v55+s1+$0x0] =	vst.idx.msk $0xffff, v39;
	v0 =	vshll.u32 v0, v1;
	v5 =	vmul.f32 $8.000000000e+00, v50  }
0x52b: {  	[tilespmem:v51+s1+$0x0] =	vst.idx.msk $0xffff, v40;
	v62 =	vld [tilespmem:s20+$0xFFFFFF80];
	v40 =	vbroadcast v0, $0x0  }
0x52c: {  	v4 =	vmul.f32 $8.000000000e+00, v56;
	v56 =	vld [tilespmem:s20+$0xFFFFFFC0];
	s20 =	sadd.s32 $0x200, s20;
	v0 =	vmul.f32 $8.000000000e+00, v49;
	[tilespmem:v48+s1+$0x0] =	vst.idx.msk $0xffff, v5  }
0x52d: {  	v5 =	vadd.s32 v29, v33;
	v57 =	vld [tilespmem:s20+$0xFFFFFE10]  }
0x52e: {  	v36 =	vadd.s32 v21, v36;
	v39 =	vmov v38;
	v55 =	vmul.f32 $8.000000000e+00, v52;
	v52 =	vld [tilespmem:$0x1FE90];
	[tilespmem:v2+s1+$0x0] =	vst.idx.msk $0xffff, v0  }
0x52f: {  	[tilespmem:v53+s1+$0x0] =	vst.idx.msk $0xffff, v4;
	v0 =	vmul.f32 $8.000000000e+00, v3;
	v2 =	vadd.s32 v6, v39;
	v3 =	vld [tilespmem:s20+$0xFFFFFE90]  }
0x530: {  	v35 =	vadd.s32 v25, v35;
	[tilespmem:v41+s1+$0x0] =	vst.idx.msk $0xffff, v55;
	v55 =	vld [tilespmem:$0x1FED0];
	v38 =	vmul.f32 $8.000000000e+00, v62  }
0x531: {  	v58 =	vmul.f32 $8.000000000e+00, v54;
	v4 =	vld [tilespmem:s20+$0xFFFFFFD0]  }
0x532: {  	v34 =	vadd.s32 v18, v34;
	v59 =	vld [tilespmem:s20+$0xFFFFFE50];
	[tilespmem:v5+s1+$0x0] =	vst.idx.msk $0xffff, v38;
	v5 =	vmul.f32 $8.000000000e+00, v57  }
0x533: {  	v60 =	vadd.s32 v22, v40;
	v41 =	vbroadcast v47, $0x0;
	[tilespmem:v36+s1+$0x0] =	vst.idx.msk $0xffff, v58;
	v57 =	vld [tilespmem:$0x1FF10]  }
0x534: {  	v37 =	vbroadcast v44, $0x0;
	[tilespmem:v2+s1+$0x0] =	vst.idx.msk $0xffff, v5;
	v2 =	vmul.f32 $8.000000000e+00, v3;
	v3 =	vld [tilespmem:$0x1FF50]  }
0x535: {  	v36 =	vbroadcast v45, $0x0;
	v48 =	vld [tilespmem:s20+$0xFFFFFED0];
	v62 =	vadd.s32 v61, v41;
	[tilespmem:v35+s1+$0x0] =	vst.idx.msk $0xffff, v0;
	v0 =	vmul.f32 $8.000000000e+00, v56  }
0x536: {  	v35 =	vbroadcast v46, $0x0;
	v53 =	vadd.s32 v52, v37;
	v54 =	vld [tilespmem:s20+$0xFFFFFF10];
	v4 =	vmul.f32 $8.000000000e+00, v4  }
0x537: {  	v42 =	vshll.u32 v42, v1;
	v33 =	vbroadcast v43, $0x0;
	v38 =	vadd.s32 v55, v36;
	[tilespmem:v34+s1+$0x0] =	vst.idx.msk $0xffff, v0;
	v56 =	vld [tilespmem:s20+$0xFFFFFF50]  }
0x538: {  	s9 =	sadd.s32 $0x2, s4;
	v34 =	vbroadcast v42, $0x0;
	v0 =	vmul.f32 $8.000000000e+00, v59;
	v59 =	vld [tilespmem:s20+$0xFFFFFF90];
	[tilespmem:v60+s1+$0x0] =	vst.idx.msk $0xffff, v4;
	v58 =	vadd.s32 v57, v35  }
0x539: {  	v51 =	vadd.s32 v7, v39;
	v50 =	vmov s9;
	v5 =	vld [tilespmem:s20+$0xFFFFFFE0];
	v3 =	vadd.s32 v3, v33  }
0x53a: {  	v49 =	vadd.s32 v15, v37;
	v61 =	vadd.s32 v30, v34;
	[tilespmem:v62+s1+$0x0] =	vst.idx.msk $0xffff, v0;
	v0 =	vmul.f32 $8.000000000e+00, v48;
	v60 =	vld [tilespmem:s20+$0xFFFFFE20]  }
0x53b: {  	s8 =	sadd.s32 $0x1, s4;
	v50 =	vshrl.u32 v50, $0x3;
	v45 =	vadd.s32 v63, v40;
	v62 =	vld [tilespmem:s20+$0xFFFFFE60];
	[tilespmem:v53+s1+$0x0] =	vst.idx.msk $0xffff, v2;
	v2 =	vmul.f32 $8.000000000e+00, v54  }
0x53c: {  	v47 =	vmov s8;
	s8 =	sadd.s32 $0x4, s4;
	v44 =	vshll.u32 v50, v1;
	[tilespmem:v38+s1+$0x0] =	vst.idx.msk $0xffff, v0;
	v52 =	vld [tilespmem:s20+$0xFFFFFEA0];
	v0 =	vmul.f32 $8.000000000e+00, v56  }
0x53d: {  	v43 =	vmov s8;
	v46 =	vadd.s32 v11, v41;
	v63 =	vld [tilespmem:s20+$0xFFFFFEE0];
	[tilespmem:v58+s1+$0x0] =	vst.idx.msk $0xffff, v2;
	v2 =	vmul.f32 $8.000000000e+00, v59  }
0x53e: {  	v47 =	vshrl.u32 v47, $0x3;
	v43 =	vshrl.u32 v43, $0x3;
	v54 =	vld [tilespmem:s20+$0xFFFFFF20];
	[tilespmem:v3+s1+$0x0] =	vst.idx.msk $0xffff, v0;
	v0 =	vmul.f32 $8.000000000e+00, v5  }
0x53f: {  	v42 =	vadd.s32 v19, v36;
	v4 =	vmov s4;
	v5 =	vmul.f32 $8.000000000e+00, v60;
	[tilespmem:v61+s1+$0x0] =	vst.idx.msk $0xffff, v2;
	v55 =	vld [tilespmem:s20+$0xFFFFFF60]  }
0x540: {  	v4 =	vshrl.u32 v4, $0x3;
	v60 =	vmul.f32 $8.000000000e+00, v62;
	v61 =	vadd.s32 v23, v35;
	v62 =	vld [tilespmem:s20+$0xFFFFFFA0];
	[tilespmem:v45+s1+$0x0] =	vst.idx.msk $0xffff, v0  }
0x541: {  	v0 =	vshll.u32 v4, v1;
	[tilespmem:v51+s1+$0x0] =	vst.idx.msk $0xffff, v5;
	v4 =	vmul.f32 $8.000000000e+00, v52;
	v5 =	vadd.s32 v27, v33;
	v45 =	vld [tilespmem:s20+$0xFFFFFFF0]  }
0x542: {  	v47 =	vshll.u32 v47, v1;
	v63 =	vmul.f32 $8.000000000e+00, v63;
	[tilespmem:v46+s1+$0x0] =	vst.idx.msk $0xffff, v60;
	v46 =	vadd.s32 v31, v34;
	v51 =	vld [tilespmem:s20+$0xFFFFFE30]  }
0x543: {  	s10 =	sadd.s32 $0x3, s4;
	v48 =	vadd.s32 v16, v37;
	v52 =	vld [tilespmem:s20+$0xFFFFFE70];
	[tilespmem:v49+s1+$0x0] =	vst.idx.msk $0xffff, v4;
	v4 =	vmul.f32 $8.000000000e+00, v54;
	v49 =	vadd.s32 v9, v40  }
0x544: {  	v38 =	vmov s10;
	[tilespmem:v42+s1+$0x0] =	vst.idx.msk $0xffff, v63;
	v54 =	vadd.s32 v8, v39;
	v57 =	vld [tilespmem:s20+$0xFFFFFEB0];
	v55 =	vmul.f32 $8.000000000e+00, v55  }
0x545: {  	s9 =	sadd.s32 $0x5, s4;
	s10 =	sadd.s32 $0x6, s4;
	v53 =	vshrl.u32 v38, $0x3;
	v58 =	vadd.s32 v12, v41;
	v59 =	vld [tilespmem:s20+$0xFFFFFEF0];
	[tilespmem:v61+s1+$0x0] =	vst.idx.msk $0xffff, v4;
	v4 =	vmul.f32 $8.000000000e+00, v62  }
0x546: {  	v3 =	vmov s9;
	v2 =	vmov s10;
	v60 =	vld [tilespmem:s20+$0xFFFFFF30];
	[tilespmem:v5+s1+$0x0] =	vst.idx.msk $0xffff, v55;
	v5 =	vmul.f32 $8.000000000e+00, v45  }
0x547: {  	v42 =	vshrl.u32 v2, $0x3;
	v61 =	vadd.s32 v20, v36;
	v2 =	vmul.f32 $8.000000000e+00, v51;
	[tilespmem:v46+s1+$0x0] =	vst.idx.msk $0xffff, v4;
	v62 =	vld [tilespmem:s20+$0xFFFFFF70]  }
0x548: {  	p1 =	slt.u32 s4, $0x78;
	v38 =	vbroadcast v0, $0x0;
	v0 =	vmul.f32 $8.000000000e+00, v52;
	v4 =	vadd.s32 v24, v35;
	v63 =	vld [tilespmem:s20+$0xFFFFFFB0];
	[tilespmem:v49+s1+$0x0] =	vst.idx.msk $0xffff, v5  }
.Ltmp14:
0x549: {  	v41 =	vadd.s32 v13, v41;
	v3 =	vshrl.u32 v3, $0x3;
	[tilespmem:v54+s1+$0x0] =	vst.idx.msk $0xffff, v2;
	v2 =	vmul.f32 $8.000000000e+00, v57;
	v56 =	vld [tilespmem:s20+$0x0];
	(pc) =	sbr.rel @p1 .LBB2_27-.Ltmp14, $4  }
0x54a: {  	v55 =	vadd.s32 v28, v33;
	v51 =	vadd.s32 v32, v34;
	[tilespmem:v58+s1+$0x0] =	vst.idx.msk $0xffff, v0;
	v0 =	vmul.f32 $8.000000000e+00, v59;
	v50 =	vld [tilespmem:s20+$0xFFFFFE40]  }
0x54b: {  	v45 =	vshll.u32 v53, v1;
	v53 =	vadd.s32 v26, v40;
	v52 =	vld [tilespmem:s20+$0xFFFFFE80];
	[tilespmem:v48+s1+$0x0] =	vst.idx.msk $0xffff, v2;
	v2 =	vmul.f32 $8.000000000e+00, v60  }
0x54c: {  	v46 =	vshll.u32 v43, v1;
	v43 =	vshll.u32 v3, v1;
	[tilespmem:v61+s1+$0x0] =	vst.idx.msk $0xffff, v0;
	v49 =	vld [tilespmem:s20+$0xFFFFFEC0]  }
0x54d: {  	s7 =	sadd.s32 $0x7, s4;
	s4 =	sadd.s32 $0x8, s4;
	v48 =	vadd.s32 v10, v39;
	v54 =	vld [tilespmem:s20+$0xFFFFFF00];
	v39 =	vmul.f32 $8.000000000e+00, v62;
	[tilespmem:v4+s1+$0x0] =	vst.idx.msk $0xffff, v2;
	v40 =	vmul.f32 $8.000000000e+00, v63;
	v63 =	vmovc v14  }
0x54e: {  	_ =	sdelay $0x3  }
0x54f: {  	v0 =	vmov s7;
	v2 =	vadd.s32 v17, v37;
	v3 =	vld [tilespmem:s20+$0xFFFFFF40];
	v4 =	vmul.f32 $8.000000000e+00, v56;
	[tilespmem:v55+s1+$0x0] =	vst.idx.msk $0xffff, v39  }
0x550: {  	v36 =	vadd.s32 v21, v36;
	v0 =	vshrl.u32 v0, $0x3;
	v5 =	vmul.f32 $8.000000000e+00, v50;
	[tilespmem:v51+s1+$0x0] =	vst.idx.msk $0xffff, v40;
	v56 =	vld [tilespmem:s20+$0xFFFFFF80]  }
0x551: {  	v35 =	vadd.s32 v25, v35;
	s4 =	sadd.s32 $0x200, s20;
	v0 =	vshll.u32 v0, v1;
	v57 =	vmul.f32 $8.000000000e+00, v52;
	v40 =	vld [tilespmem:s20+$0xFFFFFFC0];
	[tilespmem:v53+s1+$0x0] =	vst.idx.msk $0xffff, v4  }
0x552: {  	v33 =	vadd.s32 v29, v33;
	v58 =	vld [tilespmem:s4+$0xFFFFFFD0];
	v0 =	vbroadcast v0, $0x0;
	[tilespmem:v48+s1+$0x0] =	vst.idx.msk $0xffff, v5;
	v59 =	vmul.f32 $8.000000000e+00, v49  }
0x553: {  	v34 =	vadd.s32 v18, v34;
	v60 =	vld [tilespmem:s4+$0xFFFFFE10];
	[tilespmem:v41+s1+$0x0] =	vst.idx.msk $0xffff, v57;
	v61 =	vmul.f32 $8.000000000e+00, v54  }
0x554: {  	v49 =	vadd.s32 v22, v0;
	[tilespmem:v2+s1+$0x0] =	vst.idx.msk $0xffff, v59;
	v2 =	vmul.f32 $8.000000000e+00, v3  }
0x555: {  	v62 =	vld [tilespmem:s4+$0xFFFFFE50];
	v3 =	vadd.s32 v6, v38;
	[tilespmem:v36+s1+$0x0] =	vst.idx.msk $0xffff, v61;
	v51 =	vmul.f32 $8.000000000e+00, v56  }
0x556: {  	v52 =	vld [tilespmem:$0x1FE50];
	[tilespmem:v35+s1+$0x0] =	vst.idx.msk $0xffff, v2;
	v2 =	vmul.f32 $8.000000000e+00, v40  }
0x557: {  	v4 =	vmul.f32 $8.000000000e+00, v58;
	v54 =	vld [tilespmem:$0x1FE90];
	[tilespmem:v33+s1+$0x0] =	vst.idx.msk $0xffff, v51  }
0x558: {  	v57 =	vmul.f32 $8.000000000e+00, v60;
	v58 =	vld [tilespmem:$0x1FED0];
	[tilespmem:v34+s1+$0x0] =	vst.idx.msk $0xffff, v2  }
0x559: {  	v61 =	vld [tilespmem:$0x1FF10];
	[tilespmem:v49+s1+$0x0] =	vst.idx.msk $0xffff, v4  }
0x55a: {  	v47 =	vbroadcast v47, $0x0;
	v5 =	vld [tilespmem:s4+$0xFFFFFE90];
	[tilespmem:v3+s1+$0x0] =	vst.idx.msk $0xffff, v57  }
0x55b: {  	v44 =	vbroadcast v44, $0x0;
	v4 =	vld [tilespmem:$0x1FF50]  }
0x55c: {  	v45 =	vbroadcast v45, $0x0;
	v53 =	vld [tilespmem:s4+$0xFFFFFED0];
	v37 =	vadd.s32 v52, v47  }
0x55d: {  	v46 =	vbroadcast v46, $0x0;
	v56 =	vld [tilespmem:s4+$0xFFFFFF10];
	v55 =	vadd.s32 v54, v44  }
0x55e: {  	v42 =	vshll.u32 v42, v1;
	v43 =	vbroadcast v43, $0x0;
	v60 =	vld [tilespmem:s4+$0xFFFFFF50];
	v59 =	vadd.s32 v58, v45  }
0x55f: {  	v42 =	vbroadcast v42, $0x0;
	v22 =	vld [tilespmem:s4+$0xFFFFFF90];
	v2 =	vmul.f32 $8.000000000e+00, v62;
	v62 =	vadd.s32 v61, v46  }
0x560: {  	v3 =	vmul.f32 $8.000000000e+00, v5;
	v33 =	vld [tilespmem:s4+$0xFFFFFE20];
	v4 =	vadd.s32 v4, v43  }
0x561: {  	v52 =	vld [tilespmem:s4+$0xFFFFFFE0];
	[tilespmem:v37+s1+$0x0] =	vst.idx.msk $0xffff, v2;
	v2 =	vmul.f32 $8.000000000e+00, v53;
	v53 =	vadd.s32 v30, v42  }
0x562: {  	v54 =	vld [tilespmem:s4+$0xFFFFFE60];
	[tilespmem:v55+s1+$0x0] =	vst.idx.msk $0xffff, v3;
	v3 =	vmul.f32 $8.000000000e+00, v56;
	v56 =	vadd.s32 v7, v38  }
0x563: {  	v55 =	vadd.s32 v63, v0;
	v57 =	vld [tilespmem:s4+$0xFFFFFEA0];
	[tilespmem:v59+s1+$0x0] =	vst.idx.msk $0xffff, v2;
	v2 =	vmul.f32 $8.000000000e+00, v60  }
0x564: {  	v58 =	vadd.s32 v11, v47;
	v59 =	vld [tilespmem:s4+$0xFFFFFEE0];
	[tilespmem:v62+s1+$0x0] =	vst.idx.msk $0xffff, v3;
	v3 =	vmul.f32 $8.000000000e+00, v22  }
0x565: {  	v60 =	vadd.s32 v15, v44;
	v62 =	vmul.f32 $8.000000000e+00, v33;
	v61 =	vld [tilespmem:s4+$0xFFFFFF20];
	[tilespmem:v4+s1+$0x0] =	vst.idx.msk $0xffff, v2  }
0x566: {  	v22 =	vadd.s32 v19, v45;
	v2 =	vmul.f32 $8.000000000e+00, v52;
	v30 =	vld [tilespmem:s4+$0xFFFFFF60];
	[tilespmem:v53+s1+$0x0] =	vst.idx.msk $0xffff, v3  }
0x567: {  	v52 =	vadd.s32 v23, v46;
	v3 =	vmul.f32 $8.000000000e+00, v54;
	[tilespmem:v56+s1+$0x0] =	vst.idx.msk $0xffff, v62;
	v53 =	vld [tilespmem:s4+$0xFFFFFFA0]  }
0x568: {  	v54 =	vadd.s32 v27, v43;
	[tilespmem:v55+s1+$0x0] =	vst.idx.msk $0xffff, v2;
	v2 =	vmul.f32 $8.000000000e+00, v57;
	v40 =	vld [tilespmem:s4+$0xFFFFFE30]  }
0x569: {  	v55 =	vadd.s32 v31, v42;
	v35 =	vld [tilespmem:s4+$0xFFFFFFF0];
	[tilespmem:v58+s1+$0x0] =	vst.idx.msk $0xffff, v3;
	v3 =	vmul.f32 $8.000000000e+00, v59  }
0x56a: {  	v58 =	vadd.s32 v8, v38;
	v56 =	vld [tilespmem:s4+$0xFFFFFE70];
	[tilespmem:v60+s1+$0x0] =	vst.idx.msk $0xffff, v2;
	v2 =	vmul.f32 $8.000000000e+00, v61  }
0x56b: {  	v57 =	vadd.s32 v9, v0;
	v59 =	vld [tilespmem:s4+$0xFFFFFEB0];
	[tilespmem:v22+s1+$0x0] =	vst.idx.msk $0xffff, v3;
	v3 =	vmul.f32 $8.000000000e+00, v30  }
0x56c: {  	v60 =	vadd.s32 v12, v47;
	v61 =	vld [tilespmem:s4+$0xFFFFFEF0];
	[tilespmem:v52+s1+$0x0] =	vst.idx.msk $0xffff, v2;
	v2 =	vmul.f32 $8.000000000e+00, v53  }
0x56d: {  	v62 =	vadd.s32 v16, v44;
	v19 =	vmul.f32 $8.000000000e+00, v40;
	v16 =	vld [tilespmem:s4+$0xFFFFFF30];
	[tilespmem:v54+s1+$0x0] =	vst.idx.msk $0xffff, v3  }
0x56e: {  	v22 =	vadd.s32 v20, v45;
	v3 =	vmul.f32 $8.000000000e+00, v35;
	v23 =	vld [tilespmem:s4+$0xFFFFFF70];
	[tilespmem:v55+s1+$0x0] =	vst.idx.msk $0xffff, v2  }
0x56f: {  	v27 =	vadd.s32 v24, v46;
	v2 =	vmul.f32 $8.000000000e+00, v56;
	[tilespmem:v58+s1+$0x0] =	vst.idx.msk $0xffff, v19;
	v30 =	vld [tilespmem:s4+$0xFFFFFFB0]  }
0x570: {  	v31 =	vadd.s32 v28, v43;
	[tilespmem:v57+s1+$0x0] =	vst.idx.msk $0xffff, v3;
	v3 =	vmul.f32 $8.000000000e+00, v59;
	v41 =	vld [tilespmem:s4+$0xFFFFFE40]  }
0x571: {  	v49 =	vadd.s32 v32, v42;
	v34 =	vld [tilespmem:s4+$0x0];
	[tilespmem:v60+s1+$0x0] =	vst.idx.msk $0xffff, v2;
	v2 =	vmul.f32 $8.000000000e+00, v61  }
0x572: {  	v51 =	vadd.s32 v10, v38;
	v50 =	vld [tilespmem:s4+$0xFFFFFE80];
	[tilespmem:v62+s1+$0x0] =	vst.idx.msk $0xffff, v3;
	v3 =	vmul.f32 $8.000000000e+00, v16  }
0x573: {  	v0 =	vadd.s32 v26, v0;
	v52 =	vld [tilespmem:s4+$0xFFFFFEC0];
	[tilespmem:v22+s1+$0x0] =	vst.idx.msk $0xffff, v2;
	v2 =	vmul.f32 $8.000000000e+00, v23  }
0x574: {  	v53 =	vadd.s32 v13, v47;
	v54 =	vld [tilespmem:s4+$0xFFFFFF00];
	[tilespmem:v27+s1+$0x0] =	vst.idx.msk $0xffff, v3;
	v3 =	vmul.f32 $8.000000000e+00, v30  }
0x575: {  	v55 =	vadd.s32 v17, v44;
	v57 =	vmul.f32 $8.000000000e+00, v41;
	v56 =	vld [tilespmem:s4+$0xFFFFFF40];
	[tilespmem:v31+s1+$0x0] =	vst.idx.msk $0xffff, v2  }
0x576: {  	v58 =	vadd.s32 v21, v45;
	v2 =	vmul.f32 $8.000000000e+00, v34;
	v59 =	vld [tilespmem:s4+$0xFFFFFF80];
	[tilespmem:v49+s1+$0x0] =	vst.idx.msk $0xffff, v3  }
0x577: {  	v60 =	vadd.s32 v25, v46;
	v3 =	vmul.f32 $8.000000000e+00, v50;
	[tilespmem:v51+s1+$0x0] =	vst.idx.msk $0xffff, v57;
	v61 =	vld [tilespmem:s4+$0xFFFFFFC0]  }
0x578: {  	[tilespmem:v0+s1+$0x0] =	vst.idx.msk $0xffff, v2;
	v0 =	vmul.f32 $8.000000000e+00, v52;
	v2 =	vadd.s32 v29, v43  }
0x579: {  	v62 =	vadd.s32 v18, v42;
	[tilespmem:v53+s1+$0x0] =	vst.idx.msk $0xffff, v3;
	v3 =	vmul.f32 $8.000000000e+00, v54  }
0x57a: {  	[tilespmem:v55+s1+$0x0] =	vst.idx.msk $0xffff, v0;
	v0 =	vmul.f32 $8.000000000e+00, v56  }
0x57b: {  	[tilespmem:v58+s1+$0x0] =	vst.idx.msk $0xffff, v3;
	v3 =	vmul.f32 $8.000000000e+00, v59  }
0x57c: {  	[tilespmem:v60+s1+$0x0] =	vst.idx.msk $0xffff, v0;
	v0 =	vmul.f32 $8.000000000e+00, v61  }
0x57d: {  	[tilespmem:v2+s1+$0x0] =	vst.idx.msk $0xffff, v3  }
0x57e: {  	s10 =	sadd.s32 s31, s12;
	s20 =	simm.s32 $0x1A800;
	[tilespmem:v62+s1+$0x0] =	vst.idx.msk $0xffff, v0  }
0x57f: {  	[hbm4b:s10+s3] =	stream.linear.scatter [tilespmem:s20], [sflag:$0xB], $0x80, $0x38;
	[tilespmem:$0x1EC00] =	vst v63  }
0x580: {  	s7 =	simm.s32 $0x1A888;
	s8 =	sadd.s32 $0x10, s10  }
0x581: {  	[hbm4b:s8+s3] =	stream.linear.scatter [tilespmem:s7], [sflag:$0xB], $0x80, $0x38;
	[tilespmem:$0x1EC00] =	vst v63  }
0x582: {  	s9 =	simm.s32 $0x1A910;
	s20 =	sadd.s32 $0x20, s10  }
0x583: {  	[hbm4b:s20+s3] =	stream.linear.scatter [tilespmem:s9], [sflag:$0xB], $0x80, $0x38;
	[tilespmem:$0x1EC00] =	vst v63  }
0x584: {  	s7 =	simm.s32 $0x1A998;
	s8 =	sadd.s32 $0x30, s10  }
0x585: {  	[hbm4b:s8+s3] =	stream.linear.scatter [tilespmem:s7], [sflag:$0xB], $0x80, $0x38;
	[tilespmem:$0x1EC00] =	vst v63  }
0x586: {  	s9 =	simm.s32 $0x1AA20;
	s20 =	sadd.s32 $0x40, s10  }
0x587: {  	[hbm4b:s20+s3] =	stream.linear.scatter [tilespmem:s9], [sflag:$0xB], $0x80, $0x38;
	[tilespmem:$0x1EC00] =	vst v63  }
0x588: {  	s4 =	simm.s32 $0x440;
	s7 =	simm.s32 $0x1AAA8;
	s8 =	sadd.s32 $0x50, s10  }
0x589: {  	[hbm4b:s8+s3] =	stream.linear.scatter [tilespmem:s7], [sflag:$0xB], $0x80, $0x38;
	[tilespmem:$0x1EC00] =	vst v63  }
0x58a: {  	s9 =	simm.s32 $0x1AB30;
	s20 =	sadd.s32 $0x60, s10;
	s7 =	simm.s32 $0x2200  }
0x58b: {  	[hbm4b:s20+s3] =	stream.linear.scatter [tilespmem:s9], [sflag:$0xB], $0x80, $0x38;
	[tilespmem:$0x1EC00] =	vst v63  }
0x58c: {  	s8 =	simm.s32 $0x1ABB8;
	s9 =	sadd.s32 $0x70, s10;
	s20 =	sadd.s32 $0x1000, s10  }
.LBB2_29:
0x58d: {  	[hbm4b:s9+s3] =	stream.linear.scatter [tilespmem:s8], [sflag:$0xB], $0x80, $0x38;
	[tilespmem:$0x1EC00] =	vst v63  }
0x58e: {  	s8 =	smov.u32 s4;
	s4 =	smov.u32 s7  }
0x58f: {  	s10 =	sadd.s32 $0x1100, s7;
	s4 =	sshra.s32 s4, $0x2;
	s9 =	sadd.s32 $0x1A800, s8  }
0x590: {  	[hbm4b:s20+s3] =	stream.linear.scatter [tilespmem:s9], [sflag:$0xB], $0x80, $0x38;
	[tilespmem:$0x1EC00] =	vst v63  }
0x591: {  	p1 =	sne.s32 s7, $0x7700;
	s7 =	sadd.s32 $0x1A888, s8;
	s9 =	sadd.s32 $0x10, s20  }
0x592: {  	[hbm4b:s9+s3] =	stream.linear.scatter [tilespmem:s7], [sflag:$0xB], $0x80, $0x38;
	[tilespmem:$0x1EC00] =	vst v63  }
0x593: {  	s7 =	sadd.s32 $0x1A910, s8;
	s9 =	sadd.s32 $0x20, s20  }
0x594: {  	[hbm4b:s9+s3] =	stream.linear.scatter [tilespmem:s7], [sflag:$0xB], $0x80, $0x38;
	[tilespmem:$0x1EC00] =	vst v63  }
0x595: {  	s7 =	sadd.s32 $0x1A998, s8;
	s9 =	sadd.s32 $0x30, s20  }
0x596: {  	[hbm4b:s9+s3] =	stream.linear.scatter [tilespmem:s7], [sflag:$0xB], $0x80, $0x38;
	[tilespmem:$0x1EC00] =	vst v63  }
0x597: {  	s7 =	sadd.s32 $0x1AA20, s8;
	s9 =	sadd.s32 $0x40, s20  }
0x598: {  	[hbm4b:s9+s3] =	stream.linear.scatter [tilespmem:s7], [sflag:$0xB], $0x80, $0x38;
	[tilespmem:$0x1EC00] =	vst v63  }
.Ltmp15:
0x599: {  	s7 =	sadd.s32 $0x1AAA8, s8;
	s9 =	sadd.s32 $0x50, s20;
	(pc) =	sbr.rel @p1 .LBB2_29-.Ltmp15, $4  }
0x59a: {  	[hbm4b:s9+s3] =	stream.linear.scatter [tilespmem:s7], [sflag:$0xB], $0x80, $0x38;
	[tilespmem:$0x1EC00] =	vst v63  }
0x59b: {  	s7 =	sadd.s32 $0x1AB30, s8;
	s9 =	sadd.s32 $0x60, s20;
	s8 =	sadd.s32 $0x1ABB8, s8  }
0x59c: {  	[hbm4b:s9+s3] =	stream.linear.scatter [tilespmem:s7], [sflag:$0xB], $0x80, $0x38;
	[tilespmem:$0x1EC00] =	vst v63  }
0x59d: {  	s9 =	sadd.s32 $0x70, s20;
	s20 =	sadd.s32 $0x1000, s20;
	s7 =	smov.u32 s10  }
0x59e: {  	[hbm4b:s9+s3] =	stream.linear.scatter [tilespmem:s8], [sflag:$0xB], $0x80, $0x38;
	[tilespmem:$0x1EC00] =	vst v63  }
0x59f: {  	s7 =	sadd.s32 $0x1A800, s4  }
0x5a0: {  	[hbm4b:s20+s3] =	stream.linear.scatter [tilespmem:s7], [sflag:$0xB], $0x80, $0x38;
	[tilespmem:$0x1EC00] =	vst v63  }
0x5a1: {  	s9 =	sadd.s32 $0x1A888, s4;
	s10 =	sadd.s32 $0x10, s20  }
0x5a2: {  	[hbm4b:s10+s3] =	stream.linear.scatter [tilespmem:s9], [sflag:$0xB], $0x80, $0x38;
	[tilespmem:$0x1EC00] =	vst v63  }
0x5a3: {  	s9 =	sadd.s32 $0x1A910, s4;
	s10 =	sadd.s32 $0x20, s20  }
0x5a4: {  	[hbm4b:s10+s3] =	stream.linear.scatter [tilespmem:s9], [sflag:$0xB], $0x80, $0x38;
	[tilespmem:$0x1EC00] =	vst v63  }
0x5a5: {  	s9 =	sadd.s32 $0x1A998, s4;
	s10 =	sadd.s32 $0x30, s20  }
0x5a6: {  	[hbm4b:s10+s3] =	stream.linear.scatter [tilespmem:s9], [sflag:$0xB], $0x80, $0x38;
	[tilespmem:$0x1EC00] =	vst v63  }
0x5a7: {  	s9 =	sadd.s32 $0x1AA20, s4;
	s10 =	sadd.s32 $0x40, s20  }
0x5a8: {  	[hbm4b:s10+s3] =	stream.linear.scatter [tilespmem:s9], [sflag:$0xB], $0x80, $0x38;
	[tilespmem:$0x1EC00] =	vst v63  }
0x5a9: {  	s9 =	sadd.s32 $0x1AAA8, s4;
	s10 =	sadd.s32 $0x50, s20  }
0x5aa: {  	[hbm4b:s10+s3] =	stream.linear.scatter [tilespmem:s9], [sflag:$0xB], $0x80, $0x38;
	[tilespmem:$0x1EC00] =	vst v63  }
0x5ab: {  	s8 =	sadd.s32 $0x1AB30, s4;
	s9 =	sadd.s32 $0x60, s20  }
0x5ac: {  	[hbm4b:s9+s3] =	stream.linear.scatter [tilespmem:s8], [sflag:$0xB], $0x80, $0x38;
	[tilespmem:$0x1EC00] =	vst v63  }
0x5ad: {  	s10 =	sadd.s32 $0x1ABB8, s4;
	s20 =	sadd.s32 $0x70, s20  }
0x5ae: {  	[hbm4b:s20+s3] =	stream.linear.scatter [tilespmem:s10], [sflag:$0xB], $0x80, $0x38;
	[tilespmem:$0x1EC00] =	vst v63  }
0x5af: {  	s7 =	simm.s32 @!p0 $0x80;
	s4 =	sadd.s32 @!p0 $0x500, s15;
	s8 =	simm.s32 @!p0 $0xA400  }
0x5b0: {  	[tilespmem:s8], [sflag:$0x3] =	stream.indirect.gather @!p0 [hbm4b:s5+s7], $0x40, s4, s7, $0xb8;
	[tilespmem:$0x1EC00] =	vst v63  }
0x5b1: {  	_ =	swait.ge [sflag:s2], $0x2000  }
0x5b2: {  	[sflag:s2] =	ssyncset.done $0x0  }
0x5b3: {  	[sflag:s2] =	ssyncadd.s32 $0xFFFFE000  }
0x5b4: {  	s9 =	simm.s32 $0x1;
	s20 =	simm.s32 $0x3;
	_ =	swait.ge [sflag:s24], $0x2000  }
0x5b5: {  	v2 =	vmov s9;
	v4 =	vmov s20;
	v13 =	vld [tilespmem:$0x1FFD0]  }
0x5b6: {  	v2 =	vshrl.u32 v2, $0x3;
	s8 =	simm.s32 $0x0;
	s7 =	simm.s32 $0x7;
	v4 =	vshrl.u32 v4, $0x3;
	v27 =	vld [tilespmem:$0x1FE10]  }
0x5b7: {  	v0 =	vmov s8;
	v35 =	vmov s7;
	v4 =	vshll.u32 v4, v1;
	v24 =	vld [tilespmem:$0x1FE50]  }
0x5b8: {  	s20 =	simm.s32 $0x6;
	v0 =	vshrl.u32 v0, $0x3;
	v35 =	vshrl.u32 v35, $0x3;
	v36 =	vbroadcast v4, $0x0;
	[sflag:s24] =	ssyncset.done $0x0;
	v4 =	vld [tilespmem:$0x1FE90]  }
0x5b9: {  	s10 =	simm.s32 $0x2;
	v34 =	vmov s20;
	s20 =	simm.s32 $0x145F0;
	v0 =	vshll.u32 v0, v1;
	v35 =	vshll.u32 v35, v1;
	v6 =	vld [tilespmem:$0x1FED0];
	[sflag:s24] =	ssyncadd.s32 $0xFFFFE000  }
0x5ba: {  	s9 =	simm.s32 $0x4;
	v3 =	vmov s10;
	v39 =	vbroadcast v0, $0x0;
	v41 =	vbroadcast v35, $0x0;
	v0 =	vld [tilespmem:s20+$0xFFFFFFD0]  }
0x5bb: {  	v5 =	vmov s9;
	v2 =	vshll.u32 v2, v1;
	v3 =	vshrl.u32 v3, $0x3;
	v38 =	vld [tilespmem:s20+$0xFFFFFE10]  }
0x5bc: {  	v40 =	vbroadcast v2, $0x0;
	v3 =	vshll.u32 v3, v1;
	v42 =	vld [tilespmem:s20+$0xFFFFFE50];
	v2 =	vadd.s32 v13, v41  }
0x5bd: {  	v5 =	vshrl.u32 v5, $0x3;
	v37 =	vbroadcast v3, $0x0;
	v44 =	vld [tilespmem:s20+$0xFFFFFE90];
	v43 =	vadd.s32 v27, v39  }
0x5be: {  	v5 =	vshll.u32 v5, v1;
	v45 =	vadd.s32 v24, v40  }
0x5bf: {  	v4 =	vadd.s32 v4, v37;
	v56 =	vadd.s32 v6, v36;
	v6 =	vld [tilespmem:$0x1FF10];
	v0 =	vmul.f32 $8.000000000e+00, v0  }
0x5c0: {  	v35 =	vbroadcast v5, $0x0;
	v5 =	vmul.f32 $8.000000000e+00, v38  }
0x5c1: {  	v34 =	vshrl.u32 v34, $0x3;
	v42 =	vmul.f32 $8.000000000e+00, v42;
	[tilespmem:v2+s19+$0x0] =	vst.idx.msk $0xffff, v0  }
0x5c2: {  	v3 =	vshll.u32 v34, v1;
	v46 =	vld [tilespmem:s20+$0xFFFFFED0];
	[tilespmem:v43+s19+$0x0] =	vst.idx.msk $0xffff, v5;
	v2 =	vmul.f32 $8.000000000e+00, v44  }
0x5c3: {  	v34 =	vbroadcast v3, $0x0;
	v3 =	vld [tilespmem:$0x1FF50];
	[tilespmem:v45+s19+$0x0] =	vst.idx.msk $0xffff, v42  }
0x5c4: {  	v49 =	vadd.s32 v6, v35;
	v6 =	vld [tilespmem:$0x1FF90];
	[tilespmem:v4+s19+$0x0] =	vst.idx.msk $0xffff, v2  }
0x5c5: {  	v7 =	vld [tilespmem:$0x1FE20];
	_ =	sdelay $0x1  }
0x5c6: {  	v47 =	vld [tilespmem:s20+$0xFFFFFF10];
	v57 =	vmul.f32 $8.000000000e+00, v46  }
0x5c7: {  	s10 =	simm.s32 $0x5  }
0x5c8: {  	v33 =	vmov s10;
	v48 =	vld [tilespmem:s20+$0xFFFFFF50];
	[tilespmem:v56+s19+$0x0] =	vst.idx.msk $0xffff, v57  }
0x5c9: {  	v33 =	vshrl.u32 v33, $0x3;
	v58 =	vadd.s32 v6, v34;
	v6 =	vmovc v7;
	v51 =	vadd.s32 v7, v39;
	v7 =	vld [tilespmem:$0x1FE60]  }
0x5ca: {  	v33 =	vshll.u32 v33, v1  }
0x5cb: {  	v33 =	vbroadcast v33, $0x0;
	v2 =	vmul.f32 $8.000000000e+00, v47;
	_ =	sdelay $0x1  }
0x5cc: {  	v50 =	vld [tilespmem:s20+$0xFFFFFF90];
	v3 =	vadd.s32 v3, v33;
	[tilespmem:v49+s19+$0x0] =	vst.idx.msk $0xffff, v2  }
0x5cd: {  	v60 =	vmul.f32 $8.000000000e+00, v48;
	v31 =	vmov v7;
	v48 =	vadd.s32 v7, v40;
	v7 =	vld [tilespmem:$0x1FEA0];
	_ =	sdelay $0x2  }
0x5ce: {  	v5 =	vld [tilespmem:s20+$0xFFFFFFE0]  }
0x5cf: {  	v43 =	vld [tilespmem:s20+$0xFFFFFE20];
	[tilespmem:v3+s19+$0x0] =	vst.idx.msk $0xffff, v60  }
0x5d0: {  	v2 =	vmul.f32 $8.000000000e+00, v50;
	v32 =	vmov v7;
	v50 =	vadd.s32 v7, v37;
	v7 =	vld [tilespmem:$0x1FEE0];
	_ =	sdelay $0x1  }
0x5d1: {  	v59 =	vld [tilespmem:s20+$0xFFFFFE60];
	v4 =	vadd.s32 v63, v41;
	_ =	sdelay $0x1  }
0x5d2: {  	[tilespmem:v58+s19+$0x0] =	vst.idx.msk $0xffff, v2  }
0x5d3: {  	v61 =	vmul.f32 $8.000000000e+00, v43;
	v3 =	vmul.f32 $8.000000000e+00, v5;
	v20 =	vmovc v7;
	v43 =	vadd.s32 v7, v36;
	v7 =	vld [tilespmem:$0x1FF20];
	_ =	sdelay $0x1  }
0x5d4: {  	v52 =	vld [tilespmem:s20+$0xFFFFFEA0];
	v62 =	vmul.f32 $8.000000000e+00, v59;
	[tilespmem:v4+s19+$0x0] =	vst.idx.msk $0xffff, v3  }
0x5d5: {  	v53 =	vld [tilespmem:s20+$0xFFFFFEE0];
	[tilespmem:v51+s19+$0x0] =	vst.idx.msk $0xffff, v61  }
0x5d6: {  	v4 =	vld [tilespmem:$0x1FF60];
	[tilespmem:v48+s19+$0x0] =	vst.idx.msk $0xffff, v62  }
0x5d7: {  	v17 =	vmov v7;
	v46 =	vadd.s32 v7, v35;
	v7 =	vld [tilespmem:$0x1FFA0]  }
0x5d8: {  	v54 =	vld [tilespmem:s20+$0xFFFFFF20]  }
0x5d9: {  	v55 =	vld [tilespmem:s20+$0xFFFFFF60];
	v3 =	vmul.f32 $8.000000000e+00, v52  }
0x5da: {  	v56 =	vld [tilespmem:s20+$0xFFFFFFA0]  }
0x5db: {  	v60 =	vld [tilespmem:s20+$0xFFFFFFF0];
	[tilespmem:v50+s19+$0x0] =	vst.idx.msk $0xffff, v3  }
0x5dc: {  	s10 =	simm.s32 $0xA;
	v28 =	vmov v7;
	v48 =	vadd.s32 v7, v34;
	v7 =	vld [tilespmem:$0x1FE30]  }
0x5dd: {  	v47 =	vmov s10;
	v61 =	vmul.f32 $8.000000000e+00, v53;
	v51 =	vld [tilespmem:s20+$0xFFFFFE30]  }
0x5de: {  	v52 =	vshrl.u32 v47, $0x3;
	v47 =	vld [tilespmem:s20+$0xFFFFFE70];
	v10 =	vmov v4;
	v4 =	vadd.s32 v4, v33  }
0x5df: {  	v3 =	vmul.f32 $8.000000000e+00, v54;
	v57 =	vld [tilespmem:s20+$0xFFFFFEB0];
	[tilespmem:v43+s19+$0x0] =	vst.idx.msk $0xffff, v61  }
0x5e0: {  	v50 =	vadd.s32 v9, v41;
	v12 =	vld [tilespmem:$0x1FE70]  }
0x5e1: {  	s8 =	simm.s32 $0x8;
	s7 =	simm.s32 $0xB;
	v62 =	vmul.f32 $8.000000000e+00, v55;
	v58 =	vld [tilespmem:s20+$0xFFFFFEF0];
	[tilespmem:v46+s19+$0x0] =	vst.idx.msk $0xffff, v3;
	v54 =	vadd.s32 v7, v39  }
0x5e2: {  	v0 =	vmov s8;
	s8 =	simm.s32 $0xC;
	v42 =	vmov s7;
	s10 =	simm.s32 $0xE;
	v3 =	vmul.f32 $8.000000000e+00, v56;
	v16 =	vld [tilespmem:$0x1FEB0]  }
0x5e3: {  	v49 =	vmov s8;
	v2 =	vmov s10;
	v59 =	vld [tilespmem:s20+$0xFFFFFF30];
	[tilespmem:v4+s19+$0x0] =	vst.idx.msk $0xffff, v62;
	v4 =	vmul.f32 $8.000000000e+00, v60  }
0x5e4: {  	v53 =	vshrl.u32 v42, $0x3;
	v42 =	vshrl.u32 v2, $0x3;
	v2 =	vmul.f32 $8.000000000e+00, v51;
	v8 =	vmovc v7;
	v7 =	vld [tilespmem:$0x1FEF0];
	[tilespmem:v48+s19+$0x0] =	vst.idx.msk $0xffff, v3  }
0x5e5: {  	v43 =	vshrl.u32 v49, $0x3;
	v49 =	vadd.s32 v12, v40;
	v3 =	vld [tilespmem:$0x1FF30];
	[tilespmem:v50+s19+$0x0] =	vst.idx.msk $0xffff, v4  }
0x5e6: {  	v0 =	vshrl.u32 v0, $0x3;
	v61 =	vld [tilespmem:s20+$0xFFFFFF70];
	[tilespmem:v54+s19+$0x0] =	vst.idx.msk $0xffff, v2  }
0x5e7: {  	v0 =	vshll.u32 v0, v1;
	v46 =	vadd.s32 v16, v37;
	v4 =	vld [tilespmem:$0x1FF70]  }
0x5e8: {  	v38 =	vbroadcast v0, $0x0;
	v0 =	vmul.f32 $8.000000000e+00, v47;
	v62 =	vld [tilespmem:s20+$0xFFFFFFB0]  }
0x5e9: {  	v56 =	vld [tilespmem:s20+$0x0]  }
0x5ea: {  	v60 =	vadd.s32 v7, v36;
	v2 =	vmul.f32 $8.000000000e+00, v57;
	v50 =	vld [tilespmem:s20+$0xFFFFFE40];
	[tilespmem:v49+s19+$0x0] =	vst.idx.msk $0xffff, v0  }
0x5eb: {  	v44 =	vshll.u32 v52, v1;
	v22 =	vmov v3;
	v52 =	vld [tilespmem:s20+$0xFFFFFE80]  }
0x5ec: {  	v3 =	vadd.s32 v3, v35;
	v26 =	vmov v4;
	v55 =	vadd.s32 v4, v33;
	v4 =	vld [tilespmem:$0x1FFB0];
	[tilespmem:v46+s19+$0x0] =	vst.idx.msk $0xffff, v2  }
0x5ed: {  	v0 =	vmul.f32 $8.000000000e+00, v58;
	v23 =	vld [tilespmem:$0x1FFE0]  }
0x5ee: {  	v15 =	vld [tilespmem:$0x1FE40]  }
0x5ef: {  	v2 =	vmul.f32 $8.000000000e+00, v59;
	v49 =	vld [tilespmem:s20+$0xFFFFFEC0];
	[tilespmem:v60+s19+$0x0] =	vst.idx.msk $0xffff, v0  }
0x5f0: {  	s9 =	simm.s32 $0x9;
	v0 =	vld [tilespmem:$0x1FE80]  }
0x5f1: {  	v45 =	vmov s9;
	s9 =	simm.s32 $0xD;
	v54 =	vld [tilespmem:s20+$0xFFFFFF00];
	[tilespmem:v3+s19+$0x0] =	vst.idx.msk $0xffff, v2  }
0x5f2: {  	v45 =	vshrl.u32 v45, $0x3;
	v5 =	vmov s9;
	v11 =	vld [tilespmem:$0x1FEC0]  }
0x5f3: {  	v5 =	vshrl.u32 v5, $0x3;
	v47 =	vshll.u32 v45, v1;
	v21 =	vld [tilespmem:$0x1FF00]  }
0x5f4: {  	v45 =	vshll.u32 v53, v1;
	v46 =	vshll.u32 v43, v1;
	v25 =	vld [tilespmem:$0x1FF40];
	v51 =	vadd.s32 v4, v34  }
0x5f5: {  	v18 =	vmovc v7;
	v43 =	vshll.u32 v5, v1;
	v29 =	vld [tilespmem:$0x1FF80];
	v53 =	vadd.s32 v23, v41;
	v48 =	vadd.s32 v15, v39  }
0x5f6: {  	s4 =	simm.s32 $0x10;
	s7 =	simm.s32 $0xF;
	v7 =	vld [tilespmem:$0x1FFC0];
	v30 =	vmovc v4;
	v39 =	vmul.f32 $8.000000000e+00, v61;
	v19 =	vmovc v0;
	v41 =	vadd.s32 v0, v40;
	v40 =	vmul.f32 $8.000000000e+00, v62  }
.LBB2_31:
0x5f7: {  	v0 =	vmov s7  }
0x5f8: {  	v2 =	vadd.s32 v11, v37;
	v3 =	vld [tilespmem:s20+$0xFFFFFF40];
	[tilespmem:v55+s19+$0x0] =	vst.idx.msk $0xffff, v39;
	v0 =	vshrl.u32 v0, $0x3  }
0x5f9: {  	[tilespmem:v51+s19+$0x0] =	vst.idx.msk $0xffff, v40;
	v55 =	vld [tilespmem:s20+$0xFFFFFF80];
	v0 =	vshll.u32 v0, v1;
	v5 =	vmul.f32 $8.000000000e+00, v50  }
0x5fa: {  	v36 =	vadd.s32 v21, v36;
	v57 =	vld [tilespmem:s20+$0xFFFFFFC0];
	v40 =	vbroadcast v0, $0x0;
	v4 =	vmul.f32 $8.000000000e+00, v56  }
0x5fb: {  	s20 =	sadd.s32 $0x200, s20;
	v56 =	vmul.f32 $8.000000000e+00, v52;
	v0 =	vmul.f32 $8.000000000e+00, v49;
	v52 =	vld [tilespmem:$0x1FE90];
	[tilespmem:v48+s19+$0x0] =	vst.idx.msk $0xffff, v5  }
0x5fc: {  	[tilespmem:v53+s19+$0x0] =	vst.idx.msk $0xffff, v4;
	v5 =	vadd.s32 v29, v33;
	v58 =	vld [tilespmem:s20+$0xFFFFFE10]  }
0x5fd: {  	v35 =	vadd.s32 v25, v35;
	v39 =	vmov v38;
	v59 =	vmul.f32 $8.000000000e+00, v54;
	[tilespmem:v2+s19+$0x0] =	vst.idx.msk $0xffff, v0;
	v4 =	vld [tilespmem:s20+$0xFFFFFFD0]  }
0x5fe: {  	[tilespmem:v41+s19+$0x0] =	vst.idx.msk $0xffff, v56;
	v0 =	vmul.f32 $8.000000000e+00, v3;
	v2 =	vadd.s32 v27, v39;
	v3 =	vld [tilespmem:s20+$0xFFFFFE90]  }
0x5ff: {  	v61 =	vadd.s32 v13, v40;
	[tilespmem:v36+s19+$0x0] =	vst.idx.msk $0xffff, v59;
	v60 =	vld [tilespmem:s20+$0xFFFFFE50];
	v38 =	vmul.f32 $8.000000000e+00, v55  }
0x600: {  	v48 =	vld [tilespmem:s20+$0xFFFFFED0]  }
0x601: {  	v34 =	vadd.s32 v7, v34;
	v41 =	vbroadcast v47, $0x0;
	v55 =	vld [tilespmem:$0x1FED0];
	[tilespmem:v5+s19+$0x0] =	vst.idx.msk $0xffff, v38;
	v5 =	vmul.f32 $8.000000000e+00, v58  }
0x602: {  	[tilespmem:v35+s19+$0x0] =	vst.idx.msk $0xffff, v0;
	v0 =	vmul.f32 $8.000000000e+00, v57;
	v57 =	vld [tilespmem:$0x1FF10];
	v4 =	vmul.f32 $8.000000000e+00, v4  }
0x603: {  	v37 =	vbroadcast v44, $0x0;
	[tilespmem:v2+s19+$0x0] =	vst.idx.msk $0xffff, v5;
	v2 =	vmul.f32 $8.000000000e+00, v3;
	v3 =	vld [tilespmem:$0x1FF50]  }
0x604: {  	v36 =	vbroadcast v45, $0x0;
	v62 =	vadd.s32 v24, v41;
	[tilespmem:v61+s19+$0x0] =	vst.idx.msk $0xffff, v4;
	v61 =	vld [tilespmem:$0x1FF90]  }
0x605: {  	v35 =	vbroadcast v46, $0x0;
	v53 =	vadd.s32 v52, v37;
	v54 =	vld [tilespmem:s20+$0xFFFFFF10]  }
0x606: {  	v42 =	vshll.u32 v42, v1;
	v33 =	vbroadcast v43, $0x0;
	[tilespmem:v34+s19+$0x0] =	vst.idx.msk $0xffff, v0;
	v38 =	vadd.s32 v55, v36;
	v56 =	vld [tilespmem:s20+$0xFFFFFF50]  }
0x607: {  	s9 =	sadd.s32 $0x2, s4;
	v34 =	vbroadcast v42, $0x0;
	v59 =	vld [tilespmem:s20+$0xFFFFFF90];
	v0 =	vmul.f32 $8.000000000e+00, v60;
	v58 =	vadd.s32 v57, v35  }
0x608: {  	v51 =	vadd.s32 v6, v39;
	v50 =	vmov s9;
	v5 =	vld [tilespmem:s20+$0xFFFFFFE0];
	v3 =	vadd.s32 v3, v33  }
0x609: {  	s8 =	sadd.s32 $0x1, s4;
	v49 =	vadd.s32 v32, v37;
	[tilespmem:v62+s19+$0x0] =	vst.idx.msk $0xffff, v0;
	v0 =	vmul.f32 $8.000000000e+00, v48;
	v60 =	vld [tilespmem:s20+$0xFFFFFE20];
	v44 =	vadd.s32 v61, v34  }
0x60a: {  	v47 =	vmov s8;
	v45 =	vadd.s32 v63, v40;
	s8 =	sadd.s32 $0x4, s4;
	v62 =	vld [tilespmem:s20+$0xFFFFFE60];
	[tilespmem:v53+s19+$0x0] =	vst.idx.msk $0xffff, v2;
	v2 =	vmul.f32 $8.000000000e+00, v54  }
0x60b: {  	v50 =	vshrl.u32 v50, $0x3;
	v43 =	vmov s8;
	v52 =	vld [tilespmem:s20+$0xFFFFFEA0];
	[tilespmem:v38+s19+$0x0] =	vst.idx.msk $0xffff, v0;
	v0 =	vmul.f32 $8.000000000e+00, v56  }
0x60c: {  	v47 =	vshrl.u32 v47, $0x3;
	v46 =	vadd.s32 v31, v41;
	v63 =	vld [tilespmem:s20+$0xFFFFFEE0];
	[tilespmem:v58+s19+$0x0] =	vst.idx.msk $0xffff, v2;
	v2 =	vmul.f32 $8.000000000e+00, v59  }
0x60d: {  	v43 =	vshrl.u32 v43, $0x3;
	v47 =	vshll.u32 v47, v1;
	v54 =	vld [tilespmem:s20+$0xFFFFFF20];
	[tilespmem:v3+s19+$0x0] =	vst.idx.msk $0xffff, v0;
	v0 =	vmul.f32 $8.000000000e+00, v5  }
0x60e: {  	v42 =	vadd.s32 v20, v36;
	v4 =	vmov s4;
	v5 =	vmul.f32 $8.000000000e+00, v60;
	[tilespmem:v44+s19+$0x0] =	vst.idx.msk $0xffff, v2;
	v55 =	vld [tilespmem:s20+$0xFFFFFF60]  }
0x60f: {  	v4 =	vshrl.u32 v4, $0x3;
	v61 =	vadd.s32 v17, v35;
	v60 =	vmul.f32 $8.000000000e+00, v62;
	v62 =	vld [tilespmem:s20+$0xFFFFFFA0];
	[tilespmem:v45+s19+$0x0] =	vst.idx.msk $0xffff, v0  }
0x610: {  	v0 =	vshll.u32 v4, v1;
	[tilespmem:v51+s19+$0x0] =	vst.idx.msk $0xffff, v5;
	v4 =	vmul.f32 $8.000000000e+00, v52;
	v5 =	vadd.s32 v10, v33;
	v45 =	vld [tilespmem:s20+$0xFFFFFFF0]  }
0x611: {  	s10 =	sadd.s32 $0x3, s4;
	v48 =	vadd.s32 v16, v37;
	v63 =	vmul.f32 $8.000000000e+00, v63;
	[tilespmem:v46+s19+$0x0] =	vst.idx.msk $0xffff, v60;
	v46 =	vadd.s32 v28, v34;
	v51 =	vld [tilespmem:s20+$0xFFFFFE30]  }
0x612: {  	v38 =	vmov s10;
	v52 =	vld [tilespmem:s20+$0xFFFFFE70];
	[tilespmem:v49+s19+$0x0] =	vst.idx.msk $0xffff, v4;
	v4 =	vmul.f32 $8.000000000e+00, v54;
	v49 =	vadd.s32 v9, v40  }
0x613: {  	v53 =	vshrl.u32 v38, $0x3;
	[tilespmem:v42+s19+$0x0] =	vst.idx.msk $0xffff, v63;
	v54 =	vadd.s32 v8, v39;
	v57 =	vld [tilespmem:s20+$0xFFFFFEB0];
	v55 =	vmul.f32 $8.000000000e+00, v55  }
0x614: {  	s9 =	sadd.s32 $0x5, s4;
	s10 =	sadd.s32 $0x6, s4;
	v58 =	vadd.s32 v12, v41;
	v41 =	vadd.s32 v19, v41;
	v59 =	vld [tilespmem:s20+$0xFFFFFEF0];
	[tilespmem:v61+s19+$0x0] =	vst.idx.msk $0xffff, v4;
	v4 =	vmul.f32 $8.000000000e+00, v62  }
0x615: {  	v3 =	vmov s9;
	v2 =	vmov s10;
	v60 =	vld [tilespmem:s20+$0xFFFFFF30];
	[tilespmem:v5+s19+$0x0] =	vst.idx.msk $0xffff, v55;
	v5 =	vmul.f32 $8.000000000e+00, v45  }
0x616: {  	v42 =	vshrl.u32 v2, $0x3;
	v61 =	vadd.s32 v18, v36;
	v2 =	vmul.f32 $8.000000000e+00, v51;
	[tilespmem:v46+s19+$0x0] =	vst.idx.msk $0xffff, v4;
	v62 =	vld [tilespmem:s20+$0xFFFFFF70]  }
0x617: {  	p1 =	slt.u32 s4, $0x78;
	v38 =	vbroadcast v0, $0x0;
	v0 =	vmul.f32 $8.000000000e+00, v52;
	v4 =	vadd.s32 v22, v35;
	v63 =	vld [tilespmem:s20+$0xFFFFFFB0];
	[tilespmem:v49+s19+$0x0] =	vst.idx.msk $0xffff, v5  }
.Ltmp16:
0x618: {  	v44 =	vshll.u32 v50, v1;
	v3 =	vshrl.u32 v3, $0x3;
	[tilespmem:v54+s19+$0x0] =	vst.idx.msk $0xffff, v2;
	v2 =	vmul.f32 $8.000000000e+00, v57;
	v56 =	vld [tilespmem:s20+$0x0];
	(pc) =	sbr.rel @p1 .LBB2_31-.Ltmp16, $4  }
0x619: {  	v55 =	vadd.s32 v26, v33;
	v51 =	vadd.s32 v30, v34;
	[tilespmem:v58+s19+$0x0] =	vst.idx.msk $0xffff, v0;
	v0 =	vmul.f32 $8.000000000e+00, v59;
	v50 =	vld [tilespmem:s20+$0xFFFFFE40]  }
0x61a: {  	v45 =	vshll.u32 v53, v1;
	v53 =	vadd.s32 v23, v40;
	v52 =	vld [tilespmem:s20+$0xFFFFFE80];
	[tilespmem:v48+s19+$0x0] =	vst.idx.msk $0xffff, v2;
	v2 =	vmul.f32 $8.000000000e+00, v60  }
0x61b: {  	v46 =	vshll.u32 v43, v1;
	v43 =	vshll.u32 v3, v1;
	[tilespmem:v61+s19+$0x0] =	vst.idx.msk $0xffff, v0;
	v49 =	vld [tilespmem:s20+$0xFFFFFEC0]  }
0x61c: {  	s7 =	sadd.s32 $0x7, s4;
	s4 =	sadd.s32 $0x8, s4;
	v48 =	vadd.s32 v15, v39;
	v54 =	vld [tilespmem:s20+$0xFFFFFF00];
	v39 =	vmul.f32 $8.000000000e+00, v62;
	[tilespmem:v4+s19+$0x0] =	vst.idx.msk $0xffff, v2;
	v40 =	vmul.f32 $8.000000000e+00, v63;
	v63 =	vmovc v14  }
0x61d: {  	_ =	sdelay $0x3  }
0x61e: {  	v2 =	vadd.s32 v11, v37;
	v3 =	vld [tilespmem:s20+$0xFFFFFF40];
	v4 =	vmul.f32 $8.000000000e+00, v56;
	[tilespmem:v55+s19+$0x0] =	vst.idx.msk $0xffff, v39  }
0x61f: {  	v36 =	vadd.s32 v21, v36;
	v5 =	vmul.f32 $8.000000000e+00, v50;
	[tilespmem:v51+s19+$0x0] =	vst.idx.msk $0xffff, v40  }
0x620: {  	v35 =	vadd.s32 v25, v35;
	v52 =	vmul.f32 $8.000000000e+00, v52;
	[tilespmem:v53+s19+$0x0] =	vst.idx.msk $0xffff, v4  }
0x621: {  	[tilespmem:v48+s19+$0x0] =	vst.idx.msk $0xffff, v5;
	v5 =	vmul.f32 $8.000000000e+00, v49  }
0x622: {  	[tilespmem:v41+s19+$0x0] =	vst.idx.msk $0xffff, v52;
	v55 =	vmul.f32 $8.000000000e+00, v54  }
0x623: {  	v62 =	vld [tilespmem:s20+$0xFFFFFF80];
	[tilespmem:v2+s19+$0x0] =	vst.idx.msk $0xffff, v5;
	v2 =	vmul.f32 $8.000000000e+00, v3  }
0x624: {  	[tilespmem:v36+s19+$0x0] =	vst.idx.msk $0xffff, v55  }
0x625: {  	v33 =	vadd.s32 v29, v33;
	[tilespmem:v35+s19+$0x0] =	vst.idx.msk $0xffff, v2  }
0x626: {  	v57 =	vmov v11;
	v11 =	vld [tilespmem:$0x1FE90];
	_ =	sdelay $0x1  }
0x627: {  	v0 =	vmov s7;
	s4 =	sadd.s32 $0x200, s20;
	v40 =	vld [tilespmem:s20+$0xFFFFFFC0];
	v58 =	vmul.f32 $8.000000000e+00, v62  }
0x628: {  	v44 =	vbroadcast v44, $0x0;
	v0 =	vshrl.u32 v0, $0x3;
	v4 =	vld [tilespmem:s4+$0xFFFFFFD0]  }
0x629: {  	v34 =	vadd.s32 v7, v34;
	v0 =	vshll.u32 v0, v1;
	v53 =	vld [tilespmem:s4+$0xFFFFFE10];
	[tilespmem:v33+s19+$0x0] =	vst.idx.msk $0xffff, v58  }
0x62a: {  	v0 =	vbroadcast v0, $0x0;
	v61 =	vadd.s32 v11, v44;
	v11 =	vld [tilespmem:$0x1FED0];
	_ =	sdelay $0x1  }
0x62b: {  	v47 =	vbroadcast v47, $0x0;
	v56 =	vld [tilespmem:s4+$0xFFFFFE50];
	v49 =	vadd.s32 v13, v0;
	v2 =	vmul.f32 $8.000000000e+00, v40  }
0x62c: {  	v45 =	vbroadcast v45, $0x0;
	v3 =	vadd.s32 v27, v38  }
0x62d: {  	v59 =	vadd.s32 v24, v47;
	[tilespmem:v34+s19+$0x0] =	vst.idx.msk $0xffff, v2  }
0x62e: {  	v4 =	vmul.f32 $8.000000000e+00, v4;
	v52 =	vmul.f32 $8.000000000e+00, v53;
	v53 =	vadd.s32 v11, v45;
	v11 =	vld [tilespmem:$0x1FF10];
	_ =	sdelay $0x1  }
0x62f: {  	v60 =	vld [tilespmem:s4+$0xFFFFFED0];
	v2 =	vmul.f32 $8.000000000e+00, v56;
	[tilespmem:v49+s19+$0x0] =	vst.idx.msk $0xffff, v4  }
0x630: {  	v46 =	vbroadcast v46, $0x0;
	v5 =	vld [tilespmem:s4+$0xFFFFFE90];
	[tilespmem:v3+s19+$0x0] =	vst.idx.msk $0xffff, v52  }
0x631: {  	v4 =	vld [tilespmem:$0x1FF50];
	[tilespmem:v59+s19+$0x0] =	vst.idx.msk $0xffff, v2  }
0x632: {  	v55 =	vadd.s32 v11, v46;
	v11 =	vld [tilespmem:$0x1FF90]  }
0x633: {  	v62 =	vld [tilespmem:s4+$0xFFFFFF10]  }
0x634: {  	v42 =	vshll.u32 v42, v1;
	v43 =	vbroadcast v43, $0x0;
	v54 =	vld [tilespmem:s4+$0xFFFFFF50]  }
0x635: {  	v42 =	vbroadcast v42, $0x0;
	v56 =	vld [tilespmem:s4+$0xFFFFFF90]  }
0x636: {  	v3 =	vmul.f32 $8.000000000e+00, v5;
	v5 =	vld [tilespmem:s4+$0xFFFFFFE0];
	v4 =	vadd.s32 v4, v43  }
0x637: {  	v33 =	vld [tilespmem:s4+$0xFFFFFE20];
	v2 =	vmul.f32 $8.000000000e+00, v60;
	v58 =	vadd.s32 v11, v42  }
0x638: {  	v60 =	vadd.s32 v63, v0;
	v59 =	vld [tilespmem:s4+$0xFFFFFE60];
	[tilespmem:v61+s19+$0x0] =	vst.idx.msk $0xffff, v3;
	v3 =	vmul.f32 $8.000000000e+00, v62  }
0x639: {  	v61 =	vadd.s32 v6, v38;
	[tilespmem:v53+s19+$0x0] =	vst.idx.msk $0xffff, v2;
	v2 =	vmul.f32 $8.000000000e+00, v54;
	v62 =	vld [tilespmem:s4+$0xFFFFFEA0]  }
0x63a: {  	v52 =	vadd.s32 v31, v47;
	v53 =	vld [tilespmem:s4+$0xFFFFFEE0];
	[tilespmem:v55+s19+$0x0] =	vst.idx.msk $0xffff, v3;
	v3 =	vmul.f32 $8.000000000e+00, v56  }
0x63b: {  	v54 =	vadd.s32 v32, v44;
	v55 =	vld [tilespmem:s4+$0xFFFFFF20];
	[tilespmem:v4+s19+$0x0] =	vst.idx.msk $0xffff, v2;
	v2 =	vmul.f32 $8.000000000e+00, v5  }
0x63c: {  	v4 =	vmul.f32 $8.000000000e+00, v33;
	v5 =	vadd.s32 v20, v45;
	v56 =	vld [tilespmem:s4+$0xFFFFFF60];
	[tilespmem:v58+s19+$0x0] =	vst.idx.msk $0xffff, v3  }
0x63d: {  	[tilespmem:v60+s19+$0x0] =	vst.idx.msk $0xffff, v2;
	v3 =	vmul.f32 $8.000000000e+00, v59;
	v58 =	vadd.s32 v17, v46;
	v59 =	vld [tilespmem:s4+$0xFFFFFFA0]  }
0x63e: {  	[tilespmem:v61+s19+$0x0] =	vst.idx.msk $0xffff, v4;
	v2 =	vmul.f32 $8.000000000e+00, v62;
	v4 =	vadd.s32 v10, v43;
	v35 =	vld [tilespmem:s4+$0xFFFFFFF0]  }
0x63f: {  	v36 =	vadd.s32 v28, v42;
	v40 =	vld [tilespmem:s4+$0xFFFFFE30];
	[tilespmem:v52+s19+$0x0] =	vst.idx.msk $0xffff, v3;
	v3 =	vmul.f32 $8.000000000e+00, v53  }
0x640: {  	v34 =	vadd.s32 v9, v0;
	[tilespmem:v54+s19+$0x0] =	vst.idx.msk $0xffff, v2;
	v2 =	vmul.f32 $8.000000000e+00, v55;
	v48 =	vld [tilespmem:s4+$0xFFFFFE70]  }
0x641: {  	v52 =	vadd.s32 v8, v38;
	v53 =	vld [tilespmem:s4+$0xFFFFFEB0];
	[tilespmem:v5+s19+$0x0] =	vst.idx.msk $0xffff, v3;
	v3 =	vmul.f32 $8.000000000e+00, v56  }
0x642: {  	v5 =	vadd.s32 v12, v47;
	v54 =	vld [tilespmem:s4+$0xFFFFFEF0];
	[tilespmem:v58+s19+$0x0] =	vst.idx.msk $0xffff, v2;
	v2 =	vmul.f32 $8.000000000e+00, v59  }
0x643: {  	v55 =	vadd.s32 v16, v44;
	v56 =	vld [tilespmem:s4+$0xFFFFFF30];
	[tilespmem:v4+s19+$0x0] =	vst.idx.msk $0xffff, v3;
	v3 =	vmul.f32 $8.000000000e+00, v35  }
0x644: {  	v58 =	vadd.s32 v18, v45;
	v4 =	vmul.f32 $8.000000000e+00, v40;
	v59 =	vld [tilespmem:s4+$0xFFFFFF70];
	[tilespmem:v36+s19+$0x0] =	vst.idx.msk $0xffff, v2  }
0x645: {  	v60 =	vadd.s32 v22, v46;
	v2 =	vmul.f32 $8.000000000e+00, v48;
	[tilespmem:v34+s19+$0x0] =	vst.idx.msk $0xffff, v3;
	v61 =	vld [tilespmem:s4+$0xFFFFFFB0]  }
0x646: {  	[tilespmem:v52+s19+$0x0] =	vst.idx.msk $0xffff, v4;
	v3 =	vmul.f32 $8.000000000e+00, v53;
	v4 =	vadd.s32 v26, v43;
	v34 =	vld [tilespmem:s4+$0x0]  }
0x647: {  	v41 =	vld [tilespmem:s4+$0xFFFFFE40];
	[tilespmem:v5+s19+$0x0] =	vst.idx.msk $0xffff, v2;
	v2 =	vmul.f32 $8.000000000e+00, v54;
	v5 =	vadd.s32 v30, v42  }
0x648: {  	v0 =	vadd.s32 v23, v0;
	[tilespmem:v55+s19+$0x0] =	vst.idx.msk $0xffff, v3;
	v52 =	vld [tilespmem:s4+$0xFFFFFE80];
	v3 =	vmul.f32 $8.000000000e+00, v56  }
0x649: {  	v53 =	vadd.s32 v15, v38;
	v54 =	vld [tilespmem:s4+$0xFFFFFEC0];
	[tilespmem:v58+s19+$0x0] =	vst.idx.msk $0xffff, v2;
	v2 =	vmul.f32 $8.000000000e+00, v59  }
0x64a: {  	v55 =	vadd.s32 v19, v47;
	v56 =	vld [tilespmem:s4+$0xFFFFFF00];
	[tilespmem:v60+s19+$0x0] =	vst.idx.msk $0xffff, v3;
	v3 =	vmul.f32 $8.000000000e+00, v61  }
0x64b: {  	v57 =	vadd.s32 v57, v44;
	v58 =	vld [tilespmem:s4+$0xFFFFFF40];
	[tilespmem:v4+s19+$0x0] =	vst.idx.msk $0xffff, v2;
	v2 =	vmul.f32 $8.000000000e+00, v34  }
0x64c: {  	v59 =	vadd.s32 v21, v45;
	v4 =	vmul.f32 $8.000000000e+00, v41;
	v60 =	vld [tilespmem:s4+$0xFFFFFF80];
	[tilespmem:v5+s19+$0x0] =	vst.idx.msk $0xffff, v3  }
0x64d: {  	v3 =	vmul.f32 $8.000000000e+00, v52;
	v5 =	vadd.s32 v25, v46;
	[tilespmem:v0+s19+$0x0] =	vst.idx.msk $0xffff, v2;
	v61 =	vld [tilespmem:s4+$0xFFFFFFC0]  }
0x64e: {  	[tilespmem:v53+s19+$0x0] =	vst.idx.msk $0xffff, v4;
	v0 =	vmul.f32 $8.000000000e+00, v54;
	v2 =	vadd.s32 v29, v43  }
0x64f: {  	v4 =	vadd.s32 v7, v42;
	[tilespmem:v55+s19+$0x0] =	vst.idx.msk $0xffff, v3;
	v3 =	vmul.f32 $8.000000000e+00, v56  }
0x650: {  	[tilespmem:v57+s19+$0x0] =	vst.idx.msk $0xffff, v0;
	v0 =	vmul.f32 $8.000000000e+00, v58  }
0x651: {  	[tilespmem:v59+s19+$0x0] =	vst.idx.msk $0xffff, v3;
	v3 =	vmul.f32 $8.000000000e+00, v60  }
0x652: {  	[tilespmem:v5+s19+$0x0] =	vst.idx.msk $0xffff, v0;
	v0 =	vmul.f32 $8.000000000e+00, v61  }
0x653: {  	[tilespmem:v2+s19+$0x0] =	vst.idx.msk $0xffff, v3  }
0x654: {  	s10 =	sadd.s32 s31, s13;
	s7 =	simm.s32 $0x1CA00;
	[tilespmem:v4+s19+$0x0] =	vst.idx.msk $0xffff, v0  }
0x655: {  	[hbm4b:s10+s3] =	stream.linear.scatter [tilespmem:s7], [sflag:$0xC], $0x80, $0x38;
	[tilespmem:$0x1EC00] =	vst v63  }
0x656: {  	s8 =	simm.s32 $0x1CA88;
	s9 =	sadd.s32 $0x10, s10  }
0x657: {  	[hbm4b:s9+s3] =	stream.linear.scatter [tilespmem:s8], [sflag:$0xC], $0x80, $0x38;
	[tilespmem:$0x1EC00] =	vst v63  }
0x658: {  	s31 =	sadd.s32 $0x20, s10;
	s20 =	simm.s32 $0x1CB10  }
0x659: {  	[hbm4b:s31+s3] =	stream.linear.scatter [tilespmem:s20], [sflag:$0xC], $0x80, $0x38;
	[tilespmem:$0x1EC00] =	vst v63  }
0x65a: {  	s8 =	simm.s32 $0x1CB98;
	s9 =	sadd.s32 $0x30, s10  }
0x65b: {  	[hbm4b:s9+s3] =	stream.linear.scatter [tilespmem:s8], [sflag:$0xC], $0x80, $0x38;
	[tilespmem:$0x1EC00] =	vst v63  }
0x65c: {  	s20 =	simm.s32 $0x1CC20;
	s31 =	sadd.s32 $0x40, s10  }
0x65d: {  	[hbm4b:s31+s3] =	stream.linear.scatter [tilespmem:s20], [sflag:$0xC], $0x80, $0x38;
	[tilespmem:$0x1EC00] =	vst v63  }
0x65e: {  	s4 =	simm.s32 $0x440;
	s8 =	simm.s32 $0x1CCA8;
	s9 =	sadd.s32 $0x50, s10  }
0x65f: {  	[hbm4b:s9+s3] =	stream.linear.scatter [tilespmem:s8], [sflag:$0xC], $0x80, $0x38;
	[tilespmem:$0x1EC00] =	vst v63  }
0x660: {  	s7 =	simm.s32 $0x2200;
	s20 =	simm.s32 $0x1CD30;
	s31 =	sadd.s32 $0x60, s10  }
0x661: {  	v14 =	vmovc v28;
	v27 =	vmovc v26;
	v62 =	vmov v9;
	v7 =	vmov v6;
	v25 =	vmov v31;
	[hbm4b:s31+s3] =	stream.linear.scatter [tilespmem:s20], [sflag:$0xC], $0x80, $0x38;
	[tilespmem:$0x1EC00] =	vst v63  }
0x662: {  	v29 =	vmovc v32;
	v60 =	vmovc v20;
	v5 =	vmov v10;
	v2 =	vmov v8;
	v8 =	vmov v19;
	s8 =	simm.s32 $0x1CDB8;
	s9 =	sadd.s32 $0x70, s10;
	s20 =	sadd.s32 $0x1000, s10  }
.LBB2_33:
0x663: {  	[hbm4b:s9+s3] =	stream.linear.scatter [tilespmem:s8], [sflag:$0xC], $0x80, $0x38;
	[tilespmem:$0x1EC00] =	vst v63  }
0x664: {  	s8 =	smov.u32 s4;
	s4 =	smov.u32 s7  }
0x665: {  	s10 =	sadd.s32 $0x1100, s7;
	s4 =	sshra.s32 s4, $0x2;
	s9 =	sadd.s32 $0x1CA00, s8  }
0x666: {  	[hbm4b:s20+s3] =	stream.linear.scatter [tilespmem:s9], [sflag:$0xC], $0x80, $0x38;
	[tilespmem:$0x1EC00] =	vst v63  }
0x667: {  	p1 =	sne.s32 s7, $0x7700;
	s7 =	sadd.s32 $0x1CA88, s8;
	s9 =	sadd.s32 $0x10, s20  }
0x668: {  	[hbm4b:s9+s3] =	stream.linear.scatter [tilespmem:s7], [sflag:$0xC], $0x80, $0x38;
	[tilespmem:$0x1EC00] =	vst v63  }
0x669: {  	s7 =	sadd.s32 $0x1CB10, s8;
	s9 =	sadd.s32 $0x20, s20  }
0x66a: {  	[hbm4b:s9+s3] =	stream.linear.scatter [tilespmem:s7], [sflag:$0xC], $0x80, $0x38;
	[tilespmem:$0x1EC00] =	vst v63  }
0x66b: {  	s7 =	sadd.s32 $0x1CB98, s8;
	s9 =	sadd.s32 $0x30, s20  }
0x66c: {  	[hbm4b:s9+s3] =	stream.linear.scatter [tilespmem:s7], [sflag:$0xC], $0x80, $0x38;
	[tilespmem:$0x1EC00] =	vst v63  }
0x66d: {  	s7 =	sadd.s32 $0x1CC20, s8;
	s9 =	sadd.s32 $0x40, s20  }
0x66e: {  	[hbm4b:s9+s3] =	stream.linear.scatter [tilespmem:s7], [sflag:$0xC], $0x80, $0x38;
	[tilespmem:$0x1EC00] =	vst v63  }
.Ltmp17:
0x66f: {  	s7 =	sadd.s32 $0x1CCA8, s8;
	s9 =	sadd.s32 $0x50, s20;
	(pc) =	sbr.rel @p1 .LBB2_33-.Ltmp17, $4  }
0x670: {  	[hbm4b:s9+s3] =	stream.linear.scatter [tilespmem:s7], [sflag:$0xC], $0x80, $0x38;
	[tilespmem:$0x1EC00] =	vst v63  }
0x671: {  	s7 =	sadd.s32 $0x1CD30, s8;
	s9 =	sadd.s32 $0x60, s20;
	s8 =	sadd.s32 $0x1CDB8, s8  }
0x672: {  	[hbm4b:s9+s3] =	stream.linear.scatter [tilespmem:s7], [sflag:$0xC], $0x80, $0x38;
	[tilespmem:$0x1EC00] =	vst v63  }
0x673: {  	s9 =	sadd.s32 $0x70, s20;
	s20 =	sadd.s32 $0x1000, s20;
	s7 =	smov.u32 s10  }
0x674: {  	[hbm4b:s9+s3] =	stream.linear.scatter [tilespmem:s8], [sflag:$0xC], $0x80, $0x38;
	[tilespmem:$0x1EC00] =	vst v63  }
0x675: {  	s7 =	sadd.s32 $0x1CA00, s4  }
0x676: {  	[hbm4b:s20+s3] =	stream.linear.scatter [tilespmem:s7], [sflag:$0xC], $0x80, $0x38;
	[tilespmem:$0x1EC00] =	vst v63  }
0x677: {  	s10 =	sadd.s32 $0x1CA88, s4;
	s31 =	sadd.s32 $0x10, s20  }
0x678: {  	[hbm4b:s31+s3] =	stream.linear.scatter [tilespmem:s10], [sflag:$0xC], $0x80, $0x38;
	[tilespmem:$0x1EC00] =	vst v63  }
0x679: {  	s8 =	sadd.s32 $0x1CB10, s4;
	s9 =	sadd.s32 $0x20, s20  }
0x67a: {  	[hbm4b:s9+s3] =	stream.linear.scatter [tilespmem:s8], [sflag:$0xC], $0x80, $0x38;
	[tilespmem:$0x1EC00] =	vst v63  }
0x67b: {  	s10 =	sadd.s32 $0x1CB98, s4;
	s31 =	sadd.s32 $0x30, s20  }
0x67c: {  	[hbm4b:s31+s3] =	stream.linear.scatter [tilespmem:s10], [sflag:$0xC], $0x80, $0x38;
	[tilespmem:$0x1EC00] =	vst v63  }
0x67d: {  	s8 =	sadd.s32 $0x1CC20, s4;
	s9 =	sadd.s32 $0x40, s20  }
0x67e: {  	[hbm4b:s9+s3] =	stream.linear.scatter [tilespmem:s8], [sflag:$0xC], $0x80, $0x38;
	[tilespmem:$0x1EC00] =	vst v63  }
0x67f: {  	s10 =	sadd.s32 $0x1CCA8, s4;
	s31 =	sadd.s32 $0x50, s20  }
0x680: {  	[hbm4b:s31+s3] =	stream.linear.scatter [tilespmem:s10], [sflag:$0xC], $0x80, $0x38;
	[tilespmem:$0x1EC00] =	vst v63  }
.Ltmp18:
0x681: {  	_ = 	snop;
	(pc) =	sbr.rel @p0 .LBB2_36-.Ltmp18, $4  }
0x682: {  	s8 =	sadd.s32 $0x1CD30, s4;
	s9 =	sadd.s32 $0x60, s20  }
0x683: {  	[hbm4b:s9+s3] =	stream.linear.scatter [tilespmem:s8], [sflag:$0xC], $0x80, $0x38;
	[tilespmem:$0x1EC00] =	vst v63  }
0x684: {  	s10 =	sadd.s32 $0x1CDB8, s4;
	s31 =	sadd.s32 $0x70, s20  }
0x685: {  	[hbm4b:s31+s3] =	stream.linear.scatter [tilespmem:s10], [sflag:$0xC], $0x80, $0x38;
	[tilespmem:$0x1EC00] =	vst v63  }
0x686: {  	v20 =	vld [tilespmem:$0x1FE10]  }
0x687: {  	v12 =	vld [tilespmem:$0x1FE40]  }
0x688: {  	v28 =	vld [tilespmem:$0x1FE50]  }
0x689: {  	v16 =	vld [tilespmem:$0x1FE70]  }
0x68a: {  	v6 =	vld [tilespmem:$0x1FE90]  }
0x68b: {  	v24 =	vld [tilespmem:$0x1FEB0]  }
0x68c: {  	v52 =	vld [tilespmem:$0x1FED0]  }
0x68d: {  	v31 =	vld [tilespmem:$0x1FF00]  }
0x68e: {  	v4 =	vld [tilespmem:$0x1FF10]  }
.Ltmp19:
0x68f: {  	v11 =	vld [tilespmem:$0x1FF40];
	(pc) =	sbr.rel .LBB2_2-.Ltmp19, $4  }
0x690: {  	v57 =	vld [tilespmem:$0x1FF50]  }
0x691: {  	v56 =	vld [tilespmem:$0x1FF90]  }
0x692: {  	s4 =	sadd.s32 $0x580, s15;
	s7 =	simm.s32 $0xC400;
	s28 =	sadd.s32 $0x1, s28;
	v23 =	vld [tilespmem:$0x1FFD0]  }
0x693: {  	v0 =	vmov v8;
	v19 =	vld [tilespmem:$0x1FFE0];
	[tilespmem:s7], [sflag:$0x4] =	stream.indirect.gather [hbm4b:s5+s18], $0x40, s4, s18, $0xb8  }
.LBB2_37:
0x694: {  	_ =	sfence.sel $0x180000  }
0x695: {  	[bflag:$0x0] =	sbarrier.arrive $0xFFFF  }
0x696: {  	_ =	strace $0x90000047  }
0x697: {  	s0 =	stileid.u32;
	[bflag:$0x2] =	sbarrier.arrive $0xFFFF  }
0x698: {  	p0 =	sne.s32 s0, $0x0;
	s0 =	rddreg [dreg:$0x3]  }
0x699: {  	s0 =	sadd.s32 @!p0 $0x100000, s0  }
0x69a: {  	[sflag:s0] =	ssyncadd.tile.s32 @!p0 $0x1;
	_ =	shalt  }
.Lfunc_end2:
_tile_overlayer_lowered:
.L_overlay_start_2:
0x69b: {  	(tag) =	ssettag $0x2  }
0x69c: {  	s0 =	rddreg [dreg:$0x0];
	s2 =	stileid.u32  }
0x69d: {  	s1 =	rddreg [dreg:$0x1];
	p0 =	sne.s32 s2, $0x0  }
0x69e: {  	s3 =	rddreg [dreg:$0x2];
	[bflag:$0x3] =	sbarrier.arrive $0xFFFF;
	s2 =	simm.s32 @!p0 $0x1C0D  }
0x69f: {  	[timem:s3], [sflag:s2] =	dma.local @!p0 [hbm:s0], s1  }
0x6a0: {  	s0 =	simm.s32 @!p0 $0xD  }
0x6a1: {  	_ =	swait.ge @!p0 [sflag:s0], s1  }
0x6a2: {  	s1 =	ssub.s32 @!p0 $0x0, s1;
	[sflag:s0] =	ssyncset.done @!p0 $0x0  }
0x6a3: {  	[sflag:s0] =	ssyncadd.s32 @!p0 s1  }
0x6a4: {  	[bflag:$0x3] =	sbarrier.arrive $0xFFFF  }
0x6a5: {  	_ =	shalt  }

</sc_bundles>
